<compile_context>
chip_gen: v7x
topology: tpu7x:2x2x1
jax: 0.10.2.dev20260603
libtpu: 0.0.44.dev20260713+nightly
codegen_flags: <defaults>
</compile_context>

<pallas_src>
import functools

import jax
import jax.numpy as jnp
from jax import lax
from jax.experimental import pallas as pl
from jax.experimental.pallas import tpu as pltpu
from jax.experimental.pallas import tpu_sc as plsc

N_NODES = 10000
N_EDGES = 160000
D_IN = 256
D_HALF = 128

NTILES = 16
NCORES = 2
R = 10240
ROWS_PER_TILE = R // NTILES
ABSORB = N_NODES
CH = 80
NCH = 128
QC = 32
NBUF = 4
E_PAD = NTILES * NCH * CH
ROW_CH = 128


def _sc_agg_body(with_deg, table, srcs, dsts, *rest):
    if with_deg:
        agg_out, deg_out = rest[0], rest[1]
        scratch = rest[2:]
    else:
        agg_out, deg_out = rest[0], None
        scratch = rest[1:]
    src_a, dst_a = scratch[0], scratch[1]
    rows = scratch[2:2 + NBUF]
    gs = scratch[2 + NBUF:2 + 2 * NBUF]
    s0 = scratch[2 + 2 * NBUF]
    agg_s = scratch[3 + 2 * NBUF]
    rows0 = rows[0]
    c = lax.axis_index("c")
    s = lax.axis_index("s")
    base = s * ROWS_PER_TILE

    def _zrow(k, _):
        rows0[k // 8, pl.ds((k % 8) * 16, 16)] = jnp.zeros((16,), jnp.float32)
        return 0

    lax.fori_loop(0, CH * 8, _zrow, 0)
    for k in range(ROWS_PER_TILE // CH):
        pltpu.async_copy(rows0, agg_s.at[pl.ds(base + k * CH, CH)], s0)
    for k in range(ROWS_PER_TILE // CH):
        pltpu.make_async_copy(rows0, agg_s.at[pl.ds(base + k * CH, CH)], s0).wait()

    plsc.subcore_barrier()

    for q in range(NCH // QC):
        pltpu.sync_copy(srcs.at[c, s, pl.ds(q * QC, QC)], src_a)
        pltpu.sync_copy(dsts.at[s, pl.ds(q * QC, QC)], dst_a)
        for b in range(NBUF):
            pltpu.async_copy(table.at[src_a.at[b]], rows[b], gs[b])

        def _grp(k, _):
            jj = NBUF * k
            for b in range(NBUF):
                pltpu.make_async_copy(table.at[src_a.at[jj + b]], rows[b], gs[b]).wait()
                pltpu.async_copy(rows[b], agg_s.at[dst_a.at[jj + b]], s0, add=True)
                pltpu.make_async_copy(rows[b], agg_s.at[dst_a.at[jj + b]], s0).wait()

                def _issue(b=b, jj=jj):
                    pltpu.async_copy(table.at[src_a.at[jj + b + NBUF]], rows[b], gs[b])

                pl.when(k < QC // NBUF - 1)(_issue)
            return 0

        lax.fori_loop(0, QC // NBUF, _grp, 0)
    plsc.subcore_barrier()

    pltpu.sync_copy(agg_s.at[pl.ds(base, ROWS_PER_TILE)],
                    agg_out.at[c, pl.ds(base, ROWS_PER_TILE)])

    if deg_out is not None:
        lax.fori_loop(0, CH * 8, _zrow, 0)
        for k in range(ROWS_PER_TILE // CH):
            pltpu.async_copy(rows0, agg_s.at[pl.ds(base + k * CH, CH)], s0)
        for k in range(ROWS_PER_TILE // CH):
            pltpu.make_async_copy(rows0, agg_s.at[pl.ds(base + k * CH, CH)], s0).wait()

        def _orow(k, _):
            rows0[k // 8, pl.ds((k % 8) * 16, 16)] = jnp.full((16,), 1.0, jnp.float32)
            return 0

        lax.fori_loop(0, CH * 8, _orow, 0)
        plsc.subcore_barrier()

        nch = NCH // 2
        for q in range(nch // QC):
            pltpu.sync_copy(dsts.at[s, pl.ds(c * nch + q * QC, QC)], dst_a)

            def _chunk(j, _):
                pltpu.async_copy(rows0, agg_s.at[dst_a.at[j]], s0, add=True)
                pltpu.make_async_copy(rows0, agg_s.at[dst_a.at[j]], s0).wait()
                return 0

            lax.fori_loop(0, QC, _chunk, 0)
        plsc.subcore_barrier()

        pltpu.sync_copy(agg_s.at[pl.ds(base, ROWS_PER_TILE)],
                        deg_out.at[c, pl.ds(base, ROWS_PER_TILE)])


def _make_sc_agg(with_deg=False):
    mesh = plsc.VectorSubcoreMesh(core_axis_name="c", subcore_axis_name="s")
    out = jax.ShapeDtypeStruct((NCORES, R, D_HALF), jnp.float32)
    return pl.kernel(
        functools.partial(_sc_agg_body, with_deg),
        out_type=(out, out) if with_deg else out,
        mesh=mesh,
        scratch_types=(
            [pltpu.VMEM((QC, CH), jnp.int32),
             pltpu.VMEM((QC, CH), jnp.int32)]
            + [pltpu.VMEM((CH, D_HALF), jnp.float32) for _ in range(NBUF)]
            + [pltpu.SemaphoreType.DMA for _ in range(NBUF + 1)]
            + [pltpu.VMEM_SHARED((R, D_HALF), jnp.float32)]
        ),
    )


def _tc_body(relu, split_in, split_out, x_ref, a_ref, deg_ref, ws_ref, wn_ref, b_ref, o_ref):
    deg = deg_ref[0][:, 0:1] + deg_ref[1][:, 0:1]
    inv = 1.0 / jnp.maximum(deg, 1.0)
    if split_in:
        ys = (jnp.dot(x_ref[0], ws_ref[0:128, :], preferred_element_type=jnp.float32)
              + jnp.dot(x_ref[1], ws_ref[128:256, :], preferred_element_type=jnp.float32))
    else:
        ys = jnp.dot(x_ref[...], ws_ref[...], preferred_element_type=jnp.float32)
    y = (
        ys
        + jnp.dot(a_ref[0] * inv, wn_ref[0:128, :], preferred_element_type=jnp.float32)
        + jnp.dot(a_ref[1] * inv, wn_ref[128:256, :], preferred_element_type=jnp.float32)
        + b_ref[0:1, :]
    )
    if relu:
        y = jnp.maximum(y, 0.0)
    if split_out:
        o_ref[0] = y[:, 0:128]
        o_ref[1] = y[:, 128:256]
    else:
        o_ref[...] = y


def _make_tc_layer(relu, split_in, split_out, bn=2000):
    ngrid = N_NODES // bn
    if split_in:
        x_spec = pl.BlockSpec((NCORES, bn, D_HALF), lambda i: (0, i, 0))
    else:
        x_spec = pl.BlockSpec((bn, D_IN), lambda i: (i, 0))
    if split_out:
        out_shape = jax.ShapeDtypeStruct((NCORES, R, D_HALF), jnp.float32)
        out_spec = pl.BlockSpec((NCORES, bn, D_HALF), lambda i: (0, i, 0))
    else:
        out_shape = jax.ShapeDtypeStruct((N_NODES, D_IN), jnp.float32)
        out_spec = pl.BlockSpec((bn, D_IN), lambda i: (i, 0))
    return pl.pallas_call(
        functools.partial(_tc_body, relu, split_in, split_out),
        grid=(ngrid,),
        in_specs=[
            x_spec,
            pl.BlockSpec((NCORES, bn, D_HALF), lambda i: (0, i, 0)),
            pl.BlockSpec((NCORES, bn, D_HALF), lambda i: (0, i, 0)),
            pl.BlockSpec((D_IN, D_IN), lambda i: (0, 0)),
            pl.BlockSpec((D_IN, D_IN), lambda i: (0, 0)),
            pl.BlockSpec((1, D_IN), lambda i: (0, 0)),
        ],
        out_specs=out_spec,
        out_shape=out_shape,
    )


def kernel(in_feat, edge_index, W_self1, W_neigh1, b1, W_self2, W_neigh2, b2):
    ei = edge_index.astype(jnp.int32)
    src = jnp.concatenate(
        [ei[0], jnp.zeros((E_PAD - N_EDGES,), jnp.int32)])
    dst = jnp.concatenate(
        [ei[1], jnp.full((E_PAD - N_EDGES,), ABSORB, jnp.int32)])
    srcs1 = jnp.stack([2 * src, 2 * src + 1]).reshape(NCORES, NTILES, NCH, CH)
    srcs2 = jnp.stack([src, src + R]).reshape(NCORES, NTILES, NCH, CH)
    dsts = dst.reshape(NTILES, NCH, CH)

    agg1, deg16 = _make_sc_agg(True)(
        in_feat.reshape(2 * N_NODES, D_HALF), srcs1, dsts)
    h = _make_tc_layer(True, False, True)(
        in_feat, agg1, deg16, W_self1, W_neigh1, b1.reshape(1, D_IN))
    agg2 = _make_sc_agg()(h.reshape(NCORES * R, D_HALF), srcs2, dsts)
    return _make_tc_layer(False, True, False)(
        h, agg2, deg16, W_self2, W_neigh2, b2.reshape(1, D_IN))

# --- scband reference (transcript-rebuilt; emitter-appended) ---
"""Pipeline reference for scband-graph-sage-28269474742773 (READ-ONLY COPY).

The authoritative reference and input builder live on the scoring server;
editing this copy changes nothing except your own understanding.
"""

import jax, jax.numpy as jnp
import numpy as np

N_NODES = 10000
N_EDGES = 160000
D_IN = 256
D_H = 256


def setup_inputs(seed: int = 0) -> dict:
    key = jax.random.key(seed)
    ks = jax.random.split(key, 8)
    x = jax.random.normal(ks[0], (N_NODES, D_IN), dtype=jnp.float32)
    edge_index = jax.random.randint(ks[1], (2, N_EDGES), 0, N_NODES, dtype=jnp.int64)
    # SAGEConv layer 1 params (DGL 'mean' aggregator: fc_self + fc_neigh, shared bias)
    s1 = 1.0 / np.sqrt(D_IN)
    W_self1 = jax.random.uniform(ks[2], (D_IN, D_H), dtype=jnp.float32, minval=-s1, maxval=s1)
    W_neigh1 = jax.random.uniform(ks[3], (D_IN, D_H), dtype=jnp.float32, minval=-s1, maxval=s1)
    b1 = jnp.zeros((D_H,), dtype=jnp.float32)
    # SAGEConv layer 2 params
    s2 = 1.0 / np.sqrt(D_H)
    W_self2 = jax.random.uniform(ks[4], (D_H, D_H), dtype=jnp.float32, minval=-s2, maxval=s2)
    W_neigh2 = jax.random.uniform(ks[5], (D_H, D_H), dtype=jnp.float32, minval=-s2, maxval=s2)
    b2 = jnp.zeros((D_H,), dtype=jnp.float32)
    return {
        "in_feat": x,
        "edge_index": edge_index,
        "W_self1": W_self1,
        "W_neigh1": W_neigh1,
        "b1": b1,
        "W_self2": W_self2,
        "W_neigh2": W_neigh2,
        "b2": b2,
    }


def _sage_conv(x, edge_index, W_self, W_neigh, b):
    # DGL SAGEConv 'mean': h = fc_self(x) + fc_neigh(mean_{u in N(v)} x_u) + bias
    src = edge_index[0]
    dst = edge_index[1]
    msgs = jnp.take(x, src, axis=0)                      # gather  [E, d]
    agg = jax.ops.segment_sum(msgs, dst, num_segments=x.shape[0])   # scatter-add [N, d]
    deg = jax.ops.segment_sum(jnp.ones((edge_index.shape[1],), dtype=x.dtype), dst,
                              num_segments=x.shape[0])
    mean_neigh = agg / jnp.maximum(deg, 1.0)[:, None]
    return x @ W_self + mean_neigh @ W_neigh + b


def reference(in_feat, edge_index, W_self1, W_neigh1, b1, W_self2, W_neigh2, b2):
    h = _sage_conv(in_feat.astype(jnp.float32), edge_index, W_self1, W_neigh1, b1)
    h = jax.nn.relu(h)
    h = _sage_conv(h, edge_index, W_self2, W_neigh2, b2)
    return h

if __name__ == "__main__":
    import jax
    _d = setup_inputs()
    print(jax.jit(kernel)(*tuple(_d.values())))

</pallas_src>

<mosaic_0001>
#map = affine_map<(d0, d1) -> (0, 0)>
#map1 = affine_map<(d0, d1) -> (0, 0, 0, 0)>
#map2 = affine_map<(d0, d1) -> (0, 0, 0)>
module attributes {stable_mosaic.version = 14 : i64} {
  func.func @_sc_agg_body(%arg0: i32, %arg1: i32, %arg2: memref<20000x128xf32, #tpu.memory_space<hbm>>, %arg3: memref<2x16x128x80xi32, #tpu.memory_space<hbm>>, %arg4: memref<16x128x80xi32, #tpu.memory_space<hbm>>, %arg5: memref<2x10240x128xf32, #tpu.memory_space<hbm>>, %arg6: memref<2x10240x128xf32, #tpu.memory_space<hbm>>, %arg7: memref<32x80xi32, #tpu.memory_space<vmem>>, %arg8: memref<32x80xi32, #tpu.memory_space<vmem>>, %arg9: memref<80x128xf32, #tpu.memory_space<vmem>>, %arg10: memref<80x128xf32, #tpu.memory_space<vmem>>, %arg11: memref<80x128xf32, #tpu.memory_space<vmem>>, %arg12: memref<80x128xf32, #tpu.memory_space<vmem>>, %arg13: memref<!tpu.dma_semaphore, #tpu.memory_space<semaphore_mem>>, %arg14: memref<!tpu.dma_semaphore, #tpu.memory_space<semaphore_mem>>, %arg15: memref<!tpu.dma_semaphore, #tpu.memory_space<semaphore_mem>>, %arg16: memref<!tpu.dma_semaphore, #tpu.memory_space<semaphore_mem>>, %arg17: memref<!tpu.dma_semaphore, #tpu.memory_space<semaphore_mem>>, %arg18: memref<10240x128xf32, #tpu.memory_space<vmem_shared>>) attributes {dimension_semantics = [#tpu.dimension_semantics<core_parallel>, #tpu.dimension_semantics<subcore_parallel>], iteration_bounds = array<i64: 2, 16>, scalar_prefetch = 0 : i64, scratch_operands = 12 : i64, tpu.core_type = #tpu.core_type<sc_vector_subcore>, window_params = [{transform_indices = #map}, {transform_indices = #map1}, {transform_indices = #map2}, {transform_indices = #map2}, {transform_indices = #map2}]} {
    %mul3A = arith.constant 640 : i32
    %mul3A_0 = arith.muli %arg1, %mul3A : i32
    %scan3A = arith.constant 0 : i32
    %scan3A_1 = arith.constant 0 : i32
    %scan3A_2 = arith.constant 640 : i32
    %scan3A_3 = arith.addi %scan3A_1, %scan3A_2 : i32
    %scan3A_4 = arith.constant 1 : i32
    %scan3A_5 = scf.for %scan3A_375 = %scan3A_1 to %scan3A_3 step %scan3A_4 iter_args(%scan3A_376 = %scan3A) -> (i32)  : i32 {
      %broadcast_in_dim3A = arith.constant 0.000000e+00 : f32
      %broadcast_in_dim3A_377 = vector.broadcast %broadcast_in_dim3A : f32 to vector<16xf32>
      %jit3A = arith.constant 8 : i32
      %div3A = arith.divsi %scan3A_375, %jit3A : i32
      %sign3A = arith.constant 0 : i32
      %sign3A_378 = arith.cmpi sgt, %scan3A_375, %sign3A : i32
      %sign3A_379 = arith.extui %sign3A_378 : i1 to i32
      %sign3A_380 = arith.constant 0 : i32
      %sign3A_381 = arith.cmpi slt, %scan3A_375, %sign3A_380 : i32
      %sign3A_382 = arith.extui %sign3A_381 : i1 to i32
      %sign3A_383 = arith.subi %sign3A_379, %sign3A_382 : i32
      %sign3A_384 = arith.constant 0 : i32
      %sign3A_385 = arith.cmpi sgt, %jit3A, %sign3A_384 : i32
      %sign3A_386 = arith.extui %sign3A_385 : i1 to i32
      %sign3A_387 = arith.constant 0 : i32
      %sign3A_388 = arith.cmpi slt, %jit3A, %sign3A_387 : i32
      %sign3A_389 = arith.extui %sign3A_388 : i1 to i32
      %sign3A_390 = arith.subi %sign3A_386, %sign3A_389 : i32
      %ne3A = arith.cmpi ne, %sign3A_383, %sign3A_390 : i32
      %rem3A = arith.remsi %scan3A_375, %jit3A : i32
      %ne3A_391 = arith.constant 0 : i32
      %ne3A_392 = arith.cmpi ne, %rem3A, %ne3A_391 : i32
      %and3A = arith.andi %ne3A, %ne3A_392 : i1
      %sub3A = arith.constant 1 : i32
      %sub3A_393 = arith.subi %div3A, %sub3A : i32
      %select_n3A = arith.select %and3A, %sub3A_393, %div3A : i32
      %jit3A_394 = arith.constant 8 : i32
      %eq3A = arith.constant 0 : i32
      %eq3A_395 = arith.cmpi eq, %jit3A_394, %eq3A : i32
      %jit3A_396 = arith.constant 1 : i32
      %select_n3A_397 = arith.select %eq3A_395, %jit3A_396, %jit3A_394 : i32
      %rem3A_398 = arith.remsi %scan3A_375, %select_n3A_397 : i32
      %ne3A_399 = arith.constant 0 : i32
      %ne3A_400 = arith.cmpi ne, %rem3A_398, %ne3A_399 : i32
      %lt3A = arith.constant 0 : i32
      %lt3A_401 = arith.cmpi slt, %rem3A_398, %lt3A : i32
      %lt3A_402 = arith.constant 0 : i32
      %lt3A_403 = arith.cmpi slt, %select_n3A_397, %lt3A_402 : i32
      %ne3A_404 = arith.xori %lt3A_401, %lt3A_403 : i1
      %and3A_405 = arith.andi %ne3A_404, %ne3A_400 : i1
      %add3A_406 = arith.addi %rem3A_398, %select_n3A_397 : i32
      %select_n3A_407 = arith.select %and3A_405, %add3A_406, %rem3A_398 : i32
      %mul3A_408 = arith.constant 16 : i32
      %mul3A_409 = arith.muli %select_n3A_407, %mul3A_408 : i32
      %swap3A = arith.index_cast %select_n3A : i32 to index
      %swap3A_410 = arith.index_cast %mul3A_409 : i32 to index
      %swap3A_411 = tpu.vector_load %arg9[%swap3A, %swap3A_410] {strides = array<i32>} : memref<80x128xf32, #tpu.memory_space<vmem>>, vector<1x16xf32>,
      %swap3A_412 = vector.shape_cast %swap3A_411 : vector<1x16xf32> to vector<16xf32>
      %swap3A_413 = vector.shape_cast %broadcast_in_dim3A_377 : vector<16xf32> to vector<1x16xf32>
      tpu.vector_store %arg9[%swap3A, %swap3A_410], %swap3A_413 {strides = array<i32>} : memref<80x128xf32, #tpu.memory_space<vmem>>, vector<1x16xf32>,
      %scan3A_414 = arith.constant 0 : i32
      scf.yield %scan3A_414 : i32
    }
    %scan3A_6 = arith.constant 640 : i32
    %add3A = arith.constant 0 : i32
    %add3A_7 = arith.addi %mul3A_0, %add3A : i32
    %dma_start3A = arith.constant 0 : i32
    %dma_start3A_8 = tpu.memref_slice %arg18[%add3A_7, %dma_start3A] : memref<10240x128xf32, #tpu.memory_space<vmem_shared>> -> memref<80x128xf32, #tpu.memory_space<vmem_shared>>
    %dma_start3A_9 = arith.constant 0 : i32
    %dma_start3A_10 = tpu.memref_slice %arg18[%add3A_7, %dma_start3A_9] : memref<10240x128xf32, #tpu.memory_space<vmem_shared>> -> memref<80x128xf32, #tpu.memory_space<vmem_shared>>
    tpu.enqueue_dma source(%arg9 : memref<80x128xf32, #tpu.memory_space<vmem>>) target(%dma_start3A_10 : memref<80x128xf32, #tpu.memory_space<vmem_shared>>) target_semaphore(%arg17 : memref<!tpu.dma_semaphore, #tpu.memory_space<semaphore_mem>>)
    %add3A_11 = arith.constant 80 : i32
    %add3A_12 = arith.addi %mul3A_0, %add3A_11 : i32
    %dma_start3A_13 = arith.constant 0 : i32
    %dma_start3A_14 = tpu.memref_slice %arg18[%add3A_12, %dma_start3A_13] : memref<10240x128xf32, #tpu.memory_space<vmem_shared>> -> memref<80x128xf32, #tpu.memory_space<vmem_shared>>
    %dma_start3A_15 = arith.constant 0 : i32
    %dma_start3A_16 = tpu.memref_slice %arg18[%add3A_12, %dma_start3A_15] : memref<10240x128xf32, #tpu.memory_space<vmem_shared>> -> memref<80x128xf32, #tpu.memory_space<vmem_shared>>
    tpu.enqueue_dma source(%arg9 : memref<80x128xf32, #tpu.memory_space<vmem>>) target(%dma_start3A_16 : memref<80x128xf32, #tpu.memory_space<vmem_shared>>) target_semaphore(%arg17 : memref<!tpu.dma_semaphore, #tpu.memory_space<semaphore_mem>>)
    %add3A_17 = arith.constant 160 : i32
    %add3A_18 = arith.addi %mul3A_0, %add3A_17 : i32
    %dma_start3A_19 = arith.constant 0 : i32
    %dma_start3A_20 = tpu.memref_slice %arg18[%add3A_18, %dma_start3A_19] : memref<10240x128xf32, #tpu.memory_space<vmem_shared>> -> memref<80x128xf32, #tpu.memory_space<vmem_shared>>
    %dma_start3A_21 = arith.constant 0 : i32
    %dma_start3A_22 = tpu.memref_slice %arg18[%add3A_18, %dma_start3A_21] : memref<10240x128xf32, #tpu.memory_space<vmem_shared>> -> memref<80x128xf32, #tpu.memory_space<vmem_shared>>
    tpu.enqueue_dma source(%arg9 : memref<80x128xf32, #tpu.memory_space<vmem>>) target(%dma_start3A_22 : memref<80x128xf32, #tpu.memory_space<vmem_shared>>) target_semaphore(%arg17 : memref<!tpu.dma_semaphore, #tpu.memory_space<semaphore_mem>>)
    %add3A_23 = arith.constant 240 : i32
    %add3A_24 = arith.addi %mul3A_0, %add3A_23 : i32
    %dma_start3A_25 = arith.constant 0 : i32
    %dma_start3A_26 = tpu.memref_slice %arg18[%add3A_24, %dma_start3A_25] : memref<10240x128xf32, #tpu.memory_space<vmem_shared>> -> memref<80x128xf32, #tpu.memory_space<vmem_shared>>
    %dma_start3A_27 = arith.constant 0 : i32
    %dma_start3A_28 = tpu.memref_slice %arg18[%add3A_24, %dma_start3A_27] : memref<10240x128xf32, #tpu.memory_space<vmem_shared>> -> memref<80x128xf32, #tpu.memory_space<vmem_shared>>
    tpu.enqueue_dma source(%arg9 : memref<80x128xf32, #tpu.memory_space<vmem>>) target(%dma_start3A_28 : memref<80x128xf32, #tpu.memory_space<vmem_shared>>) target_semaphore(%arg17 : memref<!tpu.dma_semaphore, #tpu.memory_space<semaphore_mem>>)
    %add3A_29 = arith.constant 320 : i32
    %add3A_30 = arith.addi %mul3A_0, %add3A_29 : i32
    %dma_start3A_31 = arith.constant 0 : i32
    %dma_start3A_32 = tpu.memref_slice %arg18[%add3A_30, %dma_start3A_31] : memref<10240x128xf32, #tpu.memory_space<vmem_shared>> -> memref<80x128xf32, #tpu.memory_space<vmem_shared>>
    %dma_start3A_33 = arith.constant 0 : i32
    %dma_start3A_34 = tpu.memref_slice %arg18[%add3A_30, %dma_start3A_33] : memref<10240x128xf32, #tpu.memory_space<vmem_shared>> -> memref<80x128xf32, #tpu.memory_space<vmem_shared>>
    tpu.enqueue_dma source(%arg9 : memref<80x128xf32, #tpu.memory_space<vmem>>) target(%dma_start3A_34 : memref<80x128xf32, #tpu.memory_space<vmem_shared>>) target_semaphore(%arg17 : memref<!tpu.dma_semaphore, #tpu.memory_space<semaphore_mem>>)
    %add3A_35 = arith.constant 400 : i32
    %add3A_36 = arith.addi %mul3A_0, %add3A_35 : i32
    %dma_start3A_37 = arith.constant 0 : i32
    %dma_start3A_38 = tpu.memref_slice %arg18[%add3A_36, %dma_start3A_37] : memref<10240x128xf32, #tpu.memory_space<vmem_shared>> -> memref<80x128xf32, #tpu.memory_space<vmem_shared>>
    %dma_start3A_39 = arith.constant 0 : i32
    %dma_start3A_40 = tpu.memref_slice %arg18[%add3A_36, %dma_start3A_39] : memref<10240x128xf32, #tpu.memory_space<vmem_shared>> -> memref<80x128xf32, #tpu.memory_space<vmem_shared>>
    tpu.enqueue_dma source(%arg9 : memref<80x128xf32, #tpu.memory_space<vmem>>) target(%dma_start3A_40 : memref<80x128xf32, #tpu.memory_space<vmem_shared>>) target_semaphore(%arg17 : memref<!tpu.dma_semaphore, #tpu.memory_space<semaphore_mem>>)
    %add3A_41 = arith.constant 480 : i32
    %add3A_42 = arith.addi %mul3A_0, %add3A_41 : i32
    %dma_start3A_43 = arith.constant 0 : i32
    %dma_start3A_44 = tpu.memref_slice %arg18[%add3A_42, %dma_start3A_43] : memref<10240x128xf32, #tpu.memory_space<vmem_shared>> -> memref<80x128xf32, #tpu.memory_space<vmem_shared>>
    %dma_start3A_45 = arith.constant 0 : i32
    %dma_start3A_46 = tpu.memref_slice %arg18[%add3A_42, %dma_start3A_45] : memref<10240x128xf32, #tpu.memory_space<vmem_shared>> -> memref<80x128xf32, #tpu.memory_space<vmem_shared>>
    tpu.enqueue_dma source(%arg9 : memref<80x128xf32, #tpu.memory_space<vmem>>) target(%dma_start3A_46 : memref<80x128xf32, #tpu.memory_space<vmem_shared>>) target_semaphore(%arg17 : memref<!tpu.dma_semaphore, #tpu.memory_space<semaphore_mem>>)
    %add3A_47 = arith.constant 560 : i32
    %add3A_48 = arith.addi %mul3A_0, %add3A_47 : i32
    %dma_start3A_49 = arith.constant 0 : i32
    %dma_start3A_50 = tpu.memref_slice %arg18[%add3A_48, %dma_start3A_49] : memref<10240x128xf32, #tpu.memory_space<vmem_shared>> -> memref<80x128xf32, #tpu.memory_space<vmem_shared>>
    %dma_start3A_51 = arith.constant 0 : i32
    %dma_start3A_52 = tpu.memref_slice %arg18[%add3A_48, %dma_start3A_51] : memref<10240x128xf32, #tpu.memory_space<vmem_shared>> -> memref<80x128xf32, #tpu.memory_space<vmem_shared>>
    tpu.enqueue_dma source(%arg9 : memref<80x128xf32, #tpu.memory_space<vmem>>) target(%dma_start3A_52 : memref<80x128xf32, #tpu.memory_space<vmem_shared>>) target_semaphore(%arg17 : memref<!tpu.dma_semaphore, #tpu.memory_space<semaphore_mem>>)
    %add3A_53 = arith.constant 0 : i32
    %add3A_54 = arith.addi %mul3A_0, %add3A_53 : i32
    %dma_wait3A = arith.constant 0 : i32
    %dma_wait3A_55 = tpu.memref_slice %arg18[%add3A_54, %dma_wait3A] : memref<10240x128xf32, #tpu.memory_space<vmem_shared>> -> memref<80x128xf32, #tpu.memory_space<vmem_shared>>
    %dma_wait3A_56 = arith.constant 0 : i32
    %dma_wait3A_57 = tpu.memref_slice %arg18[%add3A_54, %dma_wait3A_56] : memref<10240x128xf32, #tpu.memory_space<vmem_shared>> -> memref<80x128xf32, #tpu.memory_space<vmem_shared>>
    tpu.wait_dma2 semaphore(%arg17 : memref<!tpu.dma_semaphore, #tpu.memory_space<semaphore_mem>>) src(%arg9 : memref<80x128xf32, #tpu.memory_space<vmem>>) dst(%dma_wait3A_57 : memref<80x128xf32, #tpu.memory_space<vmem_shared>>)
    %add3A_58 = arith.constant 80 : i32
    %add3A_59 = arith.addi %mul3A_0, %add3A_58 : i32
    %dma_wait3A_60 = arith.constant 0 : i32
    %dma_wait3A_61 = tpu.memref_slice %arg18[%add3A_59, %dma_wait3A_60] : memref<10240x128xf32, #tpu.memory_space<vmem_shared>> -> memref<80x128xf32, #tpu.memory_space<vmem_shared>>
    %dma_wait3A_62 = arith.constant 0 : i32
    %dma_wait3A_63 = tpu.memref_slice %arg18[%add3A_59, %dma_wait3A_62] : memref<10240x128xf32, #tpu.memory_space<vmem_shared>> -> memref<80x128xf32, #tpu.memory_space<vmem_shared>>
    tpu.wait_dma2 semaphore(%arg17 : memref<!tpu.dma_semaphore, #tpu.memory_space<semaphore_mem>>) src(%arg9 : memref<80x128xf32, #tpu.memory_space<vmem>>) dst(%dma_wait3A_63 : memref<80x128xf32, #tpu.memory_space<vmem_shared>>)
    %add3A_64 = arith.constant 160 : i32
    %add3A_65 = arith.addi %mul3A_0, %add3A_64 : i32
    %dma_wait3A_66 = arith.constant 0 : i32
    %dma_wait3A_67 = tpu.memref_slice %arg18[%add3A_65, %dma_wait3A_66] : memref<10240x128xf32, #tpu.memory_space<vmem_shared>> -> memref<80x128xf32, #tpu.memory_space<vmem_shared>>
    %dma_wait3A_68 = arith.constant 0 : i32
    %dma_wait3A_69 = tpu.memref_slice %arg18[%add3A_65, %dma_wait3A_68] : memref<10240x128xf32, #tpu.memory_space<vmem_shared>> -> memref<80x128xf32, #tpu.memory_space<vmem_shared>>
    tpu.wait_dma2 semaphore(%arg17 : memref<!tpu.dma_semaphore, #tpu.memory_space<semaphore_mem>>) src(%arg9 : memref<80x128xf32, #tpu.memory_space<vmem>>) dst(%dma_wait3A_69 : memref<80x128xf32, #tpu.memory_space<vmem_shared>>)
    %add3A_70 = arith.constant 240 : i32
    %add3A_71 = arith.addi %mul3A_0, %add3A_70 : i32
    %dma_wait3A_72 = arith.constant 0 : i32
    %dma_wait3A_73 = tpu.memref_slice %arg18[%add3A_71, %dma_wait3A_72] : memref<10240x128xf32, #tpu.memory_space<vmem_shared>> -> memref<80x128xf32, #tpu.memory_space<vmem_shared>>
    %dma_wait3A_74 = arith.constant 0 : i32
    %dma_wait3A_75 = tpu.memref_slice %arg18[%add3A_71, %dma_wait3A_74] : memref<10240x128xf32, #tpu.memory_space<vmem_shared>> -> memref<80x128xf32, #tpu.memory_space<vmem_shared>>
    tpu.wait_dma2 semaphore(%arg17 : memref<!tpu.dma_semaphore, #tpu.memory_space<semaphore_mem>>) src(%arg9 : memref<80x128xf32, #tpu.memory_space<vmem>>) dst(%dma_wait3A_75 : memref<80x128xf32, #tpu.memory_space<vmem_shared>>)
    %add3A_76 = arith.constant 320 : i32
    %add3A_77 = arith.addi %mul3A_0, %add3A_76 : i32
    %dma_wait3A_78 = arith.constant 0 : i32
    %dma_wait3A_79 = tpu.memref_slice %arg18[%add3A_77, %dma_wait3A_78] : memref<10240x128xf32, #tpu.memory_space<vmem_shared>> -> memref<80x128xf32, #tpu.memory_space<vmem_shared>>
    %dma_wait3A_80 = arith.constant 0 : i32
    %dma_wait3A_81 = tpu.memref_slice %arg18[%add3A_77, %dma_wait3A_80] : memref<10240x128xf32, #tpu.memory_space<vmem_shared>> -> memref<80x128xf32, #tpu.memory_space<vmem_shared>>
    tpu.wait_dma2 semaphore(%arg17 : memref<!tpu.dma_semaphore, #tpu.memory_space<semaphore_mem>>) src(%arg9 : memref<80x128xf32, #tpu.memory_space<vmem>>) dst(%dma_wait3A_81 : memref<80x128xf32, #tpu.memory_space<vmem_shared>>)
    %add3A_82 = arith.constant 400 : i32
    %add3A_83 = arith.addi %mul3A_0, %add3A_82 : i32
    %dma_wait3A_84 = arith.constant 0 : i32
    %dma_wait3A_85 = tpu.memref_slice %arg18[%add3A_83, %dma_wait3A_84] : memref<10240x128xf32, #tpu.memory_space<vmem_shared>> -> memref<80x128xf32, #tpu.memory_space<vmem_shared>>
    %dma_wait3A_86 = arith.constant 0 : i32
    %dma_wait3A_87 = tpu.memref_slice %arg18[%add3A_83, %dma_wait3A_86] : memref<10240x128xf32, #tpu.memory_space<vmem_shared>> -> memref<80x128xf32, #tpu.memory_space<vmem_shared>>
    tpu.wait_dma2 semaphore(%arg17 : memref<!tpu.dma_semaphore, #tpu.memory_space<semaphore_mem>>) src(%arg9 : memref<80x128xf32, #tpu.memory_space<vmem>>) dst(%dma_wait3A_87 : memref<80x128xf32, #tpu.memory_space<vmem_shared>>)
    %add3A_88 = arith.constant 480 : i32
    %add3A_89 = arith.addi %mul3A_0, %add3A_88 : i32
    %dma_wait3A_90 = arith.constant 0 : i32
    %dma_wait3A_91 = tpu.memref_slice %arg18[%add3A_89, %dma_wait3A_90] : memref<10240x128xf32, #tpu.memory_space<vmem_shared>> -> memref<80x128xf32, #tpu.memory_space<vmem_shared>>
    %dma_wait3A_92 = arith.constant 0 : i32
    %dma_wait3A_93 = tpu.memref_slice %arg18[%add3A_89, %dma_wait3A_92] : memref<10240x128xf32, #tpu.memory_space<vmem_shared>> -> memref<80x128xf32, #tpu.memory_space<vmem_shared>>
    tpu.wait_dma2 semaphore(%arg17 : memref<!tpu.dma_semaphore, #tpu.memory_space<semaphore_mem>>) src(%arg9 : memref<80x128xf32, #tpu.memory_space<vmem>>) dst(%dma_wait3A_93 : memref<80x128xf32, #tpu.memory_space<vmem_shared>>)
    %add3A_94 = arith.constant 560 : i32
    %add3A_95 = arith.addi %mul3A_0, %add3A_94 : i32
    %dma_wait3A_96 = arith.constant 0 : i32
    %dma_wait3A_97 = tpu.memref_slice %arg18[%add3A_95, %dma_wait3A_96] : memref<10240x128xf32, #tpu.memory_space<vmem_shared>> -> memref<80x128xf32, #tpu.memory_space<vmem_shared>>
    %dma_wait3A_98 = arith.constant 0 : i32
    %dma_wait3A_99 = tpu.memref_slice %arg18[%add3A_95, %dma_wait3A_98] : memref<10240x128xf32, #tpu.memory_space<vmem_shared>> -> memref<80x128xf32, #tpu.memory_space<vmem_shared>>
    tpu.wait_dma2 semaphore(%arg17 : memref<!tpu.dma_semaphore, #tpu.memory_space<semaphore_mem>>) src(%arg9 : memref<80x128xf32, #tpu.memory_space<vmem>>) dst(%dma_wait3A_99 : memref<80x128xf32, #tpu.memory_space<vmem_shared>>)
    %barrier3A = arith.constant 0 : index
    tpu.barrier barrier_id(%barrier3A)
    "tpu.region"() ({
      %run_scoped3A = tpu.sem_alloc : memref<!tpu.dma_semaphore, #tpu.memory_space<semaphore_mem>>
      %dma_start3A_375 = arith.constant 0 : i32
      %dma_start3A_376 = arith.constant 0 : i32
      %dma_start3A_377 = tpu.memref_slice %arg3[%arg0, %arg1, %dma_start3A_375, %dma_start3A_376] : memref<2x16x128x80xi32, #tpu.memory_space<hbm>> -> memref<1x1x32x80xi32, #tpu.memory_space<hbm>>
      %dma_start3A_378 = tpu.memref_squeeze %dma_start3A_377 : memref<1x1x32x80xi32, #tpu.memory_space<hbm>> -> memref<32x80xi32, #tpu.memory_space<hbm>>
      %dma_start3A_379 = arith.constant 0 : i32
      %dma_start3A_380 = arith.constant 0 : i32
      %dma_start3A_381 = tpu.memref_slice %arg3[%arg0, %arg1, %dma_start3A_379, %dma_start3A_380] : memref<2x16x128x80xi32, #tpu.memory_space<hbm>> -> memref<1x1x32x80xi32, #tpu.memory_space<hbm>>
      %dma_start3A_382 = tpu.memref_squeeze %dma_start3A_381 : memref<1x1x32x80xi32, #tpu.memory_space<hbm>> -> memref<32x80xi32, #tpu.memory_space<hbm>>
      tpu.enqueue_dma source(%dma_start3A_382 : memref<32x80xi32, #tpu.memory_space<hbm>>) target(%arg7 : memref<32x80xi32, #tpu.memory_space<vmem>>) target_semaphore(%run_scoped3A : memref<!tpu.dma_semaphore, #tpu.memory_space<semaphore_mem>>)
      %dma_wait3A_383 = arith.constant 0 : i32
      %dma_wait3A_384 = arith.constant 0 : i32
      %dma_wait3A_385 = tpu.memref_slice %arg3[%arg0, %arg1, %dma_wait3A_383, %dma_wait3A_384] : memref<2x16x128x80xi32, #tpu.memory_space<hbm>> -> memref<1x1x32x80xi32, #tpu.memory_space<hbm>>
      %dma_wait3A_386 = tpu.memref_squeeze %dma_wait3A_385 : memref<1x1x32x80xi32, #tpu.memory_space<hbm>> -> memref<32x80xi32, #tpu.memory_space<hbm>>
      %dma_wait3A_387 = arith.constant 0 : i32
      %dma_wait3A_388 = arith.constant 0 : i32
      %dma_wait3A_389 = tpu.memref_slice %arg3[%arg0, %arg1, %dma_wait3A_387, %dma_wait3A_388] : memref<2x16x128x80xi32, #tpu.memory_space<hbm>> -> memref<1x1x32x80xi32, #tpu.memory_space<hbm>>
      %dma_wait3A_390 = tpu.memref_squeeze %dma_wait3A_389 : memref<1x1x32x80xi32, #tpu.memory_space<hbm>> -> memref<32x80xi32, #tpu.memory_space<hbm>>
      tpu.wait_dma2 semaphore(%run_scoped3A : memref<!tpu.dma_semaphore, #tpu.memory_space<semaphore_mem>>) src(%dma_wait3A_390 : memref<32x80xi32, #tpu.memory_space<hbm>>) dst(%arg7 : memref<32x80xi32, #tpu.memory_space<vmem>>)
      tpu.yield
    }) : () -> ()
    "tpu.region"() ({
      %run_scoped3A = tpu.sem_alloc : memref<!tpu.dma_semaphore, #tpu.memory_space<semaphore_mem>>
      %dma_start3A_375 = arith.constant 0 : i32
      %dma_start3A_376 = arith.constant 0 : i32
      %dma_start3A_377 = tpu.memref_slice %arg4[%arg1, %dma_start3A_375, %dma_start3A_376] : memref<16x128x80xi32, #tpu.memory_space<hbm>> -> memref<1x32x80xi32, #tpu.memory_space<hbm>>
      %dma_start3A_378 = tpu.memref_squeeze %dma_start3A_377 : memref<1x32x80xi32, #tpu.memory_space<hbm>> -> memref<32x80xi32, #tpu.memory_space<hbm>>
      %dma_start3A_379 = arith.constant 0 : i32
      %dma_start3A_380 = arith.constant 0 : i32
      %dma_start3A_381 = tpu.memref_slice %arg4[%arg1, %dma_start3A_379, %dma_start3A_380] : memref<16x128x80xi32, #tpu.memory_space<hbm>> -> memref<1x32x80xi32, #tpu.memory_space<hbm>>
      %dma_start3A_382 = tpu.memref_squeeze %dma_start3A_381 : memref<1x32x80xi32, #tpu.memory_space<hbm>> -> memref<32x80xi32, #tpu.memory_space<hbm>>
      tpu.enqueue_dma source(%dma_start3A_382 : memref<32x80xi32, #tpu.memory_space<hbm>>) target(%arg8 : memref<32x80xi32, #tpu.memory_space<vmem>>) target_semaphore(%run_scoped3A : memref<!tpu.dma_semaphore, #tpu.memory_space<semaphore_mem>>)
      %dma_wait3A_383 = arith.constant 0 : i32
      %dma_wait3A_384 = arith.constant 0 : i32
      %dma_wait3A_385 = tpu.memref_slice %arg4[%arg1, %dma_wait3A_383, %dma_wait3A_384] : memref<16x128x80xi32, #tpu.memory_space<hbm>> -> memref<1x32x80xi32, #tpu.memory_space<hbm>>
      %dma_wait3A_386 = tpu.memref_squeeze %dma_wait3A_385 : memref<1x32x80xi32, #tpu.memory_space<hbm>> -> memref<32x80xi32, #tpu.memory_space<hbm>>
      %dma_wait3A_387 = arith.constant 0 : i32
      %dma_wait3A_388 = arith.constant 0 : i32
      %dma_wait3A_389 = tpu.memref_slice %arg4[%arg1, %dma_wait3A_387, %dma_wait3A_388] : memref<16x128x80xi32, #tpu.memory_space<hbm>> -> memref<1x32x80xi32, #tpu.memory_space<hbm>>
      %dma_wait3A_390 = tpu.memref_squeeze %dma_wait3A_389 : memref<1x32x80xi32, #tpu.memory_space<hbm>> -> memref<32x80xi32, #tpu.memory_space<hbm>>
      tpu.wait_dma2 semaphore(%run_scoped3A : memref<!tpu.dma_semaphore, #tpu.memory_space<semaphore_mem>>) src(%dma_wait3A_390 : memref<32x80xi32, #tpu.memory_space<hbm>>) dst(%arg8 : memref<32x80xi32, #tpu.memory_space<vmem>>)
      tpu.yield
    }) : () -> ()
    %dma_start3A_100 = arith.constant 0 : i32
    %dma_start3A_101 = arith.constant 0 : i32
    %dma_start3A_102 = tpu.memref_slice %arg7[%dma_start3A_100, %dma_start3A_101] : memref<32x80xi32, #tpu.memory_space<vmem>> -> memref<1x80xi32, #tpu.memory_space<vmem>>
    %dma_start3A_103 = tpu.memref_squeeze %dma_start3A_102 : memref<1x80xi32, #tpu.memory_space<vmem>> -> memref<80xi32, #tpu.memory_space<vmem>>
    %dma_start3A_104 = arith.constant 0 : i32
    %dma_start3A_105 = arith.constant 0 : i32
    %dma_start3A_106 = tpu.memref_slice %arg2[%dma_start3A_104, %dma_start3A_105] : memref<20000x128xf32, #tpu.memory_space<hbm>> -> memref<20000x128xf32, #tpu.memory_space<hbm>>
    tpu.enqueue_indirect_dma source(%dma_start3A_106 : memref<20000x128xf32, #tpu.memory_space<hbm>>) target(%arg9 : memref<80x128xf32, #tpu.memory_space<vmem>>) offsets(%dma_start3A_103 : memref<80xi32, #tpu.memory_space<vmem>>) semaphore(%arg13 : memref<!tpu.dma_semaphore, #tpu.memory_space<semaphore_mem>>)
    %dma_start3A_107 = arith.constant 1 : i32
    %dma_start3A_108 = arith.constant 0 : i32
    %dma_start3A_109 = tpu.memref_slice %arg7[%dma_start3A_107, %dma_start3A_108] : memref<32x80xi32, #tpu.memory_space<vmem>> -> memref<1x80xi32, #tpu.memory_space<vmem>>
    %dma_start3A_110 = tpu.memref_squeeze %dma_start3A_109 : memref<1x80xi32, #tpu.memory_space<vmem>> -> memref<80xi32, #tpu.memory_space<vmem>>
    %dma_start3A_111 = arith.constant 0 : i32
    %dma_start3A_112 = arith.constant 0 : i32
    %dma_start3A_113 = tpu.memref_slice %arg2[%dma_start3A_111, %dma_start3A_112] : memref<20000x128xf32, #tpu.memory_space<hbm>> -> memref<20000x128xf32, #tpu.memory_space<hbm>>
    tpu.enqueue_indirect_dma source(%dma_start3A_113 : memref<20000x128xf32, #tpu.memory_space<hbm>>) target(%arg10 : memref<80x128xf32, #tpu.memory_space<vmem>>) offsets(%dma_start3A_110 : memref<80xi32, #tpu.memory_space<vmem>>) semaphore(%arg14 : memref<!tpu.dma_semaphore, #tpu.memory_space<semaphore_mem>>)
    %dma_start3A_114 = arith.constant 2 : i32
    %dma_start3A_115 = arith.constant 0 : i32
    %dma_start3A_116 = tpu.memref_slice %arg7[%dma_start3A_114, %dma_start3A_115] : memref<32x80xi32, #tpu.memory_space<vmem>> -> memref<1x80xi32, #tpu.memory_space<vmem>>
    %dma_start3A_117 = tpu.memref_squeeze %dma_start3A_116 : memref<1x80xi32, #tpu.memory_space<vmem>> -> memref<80xi32, #tpu.memory_space<vmem>>
    %dma_start3A_118 = arith.constant 0 : i32
    %dma_start3A_119 = arith.constant 0 : i32
    %dma_start3A_120 = tpu.memref_slice %arg2[%dma_start3A_118, %dma_start3A_119] : memref<20000x128xf32, #tpu.memory_space<hbm>> -> memref<20000x128xf32, #tpu.memory_space<hbm>>
    tpu.enqueue_indirect_dma source(%dma_start3A_120 : memref<20000x128xf32, #tpu.memory_space<hbm>>) target(%arg11 : memref<80x128xf32, #tpu.memory_space<vmem>>) offsets(%dma_start3A_117 : memref<80xi32, #tpu.memory_space<vmem>>) semaphore(%arg15 : memref<!tpu.dma_semaphore, #tpu.memory_space<semaphore_mem>>)
    %dma_start3A_121 = arith.constant 3 : i32
    %dma_start3A_122 = arith.constant 0 : i32
    %dma_start3A_123 = tpu.memref_slice %arg7[%dma_start3A_121, %dma_start3A_122] : memref<32x80xi32, #tpu.memory_space<vmem>> -> memref<1x80xi32, #tpu.memory_space<vmem>>
    %dma_start3A_124 = tpu.memref_squeeze %dma_start3A_123 : memref<1x80xi32, #tpu.memory_space<vmem>> -> memref<80xi32, #tpu.memory_space<vmem>>
    %dma_start3A_125 = arith.constant 0 : i32
    %dma_start3A_126 = arith.constant 0 : i32
    %dma_start3A_127 = tpu.memref_slice %arg2[%dma_start3A_125, %dma_start3A_126] : memref<20000x128xf32, #tpu.memory_space<hbm>> -> memref<20000x128xf32, #tpu.memory_space<hbm>>
    tpu.enqueue_indirect_dma source(%dma_start3A_127 : memref<20000x128xf32, #tpu.memory_space<hbm>>) target(%arg12 : memref<80x128xf32, #tpu.memory_space<vmem>>) offsets(%dma_start3A_124 : memref<80xi32, #tpu.memory_space<vmem>>) semaphore(%arg16 : memref<!tpu.dma_semaphore, #tpu.memory_space<semaphore_mem>>)
    %scan3A_128 = arith.constant 0 : i32
    %scan3A_129 = arith.constant 0 : i32
    %scan3A_130 = arith.constant 8 : i32
    %scan3A_131 = arith.addi %scan3A_129, %scan3A_130 : i32
    %scan3A_132 = arith.constant 1 : i32
    %scan3A_133 = scf.for %scan3A_375 = %scan3A_129 to %scan3A_131 step %scan3A_132 iter_args(%scan3A_376 = %scan3A_128) -> (i32)  : i32 {
      %mul3A_377 = arith.constant 4 : i32
      %mul3A_378 = arith.muli %mul3A_377, %scan3A_375 : i32
      %add3A_379 = arith.constant 0 : i32
      %add3A_380 = arith.addi %mul3A_378, %add3A_379 : i32
      %dma_wait3A_381 = arith.constant 0 : i32
      %dma_wait3A_382 = tpu.memref_slice %arg7[%add3A_380, %dma_wait3A_381] : memref<32x80xi32, #tpu.memory_space<vmem>> -> memref<1x80xi32, #tpu.memory_space<vmem>>
      %dma_wait3A_383 = tpu.memref_squeeze %dma_wait3A_382 : memref<1x80xi32, #tpu.memory_space<vmem>> -> memref<80xi32, #tpu.memory_space<vmem>>
      %dma_wait3A_384 = arith.constant 0 : i32
      %dma_wait3A_385 = arith.constant 0 : i32
      %dma_wait3A_386 = tpu.memref_slice %arg2[%dma_wait3A_384, %dma_wait3A_385] : memref<20000x128xf32, #tpu.memory_space<hbm>> -> memref<20000x128xf32, #tpu.memory_space<hbm>>
      tpu.wait_indirect_dma semaphore(%arg13 : memref<!tpu.dma_semaphore, #tpu.memory_space<semaphore_mem>>) src(%dma_wait3A_386 : memref<20000x128xf32, #tpu.memory_space<hbm>>) dst(%arg9 : memref<80x128xf32, #tpu.memory_space<vmem>>)
      %add3A_387 = arith.constant 0 : i32
      %add3A_388 = arith.addi %mul3A_378, %add3A_387 : i32
      %dma_start3A_389 = arith.constant 0 : i32
      %dma_start3A_390 = tpu.memref_slice %arg8[%add3A_388, %dma_start3A_389] : memref<32x80xi32, #tpu.memory_space<vmem>> -> memref<1x80xi32, #tpu.memory_space<vmem>>
      %dma_start3A_391 = tpu.memref_squeeze %dma_start3A_390 : memref<1x80xi32, #tpu.memory_space<vmem>> -> memref<80xi32, #tpu.memory_space<vmem>>
      %dma_start3A_392 = arith.constant 0 : i32
      %dma_start3A_393 = arith.constant 0 : i32
      %dma_start3A_394 = tpu.memref_slice %arg18[%dma_start3A_392, %dma_start3A_393] : memref<10240x128xf32, #tpu.memory_space<vmem_shared>> -> memref<10240x128xf32, #tpu.memory_space<vmem_shared>>
      tpu.enqueue_indirect_dma source(%arg9 : memref<80x128xf32, #tpu.memory_space<vmem>>) target(%dma_start3A_394 : memref<10240x128xf32, #tpu.memory_space<vmem_shared>>) offsets(%dma_start3A_391 : memref<80xi32, #tpu.memory_space<vmem>>) semaphore(%arg17 : memref<!tpu.dma_semaphore, #tpu.memory_space<semaphore_mem>>) {add = true}
      %add3A_395 = arith.constant 0 : i32
      %add3A_396 = arith.addi %mul3A_378, %add3A_395 : i32
      %dma_wait3A_397 = arith.constant 0 : i32
      %dma_wait3A_398 = tpu.memref_slice %arg8[%add3A_396, %dma_wait3A_397] : memref<32x80xi32, #tpu.memory_space<vmem>> -> memref<1x80xi32, #tpu.memory_space<vmem>>
      %dma_wait3A_399 = tpu.memref_squeeze %dma_wait3A_398 : memref<1x80xi32, #tpu.memory_space<vmem>> -> memref<80xi32, #tpu.memory_space<vmem>>
      %dma_wait3A_400 = arith.constant 0 : i32
      %dma_wait3A_401 = arith.constant 0 : i32
      %dma_wait3A_402 = tpu.memref_slice %arg18[%dma_wait3A_400, %dma_wait3A_401] : memref<10240x128xf32, #tpu.memory_space<vmem_shared>> -> memref<10240x128xf32, #tpu.memory_space<vmem_shared>>
      tpu.wait_indirect_dma semaphore(%arg17 : memref<!tpu.dma_semaphore, #tpu.memory_space<semaphore_mem>>) src(%arg9 : memref<80x128xf32, #tpu.memory_space<vmem>>) dst(%dma_wait3A_402 : memref<10240x128xf32, #tpu.memory_space<vmem_shared>>)
      %lt3A = arith.constant 7 : i32
      %lt3A_403 = arith.cmpi slt, %scan3A_375, %lt3A : i32
      %convert_element_type3A = arith.extui %lt3A_403 : i1 to i32
      %cond3A = arith.constant 0 : i32
      %cond3A_404 = arith.cmpi ne, %convert_element_type3A, %cond3A : i32
      scf.if %cond3A_404 {
        %add3A_493 = arith.constant 0 : i32
        %add3A_494 = arith.addi %mul3A_378, %add3A_493 : i32
        %add3A_495 = arith.constant 4 : i32
        %add3A_496 = arith.addi %add3A_494, %add3A_495 : i32
        %dma_start3A_497 = arith.constant 0 : i32
        %dma_start3A_498 = tpu.memref_slice %arg7[%add3A_496, %dma_start3A_497] : memref<32x80xi32, #tpu.memory_space<vmem>> -> memref<1x80xi32, #tpu.memory_space<vmem>>
        %dma_start3A_499 = tpu.memref_squeeze %dma_start3A_498 : memref<1x80xi32, #tpu.memory_space<vmem>> -> memref<80xi32, #tpu.memory_space<vmem>>
        %dma_start3A_500 = arith.constant 0 : i32
        %dma_start3A_501 = arith.constant 0 : i32
        %dma_start3A_502 = tpu.memref_slice %arg2[%dma_start3A_500, %dma_start3A_501] : memref<20000x128xf32, #tpu.memory_space<hbm>> -> memref<20000x128xf32, #tpu.memory_space<hbm>>
        tpu.enqueue_indirect_dma source(%dma_start3A_502 : memref<20000x128xf32, #tpu.memory_space<hbm>>) target(%arg9 : memref<80x128xf32, #tpu.memory_space<vmem>>) offsets(%dma_start3A_499 : memref<80xi32, #tpu.memory_space<vmem>>) semaphore(%arg13 : memref<!tpu.dma_semaphore, #tpu.memory_space<semaphore_mem>>)
      } else {
      }
      %add3A_405 = arith.constant 1 : i32
      %add3A_406 = arith.addi %mul3A_378, %add3A_405 : i32
      %dma_wait3A_407 = arith.constant 0 : i32
      %dma_wait3A_408 = tpu.memref_slice %arg7[%add3A_406, %dma_wait3A_407] : memref<32x80xi32, #tpu.memory_space<vmem>> -> memref<1x80xi32, #tpu.memory_space<vmem>>
      %dma_wait3A_409 = tpu.memref_squeeze %dma_wait3A_408 : memref<1x80xi32, #tpu.memory_space<vmem>> -> memref<80xi32, #tpu.memory_space<vmem>>
      %dma_wait3A_410 = arith.constant 0 : i32
      %dma_wait3A_411 = arith.constant 0 : i32
      %dma_wait3A_412 = tpu.memref_slice %arg2[%dma_wait3A_410, %dma_wait3A_411] : memref<20000x128xf32, #tpu.memory_space<hbm>> -> memref<20000x128xf32, #tpu.memory_space<hbm>>
      tpu.wait_indirect_dma semaphore(%arg14 : memref<!tpu.dma_semaphore, #tpu.memory_space<semaphore_mem>>) src(%dma_wait3A_412 : memref<20000x128xf32, #tpu.memory_space<hbm>>) dst(%arg10 : memref<80x128xf32, #tpu.memory_space<vmem>>)
      %add3A_413 = arith.constant 1 : i32
      %add3A_414 = arith.addi %mul3A_378, %add3A_413 : i32
      %dma_start3A_415 = arith.constant 0 : i32
      %dma_start3A_416 = tpu.memref_slice %arg8[%add3A_414, %dma_start3A_415] : memref<32x80xi32, #tpu.memory_space<vmem>> -> memref<1x80xi32, #tpu.memory_space<vmem>>
      %dma_start3A_417 = tpu.memref_squeeze %dma_start3A_416 : memref<1x80xi32, #tpu.memory_space<vmem>> -> memref<80xi32, #tpu.memory_space<vmem>>
      %dma_start3A_418 = arith.constant 0 : i32
      %dma_start3A_419 = arith.constant 0 : i32
      %dma_start3A_420 = tpu.memref_slice %arg18[%dma_start3A_418, %dma_start3A_419] : memref<10240x128xf32, #tpu.memory_space<vmem_shared>> -> memref<10240x128xf32, #tpu.memory_space<vmem_shared>>
      tpu.enqueue_indirect_dma source(%arg10 : memref<80x128xf32, #tpu.memory_space<vmem>>) target(%dma_start3A_420 : memref<10240x128xf32, #tpu.memory_space<vmem_shared>>) offsets(%dma_start3A_417 : memref<80xi32, #tpu.memory_space<vmem>>) semaphore(%arg17 : memref<!tpu.dma_semaphore, #tpu.memory_space<semaphore_mem>>) {add = true}
      %add3A_421 = arith.constant 1 : i32
      %add3A_422 = arith.addi %mul3A_378, %add3A_421 : i32
      %dma_wait3A_423 = arith.constant 0 : i32
      %dma_wait3A_424 = tpu.memref_slice %arg8[%add3A_422, %dma_wait3A_423] : memref<32x80xi32, #tpu.memory_space<vmem>> -> memref<1x80xi32, #tpu.memory_space<vmem>>
      %dma_wait3A_425 = tpu.memref_squeeze %dma_wait3A_424 : memref<1x80xi32, #tpu.memory_space<vmem>> -> memref<80xi32, #tpu.memory_space<vmem>>
      %dma_wait3A_426 = arith.constant 0 : i32
      %dma_wait3A_427 = arith.constant 0 : i32
      %dma_wait3A_428 = tpu.memref_slice %arg18[%dma_wait3A_426, %dma_wait3A_427] : memref<10240x128xf32, #tpu.memory_space<vmem_shared>> -> memref<10240x128xf32, #tpu.memory_space<vmem_shared>>
      tpu.wait_indirect_dma semaphore(%arg17 : memref<!tpu.dma_semaphore, #tpu.memory_space<semaphore_mem>>) src(%arg10 : memref<80x128xf32, #tpu.memory_space<vmem>>) dst(%dma_wait3A_428 : memref<10240x128xf32, #tpu.memory_space<vmem_shared>>)
      %lt3A_429 = arith.constant 7 : i32
      %lt3A_430 = arith.cmpi slt, %scan3A_375, %lt3A_429 : i32
      %convert_element_type3A_431 = arith.extui %lt3A_430 : i1 to i32
      %cond3A_432 = arith.constant 0 : i32
      %cond3A_433 = arith.cmpi ne, %convert_element_type3A_431, %cond3A_432 : i32
      scf.if %cond3A_433 {
        %add3A_493 = arith.constant 1 : i32
        %add3A_494 = arith.addi %mul3A_378, %add3A_493 : i32
        %add3A_495 = arith.constant 4 : i32
        %add3A_496 = arith.addi %add3A_494, %add3A_495 : i32
        %dma_start3A_497 = arith.constant 0 : i32
        %dma_start3A_498 = tpu.memref_slice %arg7[%add3A_496, %dma_start3A_497] : memref<32x80xi32, #tpu.memory_space<vmem>> -> memref<1x80xi32, #tpu.memory_space<vmem>>
        %dma_start3A_499 = tpu.memref_squeeze %dma_start3A_498 : memref<1x80xi32, #tpu.memory_space<vmem>> -> memref<80xi32, #tpu.memory_space<vmem>>
        %dma_start3A_500 = arith.constant 0 : i32
        %dma_start3A_501 = arith.constant 0 : i32
        %dma_start3A_502 = tpu.memref_slice %arg2[%dma_start3A_500, %dma_start3A_501] : memref<20000x128xf32, #tpu.memory_space<hbm>> -> memref<20000x128xf32, #tpu.memory_space<hbm>>
        tpu.enqueue_indirect_dma source(%dma_start3A_502 : memref<20000x128xf32, #tpu.memory_space<hbm>>) target(%arg10 : memref<80x128xf32, #tpu.memory_space<vmem>>) offsets(%dma_start3A_499 : memref<80xi32, #tpu.memory_space<vmem>>) semaphore(%arg14 : memref<!tpu.dma_semaphore, #tpu.memory_space<semaphore_mem>>)
      } else {
      }
      %add3A_434 = arith.constant 2 : i32
      %add3A_435 = arith.addi %mul3A_378, %add3A_434 : i32
      %dma_wait3A_436 = arith.constant 0 : i32
      %dma_wait3A_437 = tpu.memref_slice %arg7[%add3A_435, %dma_wait3A_436] : memref<32x80xi32, #tpu.memory_space<vmem>> -> memref<1x80xi32, #tpu.memory_space<vmem>>
      %dma_wait3A_438 = tpu.memref_squeeze %dma_wait3A_437 : memref<1x80xi32, #tpu.memory_space<vmem>> -> memref<80xi32, #tpu.memory_space<vmem>>
      %dma_wait3A_439 = arith.constant 0 : i32
      %dma_wait3A_440 = arith.constant 0 : i32
      %dma_wait3A_441 = tpu.memref_slice %arg2[%dma_wait3A_439, %dma_wait3A_440] : memref<20000x128xf32, #tpu.memory_space<hbm>> -> memref<20000x128xf32, #tpu.memory_space<hbm>>
      tpu.wait_indirect_dma semaphore(%arg15 : memref<!tpu.dma_semaphore, #tpu.memory_space<semaphore_mem>>) src(%dma_wait3A_441 : memref<20000x128xf32, #tpu.memory_space<hbm>>) dst(%arg11 : memref<80x128xf32, #tpu.memory_space<vmem>>)
      %add3A_442 = arith.constant 2 : i32
      %add3A_443 = arith.addi %mul3A_378, %add3A_442 : i32
      %dma_start3A_444 = arith.constant 0 : i32
      %dma_start3A_445 = tpu.memref_slice %arg8[%add3A_443, %dma_start3A_444] : memref<32x80xi32, #tpu.memory_space<vmem>> -> memref<1x80xi32, #tpu.memory_space<vmem>>
      %dma_start3A_446 = tpu.memref_squeeze %dma_start3A_445 : memref<1x80xi32, #tpu.memory_space<vmem>> -> memref<80xi32, #tpu.memory_space<vmem>>
      %dma_start3A_447 = arith.constant 0 : i32
      %dma_start3A_448 = arith.constant 0 : i32
      %dma_start3A_449 = tpu.memref_slice %arg18[%dma_start3A_447, %dma_start3A_448] : memref<10240x128xf32, #tpu.memory_space<vmem_shared>> -> memref<10240x128xf32, #tpu.memory_space<vmem_shared>>
      tpu.enqueue_indirect_dma source(%arg11 : memref<80x128xf32, #tpu.memory_space<vmem>>) target(%dma_start3A_449 : memref<10240x128xf32, #tpu.memory_space<vmem_shared>>) offsets(%dma_start3A_446 : memref<80xi32, #tpu.memory_space<vmem>>) semaphore(%arg17 : memref<!tpu.dma_semaphore, #tpu.memory_space<semaphore_mem>>) {add = true}
      %add3A_450 = arith.constant 2 : i32
      %add3A_451 = arith.addi %mul3A_378, %add3A_450 : i32
      %dma_wait3A_452 = arith.constant 0 : i32
      %dma_wait3A_453 = tpu.memref_slice %arg8[%add3A_451, %dma_wait3A_452] : memref<32x80xi32, #tpu.memory_space<vmem>> -> memref<1x80xi32, #tpu.memory_space<vmem>>
      %dma_wait3A_454 = tpu.memref_squeeze %dma_wait3A_453 : memref<1x80xi32, #tpu.memory_space<vmem>> -> memref<80xi32, #tpu.memory_space<vmem>>
      %dma_wait3A_455 = arith.constant 0 : i32
      %dma_wait3A_456 = arith.constant 0 : i32
      %dma_wait3A_457 = tpu.memref_slice %arg18[%dma_wait3A_455, %dma_wait3A_456] : memref<10240x128xf32, #tpu.memory_space<vmem_shared>> -> memref<10240x128xf32, #tpu.memory_space<vmem_shared>>
      tpu.wait_indirect_dma semaphore(%arg17 : memref<!tpu.dma_semaphore, #tpu.memory_space<semaphore_mem>>) src(%arg11 : memref<80x128xf32, #tpu.memory_space<vmem>>) dst(%dma_wait3A_457 : memref<10240x128xf32, #tpu.memory_space<vmem_shared>>)
      %lt3A_458 = arith.constant 7 : i32
      %lt3A_459 = arith.cmpi slt, %scan3A_375, %lt3A_458 : i32
      %convert_element_type3A_460 = arith.extui %lt3A_459 : i1 to i32
      %cond3A_461 = arith.constant 0 : i32
      %cond3A_462 = arith.cmpi ne, %convert_element_type3A_460, %cond3A_461 : i32
      scf.if %cond3A_462 {
        %add3A_493 = arith.constant 2 : i32
        %add3A_494 = arith.addi %mul3A_378, %add3A_493 : i32
        %add3A_495 = arith.constant 4 : i32
        %add3A_496 = arith.addi %add3A_494, %add3A_495 : i32
        %dma_start3A_497 = arith.constant 0 : i32
        %dma_start3A_498 = tpu.memref_slice %arg7[%add3A_496, %dma_start3A_497] : memref<32x80xi32, #tpu.memory_space<vmem>> -> memref<1x80xi32, #tpu.memory_space<vmem>>
        %dma_start3A_499 = tpu.memref_squeeze %dma_start3A_498 : memref<1x80xi32, #tpu.memory_space<vmem>> -> memref<80xi32, #tpu.memory_space<vmem>>
        %dma_start3A_500 = arith.constant 0 : i32
        %dma_start3A_501 = arith.constant 0 : i32
        %dma_start3A_502 = tpu.memref_slice %arg2[%dma_start3A_500, %dma_start3A_501] : memref<20000x128xf32, #tpu.memory_space<hbm>> -> memref<20000x128xf32, #tpu.memory_space<hbm>>
        tpu.enqueue_indirect_dma source(%dma_start3A_502 : memref<20000x128xf32, #tpu.memory_space<hbm>>) target(%arg11 : memref<80x128xf32, #tpu.memory_space<vmem>>) offsets(%dma_start3A_499 : memref<80xi32, #tpu.memory_space<vmem>>) semaphore(%arg15 : memref<!tpu.dma_semaphore, #tpu.memory_space<semaphore_mem>>)
      } else {
      }
      %add3A_463 = arith.constant 3 : i32
      %add3A_464 = arith.addi %mul3A_378, %add3A_463 : i32
      %dma_wait3A_465 = arith.constant 0 : i32
      %dma_wait3A_466 = tpu.memref_slice %arg7[%add3A_464, %dma_wait3A_465] : memref<32x80xi32, #tpu.memory_space<vmem>> -> memref<1x80xi32, #tpu.memory_space<vmem>>
      %dma_wait3A_467 = tpu.memref_squeeze %dma_wait3A_466 : memref<1x80xi32, #tpu.memory_space<vmem>> -> memref<80xi32, #tpu.memory_space<vmem>>
      %dma_wait3A_468 = arith.constant 0 : i32
      %dma_wait3A_469 = arith.constant 0 : i32
      %dma_wait3A_470 = tpu.memref_slice %arg2[%dma_wait3A_468, %dma_wait3A_469] : memref<20000x128xf32, #tpu.memory_space<hbm>> -> memref<20000x128xf32, #tpu.memory_space<hbm>>
      tpu.wait_indirect_dma semaphore(%arg16 : memref<!tpu.dma_semaphore, #tpu.memory_space<semaphore_mem>>) src(%dma_wait3A_470 : memref<20000x128xf32, #tpu.memory_space<hbm>>) dst(%arg12 : memref<80x128xf32, #tpu.memory_space<vmem>>)
      %add3A_471 = arith.constant 3 : i32
      %add3A_472 = arith.addi %mul3A_378, %add3A_471 : i32
      %dma_start3A_473 = arith.constant 0 : i32
      %dma_start3A_474 = tpu.memref_slice %arg8[%add3A_472, %dma_start3A_473] : memref<32x80xi32, #tpu.memory_space<vmem>> -> memref<1x80xi32, #tpu.memory_space<vmem>>
      %dma_start3A_475 = tpu.memref_squeeze %dma_start3A_474 : memref<1x80xi32, #tpu.memory_space<vmem>> -> memref<80xi32, #tpu.memory_space<vmem>>
      %dma_start3A_476 = arith.constant 0 : i32
      %dma_start3A_477 = arith.constant 0 : i32
      %dma_start3A_478 = tpu.memref_slice %arg18[%dma_start3A_476, %dma_start3A_477] : memref<10240x128xf32, #tpu.memory_space<vmem_shared>> -> memref<10240x128xf32, #tpu.memory_space<vmem_shared>>
      tpu.enqueue_indirect_dma source(%arg12 : memref<80x128xf32, #tpu.memory_space<vmem>>) target(%dma_start3A_478 : memref<10240x128xf32, #tpu.memory_space<vmem_shared>>) offsets(%dma_start3A_475 : memref<80xi32, #tpu.memory_space<vmem>>) semaphore(%arg17 : memref<!tpu.dma_semaphore, #tpu.memory_space<semaphore_mem>>) {add = true}
      %add3A_479 = arith.constant 3 : i32
      %add3A_480 = arith.addi %mul3A_378, %add3A_479 : i32
      %dma_wait3A_481 = arith.constant 0 : i32
      %dma_wait3A_482 = tpu.memref_slice %arg8[%add3A_480, %dma_wait3A_481] : memref<32x80xi32, #tpu.memory_space<vmem>> -> memref<1x80xi32, #tpu.memory_space<vmem>>
      %dma_wait3A_483 = tpu.memref_squeeze %dma_wait3A_482 : memref<1x80xi32, #tpu.memory_space<vmem>> -> memref<80xi32, #tpu.memory_space<vmem>>
      %dma_wait3A_484 = arith.constant 0 : i32
      %dma_wait3A_485 = arith.constant 0 : i32
      %dma_wait3A_486 = tpu.memref_slice %arg18[%dma_wait3A_484, %dma_wait3A_485] : memref<10240x128xf32, #tpu.memory_space<vmem_shared>> -> memref<10240x128xf32, #tpu.memory_space<vmem_shared>>
      tpu.wait_indirect_dma semaphore(%arg17 : memref<!tpu.dma_semaphore, #tpu.memory_space<semaphore_mem>>) src(%arg12 : memref<80x128xf32, #tpu.memory_space<vmem>>) dst(%dma_wait3A_486 : memref<10240x128xf32, #tpu.memory_space<vmem_shared>>)
      %lt3A_487 = arith.constant 7 : i32
      %lt3A_488 = arith.cmpi slt, %scan3A_375, %lt3A_487 : i32
      %convert_element_type3A_489 = arith.extui %lt3A_488 : i1 to i32
      %cond3A_490 = arith.constant 0 : i32
      %cond3A_491 = arith.cmpi ne, %convert_element_type3A_489, %cond3A_490 : i32
      scf.if %cond3A_491 {
        %add3A_493 = arith.constant 3 : i32
        %add3A_494 = arith.addi %mul3A_378, %add3A_493 : i32
        %add3A_495 = arith.constant 4 : i32
        %add3A_496 = arith.addi %add3A_494, %add3A_495 : i32
        %dma_start3A_497 = arith.constant 0 : i32
        %dma_start3A_498 = tpu.memref_slice %arg7[%add3A_496, %dma_start3A_497] : memref<32x80xi32, #tpu.memory_space<vmem>> -> memref<1x80xi32, #tpu.memory_space<vmem>>
        %dma_start3A_499 = tpu.memref_squeeze %dma_start3A_498 : memref<1x80xi32, #tpu.memory_space<vmem>> -> memref<80xi32, #tpu.memory_space<vmem>>
        %dma_start3A_500 = arith.constant 0 : i32
        %dma_start3A_501 = arith.constant 0 : i32
        %dma_start3A_502 = tpu.memref_slice %arg2[%dma_start3A_500, %dma_start3A_501] : memref<20000x128xf32, #tpu.memory_space<hbm>> -> memref<20000x128xf32, #tpu.memory_space<hbm>>
        tpu.enqueue_indirect_dma source(%dma_start3A_502 : memref<20000x128xf32, #tpu.memory_space<hbm>>) target(%arg12 : memref<80x128xf32, #tpu.memory_space<vmem>>) offsets(%dma_start3A_499 : memref<80xi32, #tpu.memory_space<vmem>>) semaphore(%arg16 : memref<!tpu.dma_semaphore, #tpu.memory_space<semaphore_mem>>)
      } else {
      }
      %scan3A_492 = arith.constant 0 : i32
      scf.yield %scan3A_492 : i32
    }
    %scan3A_134 = arith.constant 8 : i32
    "tpu.region"() ({
      %run_scoped3A = tpu.sem_alloc : memref<!tpu.dma_semaphore, #tpu.memory_space<semaphore_mem>>
      %dma_start3A_375 = arith.constant 32 : i32
      %dma_start3A_376 = arith.constant 0 : i32
      %dma_start3A_377 = tpu.memref_slice %arg3[%arg0, %arg1, %dma_start3A_375, %dma_start3A_376] : memref<2x16x128x80xi32, #tpu.memory_space<hbm>> -> memref<1x1x32x80xi32, #tpu.memory_space<hbm>>
      %dma_start3A_378 = tpu.memref_squeeze %dma_start3A_377 : memref<1x1x32x80xi32, #tpu.memory_space<hbm>> -> memref<32x80xi32, #tpu.memory_space<hbm>>
      %dma_start3A_379 = arith.constant 32 : i32
      %dma_start3A_380 = arith.constant 0 : i32
      %dma_start3A_381 = tpu.memref_slice %arg3[%arg0, %arg1, %dma_start3A_379, %dma_start3A_380] : memref<2x16x128x80xi32, #tpu.memory_space<hbm>> -> memref<1x1x32x80xi32, #tpu.memory_space<hbm>>
      %dma_start3A_382 = tpu.memref_squeeze %dma_start3A_381 : memref<1x1x32x80xi32, #tpu.memory_space<hbm>> -> memref<32x80xi32, #tpu.memory_space<hbm>>
      tpu.enqueue_dma source(%dma_start3A_382 : memref<32x80xi32, #tpu.memory_space<hbm>>) target(%arg7 : memref<32x80xi32, #tpu.memory_space<vmem>>) target_semaphore(%run_scoped3A : memref<!tpu.dma_semaphore, #tpu.memory_space<semaphore_mem>>)
      %dma_wait3A_383 = arith.constant 32 : i32
      %dma_wait3A_384 = arith.constant 0 : i32
      %dma_wait3A_385 = tpu.memref_slice %arg3[%arg0, %arg1, %dma_wait3A_383, %dma_wait3A_384] : memref<2x16x128x80xi32, #tpu.memory_space<hbm>> -> memref<1x1x32x80xi32, #tpu.memory_space<hbm>>
      %dma_wait3A_386 = tpu.memref_squeeze %dma_wait3A_385 : memref<1x1x32x80xi32, #tpu.memory_space<hbm>> -> memref<32x80xi32, #tpu.memory_space<hbm>>
      %dma_wait3A_387 = arith.constant 32 : i32
      %dma_wait3A_388 = arith.constant 0 : i32
      %dma_wait3A_389 = tpu.memref_slice %arg3[%arg0, %arg1, %dma_wait3A_387, %dma_wait3A_388] : memref<2x16x128x80xi32, #tpu.memory_space<hbm>> -> memref<1x1x32x80xi32, #tpu.memory_space<hbm>>
      %dma_wait3A_390 = tpu.memref_squeeze %dma_wait3A_389 : memref<1x1x32x80xi32, #tpu.memory_space<hbm>> -> memref<32x80xi32, #tpu.memory_space<hbm>>
      tpu.wait_dma2 semaphore(%run_scoped3A : memref<!tpu.dma_semaphore, #tpu.memory_space<semaphore_mem>>) src(%dma_wait3A_390 : memref<32x80xi32, #tpu.memory_space<hbm>>) dst(%arg7 : memref<32x80xi32, #tpu.memory_space<vmem>>)
      tpu.yield
    }) : () -> ()
    "tpu.region"() ({
      %run_scoped3A = tpu.sem_alloc : memref<!tpu.dma_semaphore, #tpu.memory_space<semaphore_mem>>
      %dma_start3A_375 = arith.constant 32 : i32
      %dma_start3A_376 = arith.constant 0 : i32
      %dma_start3A_377 = tpu.memref_slice %arg4[%arg1, %dma_start3A_375, %dma_start3A_376] : memref<16x128x80xi32, #tpu.memory_space<hbm>> -> memref<1x32x80xi32, #tpu.memory_space<hbm>>
      %dma_start3A_378 = tpu.memref_squeeze %dma_start3A_377 : memref<1x32x80xi32, #tpu.memory_space<hbm>> -> memref<32x80xi32, #tpu.memory_space<hbm>>
      %dma_start3A_379 = arith.constant 32 : i32
      %dma_start3A_380 = arith.constant 0 : i32
      %dma_start3A_381 = tpu.memref_slice %arg4[%arg1, %dma_start3A_379, %dma_start3A_380] : memref<16x128x80xi32, #tpu.memory_space<hbm>> -> memref<1x32x80xi32, #tpu.memory_space<hbm>>
      %dma_start3A_382 = tpu.memref_squeeze %dma_start3A_381 : memref<1x32x80xi32, #tpu.memory_space<hbm>> -> memref<32x80xi32, #tpu.memory_space<hbm>>
      tpu.enqueue_dma source(%dma_start3A_382 : memref<32x80xi32, #tpu.memory_space<hbm>>) target(%arg8 : memref<32x80xi32, #tpu.memory_space<vmem>>) target_semaphore(%run_scoped3A : memref<!tpu.dma_semaphore, #tpu.memory_space<semaphore_mem>>)
      %dma_wait3A_383 = arith.constant 32 : i32
      %dma_wait3A_384 = arith.constant 0 : i32
      %dma_wait3A_385 = tpu.memref_slice %arg4[%arg1, %dma_wait3A_383, %dma_wait3A_384] : memref<16x128x80xi32, #tpu.memory_space<hbm>> -> memref<1x32x80xi32, #tpu.memory_space<hbm>>
      %dma_wait3A_386 = tpu.memref_squeeze %dma_wait3A_385 : memref<1x32x80xi32, #tpu.memory_space<hbm>> -> memref<32x80xi32, #tpu.memory_space<hbm>>
      %dma_wait3A_387 = arith.constant 32 : i32
      %dma_wait3A_388 = arith.constant 0 : i32
      %dma_wait3A_389 = tpu.memref_slice %arg4[%arg1, %dma_wait3A_387, %dma_wait3A_388] : memref<16x128x80xi32, #tpu.memory_space<hbm>> -> memref<1x32x80xi32, #tpu.memory_space<hbm>>
      %dma_wait3A_390 = tpu.memref_squeeze %dma_wait3A_389 : memref<1x32x80xi32, #tpu.memory_space<hbm>> -> memref<32x80xi32, #tpu.memory_space<hbm>>
      tpu.wait_dma2 semaphore(%run_scoped3A : memref<!tpu.dma_semaphore, #tpu.memory_space<semaphore_mem>>) src(%dma_wait3A_390 : memref<32x80xi32, #tpu.memory_space<hbm>>) dst(%arg8 : memref<32x80xi32, #tpu.memory_space<vmem>>)
      tpu.yield
    }) : () -> ()
    %dma_start3A_135 = arith.constant 0 : i32
    %dma_start3A_136 = arith.constant 0 : i32
    %dma_start3A_137 = tpu.memref_slice %arg7[%dma_start3A_135, %dma_start3A_136] : memref<32x80xi32, #tpu.memory_space<vmem>> -> memref<1x80xi32, #tpu.memory_space<vmem>>
    %dma_start3A_138 = tpu.memref_squeeze %dma_start3A_137 : memref<1x80xi32, #tpu.memory_space<vmem>> -> memref<80xi32, #tpu.memory_space<vmem>>
    %dma_start3A_139 = arith.constant 0 : i32
    %dma_start3A_140 = arith.constant 0 : i32
    %dma_start3A_141 = tpu.memref_slice %arg2[%dma_start3A_139, %dma_start3A_140] : memref<20000x128xf32, #tpu.memory_space<hbm>> -> memref<20000x128xf32, #tpu.memory_space<hbm>>
    tpu.enqueue_indirect_dma source(%dma_start3A_141 : memref<20000x128xf32, #tpu.memory_space<hbm>>) target(%arg9 : memref<80x128xf32, #tpu.memory_space<vmem>>) offsets(%dma_start3A_138 : memref<80xi32, #tpu.memory_space<vmem>>) semaphore(%arg13 : memref<!tpu.dma_semaphore, #tpu.memory_space<semaphore_mem>>)
    %dma_start3A_142 = arith.constant 1 : i32
    %dma_start3A_143 = arith.constant 0 : i32
    %dma_start3A_144 = tpu.memref_slice %arg7[%dma_start3A_142, %dma_start3A_143] : memref<32x80xi32, #tpu.memory_space<vmem>> -> memref<1x80xi32, #tpu.memory_space<vmem>>
    %dma_start3A_145 = tpu.memref_squeeze %dma_start3A_144 : memref<1x80xi32, #tpu.memory_space<vmem>> -> memref<80xi32, #tpu.memory_space<vmem>>
    %dma_start3A_146 = arith.constant 0 : i32
    %dma_start3A_147 = arith.constant 0 : i32
    %dma_start3A_148 = tpu.memref_slice %arg2[%dma_start3A_146, %dma_start3A_147] : memref<20000x128xf32, #tpu.memory_space<hbm>> -> memref<20000x128xf32, #tpu.memory_space<hbm>>
    tpu.enqueue_indirect_dma source(%dma_start3A_148 : memref<20000x128xf32, #tpu.memory_space<hbm>>) target(%arg10 : memref<80x128xf32, #tpu.memory_space<vmem>>) offsets(%dma_start3A_145 : memref<80xi32, #tpu.memory_space<vmem>>) semaphore(%arg14 : memref<!tpu.dma_semaphore, #tpu.memory_space<semaphore_mem>>)
    %dma_start3A_149 = arith.constant 2 : i32
    %dma_start3A_150 = arith.constant 0 : i32
    %dma_start3A_151 = tpu.memref_slice %arg7[%dma_start3A_149, %dma_start3A_150] : memref<32x80xi32, #tpu.memory_space<vmem>> -> memref<1x80xi32, #tpu.memory_space<vmem>>
    %dma_start3A_152 = tpu.memref_squeeze %dma_start3A_151 : memref<1x80xi32, #tpu.memory_space<vmem>> -> memref<80xi32, #tpu.memory_space<vmem>>
    %dma_start3A_153 = arith.constant 0 : i32
    %dma_start3A_154 = arith.constant 0 : i32
    %dma_start3A_155 = tpu.memref_slice %arg2[%dma_start3A_153, %dma_start3A_154] : memref<20000x128xf32, #tpu.memory_space<hbm>> -> memref<20000x128xf32, #tpu.memory_space<hbm>>
    tpu.enqueue_indirect_dma source(%dma_start3A_155 : memref<20000x128xf32, #tpu.memory_space<hbm>>) target(%arg11 : memref<80x128xf32, #tpu.memory_space<vmem>>) offsets(%dma_start3A_152 : memref<80xi32, #tpu.memory_space<vmem>>) semaphore(%arg15 : memref<!tpu.dma_semaphore, #tpu.memory_space<semaphore_mem>>)
    %dma_start3A_156 = arith.constant 3 : i32
    %dma_start3A_157 = arith.constant 0 : i32
    %dma_start3A_158 = tpu.memref_slice %arg7[%dma_start3A_156, %dma_start3A_157] : memref<32x80xi32, #tpu.memory_space<vmem>> -> memref<1x80xi32, #tpu.memory_space<vmem>>
    %dma_start3A_159 = tpu.memref_squeeze %dma_start3A_158 : memref<1x80xi32, #tpu.memory_space<vmem>> -> memref<80xi32, #tpu.memory_space<vmem>>
    %dma_start3A_160 = arith.constant 0 : i32
    %dma_start3A_161 = arith.constant 0 : i32
    %dma_start3A_162 = tpu.memref_slice %arg2[%dma_start3A_160, %dma_start3A_161] : memref<20000x128xf32, #tpu.memory_space<hbm>> -> memref<20000x128xf32, #tpu.memory_space<hbm>>
    tpu.enqueue_indirect_dma source(%dma_start3A_162 : memref<20000x128xf32, #tpu.memory_space<hbm>>) target(%arg12 : memref<80x128xf32, #tpu.memory_space<vmem>>) offsets(%dma_start3A_159 : memref<80xi32, #tpu.memory_space<vmem>>) semaphore(%arg16 : memref<!tpu.dma_semaphore, #tpu.memory_space<semaphore_mem>>)
    %scan3A_163 = arith.constant 0 : i32
    %scan3A_164 = arith.constant 0 : i32
    %scan3A_165 = arith.constant 8 : i32
    %scan3A_166 = arith.addi %scan3A_164, %scan3A_165 : i32
    %scan3A_167 = arith.constant 1 : i32
    %scan3A_168 = scf.for %scan3A_375 = %scan3A_164 to %scan3A_166 step %scan3A_167 iter_args(%scan3A_376 = %scan3A_163) -> (i32)  : i32 {
      %mul3A_377 = arith.constant 4 : i32
      %mul3A_378 = arith.muli %mul3A_377, %scan3A_375 : i32
      %add3A_379 = arith.constant 0 : i32
      %add3A_380 = arith.addi %mul3A_378, %add3A_379 : i32
      %dma_wait3A_381 = arith.constant 0 : i32
      %dma_wait3A_382 = tpu.memref_slice %arg7[%add3A_380, %dma_wait3A_381] : memref<32x80xi32, #tpu.memory_space<vmem>> -> memref<1x80xi32, #tpu.memory_space<vmem>>
      %dma_wait3A_383 = tpu.memref_squeeze %dma_wait3A_382 : memref<1x80xi32, #tpu.memory_space<vmem>> -> memref<80xi32, #tpu.memory_space<vmem>>
      %dma_wait3A_384 = arith.constant 0 : i32
      %dma_wait3A_385 = arith.constant 0 : i32
      %dma_wait3A_386 = tpu.memref_slice %arg2[%dma_wait3A_384, %dma_wait3A_385] : memref<20000x128xf32, #tpu.memory_space<hbm>> -> memref<20000x128xf32, #tpu.memory_space<hbm>>
      tpu.wait_indirect_dma semaphore(%arg13 : memref<!tpu.dma_semaphore, #tpu.memory_space<semaphore_mem>>) src(%dma_wait3A_386 : memref<20000x128xf32, #tpu.memory_space<hbm>>) dst(%arg9 : memref<80x128xf32, #tpu.memory_space<vmem>>)
      %add3A_387 = arith.constant 0 : i32
      %add3A_388 = arith.addi %mul3A_378, %add3A_387 : i32
      %dma_start3A_389 = arith.constant 0 : i32
      %dma_start3A_390 = tpu.memref_slice %arg8[%add3A_388, %dma_start3A_389] : memref<32x80xi32, #tpu.memory_space<vmem>> -> memref<1x80xi32, #tpu.memory_space<vmem>>
      %dma_start3A_391 = tpu.memref_squeeze %dma_start3A_390 : memref<1x80xi32, #tpu.memory_space<vmem>> -> memref<80xi32, #tpu.memory_space<vmem>>
      %dma_start3A_392 = arith.constant 0 : i32
      %dma_start3A_393 = arith.constant 0 : i32
      %dma_start3A_394 = tpu.memref_slice %arg18[%dma_start3A_392, %dma_start3A_393] : memref<10240x128xf32, #tpu.memory_space<vmem_shared>> -> memref<10240x128xf32, #tpu.memory_space<vmem_shared>>
      tpu.enqueue_indirect_dma source(%arg9 : memref<80x128xf32, #tpu.memory_space<vmem>>) target(%dma_start3A_394 : memref<10240x128xf32, #tpu.memory_space<vmem_shared>>) offsets(%dma_start3A_391 : memref<80xi32, #tpu.memory_space<vmem>>) semaphore(%arg17 : memref<!tpu.dma_semaphore, #tpu.memory_space<semaphore_mem>>) {add = true}
      %add3A_395 = arith.constant 0 : i32
      %add3A_396 = arith.addi %mul3A_378, %add3A_395 : i32
      %dma_wait3A_397 = arith.constant 0 : i32
      %dma_wait3A_398 = tpu.memref_slice %arg8[%add3A_396, %dma_wait3A_397] : memref<32x80xi32, #tpu.memory_space<vmem>> -> memref<1x80xi32, #tpu.memory_space<vmem>>
      %dma_wait3A_399 = tpu.memref_squeeze %dma_wait3A_398 : memref<1x80xi32, #tpu.memory_space<vmem>> -> memref<80xi32, #tpu.memory_space<vmem>>
      %dma_wait3A_400 = arith.constant 0 : i32
      %dma_wait3A_401 = arith.constant 0 : i32
      %dma_wait3A_402 = tpu.memref_slice %arg18[%dma_wait3A_400, %dma_wait3A_401] : memref<10240x128xf32, #tpu.memory_space<vmem_shared>> -> memref<10240x128xf32, #tpu.memory_space<vmem_shared>>
      tpu.wait_indirect_dma semaphore(%arg17 : memref<!tpu.dma_semaphore, #tpu.memory_space<semaphore_mem>>) src(%arg9 : memref<80x128xf32, #tpu.memory_space<vmem>>) dst(%dma_wait3A_402 : memref<10240x128xf32, #tpu.memory_space<vmem_shared>>)
      %lt3A = arith.constant 7 : i32
      %lt3A_403 = arith.cmpi slt, %scan3A_375, %lt3A : i32
      %convert_element_type3A = arith.extui %lt3A_403 : i1 to i32
      %cond3A = arith.constant 0 : i32
      %cond3A_404 = arith.cmpi ne, %convert_element_type3A, %cond3A : i32
      scf.if %cond3A_404 {
        %add3A_493 = arith.constant 0 : i32
        %add3A_494 = arith.addi %mul3A_378, %add3A_493 : i32
        %add3A_495 = arith.constant 4 : i32
        %add3A_496 = arith.addi %add3A_494, %add3A_495 : i32
        %dma_start3A_497 = arith.constant 0 : i32
        %dma_start3A_498 = tpu.memref_slice %arg7[%add3A_496, %dma_start3A_497] : memref<32x80xi32, #tpu.memory_space<vmem>> -> memref<1x80xi32, #tpu.memory_space<vmem>>
        %dma_start3A_499 = tpu.memref_squeeze %dma_start3A_498 : memref<1x80xi32, #tpu.memory_space<vmem>> -> memref<80xi32, #tpu.memory_space<vmem>>
        %dma_start3A_500 = arith.constant 0 : i32
        %dma_start3A_501 = arith.constant 0 : i32
        %dma_start3A_502 = tpu.memref_slice %arg2[%dma_start3A_500, %dma_start3A_501] : memref<20000x128xf32, #tpu.memory_space<hbm>> -> memref<20000x128xf32, #tpu.memory_space<hbm>>
        tpu.enqueue_indirect_dma source(%dma_start3A_502 : memref<20000x128xf32, #tpu.memory_space<hbm>>) target(%arg9 : memref<80x128xf32, #tpu.memory_space<vmem>>) offsets(%dma_start3A_499 : memref<80xi32, #tpu.memory_space<vmem>>) semaphore(%arg13 : memref<!tpu.dma_semaphore, #tpu.memory_space<semaphore_mem>>)
      } else {
      }
      %add3A_405 = arith.constant 1 : i32
      %add3A_406 = arith.addi %mul3A_378, %add3A_405 : i32
      %dma_wait3A_407 = arith.constant 0 : i32
      %dma_wait3A_408 = tpu.memref_slice %arg7[%add3A_406, %dma_wait3A_407] : memref<32x80xi32, #tpu.memory_space<vmem>> -> memref<1x80xi32, #tpu.memory_space<vmem>>
      %dma_wait3A_409 = tpu.memref_squeeze %dma_wait3A_408 : memref<1x80xi32, #tpu.memory_space<vmem>> -> memref<80xi32, #tpu.memory_space<vmem>>
      %dma_wait3A_410 = arith.constant 0 : i32
      %dma_wait3A_411 = arith.constant 0 : i32
      %dma_wait3A_412 = tpu.memref_slice %arg2[%dma_wait3A_410, %dma_wait3A_411] : memref<20000x128xf32, #tpu.memory_space<hbm>> -> memref<20000x128xf32, #tpu.memory_space<hbm>>
      tpu.wait_indirect_dma semaphore(%arg14 : memref<!tpu.dma_semaphore, #tpu.memory_space<semaphore_mem>>) src(%dma_wait3A_412 : memref<20000x128xf32, #tpu.memory_space<hbm>>) dst(%arg10 : memref<80x128xf32, #tpu.memory_space<vmem>>)
      %add3A_413 = arith.constant 1 : i32
      %add3A_414 = arith.addi %mul3A_378, %add3A_413 : i32
      %dma_start3A_415 = arith.constant 0 : i32
      %dma_start3A_416 = tpu.memref_slice %arg8[%add3A_414, %dma_start3A_415] : memref<32x80xi32, #tpu.memory_space<vmem>> -> memref<1x80xi32, #tpu.memory_space<vmem>>
      %dma_start3A_417 = tpu.memref_squeeze %dma_start3A_416 : memref<1x80xi32, #tpu.memory_space<vmem>> -> memref<80xi32, #tpu.memory_space<vmem>>
      %dma_start3A_418 = arith.constant 0 : i32
      %dma_start3A_419 = arith.constant 0 : i32
      %dma_start3A_420 = tpu.memref_slice %arg18[%dma_start3A_418, %dma_start3A_419] : memref<10240x128xf32, #tpu.memory_space<vmem_shared>> -> memref<10240x128xf32, #tpu.memory_space<vmem_shared>>
      tpu.enqueue_indirect_dma source(%arg10 : memref<80x128xf32, #tpu.memory_space<vmem>>) target(%dma_start3A_420 : memref<10240x128xf32, #tpu.memory_space<vmem_shared>>) offsets(%dma_start3A_417 : memref<80xi32, #tpu.memory_space<vmem>>) semaphore(%arg17 : memref<!tpu.dma_semaphore, #tpu.memory_space<semaphore_mem>>) {add = true}
      %add3A_421 = arith.constant 1 : i32
      %add3A_422 = arith.addi %mul3A_378, %add3A_421 : i32
      %dma_wait3A_423 = arith.constant 0 : i32
      %dma_wait3A_424 = tpu.memref_slice %arg8[%add3A_422, %dma_wait3A_423] : memref<32x80xi32, #tpu.memory_space<vmem>> -> memref<1x80xi32, #tpu.memory_space<vmem>>
      %dma_wait3A_425 = tpu.memref_squeeze %dma_wait3A_424 : memref<1x80xi32, #tpu.memory_space<vmem>> -> memref<80xi32, #tpu.memory_space<vmem>>
      %dma_wait3A_426 = arith.constant 0 : i32
      %dma_wait3A_427 = arith.constant 0 : i32
      %dma_wait3A_428 = tpu.memref_slice %arg18[%dma_wait3A_426, %dma_wait3A_427] : memref<10240x128xf32, #tpu.memory_space<vmem_shared>> -> memref<10240x128xf32, #tpu.memory_space<vmem_shared>>
      tpu.wait_indirect_dma semaphore(%arg17 : memref<!tpu.dma_semaphore, #tpu.memory_space<semaphore_mem>>) src(%arg10 : memref<80x128xf32, #tpu.memory_space<vmem>>) dst(%dma_wait3A_428 : memref<10240x128xf32, #tpu.memory_space<vmem_shared>>)
      %lt3A_429 = arith.constant 7 : i32
      %lt3A_430 = arith.cmpi slt, %scan3A_375, %lt3A_429 : i32
      %convert_element_type3A_431 = arith.extui %lt3A_430 : i1 to i32
      %cond3A_432 = arith.constant 0 : i32
      %cond3A_433 = arith.cmpi ne, %convert_element_type3A_431, %cond3A_432 : i32
      scf.if %cond3A_433 {
        %add3A_493 = arith.constant 1 : i32
        %add3A_494 = arith.addi %mul3A_378, %add3A_493 : i32
        %add3A_495 = arith.constant 4 : i32
        %add3A_496 = arith.addi %add3A_494, %add3A_495 : i32
        %dma_start3A_497 = arith.constant 0 : i32
        %dma_start3A_498 = tpu.memref_slice %arg7[%add3A_496, %dma_start3A_497] : memref<32x80xi32, #tpu.memory_space<vmem>> -> memref<1x80xi32, #tpu.memory_space<vmem>>
        %dma_start3A_499 = tpu.memref_squeeze %dma_start3A_498 : memref<1x80xi32, #tpu.memory_space<vmem>> -> memref<80xi32, #tpu.memory_space<vmem>>
        %dma_start3A_500 = arith.constant 0 : i32
        %dma_start3A_501 = arith.constant 0 : i32
        %dma_start3A_502 = tpu.memref_slice %arg2[%dma_start3A_500, %dma_start3A_501] : memref<20000x128xf32, #tpu.memory_space<hbm>> -> memref<20000x128xf32, #tpu.memory_space<hbm>>
        tpu.enqueue_indirect_dma source(%dma_start3A_502 : memref<20000x128xf32, #tpu.memory_space<hbm>>) target(%arg10 : memref<80x128xf32, #tpu.memory_space<vmem>>) offsets(%dma_start3A_499 : memref<80xi32, #tpu.memory_space<vmem>>) semaphore(%arg14 : memref<!tpu.dma_semaphore, #tpu.memory_space<semaphore_mem>>)
      } else {
      }
      %add3A_434 = arith.constant 2 : i32
      %add3A_435 = arith.addi %mul3A_378, %add3A_434 : i32
      %dma_wait3A_436 = arith.constant 0 : i32
      %dma_wait3A_437 = tpu.memref_slice %arg7[%add3A_435, %dma_wait3A_436] : memref<32x80xi32, #tpu.memory_space<vmem>> -> memref<1x80xi32, #tpu.memory_space<vmem>>
      %dma_wait3A_438 = tpu.memref_squeeze %dma_wait3A_437 : memref<1x80xi32, #tpu.memory_space<vmem>> -> memref<80xi32, #tpu.memory_space<vmem>>
      %dma_wait3A_439 = arith.constant 0 : i32
      %dma_wait3A_440 = arith.constant 0 : i32
      %dma_wait3A_441 = tpu.memref_slice %arg2[%dma_wait3A_439, %dma_wait3A_440] : memref<20000x128xf32, #tpu.memory_space<hbm>> -> memref<20000x128xf32, #tpu.memory_space<hbm>>
      tpu.wait_indirect_dma semaphore(%arg15 : memref<!tpu.dma_semaphore, #tpu.memory_space<semaphore_mem>>) src(%dma_wait3A_441 : memref<20000x128xf32, #tpu.memory_space<hbm>>) dst(%arg11 : memref<80x128xf32, #tpu.memory_space<vmem>>)
      %add3A_442 = arith.constant 2 : i32
      %add3A_443 = arith.addi %mul3A_378, %add3A_442 : i32
      %dma_start3A_444 = arith.constant 0 : i32
      %dma_start3A_445 = tpu.memref_slice %arg8[%add3A_443, %dma_start3A_444] : memref<32x80xi32, #tpu.memory_space<vmem>> -> memref<1x80xi32, #tpu.memory_space<vmem>>
      %dma_start3A_446 = tpu.memref_squeeze %dma_start3A_445 : memref<1x80xi32, #tpu.memory_space<vmem>> -> memref<80xi32, #tpu.memory_space<vmem>>
      %dma_start3A_447 = arith.constant 0 : i32
      %dma_start3A_448 = arith.constant 0 : i32
      %dma_start3A_449 = tpu.memref_slice %arg18[%dma_start3A_447, %dma_start3A_448] : memref<10240x128xf32, #tpu.memory_space<vmem_shared>> -> memref<10240x128xf32, #tpu.memory_space<vmem_shared>>
      tpu.enqueue_indirect_dma source(%arg11 : memref<80x128xf32, #tpu.memory_space<vmem>>) target(%dma_start3A_449 : memref<10240x128xf32, #tpu.memory_space<vmem_shared>>) offsets(%dma_start3A_446 : memref<80xi32, #tpu.memory_space<vmem>>) semaphore(%arg17 : memref<!tpu.dma_semaphore, #tpu.memory_space<semaphore_mem>>) {add = true}
      %add3A_450 = arith.constant 2 : i32
      %add3A_451 = arith.addi %mul3A_378, %add3A_450 : i32
      %dma_wait3A_452 = arith.constant 0 : i32
      %dma_wait3A_453 = tpu.memref_slice %arg8[%add3A_451, %dma_wait3A_452] : memref<32x80xi32, #tpu.memory_space<vmem>> -> memref<1x80xi32, #tpu.memory_space<vmem>>
      %dma_wait3A_454 = tpu.memref_squeeze %dma_wait3A_453 : memref<1x80xi32, #tpu.memory_space<vmem>> -> memref<80xi32, #tpu.memory_space<vmem>>
      %dma_wait3A_455 = arith.constant 0 : i32
      %dma_wait3A_456 = arith.constant 0 : i32
      %dma_wait3A_457 = tpu.memref_slice %arg18[%dma_wait3A_455, %dma_wait3A_456] : memref<10240x128xf32, #tpu.memory_space<vmem_shared>> -> memref<10240x128xf32, #tpu.memory_space<vmem_shared>>
      tpu.wait_indirect_dma semaphore(%arg17 : memref<!tpu.dma_semaphore, #tpu.memory_space<semaphore_mem>>) src(%arg11 : memref<80x128xf32, #tpu.memory_space<vmem>>) dst(%dma_wait3A_457 : memref<10240x128xf32, #tpu.memory_space<vmem_shared>>)
      %lt3A_458 = arith.constant 7 : i32
      %lt3A_459 = arith.cmpi slt, %scan3A_375, %lt3A_458 : i32
      %convert_element_type3A_460 = arith.extui %lt3A_459 : i1 to i32
      %cond3A_461 = arith.constant 0 : i32
      %cond3A_462 = arith.cmpi ne, %convert_element_type3A_460, %cond3A_461 : i32
      scf.if %cond3A_462 {
        %add3A_493 = arith.constant 2 : i32
        %add3A_494 = arith.addi %mul3A_378, %add3A_493 : i32
        %add3A_495 = arith.constant 4 : i32
        %add3A_496 = arith.addi %add3A_494, %add3A_495 : i32
        %dma_start3A_497 = arith.constant 0 : i32
        %dma_start3A_498 = tpu.memref_slice %arg7[%add3A_496, %dma_start3A_497] : memref<32x80xi32, #tpu.memory_space<vmem>> -> memref<1x80xi32, #tpu.memory_space<vmem>>
        %dma_start3A_499 = tpu.memref_squeeze %dma_start3A_498 : memref<1x80xi32, #tpu.memory_space<vmem>> -> memref<80xi32, #tpu.memory_space<vmem>>
        %dma_start3A_500 = arith.constant 0 : i32
        %dma_start3A_501 = arith.constant 0 : i32
        %dma_start3A_502 = tpu.memref_slice %arg2[%dma_start3A_500, %dma_start3A_501] : memref<20000x128xf32, #tpu.memory_space<hbm>> -> memref<20000x128xf32, #tpu.memory_space<hbm>>
        tpu.enqueue_indirect_dma source(%dma_start3A_502 : memref<20000x128xf32, #tpu.memory_space<hbm>>) target(%arg11 : memref<80x128xf32, #tpu.memory_space<vmem>>) offsets(%dma_start3A_499 : memref<80xi32, #tpu.memory_space<vmem>>) semaphore(%arg15 : memref<!tpu.dma_semaphore, #tpu.memory_space<semaphore_mem>>)
      } else {
      }
      %add3A_463 = arith.constant 3 : i32
      %add3A_464 = arith.addi %mul3A_378, %add3A_463 : i32
      %dma_wait3A_465 = arith.constant 0 : i32
      %dma_wait3A_466 = tpu.memref_slice %arg7[%add3A_464, %dma_wait3A_465] : memref<32x80xi32, #tpu.memory_space<vmem>> -> memref<1x80xi32, #tpu.memory_space<vmem>>
      %dma_wait3A_467 = tpu.memref_squeeze %dma_wait3A_466 : memref<1x80xi32, #tpu.memory_space<vmem>> -> memref<80xi32, #tpu.memory_space<vmem>>
      %dma_wait3A_468 = arith.constant 0 : i32
      %dma_wait3A_469 = arith.constant 0 : i32
      %dma_wait3A_470 = tpu.memref_slice %arg2[%dma_wait3A_468, %dma_wait3A_469] : memref<20000x128xf32, #tpu.memory_space<hbm>> -> memref<20000x128xf32, #tpu.memory_space<hbm>>
      tpu.wait_indirect_dma semaphore(%arg16 : memref<!tpu.dma_semaphore, #tpu.memory_space<semaphore_mem>>) src(%dma_wait3A_470 : memref<20000x128xf32, #tpu.memory_space<hbm>>) dst(%arg12 : memref<80x128xf32, #tpu.memory_space<vmem>>)
      %add3A_471 = arith.constant 3 : i32
      %add3A_472 = arith.addi %mul3A_378, %add3A_471 : i32
      %dma_start3A_473 = arith.constant 0 : i32
      %dma_start3A_474 = tpu.memref_slice %arg8[%add3A_472, %dma_start3A_473] : memref<32x80xi32, #tpu.memory_space<vmem>> -> memref<1x80xi32, #tpu.memory_space<vmem>>
      %dma_start3A_475 = tpu.memref_squeeze %dma_start3A_474 : memref<1x80xi32, #tpu.memory_space<vmem>> -> memref<80xi32, #tpu.memory_space<vmem>>
      %dma_start3A_476 = arith.constant 0 : i32
      %dma_start3A_477 = arith.constant 0 : i32
      %dma_start3A_478 = tpu.memref_slice %arg18[%dma_start3A_476, %dma_start3A_477] : memref<10240x128xf32, #tpu.memory_space<vmem_shared>> -> memref<10240x128xf32, #tpu.memory_space<vmem_shared>>
      tpu.enqueue_indirect_dma source(%arg12 : memref<80x128xf32, #tpu.memory_space<vmem>>) target(%dma_start3A_478 : memref<10240x128xf32, #tpu.memory_space<vmem_shared>>) offsets(%dma_start3A_475 : memref<80xi32, #tpu.memory_space<vmem>>) semaphore(%arg17 : memref<!tpu.dma_semaphore, #tpu.memory_space<semaphore_mem>>) {add = true}
      %add3A_479 = arith.constant 3 : i32
      %add3A_480 = arith.addi %mul3A_378, %add3A_479 : i32
      %dma_wait3A_481 = arith.constant 0 : i32
      %dma_wait3A_482 = tpu.memref_slice %arg8[%add3A_480, %dma_wait3A_481] : memref<32x80xi32, #tpu.memory_space<vmem>> -> memref<1x80xi32, #tpu.memory_space<vmem>>
      %dma_wait3A_483 = tpu.memref_squeeze %dma_wait3A_482 : memref<1x80xi32, #tpu.memory_space<vmem>> -> memref<80xi32, #tpu.memory_space<vmem>>
      %dma_wait3A_484 = arith.constant 0 : i32
      %dma_wait3A_485 = arith.constant 0 : i32
      %dma_wait3A_486 = tpu.memref_slice %arg18[%dma_wait3A_484, %dma_wait3A_485] : memref<10240x128xf32, #tpu.memory_space<vmem_shared>> -> memref<10240x128xf32, #tpu.memory_space<vmem_shared>>
      tpu.wait_indirect_dma semaphore(%arg17 : memref<!tpu.dma_semaphore, #tpu.memory_space<semaphore_mem>>) src(%arg12 : memref<80x128xf32, #tpu.memory_space<vmem>>) dst(%dma_wait3A_486 : memref<10240x128xf32, #tpu.memory_space<vmem_shared>>)
      %lt3A_487 = arith.constant 7 : i32
      %lt3A_488 = arith.cmpi slt, %scan3A_375, %lt3A_487 : i32
      %convert_element_type3A_489 = arith.extui %lt3A_488 : i1 to i32
      %cond3A_490 = arith.constant 0 : i32
      %cond3A_491 = arith.cmpi ne, %convert_element_type3A_489, %cond3A_490 : i32
      scf.if %cond3A_491 {
        %add3A_493 = arith.constant 3 : i32
        %add3A_494 = arith.addi %mul3A_378, %add3A_493 : i32
        %add3A_495 = arith.constant 4 : i32
        %add3A_496 = arith.addi %add3A_494, %add3A_495 : i32
        %dma_start3A_497 = arith.constant 0 : i32
        %dma_start3A_498 = tpu.memref_slice %arg7[%add3A_496, %dma_start3A_497] : memref<32x80xi32, #tpu.memory_space<vmem>> -> memref<1x80xi32, #tpu.memory_space<vmem>>
        %dma_start3A_499 = tpu.memref_squeeze %dma_start3A_498 : memref<1x80xi32, #tpu.memory_space<vmem>> -> memref<80xi32, #tpu.memory_space<vmem>>
        %dma_start3A_500 = arith.constant 0 : i32
        %dma_start3A_501 = arith.constant 0 : i32
        %dma_start3A_502 = tpu.memref_slice %arg2[%dma_start3A_500, %dma_start3A_501] : memref<20000x128xf32, #tpu.memory_space<hbm>> -> memref<20000x128xf32, #tpu.memory_space<hbm>>
        tpu.enqueue_indirect_dma source(%dma_start3A_502 : memref<20000x128xf32, #tpu.memory_space<hbm>>) target(%arg12 : memref<80x128xf32, #tpu.memory_space<vmem>>) offsets(%dma_start3A_499 : memref<80xi32, #tpu.memory_space<vmem>>) semaphore(%arg16 : memref<!tpu.dma_semaphore, #tpu.memory_space<semaphore_mem>>)
      } else {
      }
      %scan3A_492 = arith.constant 0 : i32
      scf.yield %scan3A_492 : i32
    }
    %scan3A_169 = arith.constant 8 : i32
    "tpu.region"() ({
      %run_scoped3A = tpu.sem_alloc : memref<!tpu.dma_semaphore, #tpu.memory_space<semaphore_mem>>
      %dma_start3A_375 = arith.constant 64 : i32
      %dma_start3A_376 = arith.constant 0 : i32
      %dma_start3A_377 = tpu.memref_slice %arg3[%arg0, %arg1, %dma_start3A_375, %dma_start3A_376] : memref<2x16x128x80xi32, #tpu.memory_space<hbm>> -> memref<1x1x32x80xi32, #tpu.memory_space<hbm>>
      %dma_start3A_378 = tpu.memref_squeeze %dma_start3A_377 : memref<1x1x32x80xi32, #tpu.memory_space<hbm>> -> memref<32x80xi32, #tpu.memory_space<hbm>>
      %dma_start3A_379 = arith.constant 64 : i32
      %dma_start3A_380 = arith.constant 0 : i32
      %dma_start3A_381 = tpu.memref_slice %arg3[%arg0, %arg1, %dma_start3A_379, %dma_start3A_380] : memref<2x16x128x80xi32, #tpu.memory_space<hbm>> -> memref<1x1x32x80xi32, #tpu.memory_space<hbm>>
      %dma_start3A_382 = tpu.memref_squeeze %dma_start3A_381 : memref<1x1x32x80xi32, #tpu.memory_space<hbm>> -> memref<32x80xi32, #tpu.memory_space<hbm>>
      tpu.enqueue_dma source(%dma_start3A_382 : memref<32x80xi32, #tpu.memory_space<hbm>>) target(%arg7 : memref<32x80xi32, #tpu.memory_space<vmem>>) target_semaphore(%run_scoped3A : memref<!tpu.dma_semaphore, #tpu.memory_space<semaphore_mem>>)
      %dma_wait3A_383 = arith.constant 64 : i32
      %dma_wait3A_384 = arith.constant 0 : i32
      %dma_wait3A_385 = tpu.memref_slice %arg3[%arg0, %arg1, %dma_wait3A_383, %dma_wait3A_384] : memref<2x16x128x80xi32, #tpu.memory_space<hbm>> -> memref<1x1x32x80xi32, #tpu.memory_space<hbm>>
      %dma_wait3A_386 = tpu.memref_squeeze %dma_wait3A_385 : memref<1x1x32x80xi32, #tpu.memory_space<hbm>> -> memref<32x80xi32, #tpu.memory_space<hbm>>
      %dma_wait3A_387 = arith.constant 64 : i32
      %dma_wait3A_388 = arith.constant 0 : i32
      %dma_wait3A_389 = tpu.memref_slice %arg3[%arg0, %arg1, %dma_wait3A_387, %dma_wait3A_388] : memref<2x16x128x80xi32, #tpu.memory_space<hbm>> -> memref<1x1x32x80xi32, #tpu.memory_space<hbm>>
      %dma_wait3A_390 = tpu.memref_squeeze %dma_wait3A_389 : memref<1x1x32x80xi32, #tpu.memory_space<hbm>> -> memref<32x80xi32, #tpu.memory_space<hbm>>
      tpu.wait_dma2 semaphore(%run_scoped3A : memref<!tpu.dma_semaphore, #tpu.memory_space<semaphore_mem>>) src(%dma_wait3A_390 : memref<32x80xi32, #tpu.memory_space<hbm>>) dst(%arg7 : memref<32x80xi32, #tpu.memory_space<vmem>>)
      tpu.yield
    }) : () -> ()
    "tpu.region"() ({
      %run_scoped3A = tpu.sem_alloc : memref<!tpu.dma_semaphore, #tpu.memory_space<semaphore_mem>>
      %dma_start3A_375 = arith.constant 64 : i32
      %dma_start3A_376 = arith.constant 0 : i32
      %dma_start3A_377 = tpu.memref_slice %arg4[%arg1, %dma_start3A_375, %dma_start3A_376] : memref<16x128x80xi32, #tpu.memory_space<hbm>> -> memref<1x32x80xi32, #tpu.memory_space<hbm>>
      %dma_start3A_378 = tpu.memref_squeeze %dma_start3A_377 : memref<1x32x80xi32, #tpu.memory_space<hbm>> -> memref<32x80xi32, #tpu.memory_space<hbm>>
      %dma_start3A_379 = arith.constant 64 : i32
      %dma_start3A_380 = arith.constant 0 : i32
      %dma_start3A_381 = tpu.memref_slice %arg4[%arg1, %dma_start3A_379, %dma_start3A_380] : memref<16x128x80xi32, #tpu.memory_space<hbm>> -> memref<1x32x80xi32, #tpu.memory_space<hbm>>
      %dma_start3A_382 = tpu.memref_squeeze %dma_start3A_381 : memref<1x32x80xi32, #tpu.memory_space<hbm>> -> memref<32x80xi32, #tpu.memory_space<hbm>>
      tpu.enqueue_dma source(%dma_start3A_382 : memref<32x80xi32, #tpu.memory_space<hbm>>) target(%arg8 : memref<32x80xi32, #tpu.memory_space<vmem>>) target_semaphore(%run_scoped3A : memref<!tpu.dma_semaphore, #tpu.memory_space<semaphore_mem>>)
      %dma_wait3A_383 = arith.constant 64 : i32
      %dma_wait3A_384 = arith.constant 0 : i32
      %dma_wait3A_385 = tpu.memref_slice %arg4[%arg1, %dma_wait3A_383, %dma_wait3A_384] : memref<16x128x80xi32, #tpu.memory_space<hbm>> -> memref<1x32x80xi32, #tpu.memory_space<hbm>>
      %dma_wait3A_386 = tpu.memref_squeeze %dma_wait3A_385 : memref<1x32x80xi32, #tpu.memory_space<hbm>> -> memref<32x80xi32, #tpu.memory_space<hbm>>
      %dma_wait3A_387 = arith.constant 64 : i32
      %dma_wait3A_388 = arith.constant 0 : i32
      %dma_wait3A_389 = tpu.memref_slice %arg4[%arg1, %dma_wait3A_387, %dma_wait3A_388] : memref<16x128x80xi32, #tpu.memory_space<hbm>> -> memref<1x32x80xi32, #tpu.memory_space<hbm>>
      %dma_wait3A_390 = tpu.memref_squeeze %dma_wait3A_389 : memref<1x32x80xi32, #tpu.memory_space<hbm>> -> memref<32x80xi32, #tpu.memory_space<hbm>>
      tpu.wait_dma2 semaphore(%run_scoped3A : memref<!tpu.dma_semaphore, #tpu.memory_space<semaphore_mem>>) src(%dma_wait3A_390 : memref<32x80xi32, #tpu.memory_space<hbm>>) dst(%arg8 : memref<32x80xi32, #tpu.memory_space<vmem>>)
      tpu.yield
    }) : () -> ()
    %dma_start3A_170 = arith.constant 0 : i32
    %dma_start3A_171 = arith.constant 0 : i32
    %dma_start3A_172 = tpu.memref_slice %arg7[%dma_start3A_170, %dma_start3A_171] : memref<32x80xi32, #tpu.memory_space<vmem>> -> memref<1x80xi32, #tpu.memory_space<vmem>>
    %dma_start3A_173 = tpu.memref_squeeze %dma_start3A_172 : memref<1x80xi32, #tpu.memory_space<vmem>> -> memref<80xi32, #tpu.memory_space<vmem>>
    %dma_start3A_174 = arith.constant 0 : i32
    %dma_start3A_175 = arith.constant 0 : i32
    %dma_start3A_176 = tpu.memref_slice %arg2[%dma_start3A_174, %dma_start3A_175] : memref<20000x128xf32, #tpu.memory_space<hbm>> -> memref<20000x128xf32, #tpu.memory_space<hbm>>
    tpu.enqueue_indirect_dma source(%dma_start3A_176 : memref<20000x128xf32, #tpu.memory_space<hbm>>) target(%arg9 : memref<80x128xf32, #tpu.memory_space<vmem>>) offsets(%dma_start3A_173 : memref<80xi32, #tpu.memory_space<vmem>>) semaphore(%arg13 : memref<!tpu.dma_semaphore, #tpu.memory_space<semaphore_mem>>)
    %dma_start3A_177 = arith.constant 1 : i32
    %dma_start3A_178 = arith.constant 0 : i32
    %dma_start3A_179 = tpu.memref_slice %arg7[%dma_start3A_177, %dma_start3A_178] : memref<32x80xi32, #tpu.memory_space<vmem>> -> memref<1x80xi32, #tpu.memory_space<vmem>>
    %dma_start3A_180 = tpu.memref_squeeze %dma_start3A_179 : memref<1x80xi32, #tpu.memory_space<vmem>> -> memref<80xi32, #tpu.memory_space<vmem>>
    %dma_start3A_181 = arith.constant 0 : i32
    %dma_start3A_182 = arith.constant 0 : i32
    %dma_start3A_183 = tpu.memref_slice %arg2[%dma_start3A_181, %dma_start3A_182] : memref<20000x128xf32, #tpu.memory_space<hbm>> -> memref<20000x128xf32, #tpu.memory_space<hbm>>
    tpu.enqueue_indirect_dma source(%dma_start3A_183 : memref<20000x128xf32, #tpu.memory_space<hbm>>) target(%arg10 : memref<80x128xf32, #tpu.memory_space<vmem>>) offsets(%dma_start3A_180 : memref<80xi32, #tpu.memory_space<vmem>>) semaphore(%arg14 : memref<!tpu.dma_semaphore, #tpu.memory_space<semaphore_mem>>)
    %dma_start3A_184 = arith.constant 2 : i32
    %dma_start3A_185 = arith.constant 0 : i32
    %dma_start3A_186 = tpu.memref_slice %arg7[%dma_start3A_184, %dma_start3A_185] : memref<32x80xi32, #tpu.memory_space<vmem>> -> memref<1x80xi32, #tpu.memory_space<vmem>>
    %dma_start3A_187 = tpu.memref_squeeze %dma_start3A_186 : memref<1x80xi32, #tpu.memory_space<vmem>> -> memref<80xi32, #tpu.memory_space<vmem>>
    %dma_start3A_188 = arith.constant 0 : i32
    %dma_start3A_189 = arith.constant 0 : i32
    %dma_start3A_190 = tpu.memref_slice %arg2[%dma_start3A_188, %dma_start3A_189] : memref<20000x128xf32, #tpu.memory_space<hbm>> -> memref<20000x128xf32, #tpu.memory_space<hbm>>
    tpu.enqueue_indirect_dma source(%dma_start3A_190 : memref<20000x128xf32, #tpu.memory_space<hbm>>) target(%arg11 : memref<80x128xf32, #tpu.memory_space<vmem>>) offsets(%dma_start3A_187 : memref<80xi32, #tpu.memory_space<vmem>>) semaphore(%arg15 : memref<!tpu.dma_semaphore, #tpu.memory_space<semaphore_mem>>)
    %dma_start3A_191 = arith.constant 3 : i32
    %dma_start3A_192 = arith.constant 0 : i32
    %dma_start3A_193 = tpu.memref_slice %arg7[%dma_start3A_191, %dma_start3A_192] : memref<32x80xi32, #tpu.memory_space<vmem>> -> memref<1x80xi32, #tpu.memory_space<vmem>>
    %dma_start3A_194 = tpu.memref_squeeze %dma_start3A_193 : memref<1x80xi32, #tpu.memory_space<vmem>> -> memref<80xi32, #tpu.memory_space<vmem>>
    %dma_start3A_195 = arith.constant 0 : i32
    %dma_start3A_196 = arith.constant 0 : i32
    %dma_start3A_197 = tpu.memref_slice %arg2[%dma_start3A_195, %dma_start3A_196] : memref<20000x128xf32, #tpu.memory_space<hbm>> -> memref<20000x128xf32, #tpu.memory_space<hbm>>
    tpu.enqueue_indirect_dma source(%dma_start3A_197 : memref<20000x128xf32, #tpu.memory_space<hbm>>) target(%arg12 : memref<80x128xf32, #tpu.memory_space<vmem>>) offsets(%dma_start3A_194 : memref<80xi32, #tpu.memory_space<vmem>>) semaphore(%arg16 : memref<!tpu.dma_semaphore, #tpu.memory_space<semaphore_mem>>)
    %scan3A_198 = arith.constant 0 : i32
    %scan3A_199 = arith.constant 0 : i32
    %scan3A_200 = arith.constant 8 : i32
    %scan3A_201 = arith.addi %scan3A_199, %scan3A_200 : i32
    %scan3A_202 = arith.constant 1 : i32
    %scan3A_203 = scf.for %scan3A_375 = %scan3A_199 to %scan3A_201 step %scan3A_202 iter_args(%scan3A_376 = %scan3A_198) -> (i32)  : i32 {
      %mul3A_377 = arith.constant 4 : i32
      %mul3A_378 = arith.muli %mul3A_377, %scan3A_375 : i32
      %add3A_379 = arith.constant 0 : i32
      %add3A_380 = arith.addi %mul3A_378, %add3A_379 : i32
      %dma_wait3A_381 = arith.constant 0 : i32
      %dma_wait3A_382 = tpu.memref_slice %arg7[%add3A_380, %dma_wait3A_381] : memref<32x80xi32, #tpu.memory_space<vmem>> -> memref<1x80xi32, #tpu.memory_space<vmem>>
      %dma_wait3A_383 = tpu.memref_squeeze %dma_wait3A_382 : memref<1x80xi32, #tpu.memory_space<vmem>> -> memref<80xi32, #tpu.memory_space<vmem>>
      %dma_wait3A_384 = arith.constant 0 : i32
      %dma_wait3A_385 = arith.constant 0 : i32
      %dma_wait3A_386 = tpu.memref_slice %arg2[%dma_wait3A_384, %dma_wait3A_385] : memref<20000x128xf32, #tpu.memory_space<hbm>> -> memref<20000x128xf32, #tpu.memory_space<hbm>>
      tpu.wait_indirect_dma semaphore(%arg13 : memref<!tpu.dma_semaphore, #tpu.memory_space<semaphore_mem>>) src(%dma_wait3A_386 : memref<20000x128xf32, #tpu.memory_space<hbm>>) dst(%arg9 : memref<80x128xf32, #tpu.memory_space<vmem>>)
      %add3A_387 = arith.constant 0 : i32
      %add3A_388 = arith.addi %mul3A_378, %add3A_387 : i32
      %dma_start3A_389 = arith.constant 0 : i32
      %dma_start3A_390 = tpu.memref_slice %arg8[%add3A_388, %dma_start3A_389] : memref<32x80xi32, #tpu.memory_space<vmem>> -> memref<1x80xi32, #tpu.memory_space<vmem>>
      %dma_start3A_391 = tpu.memref_squeeze %dma_start3A_390 : memref<1x80xi32, #tpu.memory_space<vmem>> -> memref<80xi32, #tpu.memory_space<vmem>>
      %dma_start3A_392 = arith.constant 0 : i32
      %dma_start3A_393 = arith.constant 0 : i32
      %dma_start3A_394 = tpu.memref_slice %arg18[%dma_start3A_392, %dma_start3A_393] : memref<10240x128xf32, #tpu.memory_space<vmem_shared>> -> memref<10240x128xf32, #tpu.memory_space<vmem_shared>>
      tpu.enqueue_indirect_dma source(%arg9 : memref<80x128xf32, #tpu.memory_space<vmem>>) target(%dma_start3A_394 : memref<10240x128xf32, #tpu.memory_space<vmem_shared>>) offsets(%dma_start3A_391 : memref<80xi32, #tpu.memory_space<vmem>>) semaphore(%arg17 : memref<!tpu.dma_semaphore, #tpu.memory_space<semaphore_mem>>) {add = true}
      %add3A_395 = arith.constant 0 : i32
      %add3A_396 = arith.addi %mul3A_378, %add3A_395 : i32
      %dma_wait3A_397 = arith.constant 0 : i32
      %dma_wait3A_398 = tpu.memref_slice %arg8[%add3A_396, %dma_wait3A_397] : memref<32x80xi32, #tpu.memory_space<vmem>> -> memref<1x80xi32, #tpu.memory_space<vmem>>
      %dma_wait3A_399 = tpu.memref_squeeze %dma_wait3A_398 : memref<1x80xi32, #tpu.memory_space<vmem>> -> memref<80xi32, #tpu.memory_space<vmem>>
      %dma_wait3A_400 = arith.constant 0 : i32
      %dma_wait3A_401 = arith.constant 0 : i32
      %dma_wait3A_402 = tpu.memref_slice %arg18[%dma_wait3A_400, %dma_wait3A_401] : memref<10240x128xf32, #tpu.memory_space<vmem_shared>> -> memref<10240x128xf32, #tpu.memory_space<vmem_shared>>
      tpu.wait_indirect_dma semaphore(%arg17 : memref<!tpu.dma_semaphore, #tpu.memory_space<semaphore_mem>>) src(%arg9 : memref<80x128xf32, #tpu.memory_space<vmem>>) dst(%dma_wait3A_402 : memref<10240x128xf32, #tpu.memory_space<vmem_shared>>)
      %lt3A = arith.constant 7 : i32
      %lt3A_403 = arith.cmpi slt, %scan3A_375, %lt3A : i32
      %convert_element_type3A = arith.extui %lt3A_403 : i1 to i32
      %cond3A = arith.constant 0 : i32
      %cond3A_404 = arith.cmpi ne, %convert_element_type3A, %cond3A : i32
      scf.if %cond3A_404 {
        %add3A_493 = arith.constant 0 : i32
        %add3A_494 = arith.addi %mul3A_378, %add3A_493 : i32
        %add3A_495 = arith.constant 4 : i32
        %add3A_496 = arith.addi %add3A_494, %add3A_495 : i32
        %dma_start3A_497 = arith.constant 0 : i32
        %dma_start3A_498 = tpu.memref_slice %arg7[%add3A_496, %dma_start3A_497] : memref<32x80xi32, #tpu.memory_space<vmem>> -> memref<1x80xi32, #tpu.memory_space<vmem>>
        %dma_start3A_499 = tpu.memref_squeeze %dma_start3A_498 : memref<1x80xi32, #tpu.memory_space<vmem>> -> memref<80xi32, #tpu.memory_space<vmem>>
        %dma_start3A_500 = arith.constant 0 : i32
        %dma_start3A_501 = arith.constant 0 : i32
        %dma_start3A_502 = tpu.memref_slice %arg2[%dma_start3A_500, %dma_start3A_501] : memref<20000x128xf32, #tpu.memory_space<hbm>> -> memref<20000x128xf32, #tpu.memory_space<hbm>>
        tpu.enqueue_indirect_dma source(%dma_start3A_502 : memref<20000x128xf32, #tpu.memory_space<hbm>>) target(%arg9 : memref<80x128xf32, #tpu.memory_space<vmem>>) offsets(%dma_start3A_499 : memref<80xi32, #tpu.memory_space<vmem>>) semaphore(%arg13 : memref<!tpu.dma_semaphore, #tpu.memory_space<semaphore_mem>>)
      } else {
      }
      %add3A_405 = arith.constant 1 : i32
      %add3A_406 = arith.addi %mul3A_378, %add3A_405 : i32
      %dma_wait3A_407 = arith.constant 0 : i32
      %dma_wait3A_408 = tpu.memref_slice %arg7[%add3A_406, %dma_wait3A_407] : memref<32x80xi32, #tpu.memory_space<vmem>> -> memref<1x80xi32, #tpu.memory_space<vmem>>
      %dma_wait3A_409 = tpu.memref_squeeze %dma_wait3A_408 : memref<1x80xi32, #tpu.memory_space<vmem>> -> memref<80xi32, #tpu.memory_space<vmem>>
      %dma_wait3A_410 = arith.constant 0 : i32
      %dma_wait3A_411 = arith.constant 0 : i32
      %dma_wait3A_412 = tpu.memref_slice %arg2[%dma_wait3A_410, %dma_wait3A_411] : memref<20000x128xf32, #tpu.memory_space<hbm>> -> memref<20000x128xf32, #tpu.memory_space<hbm>>
      tpu.wait_indirect_dma semaphore(%arg14 : memref<!tpu.dma_semaphore, #tpu.memory_space<semaphore_mem>>) src(%dma_wait3A_412 : memref<20000x128xf32, #tpu.memory_space<hbm>>) dst(%arg10 : memref<80x128xf32, #tpu.memory_space<vmem>>)
      %add3A_413 = arith.constant 1 : i32
      %add3A_414 = arith.addi %mul3A_378, %add3A_413 : i32
      %dma_start3A_415 = arith.constant 0 : i32
      %dma_start3A_416 = tpu.memref_slice %arg8[%add3A_414, %dma_start3A_415] : memref<32x80xi32, #tpu.memory_space<vmem>> -> memref<1x80xi32, #tpu.memory_space<vmem>>
      %dma_start3A_417 = tpu.memref_squeeze %dma_start3A_416 : memref<1x80xi32, #tpu.memory_space<vmem>> -> memref<80xi32, #tpu.memory_space<vmem>>
      %dma_start3A_418 = arith.constant 0 : i32
      %dma_start3A_419 = arith.constant 0 : i32
      %dma_start3A_420 = tpu.memref_slice %arg18[%dma_start3A_418, %dma_start3A_419] : memref<10240x128xf32, #tpu.memory_space<vmem_shared>> -> memref<10240x128xf32, #tpu.memory_space<vmem_shared>>
      tpu.enqueue_indirect_dma source(%arg10 : memref<80x128xf32, #tpu.memory_space<vmem>>) target(%dma_start3A_420 : memref<10240x128xf32, #tpu.memory_space<vmem_shared>>) offsets(%dma_start3A_417 : memref<80xi32, #tpu.memory_space<vmem>>) semaphore(%arg17 : memref<!tpu.dma_semaphore, #tpu.memory_space<semaphore_mem>>) {add = true}
      %add3A_421 = arith.constant 1 : i32
      %add3A_422 = arith.addi %mul3A_378, %add3A_421 : i32
      %dma_wait3A_423 = arith.constant 0 : i32
      %dma_wait3A_424 = tpu.memref_slice %arg8[%add3A_422, %dma_wait3A_423] : memref<32x80xi32, #tpu.memory_space<vmem>> -> memref<1x80xi32, #tpu.memory_space<vmem>>
      %dma_wait3A_425 = tpu.memref_squeeze %dma_wait3A_424 : memref<1x80xi32, #tpu.memory_space<vmem>> -> memref<80xi32, #tpu.memory_space<vmem>>
      %dma_wait3A_426 = arith.constant 0 : i32
      %dma_wait3A_427 = arith.constant 0 : i32
      %dma_wait3A_428 = tpu.memref_slice %arg18[%dma_wait3A_426, %dma_wait3A_427] : memref<10240x128xf32, #tpu.memory_space<vmem_shared>> -> memref<10240x128xf32, #tpu.memory_space<vmem_shared>>
      tpu.wait_indirect_dma semaphore(%arg17 : memref<!tpu.dma_semaphore, #tpu.memory_space<semaphore_mem>>) src(%arg10 : memref<80x128xf32, #tpu.memory_space<vmem>>) dst(%dma_wait3A_428 : memref<10240x128xf32, #tpu.memory_space<vmem_shared>>)
      %lt3A_429 = arith.constant 7 : i32
      %lt3A_430 = arith.cmpi slt, %scan3A_375, %lt3A_429 : i32
      %convert_element_type3A_431 = arith.extui %lt3A_430 : i1 to i32
      %cond3A_432 = arith.constant 0 : i32
      %cond3A_433 = arith.cmpi ne, %convert_element_type3A_431, %cond3A_432 : i32
      scf.if %cond3A_433 {
        %add3A_493 = arith.constant 1 : i32
        %add3A_494 = arith.addi %mul3A_378, %add3A_493 : i32
        %add3A_495 = arith.constant 4 : i32
        %add3A_496 = arith.addi %add3A_494, %add3A_495 : i32
        %dma_start3A_497 = arith.constant 0 : i32
        %dma_start3A_498 = tpu.memref_slice %arg7[%add3A_496, %dma_start3A_497] : memref<32x80xi32, #tpu.memory_space<vmem>> -> memref<1x80xi32, #tpu.memory_space<vmem>>
        %dma_start3A_499 = tpu.memref_squeeze %dma_start3A_498 : memref<1x80xi32, #tpu.memory_space<vmem>> -> memref<80xi32, #tpu.memory_space<vmem>>
        %dma_start3A_500 = arith.constant 0 : i32
        %dma_start3A_501 = arith.constant 0 : i32
        %dma_start3A_502 = tpu.memref_slice %arg2[%dma_start3A_500, %dma_start3A_501] : memref<20000x128xf32, #tpu.memory_space<hbm>> -> memref<20000x128xf32, #tpu.memory_space<hbm>>
        tpu.enqueue_indirect_dma source(%dma_start3A_502 : memref<20000x128xf32, #tpu.memory_space<hbm>>) target(%arg10 : memref<80x128xf32, #tpu.memory_space<vmem>>) offsets(%dma_start3A_499 : memref<80xi32, #tpu.memory_space<vmem>>) semaphore(%arg14 : memref<!tpu.dma_semaphore, #tpu.memory_space<semaphore_mem>>)
      } else {
      }
      %add3A_434 = arith.constant 2 : i32
      %add3A_435 = arith.addi %mul3A_378, %add3A_434 : i32
      %dma_wait3A_436 = arith.constant 0 : i32
      %dma_wait3A_437 = tpu.memref_slice %arg7[%add3A_435, %dma_wait3A_436] : memref<32x80xi32, #tpu.memory_space<vmem>> -> memref<1x80xi32, #tpu.memory_space<vmem>>
      %dma_wait3A_438 = tpu.memref_squeeze %dma_wait3A_437 : memref<1x80xi32, #tpu.memory_space<vmem>> -> memref<80xi32, #tpu.memory_space<vmem>>
      %dma_wait3A_439 = arith.constant 0 : i32
      %dma_wait3A_440 = arith.constant 0 : i32
      %dma_wait3A_441 = tpu.memref_slice %arg2[%dma_wait3A_439, %dma_wait3A_440] : memref<20000x128xf32, #tpu.memory_space<hbm>> -> memref<20000x128xf32, #tpu.memory_space<hbm>>
      tpu.wait_indirect_dma semaphore(%arg15 : memref<!tpu.dma_semaphore, #tpu.memory_space<semaphore_mem>>) src(%dma_wait3A_441 : memref<20000x128xf32, #tpu.memory_space<hbm>>) dst(%arg11 : memref<80x128xf32, #tpu.memory_space<vmem>>)
      %add3A_442 = arith.constant 2 : i32
      %add3A_443 = arith.addi %mul3A_378, %add3A_442 : i32
      %dma_start3A_444 = arith.constant 0 : i32
      %dma_start3A_445 = tpu.memref_slice %arg8[%add3A_443, %dma_start3A_444] : memref<32x80xi32, #tpu.memory_space<vmem>> -> memref<1x80xi32, #tpu.memory_space<vmem>>
      %dma_start3A_446 = tpu.memref_squeeze %dma_start3A_445 : memref<1x80xi32, #tpu.memory_space<vmem>> -> memref<80xi32, #tpu.memory_space<vmem>>
      %dma_start3A_447 = arith.constant 0 : i32
      %dma_start3A_448 = arith.constant 0 : i32
      %dma_start3A_449 = tpu.memref_slice %arg18[%dma_start3A_447, %dma_start3A_448] : memref<10240x128xf32, #tpu.memory_space<vmem_shared>> -> memref<10240x128xf32, #tpu.memory_space<vmem_shared>>
      tpu.enqueue_indirect_dma source(%arg11 : memref<80x128xf32, #tpu.memory_space<vmem>>) target(%dma_start3A_449 : memref<10240x128xf32, #tpu.memory_space<vmem_shared>>) offsets(%dma_start3A_446 : memref<80xi32, #tpu.memory_space<vmem>>) semaphore(%arg17 : memref<!tpu.dma_semaphore, #tpu.memory_space<semaphore_mem>>) {add = true}
      %add3A_450 = arith.constant 2 : i32
      %add3A_451 = arith.addi %mul3A_378, %add3A_450 : i32
      %dma_wait3A_452 = arith.constant 0 : i32
      %dma_wait3A_453 = tpu.memref_slice %arg8[%add3A_451, %dma_wait3A_452] : memref<32x80xi32, #tpu.memory_space<vmem>> -> memref<1x80xi32, #tpu.memory_space<vmem>>
      %dma_wait3A_454 = tpu.memref_squeeze %dma_wait3A_453 : memref<1x80xi32, #tpu.memory_space<vmem>> -> memref<80xi32, #tpu.memory_space<vmem>>
      %dma_wait3A_455 = arith.constant 0 : i32
      %dma_wait3A_456 = arith.constant 0 : i32
      %dma_wait3A_457 = tpu.memref_slice %arg18[%dma_wait3A_455, %dma_wait3A_456] : memref<10240x128xf32, #tpu.memory_space<vmem_shared>> -> memref<10240x128xf32, #tpu.memory_space<vmem_shared>>
      tpu.wait_indirect_dma semaphore(%arg17 : memref<!tpu.dma_semaphore, #tpu.memory_space<semaphore_mem>>) src(%arg11 : memref<80x128xf32, #tpu.memory_space<vmem>>) dst(%dma_wait3A_457 : memref<10240x128xf32, #tpu.memory_space<vmem_shared>>)
      %lt3A_458 = arith.constant 7 : i32
      %lt3A_459 = arith.cmpi slt, %scan3A_375, %lt3A_458 : i32
      %convert_element_type3A_460 = arith.extui %lt3A_459 : i1 to i32
      %cond3A_461 = arith.constant 0 : i32
      %cond3A_462 = arith.cmpi ne, %convert_element_type3A_460, %cond3A_461 : i32
      scf.if %cond3A_462 {
        %add3A_493 = arith.constant 2 : i32
        %add3A_494 = arith.addi %mul3A_378, %add3A_493 : i32
        %add3A_495 = arith.constant 4 : i32
        %add3A_496 = arith.addi %add3A_494, %add3A_495 : i32
        %dma_start3A_497 = arith.constant 0 : i32
        %dma_start3A_498 = tpu.memref_slice %arg7[%add3A_496, %dma_start3A_497] : memref<32x80xi32, #tpu.memory_space<vmem>> -> memref<1x80xi32, #tpu.memory_space<vmem>>
        %dma_start3A_499 = tpu.memref_squeeze %dma_start3A_498 : memref<1x80xi32, #tpu.memory_space<vmem>> -> memref<80xi32, #tpu.memory_space<vmem>>
        %dma_start3A_500 = arith.constant 0 : i32
        %dma_start3A_501 = arith.constant 0 : i32
        %dma_start3A_502 = tpu.memref_slice %arg2[%dma_start3A_500, %dma_start3A_501] : memref<20000x128xf32, #tpu.memory_space<hbm>> -> memref<20000x128xf32, #tpu.memory_space<hbm>>
        tpu.enqueue_indirect_dma source(%dma_start3A_502 : memref<20000x128xf32, #tpu.memory_space<hbm>>) target(%arg11 : memref<80x128xf32, #tpu.memory_space<vmem>>) offsets(%dma_start3A_499 : memref<80xi32, #tpu.memory_space<vmem>>) semaphore(%arg15 : memref<!tpu.dma_semaphore, #tpu.memory_space<semaphore_mem>>)
      } else {
      }
      %add3A_463 = arith.constant 3 : i32
      %add3A_464 = arith.addi %mul3A_378, %add3A_463 : i32
      %dma_wait3A_465 = arith.constant 0 : i32
      %dma_wait3A_466 = tpu.memref_slice %arg7[%add3A_464, %dma_wait3A_465] : memref<32x80xi32, #tpu.memory_space<vmem>> -> memref<1x80xi32, #tpu.memory_space<vmem>>
      %dma_wait3A_467 = tpu.memref_squeeze %dma_wait3A_466 : memref<1x80xi32, #tpu.memory_space<vmem>> -> memref<80xi32, #tpu.memory_space<vmem>>
      %dma_wait3A_468 = arith.constant 0 : i32
      %dma_wait3A_469 = arith.constant 0 : i32
      %dma_wait3A_470 = tpu.memref_slice %arg2[%dma_wait3A_468, %dma_wait3A_469] : memref<20000x128xf32, #tpu.memory_space<hbm>> -> memref<20000x128xf32, #tpu.memory_space<hbm>>
      tpu.wait_indirect_dma semaphore(%arg16 : memref<!tpu.dma_semaphore, #tpu.memory_space<semaphore_mem>>) src(%dma_wait3A_470 : memref<20000x128xf32, #tpu.memory_space<hbm>>) dst(%arg12 : memref<80x128xf32, #tpu.memory_space<vmem>>)
      %add3A_471 = arith.constant 3 : i32
      %add3A_472 = arith.addi %mul3A_378, %add3A_471 : i32
      %dma_start3A_473 = arith.constant 0 : i32
      %dma_start3A_474 = tpu.memref_slice %arg8[%add3A_472, %dma_start3A_473] : memref<32x80xi32, #tpu.memory_space<vmem>> -> memref<1x80xi32, #tpu.memory_space<vmem>>
      %dma_start3A_475 = tpu.memref_squeeze %dma_start3A_474 : memref<1x80xi32, #tpu.memory_space<vmem>> -> memref<80xi32, #tpu.memory_space<vmem>>
      %dma_start3A_476 = arith.constant 0 : i32
      %dma_start3A_477 = arith.constant 0 : i32
      %dma_start3A_478 = tpu.memref_slice %arg18[%dma_start3A_476, %dma_start3A_477] : memref<10240x128xf32, #tpu.memory_space<vmem_shared>> -> memref<10240x128xf32, #tpu.memory_space<vmem_shared>>
      tpu.enqueue_indirect_dma source(%arg12 : memref<80x128xf32, #tpu.memory_space<vmem>>) target(%dma_start3A_478 : memref<10240x128xf32, #tpu.memory_space<vmem_shared>>) offsets(%dma_start3A_475 : memref<80xi32, #tpu.memory_space<vmem>>) semaphore(%arg17 : memref<!tpu.dma_semaphore, #tpu.memory_space<semaphore_mem>>) {add = true}
      %add3A_479 = arith.constant 3 : i32
      %add3A_480 = arith.addi %mul3A_378, %add3A_479 : i32
      %dma_wait3A_481 = arith.constant 0 : i32
      %dma_wait3A_482 = tpu.memref_slice %arg8[%add3A_480, %dma_wait3A_481] : memref<32x80xi32, #tpu.memory_space<vmem>> -> memref<1x80xi32, #tpu.memory_space<vmem>>
      %dma_wait3A_483 = tpu.memref_squeeze %dma_wait3A_482 : memref<1x80xi32, #tpu.memory_space<vmem>> -> memref<80xi32, #tpu.memory_space<vmem>>
      %dma_wait3A_484 = arith.constant 0 : i32
      %dma_wait3A_485 = arith.constant 0 : i32
      %dma_wait3A_486 = tpu.memref_slice %arg18[%dma_wait3A_484, %dma_wait3A_485] : memref<10240x128xf32, #tpu.memory_space<vmem_shared>> -> memref<10240x128xf32, #tpu.memory_space<vmem_shared>>
      tpu.wait_indirect_dma semaphore(%arg17 : memref<!tpu.dma_semaphore, #tpu.memory_space<semaphore_mem>>) src(%arg12 : memref<80x128xf32, #tpu.memory_space<vmem>>) dst(%dma_wait3A_486 : memref<10240x128xf32, #tpu.memory_space<vmem_shared>>)
      %lt3A_487 = arith.constant 7 : i32
      %lt3A_488 = arith.cmpi slt, %scan3A_375, %lt3A_487 : i32
      %convert_element_type3A_489 = arith.extui %lt3A_488 : i1 to i32
      %cond3A_490 = arith.constant 0 : i32
      %cond3A_491 = arith.cmpi ne, %convert_element_type3A_489, %cond3A_490 : i32
      scf.if %cond3A_491 {
        %add3A_493 = arith.constant 3 : i32
        %add3A_494 = arith.addi %mul3A_378, %add3A_493 : i32
        %add3A_495 = arith.constant 4 : i32
        %add3A_496 = arith.addi %add3A_494, %add3A_495 : i32
        %dma_start3A_497 = arith.constant 0 : i32
        %dma_start3A_498 = tpu.memref_slice %arg7[%add3A_496, %dma_start3A_497] : memref<32x80xi32, #tpu.memory_space<vmem>> -> memref<1x80xi32, #tpu.memory_space<vmem>>
        %dma_start3A_499 = tpu.memref_squeeze %dma_start3A_498 : memref<1x80xi32, #tpu.memory_space<vmem>> -> memref<80xi32, #tpu.memory_space<vmem>>
        %dma_start3A_500 = arith.constant 0 : i32
        %dma_start3A_501 = arith.constant 0 : i32
        %dma_start3A_502 = tpu.memref_slice %arg2[%dma_start3A_500, %dma_start3A_501] : memref<20000x128xf32, #tpu.memory_space<hbm>> -> memref<20000x128xf32, #tpu.memory_space<hbm>>
        tpu.enqueue_indirect_dma source(%dma_start3A_502 : memref<20000x128xf32, #tpu.memory_space<hbm>>) target(%arg12 : memref<80x128xf32, #tpu.memory_space<vmem>>) offsets(%dma_start3A_499 : memref<80xi32, #tpu.memory_space<vmem>>) semaphore(%arg16 : memref<!tpu.dma_semaphore, #tpu.memory_space<semaphore_mem>>)
      } else {
      }
      %scan3A_492 = arith.constant 0 : i32
      scf.yield %scan3A_492 : i32
    }
    %scan3A_204 = arith.constant 8 : i32
    "tpu.region"() ({
      %run_scoped3A = tpu.sem_alloc : memref<!tpu.dma_semaphore, #tpu.memory_space<semaphore_mem>>
      %dma_start3A_375 = arith.constant 96 : i32
      %dma_start3A_376 = arith.constant 0 : i32
      %dma_start3A_377 = tpu.memref_slice %arg3[%arg0, %arg1, %dma_start3A_375, %dma_start3A_376] : memref<2x16x128x80xi32, #tpu.memory_space<hbm>> -> memref<1x1x32x80xi32, #tpu.memory_space<hbm>>
      %dma_start3A_378 = tpu.memref_squeeze %dma_start3A_377 : memref<1x1x32x80xi32, #tpu.memory_space<hbm>> -> memref<32x80xi32, #tpu.memory_space<hbm>>
      %dma_start3A_379 = arith.constant 96 : i32
      %dma_start3A_380 = arith.constant 0 : i32
      %dma_start3A_381 = tpu.memref_slice %arg3[%arg0, %arg1, %dma_start3A_379, %dma_start3A_380] : memref<2x16x128x80xi32, #tpu.memory_space<hbm>> -> memref<1x1x32x80xi32, #tpu.memory_space<hbm>>
      %dma_start3A_382 = tpu.memref_squeeze %dma_start3A_381 : memref<1x1x32x80xi32, #tpu.memory_space<hbm>> -> memref<32x80xi32, #tpu.memory_space<hbm>>
      tpu.enqueue_dma source(%dma_start3A_382 : memref<32x80xi32, #tpu.memory_space<hbm>>) target(%arg7 : memref<32x80xi32, #tpu.memory_space<vmem>>) target_semaphore(%run_scoped3A : memref<!tpu.dma_semaphore, #tpu.memory_space<semaphore_mem>>)
      %dma_wait3A_383 = arith.constant 96 : i32
      %dma_wait3A_384 = arith.constant 0 : i32
      %dma_wait3A_385 = tpu.memref_slice %arg3[%arg0, %arg1, %dma_wait3A_383, %dma_wait3A_384] : memref<2x16x128x80xi32, #tpu.memory_space<hbm>> -> memref<1x1x32x80xi32, #tpu.memory_space<hbm>>
      %dma_wait3A_386 = tpu.memref_squeeze %dma_wait3A_385 : memref<1x1x32x80xi32, #tpu.memory_space<hbm>> -> memref<32x80xi32, #tpu.memory_space<hbm>>
      %dma_wait3A_387 = arith.constant 96 : i32
      %dma_wait3A_388 = arith.constant 0 : i32
      %dma_wait3A_389 = tpu.memref_slice %arg3[%arg0, %arg1, %dma_wait3A_387, %dma_wait3A_388] : memref<2x16x128x80xi32, #tpu.memory_space<hbm>> -> memref<1x1x32x80xi32, #tpu.memory_space<hbm>>
      %dma_wait3A_390 = tpu.memref_squeeze %dma_wait3A_389 : memref<1x1x32x80xi32, #tpu.memory_space<hbm>> -> memref<32x80xi32, #tpu.memory_space<hbm>>
      tpu.wait_dma2 semaphore(%run_scoped3A : memref<!tpu.dma_semaphore, #tpu.memory_space<semaphore_mem>>) src(%dma_wait3A_390 : memref<32x80xi32, #tpu.memory_space<hbm>>) dst(%arg7 : memref<32x80xi32, #tpu.memory_space<vmem>>)
      tpu.yield
    }) : () -> ()
    "tpu.region"() ({
      %run_scoped3A = tpu.sem_alloc : memref<!tpu.dma_semaphore, #tpu.memory_space<semaphore_mem>>
      %dma_start3A_375 = arith.constant 96 : i32
      %dma_start3A_376 = arith.constant 0 : i32
      %dma_start3A_377 = tpu.memref_slice %arg4[%arg1, %dma_start3A_375, %dma_start3A_376] : memref<16x128x80xi32, #tpu.memory_space<hbm>> -> memref<1x32x80xi32, #tpu.memory_space<hbm>>
      %dma_start3A_378 = tpu.memref_squeeze %dma_start3A_377 : memref<1x32x80xi32, #tpu.memory_space<hbm>> -> memref<32x80xi32, #tpu.memory_space<hbm>>
      %dma_start3A_379 = arith.constant 96 : i32
      %dma_start3A_380 = arith.constant 0 : i32
      %dma_start3A_381 = tpu.memref_slice %arg4[%arg1, %dma_start3A_379, %dma_start3A_380] : memref<16x128x80xi32, #tpu.memory_space<hbm>> -> memref<1x32x80xi32, #tpu.memory_space<hbm>>
      %dma_start3A_382 = tpu.memref_squeeze %dma_start3A_381 : memref<1x32x80xi32, #tpu.memory_space<hbm>> -> memref<32x80xi32, #tpu.memory_space<hbm>>
      tpu.enqueue_dma source(%dma_start3A_382 : memref<32x80xi32, #tpu.memory_space<hbm>>) target(%arg8 : memref<32x80xi32, #tpu.memory_space<vmem>>) target_semaphore(%run_scoped3A : memref<!tpu.dma_semaphore, #tpu.memory_space<semaphore_mem>>)
      %dma_wait3A_383 = arith.constant 96 : i32
      %dma_wait3A_384 = arith.constant 0 : i32
      %dma_wait3A_385 = tpu.memref_slice %arg4[%arg1, %dma_wait3A_383, %dma_wait3A_384] : memref<16x128x80xi32, #tpu.memory_space<hbm>> -> memref<1x32x80xi32, #tpu.memory_space<hbm>>
      %dma_wait3A_386 = tpu.memref_squeeze %dma_wait3A_385 : memref<1x32x80xi32, #tpu.memory_space<hbm>> -> memref<32x80xi32, #tpu.memory_space<hbm>>
      %dma_wait3A_387 = arith.constant 96 : i32
      %dma_wait3A_388 = arith.constant 0 : i32
      %dma_wait3A_389 = tpu.memref_slice %arg4[%arg1, %dma_wait3A_387, %dma_wait3A_388] : memref<16x128x80xi32, #tpu.memory_space<hbm>> -> memref<1x32x80xi32, #tpu.memory_space<hbm>>
      %dma_wait3A_390 = tpu.memref_squeeze %dma_wait3A_389 : memref<1x32x80xi32, #tpu.memory_space<hbm>> -> memref<32x80xi32, #tpu.memory_space<hbm>>
      tpu.wait_dma2 semaphore(%run_scoped3A : memref<!tpu.dma_semaphore, #tpu.memory_space<semaphore_mem>>) src(%dma_wait3A_390 : memref<32x80xi32, #tpu.memory_space<hbm>>) dst(%arg8 : memref<32x80xi32, #tpu.memory_space<vmem>>)
      tpu.yield
    }) : () -> ()
    %dma_start3A_205 = arith.constant 0 : i32
    %dma_start3A_206 = arith.constant 0 : i32
    %dma_start3A_207 = tpu.memref_slice %arg7[%dma_start3A_205, %dma_start3A_206] : memref<32x80xi32, #tpu.memory_space<vmem>> -> memref<1x80xi32, #tpu.memory_space<vmem>>
    %dma_start3A_208 = tpu.memref_squeeze %dma_start3A_207 : memref<1x80xi32, #tpu.memory_space<vmem>> -> memref<80xi32, #tpu.memory_space<vmem>>
    %dma_start3A_209 = arith.constant 0 : i32
    %dma_start3A_210 = arith.constant 0 : i32
    %dma_start3A_211 = tpu.memref_slice %arg2[%dma_start3A_209, %dma_start3A_210] : memref<20000x128xf32, #tpu.memory_space<hbm>> -> memref<20000x128xf32, #tpu.memory_space<hbm>>
    tpu.enqueue_indirect_dma source(%dma_start3A_211 : memref<20000x128xf32, #tpu.memory_space<hbm>>) target(%arg9 : memref<80x128xf32, #tpu.memory_space<vmem>>) offsets(%dma_start3A_208 : memref<80xi32, #tpu.memory_space<vmem>>) semaphore(%arg13 : memref<!tpu.dma_semaphore, #tpu.memory_space<semaphore_mem>>)
    %dma_start3A_212 = arith.constant 1 : i32
    %dma_start3A_213 = arith.constant 0 : i32
    %dma_start3A_214 = tpu.memref_slice %arg7[%dma_start3A_212, %dma_start3A_213] : memref<32x80xi32, #tpu.memory_space<vmem>> -> memref<1x80xi32, #tpu.memory_space<vmem>>
    %dma_start3A_215 = tpu.memref_squeeze %dma_start3A_214 : memref<1x80xi32, #tpu.memory_space<vmem>> -> memref<80xi32, #tpu.memory_space<vmem>>
    %dma_start3A_216 = arith.constant 0 : i32
    %dma_start3A_217 = arith.constant 0 : i32
    %dma_start3A_218 = tpu.memref_slice %arg2[%dma_start3A_216, %dma_start3A_217] : memref<20000x128xf32, #tpu.memory_space<hbm>> -> memref<20000x128xf32, #tpu.memory_space<hbm>>
    tpu.enqueue_indirect_dma source(%dma_start3A_218 : memref<20000x128xf32, #tpu.memory_space<hbm>>) target(%arg10 : memref<80x128xf32, #tpu.memory_space<vmem>>) offsets(%dma_start3A_215 : memref<80xi32, #tpu.memory_space<vmem>>) semaphore(%arg14 : memref<!tpu.dma_semaphore, #tpu.memory_space<semaphore_mem>>)
    %dma_start3A_219 = arith.constant 2 : i32
    %dma_start3A_220 = arith.constant 0 : i32
    %dma_start3A_221 = tpu.memref_slice %arg7[%dma_start3A_219, %dma_start3A_220] : memref<32x80xi32, #tpu.memory_space<vmem>> -> memref<1x80xi32, #tpu.memory_space<vmem>>
    %dma_start3A_222 = tpu.memref_squeeze %dma_start3A_221 : memref<1x80xi32, #tpu.memory_space<vmem>> -> memref<80xi32, #tpu.memory_space<vmem>>
    %dma_start3A_223 = arith.constant 0 : i32
    %dma_start3A_224 = arith.constant 0 : i32
    %dma_start3A_225 = tpu.memref_slice %arg2[%dma_start3A_223, %dma_start3A_224] : memref<20000x128xf32, #tpu.memory_space<hbm>> -> memref<20000x128xf32, #tpu.memory_space<hbm>>
    tpu.enqueue_indirect_dma source(%dma_start3A_225 : memref<20000x128xf32, #tpu.memory_space<hbm>>) target(%arg11 : memref<80x128xf32, #tpu.memory_space<vmem>>) offsets(%dma_start3A_222 : memref<80xi32, #tpu.memory_space<vmem>>) semaphore(%arg15 : memref<!tpu.dma_semaphore, #tpu.memory_space<semaphore_mem>>)
    %dma_start3A_226 = arith.constant 3 : i32
    %dma_start3A_227 = arith.constant 0 : i32
    %dma_start3A_228 = tpu.memref_slice %arg7[%dma_start3A_226, %dma_start3A_227] : memref<32x80xi32, #tpu.memory_space<vmem>> -> memref<1x80xi32, #tpu.memory_space<vmem>>
    %dma_start3A_229 = tpu.memref_squeeze %dma_start3A_228 : memref<1x80xi32, #tpu.memory_space<vmem>> -> memref<80xi32, #tpu.memory_space<vmem>>
    %dma_start3A_230 = arith.constant 0 : i32
    %dma_start3A_231 = arith.constant 0 : i32
    %dma_start3A_232 = tpu.memref_slice %arg2[%dma_start3A_230, %dma_start3A_231] : memref<20000x128xf32, #tpu.memory_space<hbm>> -> memref<20000x128xf32, #tpu.memory_space<hbm>>
    tpu.enqueue_indirect_dma source(%dma_start3A_232 : memref<20000x128xf32, #tpu.memory_space<hbm>>) target(%arg12 : memref<80x128xf32, #tpu.memory_space<vmem>>) offsets(%dma_start3A_229 : memref<80xi32, #tpu.memory_space<vmem>>) semaphore(%arg16 : memref<!tpu.dma_semaphore, #tpu.memory_space<semaphore_mem>>)
    %scan3A_233 = arith.constant 0 : i32
    %scan3A_234 = arith.constant 0 : i32
    %scan3A_235 = arith.constant 8 : i32
    %scan3A_236 = arith.addi %scan3A_234, %scan3A_235 : i32
    %scan3A_237 = arith.constant 1 : i32
    %scan3A_238 = scf.for %scan3A_375 = %scan3A_234 to %scan3A_236 step %scan3A_237 iter_args(%scan3A_376 = %scan3A_233) -> (i32)  : i32 {
      %mul3A_377 = arith.constant 4 : i32
      %mul3A_378 = arith.muli %mul3A_377, %scan3A_375 : i32
      %add3A_379 = arith.constant 0 : i32
      %add3A_380 = arith.addi %mul3A_378, %add3A_379 : i32
      %dma_wait3A_381 = arith.constant 0 : i32
      %dma_wait3A_382 = tpu.memref_slice %arg7[%add3A_380, %dma_wait3A_381] : memref<32x80xi32, #tpu.memory_space<vmem>> -> memref<1x80xi32, #tpu.memory_space<vmem>>
      %dma_wait3A_383 = tpu.memref_squeeze %dma_wait3A_382 : memref<1x80xi32, #tpu.memory_space<vmem>> -> memref<80xi32, #tpu.memory_space<vmem>>
      %dma_wait3A_384 = arith.constant 0 : i32
      %dma_wait3A_385 = arith.constant 0 : i32
      %dma_wait3A_386 = tpu.memref_slice %arg2[%dma_wait3A_384, %dma_wait3A_385] : memref<20000x128xf32, #tpu.memory_space<hbm>> -> memref<20000x128xf32, #tpu.memory_space<hbm>>
      tpu.wait_indirect_dma semaphore(%arg13 : memref<!tpu.dma_semaphore, #tpu.memory_space<semaphore_mem>>) src(%dma_wait3A_386 : memref<20000x128xf32, #tpu.memory_space<hbm>>) dst(%arg9 : memref<80x128xf32, #tpu.memory_space<vmem>>)
      %add3A_387 = arith.constant 0 : i32
      %add3A_388 = arith.addi %mul3A_378, %add3A_387 : i32
      %dma_start3A_389 = arith.constant 0 : i32
      %dma_start3A_390 = tpu.memref_slice %arg8[%add3A_388, %dma_start3A_389] : memref<32x80xi32, #tpu.memory_space<vmem>> -> memref<1x80xi32, #tpu.memory_space<vmem>>
      %dma_start3A_391 = tpu.memref_squeeze %dma_start3A_390 : memref<1x80xi32, #tpu.memory_space<vmem>> -> memref<80xi32, #tpu.memory_space<vmem>>
      %dma_start3A_392 = arith.constant 0 : i32
      %dma_start3A_393 = arith.constant 0 : i32
      %dma_start3A_394 = tpu.memref_slice %arg18[%dma_start3A_392, %dma_start3A_393] : memref<10240x128xf32, #tpu.memory_space<vmem_shared>> -> memref<10240x128xf32, #tpu.memory_space<vmem_shared>>
      tpu.enqueue_indirect_dma source(%arg9 : memref<80x128xf32, #tpu.memory_space<vmem>>) target(%dma_start3A_394 : memref<10240x128xf32, #tpu.memory_space<vmem_shared>>) offsets(%dma_start3A_391 : memref<80xi32, #tpu.memory_space<vmem>>) semaphore(%arg17 : memref<!tpu.dma_semaphore, #tpu.memory_space<semaphore_mem>>) {add = true}
      %add3A_395 = arith.constant 0 : i32
      %add3A_396 = arith.addi %mul3A_378, %add3A_395 : i32
      %dma_wait3A_397 = arith.constant 0 : i32
      %dma_wait3A_398 = tpu.memref_slice %arg8[%add3A_396, %dma_wait3A_397] : memref<32x80xi32, #tpu.memory_space<vmem>> -> memref<1x80xi32, #tpu.memory_space<vmem>>
      %dma_wait3A_399 = tpu.memref_squeeze %dma_wait3A_398 : memref<1x80xi32, #tpu.memory_space<vmem>> -> memref<80xi32, #tpu.memory_space<vmem>>
      %dma_wait3A_400 = arith.constant 0 : i32
      %dma_wait3A_401 = arith.constant 0 : i32
      %dma_wait3A_402 = tpu.memref_slice %arg18[%dma_wait3A_400, %dma_wait3A_401] : memref<10240x128xf32, #tpu.memory_space<vmem_shared>> -> memref<10240x128xf32, #tpu.memory_space<vmem_shared>>
      tpu.wait_indirect_dma semaphore(%arg17 : memref<!tpu.dma_semaphore, #tpu.memory_space<semaphore_mem>>) src(%arg9 : memref<80x128xf32, #tpu.memory_space<vmem>>) dst(%dma_wait3A_402 : memref<10240x128xf32, #tpu.memory_space<vmem_shared>>)
      %lt3A = arith.constant 7 : i32
      %lt3A_403 = arith.cmpi slt, %scan3A_375, %lt3A : i32
      %convert_element_type3A = arith.extui %lt3A_403 : i1 to i32
      %cond3A = arith.constant 0 : i32
      %cond3A_404 = arith.cmpi ne, %convert_element_type3A, %cond3A : i32
      scf.if %cond3A_404 {
        %add3A_493 = arith.constant 0 : i32
        %add3A_494 = arith.addi %mul3A_378, %add3A_493 : i32
        %add3A_495 = arith.constant 4 : i32
        %add3A_496 = arith.addi %add3A_494, %add3A_495 : i32
        %dma_start3A_497 = arith.constant 0 : i32
        %dma_start3A_498 = tpu.memref_slice %arg7[%add3A_496, %dma_start3A_497] : memref<32x80xi32, #tpu.memory_space<vmem>> -> memref<1x80xi32, #tpu.memory_space<vmem>>
        %dma_start3A_499 = tpu.memref_squeeze %dma_start3A_498 : memref<1x80xi32, #tpu.memory_space<vmem>> -> memref<80xi32, #tpu.memory_space<vmem>>
        %dma_start3A_500 = arith.constant 0 : i32
        %dma_start3A_501 = arith.constant 0 : i32
        %dma_start3A_502 = tpu.memref_slice %arg2[%dma_start3A_500, %dma_start3A_501] : memref<20000x128xf32, #tpu.memory_space<hbm>> -> memref<20000x128xf32, #tpu.memory_space<hbm>>
        tpu.enqueue_indirect_dma source(%dma_start3A_502 : memref<20000x128xf32, #tpu.memory_space<hbm>>) target(%arg9 : memref<80x128xf32, #tpu.memory_space<vmem>>) offsets(%dma_start3A_499 : memref<80xi32, #tpu.memory_space<vmem>>) semaphore(%arg13 : memref<!tpu.dma_semaphore, #tpu.memory_space<semaphore_mem>>)
      } else {
      }
      %add3A_405 = arith.constant 1 : i32
      %add3A_406 = arith.addi %mul3A_378, %add3A_405 : i32
      %dma_wait3A_407 = arith.constant 0 : i32
      %dma_wait3A_408 = tpu.memref_slice %arg7[%add3A_406, %dma_wait3A_407] : memref<32x80xi32, #tpu.memory_space<vmem>> -> memref<1x80xi32, #tpu.memory_space<vmem>>
      %dma_wait3A_409 = tpu.memref_squeeze %dma_wait3A_408 : memref<1x80xi32, #tpu.memory_space<vmem>> -> memref<80xi32, #tpu.memory_space<vmem>>
      %dma_wait3A_410 = arith.constant 0 : i32
      %dma_wait3A_411 = arith.constant 0 : i32
      %dma_wait3A_412 = tpu.memref_slice %arg2[%dma_wait3A_410, %dma_wait3A_411] : memref<20000x128xf32, #tpu.memory_space<hbm>> -> memref<20000x128xf32, #tpu.memory_space<hbm>>
      tpu.wait_indirect_dma semaphore(%arg14 : memref<!tpu.dma_semaphore, #tpu.memory_space<semaphore_mem>>) src(%dma_wait3A_412 : memref<20000x128xf32, #tpu.memory_space<hbm>>) dst(%arg10 : memref<80x128xf32, #tpu.memory_space<vmem>>)
      %add3A_413 = arith.constant 1 : i32
      %add3A_414 = arith.addi %mul3A_378, %add3A_413 : i32
      %dma_start3A_415 = arith.constant 0 : i32
      %dma_start3A_416 = tpu.memref_slice %arg8[%add3A_414, %dma_start3A_415] : memref<32x80xi32, #tpu.memory_space<vmem>> -> memref<1x80xi32, #tpu.memory_space<vmem>>
      %dma_start3A_417 = tpu.memref_squeeze %dma_start3A_416 : memref<1x80xi32, #tpu.memory_space<vmem>> -> memref<80xi32, #tpu.memory_space<vmem>>
      %dma_start3A_418 = arith.constant 0 : i32
      %dma_start3A_419 = arith.constant 0 : i32
      %dma_start3A_420 = tpu.memref_slice %arg18[%dma_start3A_418, %dma_start3A_419] : memref<10240x128xf32, #tpu.memory_space<vmem_shared>> -> memref<10240x128xf32, #tpu.memory_space<vmem_shared>>
      tpu.enqueue_indirect_dma source(%arg10 : memref<80x128xf32, #tpu.memory_space<vmem>>) target(%dma_start3A_420 : memref<10240x128xf32, #tpu.memory_space<vmem_shared>>) offsets(%dma_start3A_417 : memref<80xi32, #tpu.memory_space<vmem>>) semaphore(%arg17 : memref<!tpu.dma_semaphore, #tpu.memory_space<semaphore_mem>>) {add = true}
      %add3A_421 = arith.constant 1 : i32
      %add3A_422 = arith.addi %mul3A_378, %add3A_421 : i32
      %dma_wait3A_423 = arith.constant 0 : i32
      %dma_wait3A_424 = tpu.memref_slice %arg8[%add3A_422, %dma_wait3A_423] : memref<32x80xi32, #tpu.memory_space<vmem>> -> memref<1x80xi32, #tpu.memory_space<vmem>>
      %dma_wait3A_425 = tpu.memref_squeeze %dma_wait3A_424 : memref<1x80xi32, #tpu.memory_space<vmem>> -> memref<80xi32, #tpu.memory_space<vmem>>
      %dma_wait3A_426 = arith.constant 0 : i32
      %dma_wait3A_427 = arith.constant 0 : i32
      %dma_wait3A_428 = tpu.memref_slice %arg18[%dma_wait3A_426, %dma_wait3A_427] : memref<10240x128xf32, #tpu.memory_space<vmem_shared>> -> memref<10240x128xf32, #tpu.memory_space<vmem_shared>>
      tpu.wait_indirect_dma semaphore(%arg17 : memref<!tpu.dma_semaphore, #tpu.memory_space<semaphore_mem>>) src(%arg10 : memref<80x128xf32, #tpu.memory_space<vmem>>) dst(%dma_wait3A_428 : memref<10240x128xf32, #tpu.memory_space<vmem_shared>>)
      %lt3A_429 = arith.constant 7 : i32
      %lt3A_430 = arith.cmpi slt, %scan3A_375, %lt3A_429 : i32
      %convert_element_type3A_431 = arith.extui %lt3A_430 : i1 to i32
      %cond3A_432 = arith.constant 0 : i32
      %cond3A_433 = arith.cmpi ne, %convert_element_type3A_431, %cond3A_432 : i32
      scf.if %cond3A_433 {
        %add3A_493 = arith.constant 1 : i32
        %add3A_494 = arith.addi %mul3A_378, %add3A_493 : i32
        %add3A_495 = arith.constant 4 : i32
        %add3A_496 = arith.addi %add3A_494, %add3A_495 : i32
        %dma_start3A_497 = arith.constant 0 : i32
        %dma_start3A_498 = tpu.memref_slice %arg7[%add3A_496, %dma_start3A_497] : memref<32x80xi32, #tpu.memory_space<vmem>> -> memref<1x80xi32, #tpu.memory_space<vmem>>
        %dma_start3A_499 = tpu.memref_squeeze %dma_start3A_498 : memref<1x80xi32, #tpu.memory_space<vmem>> -> memref<80xi32, #tpu.memory_space<vmem>>
        %dma_start3A_500 = arith.constant 0 : i32
        %dma_start3A_501 = arith.constant 0 : i32
        %dma_start3A_502 = tpu.memref_slice %arg2[%dma_start3A_500, %dma_start3A_501] : memref<20000x128xf32, #tpu.memory_space<hbm>> -> memref<20000x128xf32, #tpu.memory_space<hbm>>
        tpu.enqueue_indirect_dma source(%dma_start3A_502 : memref<20000x128xf32, #tpu.memory_space<hbm>>) target(%arg10 : memref<80x128xf32, #tpu.memory_space<vmem>>) offsets(%dma_start3A_499 : memref<80xi32, #tpu.memory_space<vmem>>) semaphore(%arg14 : memref<!tpu.dma_semaphore, #tpu.memory_space<semaphore_mem>>)
      } else {
      }
      %add3A_434 = arith.constant 2 : i32
      %add3A_435 = arith.addi %mul3A_378, %add3A_434 : i32
      %dma_wait3A_436 = arith.constant 0 : i32
      %dma_wait3A_437 = tpu.memref_slice %arg7[%add3A_435, %dma_wait3A_436] : memref<32x80xi32, #tpu.memory_space<vmem>> -> memref<1x80xi32, #tpu.memory_space<vmem>>
      %dma_wait3A_438 = tpu.memref_squeeze %dma_wait3A_437 : memref<1x80xi32, #tpu.memory_space<vmem>> -> memref<80xi32, #tpu.memory_space<vmem>>
      %dma_wait3A_439 = arith.constant 0 : i32
      %dma_wait3A_440 = arith.constant 0 : i32
      %dma_wait3A_441 = tpu.memref_slice %arg2[%dma_wait3A_439, %dma_wait3A_440] : memref<20000x128xf32, #tpu.memory_space<hbm>> -> memref<20000x128xf32, #tpu.memory_space<hbm>>
      tpu.wait_indirect_dma semaphore(%arg15 : memref<!tpu.dma_semaphore, #tpu.memory_space<semaphore_mem>>) src(%dma_wait3A_441 : memref<20000x128xf32, #tpu.memory_space<hbm>>) dst(%arg11 : memref<80x128xf32, #tpu.memory_space<vmem>>)
      %add3A_442 = arith.constant 2 : i32
      %add3A_443 = arith.addi %mul3A_378, %add3A_442 : i32
      %dma_start3A_444 = arith.constant 0 : i32
      %dma_start3A_445 = tpu.memref_slice %arg8[%add3A_443, %dma_start3A_444] : memref<32x80xi32, #tpu.memory_space<vmem>> -> memref<1x80xi32, #tpu.memory_space<vmem>>
      %dma_start3A_446 = tpu.memref_squeeze %dma_start3A_445 : memref<1x80xi32, #tpu.memory_space<vmem>> -> memref<80xi32, #tpu.memory_space<vmem>>
      %dma_start3A_447 = arith.constant 0 : i32
      %dma_start3A_448 = arith.constant 0 : i32
      %dma_start3A_449 = tpu.memref_slice %arg18[%dma_start3A_447, %dma_start3A_448] : memref<10240x128xf32, #tpu.memory_space<vmem_shared>> -> memref<10240x128xf32, #tpu.memory_space<vmem_shared>>
      tpu.enqueue_indirect_dma source(%arg11 : memref<80x128xf32, #tpu.memory_space<vmem>>) target(%dma_start3A_449 : memref<10240x128xf32, #tpu.memory_space<vmem_shared>>) offsets(%dma_start3A_446 : memref<80xi32, #tpu.memory_space<vmem>>) semaphore(%arg17 : memref<!tpu.dma_semaphore, #tpu.memory_space<semaphore_mem>>) {add = true}
      %add3A_450 = arith.constant 2 : i32
      %add3A_451 = arith.addi %mul3A_378, %add3A_450 : i32
      %dma_wait3A_452 = arith.constant 0 : i32
      %dma_wait3A_453 = tpu.memref_slice %arg8[%add3A_451, %dma_wait3A_452] : memref<32x80xi32, #tpu.memory_space<vmem>> -> memref<1x80xi32, #tpu.memory_space<vmem>>
      %dma_wait3A_454 = tpu.memref_squeeze %dma_wait3A_453 : memref<1x80xi32, #tpu.memory_space<vmem>> -> memref<80xi32, #tpu.memory_space<vmem>>
      %dma_wait3A_455 = arith.constant 0 : i32
      %dma_wait3A_456 = arith.constant 0 : i32
      %dma_wait3A_457 = tpu.memref_slice %arg18[%dma_wait3A_455, %dma_wait3A_456] : memref<10240x128xf32, #tpu.memory_space<vmem_shared>> -> memref<10240x128xf32, #tpu.memory_space<vmem_shared>>
      tpu.wait_indirect_dma semaphore(%arg17 : memref<!tpu.dma_semaphore, #tpu.memory_space<semaphore_mem>>) src(%arg11 : memref<80x128xf32, #tpu.memory_space<vmem>>) dst(%dma_wait3A_457 : memref<10240x128xf32, #tpu.memory_space<vmem_shared>>)
      %lt3A_458 = arith.constant 7 : i32
      %lt3A_459 = arith.cmpi slt, %scan3A_375, %lt3A_458 : i32
      %convert_element_type3A_460 = arith.extui %lt3A_459 : i1 to i32
      %cond3A_461 = arith.constant 0 : i32
      %cond3A_462 = arith.cmpi ne, %convert_element_type3A_460, %cond3A_461 : i32
      scf.if %cond3A_462 {
        %add3A_493 = arith.constant 2 : i32
        %add3A_494 = arith.addi %mul3A_378, %add3A_493 : i32
        %add3A_495 = arith.constant 4 : i32
        %add3A_496 = arith.addi %add3A_494, %add3A_495 : i32
        %dma_start3A_497 = arith.constant 0 : i32
        %dma_start3A_498 = tpu.memref_slice %arg7[%add3A_496, %dma_start3A_497] : memref<32x80xi32, #tpu.memory_space<vmem>> -> memref<1x80xi32, #tpu.memory_space<vmem>>
        %dma_start3A_499 = tpu.memref_squeeze %dma_start3A_498 : memref<1x80xi32, #tpu.memory_space<vmem>> -> memref<80xi32, #tpu.memory_space<vmem>>
        %dma_start3A_500 = arith.constant 0 : i32
        %dma_start3A_501 = arith.constant 0 : i32
        %dma_start3A_502 = tpu.memref_slice %arg2[%dma_start3A_500, %dma_start3A_501] : memref<20000x128xf32, #tpu.memory_space<hbm>> -> memref<20000x128xf32, #tpu.memory_space<hbm>>
        tpu.enqueue_indirect_dma source(%dma_start3A_502 : memref<20000x128xf32, #tpu.memory_space<hbm>>) target(%arg11 : memref<80x128xf32, #tpu.memory_space<vmem>>) offsets(%dma_start3A_499 : memref<80xi32, #tpu.memory_space<vmem>>) semaphore(%arg15 : memref<!tpu.dma_semaphore, #tpu.memory_space<semaphore_mem>>)
      } else {
      }
      %add3A_463 = arith.constant 3 : i32
      %add3A_464 = arith.addi %mul3A_378, %add3A_463 : i32
      %dma_wait3A_465 = arith.constant 0 : i32
      %dma_wait3A_466 = tpu.memref_slice %arg7[%add3A_464, %dma_wait3A_465] : memref<32x80xi32, #tpu.memory_space<vmem>> -> memref<1x80xi32, #tpu.memory_space<vmem>>
      %dma_wait3A_467 = tpu.memref_squeeze %dma_wait3A_466 : memref<1x80xi32, #tpu.memory_space<vmem>> -> memref<80xi32, #tpu.memory_space<vmem>>
      %dma_wait3A_468 = arith.constant 0 : i32
      %dma_wait3A_469 = arith.constant 0 : i32
      %dma_wait3A_470 = tpu.memref_slice %arg2[%dma_wait3A_468, %dma_wait3A_469] : memref<20000x128xf32, #tpu.memory_space<hbm>> -> memref<20000x128xf32, #tpu.memory_space<hbm>>
      tpu.wait_indirect_dma semaphore(%arg16 : memref<!tpu.dma_semaphore, #tpu.memory_space<semaphore_mem>>) src(%dma_wait3A_470 : memref<20000x128xf32, #tpu.memory_space<hbm>>) dst(%arg12 : memref<80x128xf32, #tpu.memory_space<vmem>>)
      %add3A_471 = arith.constant 3 : i32
      %add3A_472 = arith.addi %mul3A_378, %add3A_471 : i32
      %dma_start3A_473 = arith.constant 0 : i32
      %dma_start3A_474 = tpu.memref_slice %arg8[%add3A_472, %dma_start3A_473] : memref<32x80xi32, #tpu.memory_space<vmem>> -> memref<1x80xi32, #tpu.memory_space<vmem>>
      %dma_start3A_475 = tpu.memref_squeeze %dma_start3A_474 : memref<1x80xi32, #tpu.memory_space<vmem>> -> memref<80xi32, #tpu.memory_space<vmem>>
      %dma_start3A_476 = arith.constant 0 : i32
      %dma_start3A_477 = arith.constant 0 : i32
      %dma_start3A_478 = tpu.memref_slice %arg18[%dma_start3A_476, %dma_start3A_477] : memref<10240x128xf32, #tpu.memory_space<vmem_shared>> -> memref<10240x128xf32, #tpu.memory_space<vmem_shared>>
      tpu.enqueue_indirect_dma source(%arg12 : memref<80x128xf32, #tpu.memory_space<vmem>>) target(%dma_start3A_478 : memref<10240x128xf32, #tpu.memory_space<vmem_shared>>) offsets(%dma_start3A_475 : memref<80xi32, #tpu.memory_space<vmem>>) semaphore(%arg17 : memref<!tpu.dma_semaphore, #tpu.memory_space<semaphore_mem>>) {add = true}
      %add3A_479 = arith.constant 3 : i32
      %add3A_480 = arith.addi %mul3A_378, %add3A_479 : i32
      %dma_wait3A_481 = arith.constant 0 : i32
      %dma_wait3A_482 = tpu.memref_slice %arg8[%add3A_480, %dma_wait3A_481] : memref<32x80xi32, #tpu.memory_space<vmem>> -> memref<1x80xi32, #tpu.memory_space<vmem>>
      %dma_wait3A_483 = tpu.memref_squeeze %dma_wait3A_482 : memref<1x80xi32, #tpu.memory_space<vmem>> -> memref<80xi32, #tpu.memory_space<vmem>>
      %dma_wait3A_484 = arith.constant 0 : i32
      %dma_wait3A_485 = arith.constant 0 : i32
      %dma_wait3A_486 = tpu.memref_slice %arg18[%dma_wait3A_484, %dma_wait3A_485] : memref<10240x128xf32, #tpu.memory_space<vmem_shared>> -> memref<10240x128xf32, #tpu.memory_space<vmem_shared>>
      tpu.wait_indirect_dma semaphore(%arg17 : memref<!tpu.dma_semaphore, #tpu.memory_space<semaphore_mem>>) src(%arg12 : memref<80x128xf32, #tpu.memory_space<vmem>>) dst(%dma_wait3A_486 : memref<10240x128xf32, #tpu.memory_space<vmem_shared>>)
      %lt3A_487 = arith.constant 7 : i32
      %lt3A_488 = arith.cmpi slt, %scan3A_375, %lt3A_487 : i32
      %convert_element_type3A_489 = arith.extui %lt3A_488 : i1 to i32
      %cond3A_490 = arith.constant 0 : i32
      %cond3A_491 = arith.cmpi ne, %convert_element_type3A_489, %cond3A_490 : i32
      scf.if %cond3A_491 {
        %add3A_493 = arith.constant 3 : i32
        %add3A_494 = arith.addi %mul3A_378, %add3A_493 : i32
        %add3A_495 = arith.constant 4 : i32
        %add3A_496 = arith.addi %add3A_494, %add3A_495 : i32
        %dma_start3A_497 = arith.constant 0 : i32
        %dma_start3A_498 = tpu.memref_slice %arg7[%add3A_496, %dma_start3A_497] : memref<32x80xi32, #tpu.memory_space<vmem>> -> memref<1x80xi32, #tpu.memory_space<vmem>>
        %dma_start3A_499 = tpu.memref_squeeze %dma_start3A_498 : memref<1x80xi32, #tpu.memory_space<vmem>> -> memref<80xi32, #tpu.memory_space<vmem>>
        %dma_start3A_500 = arith.constant 0 : i32
        %dma_start3A_501 = arith.constant 0 : i32
        %dma_start3A_502 = tpu.memref_slice %arg2[%dma_start3A_500, %dma_start3A_501] : memref<20000x128xf32, #tpu.memory_space<hbm>> -> memref<20000x128xf32, #tpu.memory_space<hbm>>
        tpu.enqueue_indirect_dma source(%dma_start3A_502 : memref<20000x128xf32, #tpu.memory_space<hbm>>) target(%arg12 : memref<80x128xf32, #tpu.memory_space<vmem>>) offsets(%dma_start3A_499 : memref<80xi32, #tpu.memory_space<vmem>>) semaphore(%arg16 : memref<!tpu.dma_semaphore, #tpu.memory_space<semaphore_mem>>)
      } else {
      }
      %scan3A_492 = arith.constant 0 : i32
      scf.yield %scan3A_492 : i32
    }
    %scan3A_239 = arith.constant 8 : i32
    %barrier3A_240 = arith.constant 0 : index
    tpu.barrier barrier_id(%barrier3A_240)
    "tpu.region"() ({
      %run_scoped3A = tpu.sem_alloc : memref<!tpu.dma_semaphore, #tpu.memory_space<semaphore_mem>>
      %dma_start3A_375 = arith.constant 0 : i32
      %dma_start3A_376 = tpu.memref_slice %arg5[%arg0, %mul3A_0, %dma_start3A_375] : memref<2x10240x128xf32, #tpu.memory_space<hbm>> -> memref<1x640x128xf32, #tpu.memory_space<hbm>>
      %dma_start3A_377 = tpu.memref_squeeze %dma_start3A_376 : memref<1x640x128xf32, #tpu.memory_space<hbm>> -> memref<640x128xf32, #tpu.memory_space<hbm>>
      %dma_start3A_378 = arith.constant 0 : i32
      %dma_start3A_379 = tpu.memref_slice %arg18[%mul3A_0, %dma_start3A_378] : memref<10240x128xf32, #tpu.memory_space<vmem_shared>> -> memref<640x128xf32, #tpu.memory_space<vmem_shared>>
      tpu.enqueue_dma source(%dma_start3A_379 : memref<640x128xf32, #tpu.memory_space<vmem_shared>>) target(%dma_start3A_377 : memref<640x128xf32, #tpu.memory_space<hbm>>) target_semaphore(%run_scoped3A : memref<!tpu.dma_semaphore, #tpu.memory_space<semaphore_mem>>)
      %dma_wait3A_380 = arith.constant 0 : i32
      %dma_wait3A_381 = tpu.memref_slice %arg5[%arg0, %mul3A_0, %dma_wait3A_380] : memref<2x10240x128xf32, #tpu.memory_space<hbm>> -> memref<1x640x128xf32, #tpu.memory_space<hbm>>
      %dma_wait3A_382 = tpu.memref_squeeze %dma_wait3A_381 : memref<1x640x128xf32, #tpu.memory_space<hbm>> -> memref<640x128xf32, #tpu.memory_space<hbm>>
      %dma_wait3A_383 = arith.constant 0 : i32
      %dma_wait3A_384 = tpu.memref_slice %arg18[%mul3A_0, %dma_wait3A_383] : memref<10240x128xf32, #tpu.memory_space<vmem_shared>> -> memref<640x128xf32, #tpu.memory_space<vmem_shared>>
      tpu.wait_dma2 semaphore(%run_scoped3A : memref<!tpu.dma_semaphore, #tpu.memory_space<semaphore_mem>>) src(%dma_wait3A_384 : memref<640x128xf32, #tpu.memory_space<vmem_shared>>) dst(%dma_wait3A_382 : memref<640x128xf32, #tpu.memory_space<hbm>>)
      tpu.yield
    }) : () -> ()
    %scan3A_241 = arith.constant 0 : i32
    %scan3A_242 = arith.constant 0 : i32
    %scan3A_243 = arith.constant 640 : i32
    %scan3A_244 = arith.addi %scan3A_242, %scan3A_243 : i32
    %scan3A_245 = arith.constant 1 : i32
    %scan3A_246 = scf.for %scan3A_375 = %scan3A_242 to %scan3A_244 step %scan3A_245 iter_args(%scan3A_376 = %scan3A_241) -> (i32)  : i32 {
      %broadcast_in_dim3A = arith.constant 0.000000e+00 : f32
      %broadcast_in_dim3A_377 = vector.broadcast %broadcast_in_dim3A : f32 to vector<16xf32>
      %jit3A = arith.constant 8 : i32
      %div3A = arith.divsi %scan3A_375, %jit3A : i32
      %sign3A = arith.constant 0 : i32
      %sign3A_378 = arith.cmpi sgt, %scan3A_375, %sign3A : i32
      %sign3A_379 = arith.extui %sign3A_378 : i1 to i32
      %sign3A_380 = arith.constant 0 : i32
      %sign3A_381 = arith.cmpi slt, %scan3A_375, %sign3A_380 : i32
      %sign3A_382 = arith.extui %sign3A_381 : i1 to i32
      %sign3A_383 = arith.subi %sign3A_379, %sign3A_382 : i32
      %sign3A_384 = arith.constant 0 : i32
      %sign3A_385 = arith.cmpi sgt, %jit3A, %sign3A_384 : i32
      %sign3A_386 = arith.extui %sign3A_385 : i1 to i32
      %sign3A_387 = arith.constant 0 : i32
      %sign3A_388 = arith.cmpi slt, %jit3A, %sign3A_387 : i32
      %sign3A_389 = arith.extui %sign3A_388 : i1 to i32
      %sign3A_390 = arith.subi %sign3A_386, %sign3A_389 : i32
      %ne3A = arith.cmpi ne, %sign3A_383, %sign3A_390 : i32
      %rem3A = arith.remsi %scan3A_375, %jit3A : i32
      %ne3A_391 = arith.constant 0 : i32
      %ne3A_392 = arith.cmpi ne, %rem3A, %ne3A_391 : i32
      %and3A = arith.andi %ne3A, %ne3A_392 : i1
      %sub3A = arith.constant 1 : i32
      %sub3A_393 = arith.subi %div3A, %sub3A : i32
      %select_n3A = arith.select %and3A, %sub3A_393, %div3A : i32
      %jit3A_394 = arith.constant 8 : i32
      %eq3A = arith.constant 0 : i32
      %eq3A_395 = arith.cmpi eq, %jit3A_394, %eq3A : i32
      %jit3A_396 = arith.constant 1 : i32
      %select_n3A_397 = arith.select %eq3A_395, %jit3A_396, %jit3A_394 : i32
      %rem3A_398 = arith.remsi %scan3A_375, %select_n3A_397 : i32
      %ne3A_399 = arith.constant 0 : i32
      %ne3A_400 = arith.cmpi ne, %rem3A_398, %ne3A_399 : i32
      %lt3A = arith.constant 0 : i32
      %lt3A_401 = arith.cmpi slt, %rem3A_398, %lt3A : i32
      %lt3A_402 = arith.constant 0 : i32
      %lt3A_403 = arith.cmpi slt, %select_n3A_397, %lt3A_402 : i32
      %ne3A_404 = arith.xori %lt3A_401, %lt3A_403 : i1
      %and3A_405 = arith.andi %ne3A_404, %ne3A_400 : i1
      %add3A_406 = arith.addi %rem3A_398, %select_n3A_397 : i32
      %select_n3A_407 = arith.select %and3A_405, %add3A_406, %rem3A_398 : i32
      %mul3A_408 = arith.constant 16 : i32
      %mul3A_409 = arith.muli %select_n3A_407, %mul3A_408 : i32
      %swap3A = arith.index_cast %select_n3A : i32 to index
      %swap3A_410 = arith.index_cast %mul3A_409 : i32 to index
      %swap3A_411 = tpu.vector_load %arg9[%swap3A, %swap3A_410] {strides = array<i32>} : memref<80x128xf32, #tpu.memory_space<vmem>>, vector<1x16xf32>,
      %swap3A_412 = vector.shape_cast %swap3A_411 : vector<1x16xf32> to vector<16xf32>
      %swap3A_413 = vector.shape_cast %broadcast_in_dim3A_377 : vector<16xf32> to vector<1x16xf32>
      tpu.vector_store %arg9[%swap3A, %swap3A_410], %swap3A_413 {strides = array<i32>} : memref<80x128xf32, #tpu.memory_space<vmem>>, vector<1x16xf32>,
      %scan3A_414 = arith.constant 0 : i32
      scf.yield %scan3A_414 : i32
    }
    %scan3A_247 = arith.constant 640 : i32
    %add3A_248 = arith.constant 0 : i32
    %add3A_249 = arith.addi %mul3A_0, %add3A_248 : i32
    %dma_start3A_250 = arith.constant 0 : i32
    %dma_start3A_251 = tpu.memref_slice %arg18[%add3A_249, %dma_start3A_250] : memref<10240x128xf32, #tpu.memory_space<vmem_shared>> -> memref<80x128xf32, #tpu.memory_space<vmem_shared>>
    %dma_start3A_252 = arith.constant 0 : i32
    %dma_start3A_253 = tpu.memref_slice %arg18[%add3A_249, %dma_start3A_252] : memref<10240x128xf32, #tpu.memory_space<vmem_shared>> -> memref<80x128xf32, #tpu.memory_space<vmem_shared>>
    tpu.enqueue_dma source(%arg9 : memref<80x128xf32, #tpu.memory_space<vmem>>) target(%dma_start3A_253 : memref<80x128xf32, #tpu.memory_space<vmem_shared>>) target_semaphore(%arg17 : memref<!tpu.dma_semaphore, #tpu.memory_space<semaphore_mem>>)
    %add3A_254 = arith.constant 80 : i32
    %add3A_255 = arith.addi %mul3A_0, %add3A_254 : i32
    %dma_start3A_256 = arith.constant 0 : i32
    %dma_start3A_257 = tpu.memref_slice %arg18[%add3A_255, %dma_start3A_256] : memref<10240x128xf32, #tpu.memory_space<vmem_shared>> -> memref<80x128xf32, #tpu.memory_space<vmem_shared>>
    %dma_start3A_258 = arith.constant 0 : i32
    %dma_start3A_259 = tpu.memref_slice %arg18[%add3A_255, %dma_start3A_258] : memref<10240x128xf32, #tpu.memory_space<vmem_shared>> -> memref<80x128xf32, #tpu.memory_space<vmem_shared>>
    tpu.enqueue_dma source(%arg9 : memref<80x128xf32, #tpu.memory_space<vmem>>) target(%dma_start3A_259 : memref<80x128xf32, #tpu.memory_space<vmem_shared>>) target_semaphore(%arg17 : memref<!tpu.dma_semaphore, #tpu.memory_space<semaphore_mem>>)
    %add3A_260 = arith.constant 160 : i32
    %add3A_261 = arith.addi %mul3A_0, %add3A_260 : i32
    %dma_start3A_262 = arith.constant 0 : i32
    %dma_start3A_263 = tpu.memref_slice %arg18[%add3A_261, %dma_start3A_262] : memref<10240x128xf32, #tpu.memory_space<vmem_shared>> -> memref<80x128xf32, #tpu.memory_space<vmem_shared>>
    %dma_start3A_264 = arith.constant 0 : i32
    %dma_start3A_265 = tpu.memref_slice %arg18[%add3A_261, %dma_start3A_264] : memref<10240x128xf32, #tpu.memory_space<vmem_shared>> -> memref<80x128xf32, #tpu.memory_space<vmem_shared>>
    tpu.enqueue_dma source(%arg9 : memref<80x128xf32, #tpu.memory_space<vmem>>) target(%dma_start3A_265 : memref<80x128xf32, #tpu.memory_space<vmem_shared>>) target_semaphore(%arg17 : memref<!tpu.dma_semaphore, #tpu.memory_space<semaphore_mem>>)
    %add3A_266 = arith.constant 240 : i32
    %add3A_267 = arith.addi %mul3A_0, %add3A_266 : i32
    %dma_start3A_268 = arith.constant 0 : i32
    %dma_start3A_269 = tpu.memref_slice %arg18[%add3A_267, %dma_start3A_268] : memref<10240x128xf32, #tpu.memory_space<vmem_shared>> -> memref<80x128xf32, #tpu.memory_space<vmem_shared>>
    %dma_start3A_270 = arith.constant 0 : i32
    %dma_start3A_271 = tpu.memref_slice %arg18[%add3A_267, %dma_start3A_270] : memref<10240x128xf32, #tpu.memory_space<vmem_shared>> -> memref<80x128xf32, #tpu.memory_space<vmem_shared>>
    tpu.enqueue_dma source(%arg9 : memref<80x128xf32, #tpu.memory_space<vmem>>) target(%dma_start3A_271 : memref<80x128xf32, #tpu.memory_space<vmem_shared>>) target_semaphore(%arg17 : memref<!tpu.dma_semaphore, #tpu.memory_space<semaphore_mem>>)
    %add3A_272 = arith.constant 320 : i32
    %add3A_273 = arith.addi %mul3A_0, %add3A_272 : i32
    %dma_start3A_274 = arith.constant 0 : i32
    %dma_start3A_275 = tpu.memref_slice %arg18[%add3A_273, %dma_start3A_274] : memref<10240x128xf32, #tpu.memory_space<vmem_shared>> -> memref<80x128xf32, #tpu.memory_space<vmem_shared>>
    %dma_start3A_276 = arith.constant 0 : i32
    %dma_start3A_277 = tpu.memref_slice %arg18[%add3A_273, %dma_start3A_276] : memref<10240x128xf32, #tpu.memory_space<vmem_shared>> -> memref<80x128xf32, #tpu.memory_space<vmem_shared>>
    tpu.enqueue_dma source(%arg9 : memref<80x128xf32, #tpu.memory_space<vmem>>) target(%dma_start3A_277 : memref<80x128xf32, #tpu.memory_space<vmem_shared>>) target_semaphore(%arg17 : memref<!tpu.dma_semaphore, #tpu.memory_space<semaphore_mem>>)
    %add3A_278 = arith.constant 400 : i32
    %add3A_279 = arith.addi %mul3A_0, %add3A_278 : i32
    %dma_start3A_280 = arith.constant 0 : i32
    %dma_start3A_281 = tpu.memref_slice %arg18[%add3A_279, %dma_start3A_280] : memref<10240x128xf32, #tpu.memory_space<vmem_shared>> -> memref<80x128xf32, #tpu.memory_space<vmem_shared>>
    %dma_start3A_282 = arith.constant 0 : i32
    %dma_start3A_283 = tpu.memref_slice %arg18[%add3A_279, %dma_start3A_282] : memref<10240x128xf32, #tpu.memory_space<vmem_shared>> -> memref<80x128xf32, #tpu.memory_space<vmem_shared>>
    tpu.enqueue_dma source(%arg9 : memref<80x128xf32, #tpu.memory_space<vmem>>) target(%dma_start3A_283 : memref<80x128xf32, #tpu.memory_space<vmem_shared>>) target_semaphore(%arg17 : memref<!tpu.dma_semaphore, #tpu.memory_space<semaphore_mem>>)
    %add3A_284 = arith.constant 480 : i32
    %add3A_285 = arith.addi %mul3A_0, %add3A_284 : i32
    %dma_start3A_286 = arith.constant 0 : i32
    %dma_start3A_287 = tpu.memref_slice %arg18[%add3A_285, %dma_start3A_286] : memref<10240x128xf32, #tpu.memory_space<vmem_shared>> -> memref<80x128xf32, #tpu.memory_space<vmem_shared>>
    %dma_start3A_288 = arith.constant 0 : i32
    %dma_start3A_289 = tpu.memref_slice %arg18[%add3A_285, %dma_start3A_288] : memref<10240x128xf32, #tpu.memory_space<vmem_shared>> -> memref<80x128xf32, #tpu.memory_space<vmem_shared>>
    tpu.enqueue_dma source(%arg9 : memref<80x128xf32, #tpu.memory_space<vmem>>) target(%dma_start3A_289 : memref<80x128xf32, #tpu.memory_space<vmem_shared>>) target_semaphore(%arg17 : memref<!tpu.dma_semaphore, #tpu.memory_space<semaphore_mem>>)
    %add3A_290 = arith.constant 560 : i32
    %add3A_291 = arith.addi %mul3A_0, %add3A_290 : i32
    %dma_start3A_292 = arith.constant 0 : i32
    %dma_start3A_293 = tpu.memref_slice %arg18[%add3A_291, %dma_start3A_292] : memref<10240x128xf32, #tpu.memory_space<vmem_shared>> -> memref<80x128xf32, #tpu.memory_space<vmem_shared>>
    %dma_start3A_294 = arith.constant 0 : i32
    %dma_start3A_295 = tpu.memref_slice %arg18[%add3A_291, %dma_start3A_294] : memref<10240x128xf32, #tpu.memory_space<vmem_shared>> -> memref<80x128xf32, #tpu.memory_space<vmem_shared>>
    tpu.enqueue_dma source(%arg9 : memref<80x128xf32, #tpu.memory_space<vmem>>) target(%dma_start3A_295 : memref<80x128xf32, #tpu.memory_space<vmem_shared>>) target_semaphore(%arg17 : memref<!tpu.dma_semaphore, #tpu.memory_space<semaphore_mem>>)
    %add3A_296 = arith.constant 0 : i32
    %add3A_297 = arith.addi %mul3A_0, %add3A_296 : i32
    %dma_wait3A_298 = arith.constant 0 : i32
    %dma_wait3A_299 = tpu.memref_slice %arg18[%add3A_297, %dma_wait3A_298] : memref<10240x128xf32, #tpu.memory_space<vmem_shared>> -> memref<80x128xf32, #tpu.memory_space<vmem_shared>>
    %dma_wait3A_300 = arith.constant 0 : i32
    %dma_wait3A_301 = tpu.memref_slice %arg18[%add3A_297, %dma_wait3A_300] : memref<10240x128xf32, #tpu.memory_space<vmem_shared>> -> memref<80x128xf32, #tpu.memory_space<vmem_shared>>
    tpu.wait_dma2 semaphore(%arg17 : memref<!tpu.dma_semaphore, #tpu.memory_space<semaphore_mem>>) src(%arg9 : memref<80x128xf32, #tpu.memory_space<vmem>>) dst(%dma_wait3A_301 : memref<80x128xf32, #tpu.memory_space<vmem_shared>>)
    %add3A_302 = arith.constant 80 : i32
    %add3A_303 = arith.addi %mul3A_0, %add3A_302 : i32
    %dma_wait3A_304 = arith.constant 0 : i32
    %dma_wait3A_305 = tpu.memref_slice %arg18[%add3A_303, %dma_wait3A_304] : memref<10240x128xf32, #tpu.memory_space<vmem_shared>> -> memref<80x128xf32, #tpu.memory_space<vmem_shared>>
    %dma_wait3A_306 = arith.constant 0 : i32
    %dma_wait3A_307 = tpu.memref_slice %arg18[%add3A_303, %dma_wait3A_306] : memref<10240x128xf32, #tpu.memory_space<vmem_shared>> -> memref<80x128xf32, #tpu.memory_space<vmem_shared>>
    tpu.wait_dma2 semaphore(%arg17 : memref<!tpu.dma_semaphore, #tpu.memory_space<semaphore_mem>>) src(%arg9 : memref<80x128xf32, #tpu.memory_space<vmem>>) dst(%dma_wait3A_307 : memref<80x128xf32, #tpu.memory_space<vmem_shared>>)
    %add3A_308 = arith.constant 160 : i32
    %add3A_309 = arith.addi %mul3A_0, %add3A_308 : i32
    %dma_wait3A_310 = arith.constant 0 : i32
    %dma_wait3A_311 = tpu.memref_slice %arg18[%add3A_309, %dma_wait3A_310] : memref<10240x128xf32, #tpu.memory_space<vmem_shared>> -> memref<80x128xf32, #tpu.memory_space<vmem_shared>>
    %dma_wait3A_312 = arith.constant 0 : i32
    %dma_wait3A_313 = tpu.memref_slice %arg18[%add3A_309, %dma_wait3A_312] : memref<10240x128xf32, #tpu.memory_space<vmem_shared>> -> memref<80x128xf32, #tpu.memory_space<vmem_shared>>
    tpu.wait_dma2 semaphore(%arg17 : memref<!tpu.dma_semaphore, #tpu.memory_space<semaphore_mem>>) src(%arg9 : memref<80x128xf32, #tpu.memory_space<vmem>>) dst(%dma_wait3A_313 : memref<80x128xf32, #tpu.memory_space<vmem_shared>>)
    %add3A_314 = arith.constant 240 : i32
    %add3A_315 = arith.addi %mul3A_0, %add3A_314 : i32
    %dma_wait3A_316 = arith.constant 0 : i32
    %dma_wait3A_317 = tpu.memref_slice %arg18[%add3A_315, %dma_wait3A_316] : memref<10240x128xf32, #tpu.memory_space<vmem_shared>> -> memref<80x128xf32, #tpu.memory_space<vmem_shared>>
    %dma_wait3A_318 = arith.constant 0 : i32
    %dma_wait3A_319 = tpu.memref_slice %arg18[%add3A_315, %dma_wait3A_318] : memref<10240x128xf32, #tpu.memory_space<vmem_shared>> -> memref<80x128xf32, #tpu.memory_space<vmem_shared>>
    tpu.wait_dma2 semaphore(%arg17 : memref<!tpu.dma_semaphore, #tpu.memory_space<semaphore_mem>>) src(%arg9 : memref<80x128xf32, #tpu.memory_space<vmem>>) dst(%dma_wait3A_319 : memref<80x128xf32, #tpu.memory_space<vmem_shared>>)
    %add3A_320 = arith.constant 320 : i32
    %add3A_321 = arith.addi %mul3A_0, %add3A_320 : i32
    %dma_wait3A_322 = arith.constant 0 : i32
    %dma_wait3A_323 = tpu.memref_slice %arg18[%add3A_321, %dma_wait3A_322] : memref<10240x128xf32, #tpu.memory_space<vmem_shared>> -> memref<80x128xf32, #tpu.memory_space<vmem_shared>>
    %dma_wait3A_324 = arith.constant 0 : i32
    %dma_wait3A_325 = tpu.memref_slice %arg18[%add3A_321, %dma_wait3A_324] : memref<10240x128xf32, #tpu.memory_space<vmem_shared>> -> memref<80x128xf32, #tpu.memory_space<vmem_shared>>
    tpu.wait_dma2 semaphore(%arg17 : memref<!tpu.dma_semaphore, #tpu.memory_space<semaphore_mem>>) src(%arg9 : memref<80x128xf32, #tpu.memory_space<vmem>>) dst(%dma_wait3A_325 : memref<80x128xf32, #tpu.memory_space<vmem_shared>>)
    %add3A_326 = arith.constant 400 : i32
    %add3A_327 = arith.addi %mul3A_0, %add3A_326 : i32
    %dma_wait3A_328 = arith.constant 0 : i32
    %dma_wait3A_329 = tpu.memref_slice %arg18[%add3A_327, %dma_wait3A_328] : memref<10240x128xf32, #tpu.memory_space<vmem_shared>> -> memref<80x128xf32, #tpu.memory_space<vmem_shared>>
    %dma_wait3A_330 = arith.constant 0 : i32
    %dma_wait3A_331 = tpu.memref_slice %arg18[%add3A_327, %dma_wait3A_330] : memref<10240x128xf32, #tpu.memory_space<vmem_shared>> -> memref<80x128xf32, #tpu.memory_space<vmem_shared>>
    tpu.wait_dma2 semaphore(%arg17 : memref<!tpu.dma_semaphore, #tpu.memory_space<semaphore_mem>>) src(%arg9 : memref<80x128xf32, #tpu.memory_space<vmem>>) dst(%dma_wait3A_331 : memref<80x128xf32, #tpu.memory_space<vmem_shared>>)
    %add3A_332 = arith.constant 480 : i32
    %add3A_333 = arith.addi %mul3A_0, %add3A_332 : i32
    %dma_wait3A_334 = arith.constant 0 : i32
    %dma_wait3A_335 = tpu.memref_slice %arg18[%add3A_333, %dma_wait3A_334] : memref<10240x128xf32, #tpu.memory_space<vmem_shared>> -> memref<80x128xf32, #tpu.memory_space<vmem_shared>>
    %dma_wait3A_336 = arith.constant 0 : i32
    %dma_wait3A_337 = tpu.memref_slice %arg18[%add3A_333, %dma_wait3A_336] : memref<10240x128xf32, #tpu.memory_space<vmem_shared>> -> memref<80x128xf32, #tpu.memory_space<vmem_shared>>
    tpu.wait_dma2 semaphore(%arg17 : memref<!tpu.dma_semaphore, #tpu.memory_space<semaphore_mem>>) src(%arg9 : memref<80x128xf32, #tpu.memory_space<vmem>>) dst(%dma_wait3A_337 : memref<80x128xf32, #tpu.memory_space<vmem_shared>>)
    %add3A_338 = arith.constant 560 : i32
    %add3A_339 = arith.addi %mul3A_0, %add3A_338 : i32
    %dma_wait3A_340 = arith.constant 0 : i32
    %dma_wait3A_341 = tpu.memref_slice %arg18[%add3A_339, %dma_wait3A_340] : memref<10240x128xf32, #tpu.memory_space<vmem_shared>> -> memref<80x128xf32, #tpu.memory_space<vmem_shared>>
    %dma_wait3A_342 = arith.constant 0 : i32
    %dma_wait3A_343 = tpu.memref_slice %arg18[%add3A_339, %dma_wait3A_342] : memref<10240x128xf32, #tpu.memory_space<vmem_shared>> -> memref<80x128xf32, #tpu.memory_space<vmem_shared>>
    tpu.wait_dma2 semaphore(%arg17 : memref<!tpu.dma_semaphore, #tpu.memory_space<semaphore_mem>>) src(%arg9 : memref<80x128xf32, #tpu.memory_space<vmem>>) dst(%dma_wait3A_343 : memref<80x128xf32, #tpu.memory_space<vmem_shared>>)
    %scan3A_344 = arith.constant 0 : i32
    %scan3A_345 = arith.constant 0 : i32
    %scan3A_346 = arith.constant 640 : i32
    %scan3A_347 = arith.addi %scan3A_345, %scan3A_346 : i32
    %scan3A_348 = arith.constant 1 : i32
    %scan3A_349 = scf.for %scan3A_375 = %scan3A_345 to %scan3A_347 step %scan3A_348 iter_args(%scan3A_376 = %scan3A_344) -> (i32)  : i32 {
      %broadcast_in_dim3A = arith.constant 1.000000e+00 : f32
      %broadcast_in_dim3A_377 = vector.broadcast %broadcast_in_dim3A : f32 to vector<16xf32>
      %jit3A = arith.constant 8 : i32
      %div3A = arith.divsi %scan3A_375, %jit3A : i32
      %sign3A = arith.constant 0 : i32
      %sign3A_378 = arith.cmpi sgt, %scan3A_375, %sign3A : i32
      %sign3A_379 = arith.extui %sign3A_378 : i1 to i32
      %sign3A_380 = arith.constant 0 : i32
      %sign3A_381 = arith.cmpi slt, %scan3A_375, %sign3A_380 : i32
      %sign3A_382 = arith.extui %sign3A_381 : i1 to i32
      %sign3A_383 = arith.subi %sign3A_379, %sign3A_382 : i32
      %sign3A_384 = arith.constant 0 : i32
      %sign3A_385 = arith.cmpi sgt, %jit3A, %sign3A_384 : i32
      %sign3A_386 = arith.extui %sign3A_385 : i1 to i32
      %sign3A_387 = arith.constant 0 : i32
      %sign3A_388 = arith.cmpi slt, %jit3A, %sign3A_387 : i32
      %sign3A_389 = arith.extui %sign3A_388 : i1 to i32
      %sign3A_390 = arith.subi %sign3A_386, %sign3A_389 : i32
      %ne3A = arith.cmpi ne, %sign3A_383, %sign3A_390 : i32
      %rem3A = arith.remsi %scan3A_375, %jit3A : i32
      %ne3A_391 = arith.constant 0 : i32
      %ne3A_392 = arith.cmpi ne, %rem3A, %ne3A_391 : i32
      %and3A = arith.andi %ne3A, %ne3A_392 : i1
      %sub3A = arith.constant 1 : i32
      %sub3A_393 = arith.subi %div3A, %sub3A : i32
      %select_n3A = arith.select %and3A, %sub3A_393, %div3A : i32
      %jit3A_394 = arith.constant 8 : i32
      %eq3A = arith.constant 0 : i32
      %eq3A_395 = arith.cmpi eq, %jit3A_394, %eq3A : i32
      %jit3A_396 = arith.constant 1 : i32
      %select_n3A_397 = arith.select %eq3A_395, %jit3A_396, %jit3A_394 : i32
      %rem3A_398 = arith.remsi %scan3A_375, %select_n3A_397 : i32
      %ne3A_399 = arith.constant 0 : i32
      %ne3A_400 = arith.cmpi ne, %rem3A_398, %ne3A_399 : i32
      %lt3A = arith.constant 0 : i32
      %lt3A_401 = arith.cmpi slt, %rem3A_398, %lt3A : i32
      %lt3A_402 = arith.constant 0 : i32
      %lt3A_403 = arith.cmpi slt, %select_n3A_397, %lt3A_402 : i32
      %ne3A_404 = arith.xori %lt3A_401, %lt3A_403 : i1
      %and3A_405 = arith.andi %ne3A_404, %ne3A_400 : i1
      %add3A_406 = arith.addi %rem3A_398, %select_n3A_397 : i32
      %select_n3A_407 = arith.select %and3A_405, %add3A_406, %rem3A_398 : i32
      %mul3A_408 = arith.constant 16 : i32
      %mul3A_409 = arith.muli %select_n3A_407, %mul3A_408 : i32
      %swap3A = arith.index_cast %select_n3A : i32 to index
      %swap3A_410 = arith.index_cast %mul3A_409 : i32 to index
      %swap3A_411 = tpu.vector_load %arg9[%swap3A, %swap3A_410] {strides = array<i32>} : memref<80x128xf32, #tpu.memory_space<vmem>>, vector<1x16xf32>,
      %swap3A_412 = vector.shape_cast %swap3A_411 : vector<1x16xf32> to vector<16xf32>
      %swap3A_413 = vector.shape_cast %broadcast_in_dim3A_377 : vector<16xf32> to vector<1x16xf32>
      tpu.vector_store %arg9[%swap3A, %swap3A_410], %swap3A_413 {strides = array<i32>} : memref<80x128xf32, #tpu.memory_space<vmem>>, vector<1x16xf32>,
      %scan3A_414 = arith.constant 0 : i32
      scf.yield %scan3A_414 : i32
    }
    %scan3A_350 = arith.constant 640 : i32
    %barrier3A_351 = arith.constant 0 : index
    tpu.barrier barrier_id(%barrier3A_351)
    %mul3A_352 = arith.constant 64 : i32
    %mul3A_353 = arith.muli %arg0, %mul3A_352 : i32
    %add3A_354 = arith.constant 0 : i32
    %add3A_355 = arith.addi %mul3A_353, %add3A_354 : i32
    "tpu.region"() ({
      %run_scoped3A = tpu.sem_alloc : memref<!tpu.dma_semaphore, #tpu.memory_space<semaphore_mem>>
      %dma_start3A_375 = arith.constant 0 : i32
      %dma_start3A_376 = tpu.memref_slice %arg4[%arg1, %add3A_355, %dma_start3A_375] : memref<16x128x80xi32, #tpu.memory_space<hbm>> -> memref<1x32x80xi32, #tpu.memory_space<hbm>>
      %dma_start3A_377 = tpu.memref_squeeze %dma_start3A_376 : memref<1x32x80xi32, #tpu.memory_space<hbm>> -> memref<32x80xi32, #tpu.memory_space<hbm>>
      %dma_start3A_378 = arith.constant 0 : i32
      %dma_start3A_379 = tpu.memref_slice %arg4[%arg1, %add3A_355, %dma_start3A_378] : memref<16x128x80xi32, #tpu.memory_space<hbm>> -> memref<1x32x80xi32, #tpu.memory_space<hbm>>
      %dma_start3A_380 = tpu.memref_squeeze %dma_start3A_379 : memref<1x32x80xi32, #tpu.memory_space<hbm>> -> memref<32x80xi32, #tpu.memory_space<hbm>>
      tpu.enqueue_dma source(%dma_start3A_380 : memref<32x80xi32, #tpu.memory_space<hbm>>) target(%arg8 : memref<32x80xi32, #tpu.memory_space<vmem>>) target_semaphore(%run_scoped3A : memref<!tpu.dma_semaphore, #tpu.memory_space<semaphore_mem>>)
      %dma_wait3A_381 = arith.constant 0 : i32
      %dma_wait3A_382 = tpu.memref_slice %arg4[%arg1, %add3A_355, %dma_wait3A_381] : memref<16x128x80xi32, #tpu.memory_space<hbm>> -> memref<1x32x80xi32, #tpu.memory_space<hbm>>
      %dma_wait3A_383 = tpu.memref_squeeze %dma_wait3A_382 : memref<1x32x80xi32, #tpu.memory_space<hbm>> -> memref<32x80xi32, #tpu.memory_space<hbm>>
      %dma_wait3A_384 = arith.constant 0 : i32
      %dma_wait3A_385 = tpu.memref_slice %arg4[%arg1, %add3A_355, %dma_wait3A_384] : memref<16x128x80xi32, #tpu.memory_space<hbm>> -> memref<1x32x80xi32, #tpu.memory_space<hbm>>
      %dma_wait3A_386 = tpu.memref_squeeze %dma_wait3A_385 : memref<1x32x80xi32, #tpu.memory_space<hbm>> -> memref<32x80xi32, #tpu.memory_space<hbm>>
      tpu.wait_dma2 semaphore(%run_scoped3A : memref<!tpu.dma_semaphore, #tpu.memory_space<semaphore_mem>>) src(%dma_wait3A_386 : memref<32x80xi32, #tpu.memory_space<hbm>>) dst(%arg8 : memref<32x80xi32, #tpu.memory_space<vmem>>)
      tpu.yield
    }) : () -> ()
    %scan3A_356 = arith.constant 0 : i32
    %scan3A_357 = arith.constant 0 : i32
    %scan3A_358 = arith.constant 32 : i32
    %scan3A_359 = arith.addi %scan3A_357, %scan3A_358 : i32
    %scan3A_360 = arith.constant 1 : i32
    %scan3A_361 = scf.for %scan3A_375 = %scan3A_357 to %scan3A_359 step %scan3A_360 iter_args(%scan3A_376 = %scan3A_356) -> (i32)  : i32 {
      %dma_start3A_377 = arith.constant 0 : i32
      %dma_start3A_378 = tpu.memref_slice %arg8[%scan3A_375, %dma_start3A_377] : memref<32x80xi32, #tpu.memory_space<vmem>> -> memref<1x80xi32, #tpu.memory_space<vmem>>
      %dma_start3A_379 = tpu.memref_squeeze %dma_start3A_378 : memref<1x80xi32, #tpu.memory_space<vmem>> -> memref<80xi32, #tpu.memory_space<vmem>>
      %dma_start3A_380 = arith.constant 0 : i32
      %dma_start3A_381 = arith.constant 0 : i32
      %dma_start3A_382 = tpu.memref_slice %arg18[%dma_start3A_380, %dma_start3A_381] : memref<10240x128xf32, #tpu.memory_space<vmem_shared>> -> memref<10240x128xf32, #tpu.memory_space<vmem_shared>>
      tpu.enqueue_indirect_dma source(%arg9 : memref<80x128xf32, #tpu.memory_space<vmem>>) target(%dma_start3A_382 : memref<10240x128xf32, #tpu.memory_space<vmem_shared>>) offsets(%dma_start3A_379 : memref<80xi32, #tpu.memory_space<vmem>>) semaphore(%arg17 : memref<!tpu.dma_semaphore, #tpu.memory_space<semaphore_mem>>) {add = true}
      %dma_wait3A_383 = arith.constant 0 : i32
      %dma_wait3A_384 = tpu.memref_slice %arg8[%scan3A_375, %dma_wait3A_383] : memref<32x80xi32, #tpu.memory_space<vmem>> -> memref<1x80xi32, #tpu.memory_space<vmem>>
      %dma_wait3A_385 = tpu.memref_squeeze %dma_wait3A_384 : memref<1x80xi32, #tpu.memory_space<vmem>> -> memref<80xi32, #tpu.memory_space<vmem>>
      %dma_wait3A_386 = arith.constant 0 : i32
      %dma_wait3A_387 = arith.constant 0 : i32
      %dma_wait3A_388 = tpu.memref_slice %arg18[%dma_wait3A_386, %dma_wait3A_387] : memref<10240x128xf32, #tpu.memory_space<vmem_shared>> -> memref<10240x128xf32, #tpu.memory_space<vmem_shared>>
      tpu.wait_indirect_dma semaphore(%arg17 : memref<!tpu.dma_semaphore, #tpu.memory_space<semaphore_mem>>) src(%arg9 : memref<80x128xf32, #tpu.memory_space<vmem>>) dst(%dma_wait3A_388 : memref<10240x128xf32, #tpu.memory_space<vmem_shared>>)
      %scan3A_389 = arith.constant 0 : i32
      scf.yield %scan3A_389 : i32
    }
    %scan3A_362 = arith.constant 32 : i32
    %mul3A_363 = arith.constant 64 : i32
    %mul3A_364 = arith.muli %arg0, %mul3A_363 : i32
    %add3A_365 = arith.constant 32 : i32
    %add3A_366 = arith.addi %mul3A_364, %add3A_365 : i32
    "tpu.region"() ({
      %run_scoped3A = tpu.sem_alloc : memref<!tpu.dma_semaphore, #tpu.memory_space<semaphore_mem>>
      %dma_start3A_375 = arith.constant 0 : i32
      %dma_start3A_376 = tpu.memref_slice %arg4[%arg1, %add3A_366, %dma_start3A_375] : memref<16x128x80xi32, #tpu.memory_space<hbm>> -> memref<1x32x80xi32, #tpu.memory_space<hbm>>
      %dma_start3A_377 = tpu.memref_squeeze %dma_start3A_376 : memref<1x32x80xi32, #tpu.memory_space<hbm>> -> memref<32x80xi32, #tpu.memory_space<hbm>>
      %dma_start3A_378 = arith.constant 0 : i32
      %dma_start3A_379 = tpu.memref_slice %arg4[%arg1, %add3A_366, %dma_start3A_378] : memref<16x128x80xi32, #tpu.memory_space<hbm>> -> memref<1x32x80xi32, #tpu.memory_space<hbm>>
      %dma_start3A_380 = tpu.memref_squeeze %dma_start3A_379 : memref<1x32x80xi32, #tpu.memory_space<hbm>> -> memref<32x80xi32, #tpu.memory_space<hbm>>
      tpu.enqueue_dma source(%dma_start3A_380 : memref<32x80xi32, #tpu.memory_space<hbm>>) target(%arg8 : memref<32x80xi32, #tpu.memory_space<vmem>>) target_semaphore(%run_scoped3A : memref<!tpu.dma_semaphore, #tpu.memory_space<semaphore_mem>>)
      %dma_wait3A_381 = arith.constant 0 : i32
      %dma_wait3A_382 = tpu.memref_slice %arg4[%arg1, %add3A_366, %dma_wait3A_381] : memref<16x128x80xi32, #tpu.memory_space<hbm>> -> memref<1x32x80xi32, #tpu.memory_space<hbm>>
      %dma_wait3A_383 = tpu.memref_squeeze %dma_wait3A_382 : memref<1x32x80xi32, #tpu.memory_space<hbm>> -> memref<32x80xi32, #tpu.memory_space<hbm>>
      %dma_wait3A_384 = arith.constant 0 : i32
      %dma_wait3A_385 = tpu.memref_slice %arg4[%arg1, %add3A_366, %dma_wait3A_384] : memref<16x128x80xi32, #tpu.memory_space<hbm>> -> memref<1x32x80xi32, #tpu.memory_space<hbm>>
      %dma_wait3A_386 = tpu.memref_squeeze %dma_wait3A_385 : memref<1x32x80xi32, #tpu.memory_space<hbm>> -> memref<32x80xi32, #tpu.memory_space<hbm>>
      tpu.wait_dma2 semaphore(%run_scoped3A : memref<!tpu.dma_semaphore, #tpu.memory_space<semaphore_mem>>) src(%dma_wait3A_386 : memref<32x80xi32, #tpu.memory_space<hbm>>) dst(%arg8 : memref<32x80xi32, #tpu.memory_space<vmem>>)
      tpu.yield
    }) : () -> ()
    %scan3A_367 = arith.constant 0 : i32
    %scan3A_368 = arith.constant 0 : i32
    %scan3A_369 = arith.constant 32 : i32
    %scan3A_370 = arith.addi %scan3A_368, %scan3A_369 : i32
    %scan3A_371 = arith.constant 1 : i32
    %scan3A_372 = scf.for %scan3A_375 = %scan3A_368 to %scan3A_370 step %scan3A_371 iter_args(%scan3A_376 = %scan3A_367) -> (i32)  : i32 {
      %dma_start3A_377 = arith.constant 0 : i32
      %dma_start3A_378 = tpu.memref_slice %arg8[%scan3A_375, %dma_start3A_377] : memref<32x80xi32, #tpu.memory_space<vmem>> -> memref<1x80xi32, #tpu.memory_space<vmem>>
      %dma_start3A_379 = tpu.memref_squeeze %dma_start3A_378 : memref<1x80xi32, #tpu.memory_space<vmem>> -> memref<80xi32, #tpu.memory_space<vmem>>
      %dma_start3A_380 = arith.constant 0 : i32
      %dma_start3A_381 = arith.constant 0 : i32
      %dma_start3A_382 = tpu.memref_slice %arg18[%dma_start3A_380, %dma_start3A_381] : memref<10240x128xf32, #tpu.memory_space<vmem_shared>> -> memref<10240x128xf32, #tpu.memory_space<vmem_shared>>
      tpu.enqueue_indirect_dma source(%arg9 : memref<80x128xf32, #tpu.memory_space<vmem>>) target(%dma_start3A_382 : memref<10240x128xf32, #tpu.memory_space<vmem_shared>>) offsets(%dma_start3A_379 : memref<80xi32, #tpu.memory_space<vmem>>) semaphore(%arg17 : memref<!tpu.dma_semaphore, #tpu.memory_space<semaphore_mem>>) {add = true}
      %dma_wait3A_383 = arith.constant 0 : i32
      %dma_wait3A_384 = tpu.memref_slice %arg8[%scan3A_375, %dma_wait3A_383] : memref<32x80xi32, #tpu.memory_space<vmem>> -> memref<1x80xi32, #tpu.memory_space<vmem>>
      %dma_wait3A_385 = tpu.memref_squeeze %dma_wait3A_384 : memref<1x80xi32, #tpu.memory_space<vmem>> -> memref<80xi32, #tpu.memory_space<vmem>>
      %dma_wait3A_386 = arith.constant 0 : i32
      %dma_wait3A_387 = arith.constant 0 : i32
      %dma_wait3A_388 = tpu.memref_slice %arg18[%dma_wait3A_386, %dma_wait3A_387] : memref<10240x128xf32, #tpu.memory_space<vmem_shared>> -> memref<10240x128xf32, #tpu.memory_space<vmem_shared>>
      tpu.wait_indirect_dma semaphore(%arg17 : memref<!tpu.dma_semaphore, #tpu.memory_space<semaphore_mem>>) src(%arg9 : memref<80x128xf32, #tpu.memory_space<vmem>>) dst(%dma_wait3A_388 : memref<10240x128xf32, #tpu.memory_space<vmem_shared>>)
      %scan3A_389 = arith.constant 0 : i32
      scf.yield %scan3A_389 : i32
    }
    %scan3A_373 = arith.constant 32 : i32
    %barrier3A_374 = arith.constant 0 : index
    tpu.barrier barrier_id(%barrier3A_374)
    "tpu.region"() ({
      %run_scoped3A = tpu.sem_alloc : memref<!tpu.dma_semaphore, #tpu.memory_space<semaphore_mem>>
      %dma_start3A_375 = arith.constant 0 : i32
      %dma_start3A_376 = tpu.memref_slice %arg6[%arg0, %mul3A_0, %dma_start3A_375] : memref<2x10240x128xf32, #tpu.memory_space<hbm>> -> memref<1x640x128xf32, #tpu.memory_space<hbm>>
      %dma_start3A_377 = tpu.memref_squeeze %dma_start3A_376 : memref<1x640x128xf32, #tpu.memory_space<hbm>> -> memref<640x128xf32, #tpu.memory_space<hbm>>
      %dma_start3A_378 = arith.constant 0 : i32
      %dma_start3A_379 = tpu.memref_slice %arg18[%mul3A_0, %dma_start3A_378] : memref<10240x128xf32, #tpu.memory_space<vmem_shared>> -> memref<640x128xf32, #tpu.memory_space<vmem_shared>>
      tpu.enqueue_dma source(%dma_start3A_379 : memref<640x128xf32, #tpu.memory_space<vmem_shared>>) target(%dma_start3A_377 : memref<640x128xf32, #tpu.memory_space<hbm>>) target_semaphore(%run_scoped3A : memref<!tpu.dma_semaphore, #tpu.memory_space<semaphore_mem>>)
      %dma_wait3A_380 = arith.constant 0 : i32
      %dma_wait3A_381 = tpu.memref_slice %arg6[%arg0, %mul3A_0, %dma_wait3A_380] : memref<2x10240x128xf32, #tpu.memory_space<hbm>> -> memref<1x640x128xf32, #tpu.memory_space<hbm>>
      %dma_wait3A_382 = tpu.memref_squeeze %dma_wait3A_381 : memref<1x640x128xf32, #tpu.memory_space<hbm>> -> memref<640x128xf32, #tpu.memory_space<hbm>>
      %dma_wait3A_383 = arith.constant 0 : i32
      %dma_wait3A_384 = tpu.memref_slice %arg18[%mul3A_0, %dma_wait3A_383] : memref<10240x128xf32, #tpu.memory_space<vmem_shared>> -> memref<640x128xf32, #tpu.memory_space<vmem_shared>>
      tpu.wait_dma2 semaphore(%run_scoped3A : memref<!tpu.dma_semaphore, #tpu.memory_space<semaphore_mem>>) src(%dma_wait3A_384 : memref<640x128xf32, #tpu.memory_space<vmem_shared>>) dst(%dma_wait3A_382 : memref<640x128xf32, #tpu.memory_space<hbm>>)
      tpu.yield
    }) : () -> ()
    return
  }
}

#map = affine_map<(d0, d1) -> (0, 0)>
#map1 = affine_map<(d0, d1) -> (0, 0, 0, 0)>
#map2 = affine_map<(d0, d1) -> (0, 0, 0)>
module attributes {stable_mosaic.version = 14 : i64} {
  func.func @_sc_agg_body(%arg0: i32, %arg1: i32, %arg2: memref<20480x128xf32, #tpu.memory_space<hbm>>, %arg3: memref<2x16x128x80xi32, #tpu.memory_space<hbm>>, %arg4: memref<16x128x80xi32, #tpu.memory_space<hbm>>, %arg5: memref<2x10240x128xf32, #tpu.memory_space<hbm>>, %arg6: memref<32x80xi32, #tpu.memory_space<vmem>>, %arg7: memref<32x80xi32, #tpu.memory_space<vmem>>, %arg8: memref<80x128xf32, #tpu.memory_space<vmem>>, %arg9: memref<80x128xf32, #tpu.memory_space<vmem>>, %arg10: memref<80x128xf32, #tpu.memory_space<vmem>>, %arg11: memref<80x128xf32, #tpu.memory_space<vmem>>, %arg12: memref<!tpu.dma_semaphore, #tpu.memory_space<semaphore_mem>>, %arg13: memref<!tpu.dma_semaphore, #tpu.memory_space<semaphore_mem>>, %arg14: memref<!tpu.dma_semaphore, #tpu.memory_space<semaphore_mem>>, %arg15: memref<!tpu.dma_semaphore, #tpu.memory_space<semaphore_mem>>, %arg16: memref<!tpu.dma_semaphore, #tpu.memory_space<semaphore_mem>>, %arg17: memref<10240x128xf32, #tpu.memory_space<vmem_shared>>) attributes {dimension_semantics = [#tpu.dimension_semantics<core_parallel>, #tpu.dimension_semantics<subcore_parallel>], iteration_bounds = array<i64: 2, 16>, scalar_prefetch = 0 : i64, scratch_operands = 12 : i64, tpu.core_type = #tpu.core_type<sc_vector_subcore>, window_params = [{transform_indices = #map}, {transform_indices = #map1}, {transform_indices = #map2}, {transform_indices = #map2}]} {
    %mul3A = arith.constant 640 : i32
    %mul3A_0 = arith.muli %arg1, %mul3A : i32
    %scan3A = arith.constant 0 : i32
    %scan3A_1 = arith.constant 0 : i32
    %scan3A_2 = arith.constant 640 : i32
    %scan3A_3 = arith.addi %scan3A_1, %scan3A_2 : i32
    %scan3A_4 = arith.constant 1 : i32
    %scan3A_5 = scf.for %scan3A_241 = %scan3A_1 to %scan3A_3 step %scan3A_4 iter_args(%scan3A_242 = %scan3A) -> (i32)  : i32 {
      %broadcast_in_dim3A = arith.constant 0.000000e+00 : f32
      %broadcast_in_dim3A_243 = vector.broadcast %broadcast_in_dim3A : f32 to vector<16xf32>
      %jit3A = arith.constant 8 : i32
      %div3A = arith.divsi %scan3A_241, %jit3A : i32
      %sign3A = arith.constant 0 : i32
      %sign3A_244 = arith.cmpi sgt, %scan3A_241, %sign3A : i32
      %sign3A_245 = arith.extui %sign3A_244 : i1 to i32
      %sign3A_246 = arith.constant 0 : i32
      %sign3A_247 = arith.cmpi slt, %scan3A_241, %sign3A_246 : i32
      %sign3A_248 = arith.extui %sign3A_247 : i1 to i32
      %sign3A_249 = arith.subi %sign3A_245, %sign3A_248 : i32
      %sign3A_250 = arith.constant 0 : i32
      %sign3A_251 = arith.cmpi sgt, %jit3A, %sign3A_250 : i32
      %sign3A_252 = arith.extui %sign3A_251 : i1 to i32
      %sign3A_253 = arith.constant 0 : i32
      %sign3A_254 = arith.cmpi slt, %jit3A, %sign3A_253 : i32
      %sign3A_255 = arith.extui %sign3A_254 : i1 to i32
      %sign3A_256 = arith.subi %sign3A_252, %sign3A_255 : i32
      %ne3A = arith.cmpi ne, %sign3A_249, %sign3A_256 : i32
      %rem3A = arith.remsi %scan3A_241, %jit3A : i32
      %ne3A_257 = arith.constant 0 : i32
      %ne3A_258 = arith.cmpi ne, %rem3A, %ne3A_257 : i32
      %and3A = arith.andi %ne3A, %ne3A_258 : i1
      %sub3A = arith.constant 1 : i32
      %sub3A_259 = arith.subi %div3A, %sub3A : i32
      %select_n3A = arith.select %and3A, %sub3A_259, %div3A : i32
      %jit3A_260 = arith.constant 8 : i32
      %eq3A = arith.constant 0 : i32
      %eq3A_261 = arith.cmpi eq, %jit3A_260, %eq3A : i32
      %jit3A_262 = arith.constant 1 : i32
      %select_n3A_263 = arith.select %eq3A_261, %jit3A_262, %jit3A_260 : i32
      %rem3A_264 = arith.remsi %scan3A_241, %select_n3A_263 : i32
      %ne3A_265 = arith.constant 0 : i32
      %ne3A_266 = arith.cmpi ne, %rem3A_264, %ne3A_265 : i32
      %lt3A = arith.constant 0 : i32
      %lt3A_267 = arith.cmpi slt, %rem3A_264, %lt3A : i32
      %lt3A_268 = arith.constant 0 : i32
      %lt3A_269 = arith.cmpi slt, %select_n3A_263, %lt3A_268 : i32
      %ne3A_270 = arith.xori %lt3A_267, %lt3A_269 : i1
      %and3A_271 = arith.andi %ne3A_270, %ne3A_266 : i1
      %add3A_272 = arith.addi %rem3A_264, %select_n3A_263 : i32
      %select_n3A_273 = arith.select %and3A_271, %add3A_272, %rem3A_264 : i32
      %mul3A_274 = arith.constant 16 : i32
      %mul3A_275 = arith.muli %select_n3A_273, %mul3A_274 : i32
      %swap3A = arith.index_cast %select_n3A : i32 to index
      %swap3A_276 = arith.index_cast %mul3A_275 : i32 to index
      %swap3A_277 = tpu.vector_load %arg8[%swap3A, %swap3A_276] {strides = array<i32>} : memref<80x128xf32, #tpu.memory_space<vmem>>, vector<1x16xf32>,
      %swap3A_278 = vector.shape_cast %swap3A_277 : vector<1x16xf32> to vector<16xf32>
      %swap3A_279 = vector.shape_cast %broadcast_in_dim3A_243 : vector<16xf32> to vector<1x16xf32>
      tpu.vector_store %arg8[%swap3A, %swap3A_276], %swap3A_279 {strides = array<i32>} : memref<80x128xf32, #tpu.memory_space<vmem>>, vector<1x16xf32>,
      %scan3A_280 = arith.constant 0 : i32
      scf.yield %scan3A_280 : i32
    }
    %scan3A_6 = arith.constant 640 : i32
    %add3A = arith.constant 0 : i32
    %add3A_7 = arith.addi %mul3A_0, %add3A : i32
    %dma_start3A = arith.constant 0 : i32
    %dma_start3A_8 = tpu.memref_slice %arg17[%add3A_7, %dma_start3A] : memref<10240x128xf32, #tpu.memory_space<vmem_shared>> -> memref<80x128xf32, #tpu.memory_space<vmem_shared>>
    %dma_start3A_9 = arith.constant 0 : i32
    %dma_start3A_10 = tpu.memref_slice %arg17[%add3A_7, %dma_start3A_9] : memref<10240x128xf32, #tpu.memory_space<vmem_shared>> -> memref<80x128xf32, #tpu.memory_space<vmem_shared>>
    tpu.enqueue_dma source(%arg8 : memref<80x128xf32, #tpu.memory_space<vmem>>) target(%dma_start3A_10 : memref<80x128xf32, #tpu.memory_space<vmem_shared>>) target_semaphore(%arg16 : memref<!tpu.dma_semaphore, #tpu.memory_space<semaphore_mem>>)
    %add3A_11 = arith.constant 80 : i32
    %add3A_12 = arith.addi %mul3A_0, %add3A_11 : i32
    %dma_start3A_13 = arith.constant 0 : i32
    %dma_start3A_14 = tpu.memref_slice %arg17[%add3A_12, %dma_start3A_13] : memref<10240x128xf32, #tpu.memory_space<vmem_shared>> -> memref<80x128xf32, #tpu.memory_space<vmem_shared>>
    %dma_start3A_15 = arith.constant 0 : i32
    %dma_start3A_16 = tpu.memref_slice %arg17[%add3A_12, %dma_start3A_15] : memref<10240x128xf32, #tpu.memory_space<vmem_shared>> -> memref<80x128xf32, #tpu.memory_space<vmem_shared>>
    tpu.enqueue_dma source(%arg8 : memref<80x128xf32, #tpu.memory_space<vmem>>) target(%dma_start3A_16 : memref<80x128xf32, #tpu.memory_space<vmem_shared>>) target_semaphore(%arg16 : memref<!tpu.dma_semaphore, #tpu.memory_space<semaphore_mem>>)
    %add3A_17 = arith.constant 160 : i32
    %add3A_18 = arith.addi %mul3A_0, %add3A_17 : i32
    %dma_start3A_19 = arith.constant 0 : i32
    %dma_start3A_20 = tpu.memref_slice %arg17[%add3A_18, %dma_start3A_19] : memref<10240x128xf32, #tpu.memory_space<vmem_shared>> -> memref<80x128xf32, #tpu.memory_space<vmem_shared>>
    %dma_start3A_21 = arith.constant 0 : i32
    %dma_start3A_22 = tpu.memref_slice %arg17[%add3A_18, %dma_start3A_21] : memref<10240x128xf32, #tpu.memory_space<vmem_shared>> -> memref<80x128xf32, #tpu.memory_space<vmem_shared>>
    tpu.enqueue_dma source(%arg8 : memref<80x128xf32, #tpu.memory_space<vmem>>) target(%dma_start3A_22 : memref<80x128xf32, #tpu.memory_space<vmem_shared>>) target_semaphore(%arg16 : memref<!tpu.dma_semaphore, #tpu.memory_space<semaphore_mem>>)
    %add3A_23 = arith.constant 240 : i32
    %add3A_24 = arith.addi %mul3A_0, %add3A_23 : i32
    %dma_start3A_25 = arith.constant 0 : i32
    %dma_start3A_26 = tpu.memref_slice %arg17[%add3A_24, %dma_start3A_25] : memref<10240x128xf32, #tpu.memory_space<vmem_shared>> -> memref<80x128xf32, #tpu.memory_space<vmem_shared>>
    %dma_start3A_27 = arith.constant 0 : i32
    %dma_start3A_28 = tpu.memref_slice %arg17[%add3A_24, %dma_start3A_27] : memref<10240x128xf32, #tpu.memory_space<vmem_shared>> -> memref<80x128xf32, #tpu.memory_space<vmem_shared>>
    tpu.enqueue_dma source(%arg8 : memref<80x128xf32, #tpu.memory_space<vmem>>) target(%dma_start3A_28 : memref<80x128xf32, #tpu.memory_space<vmem_shared>>) target_semaphore(%arg16 : memref<!tpu.dma_semaphore, #tpu.memory_space<semaphore_mem>>)
    %add3A_29 = arith.constant 320 : i32
    %add3A_30 = arith.addi %mul3A_0, %add3A_29 : i32
    %dma_start3A_31 = arith.constant 0 : i32
    %dma_start3A_32 = tpu.memref_slice %arg17[%add3A_30, %dma_start3A_31] : memref<10240x128xf32, #tpu.memory_space<vmem_shared>> -> memref<80x128xf32, #tpu.memory_space<vmem_shared>>
    %dma_start3A_33 = arith.constant 0 : i32
    %dma_start3A_34 = tpu.memref_slice %arg17[%add3A_30, %dma_start3A_33] : memref<10240x128xf32, #tpu.memory_space<vmem_shared>> -> memref<80x128xf32, #tpu.memory_space<vmem_shared>>
    tpu.enqueue_dma source(%arg8 : memref<80x128xf32, #tpu.memory_space<vmem>>) target(%dma_start3A_34 : memref<80x128xf32, #tpu.memory_space<vmem_shared>>) target_semaphore(%arg16 : memref<!tpu.dma_semaphore, #tpu.memory_space<semaphore_mem>>)
    %add3A_35 = arith.constant 400 : i32
    %add3A_36 = arith.addi %mul3A_0, %add3A_35 : i32
    %dma_start3A_37 = arith.constant 0 : i32
    %dma_start3A_38 = tpu.memref_slice %arg17[%add3A_36, %dma_start3A_37] : memref<10240x128xf32, #tpu.memory_space<vmem_shared>> -> memref<80x128xf32, #tpu.memory_space<vmem_shared>>
    %dma_start3A_39 = arith.constant 0 : i32
    %dma_start3A_40 = tpu.memref_slice %arg17[%add3A_36, %dma_start3A_39] : memref<10240x128xf32, #tpu.memory_space<vmem_shared>> -> memref<80x128xf32, #tpu.memory_space<vmem_shared>>
    tpu.enqueue_dma source(%arg8 : memref<80x128xf32, #tpu.memory_space<vmem>>) target(%dma_start3A_40 : memref<80x128xf32, #tpu.memory_space<vmem_shared>>) target_semaphore(%arg16 : memref<!tpu.dma_semaphore, #tpu.memory_space<semaphore_mem>>)
    %add3A_41 = arith.constant 480 : i32
    %add3A_42 = arith.addi %mul3A_0, %add3A_41 : i32
    %dma_start3A_43 = arith.constant 0 : i32
    %dma_start3A_44 = tpu.memref_slice %arg17[%add3A_42, %dma_start3A_43] : memref<10240x128xf32, #tpu.memory_space<vmem_shared>> -> memref<80x128xf32, #tpu.memory_space<vmem_shared>>
    %dma_start3A_45 = arith.constant 0 : i32
    %dma_start3A_46 = tpu.memref_slice %arg17[%add3A_42, %dma_start3A_45] : memref<10240x128xf32, #tpu.memory_space<vmem_shared>> -> memref<80x128xf32, #tpu.memory_space<vmem_shared>>
    tpu.enqueue_dma source(%arg8 : memref<80x128xf32, #tpu.memory_space<vmem>>) target(%dma_start3A_46 : memref<80x128xf32, #tpu.memory_space<vmem_shared>>) target_semaphore(%arg16 : memref<!tpu.dma_semaphore, #tpu.memory_space<semaphore_mem>>)
    %add3A_47 = arith.constant 560 : i32
    %add3A_48 = arith.addi %mul3A_0, %add3A_47 : i32
    %dma_start3A_49 = arith.constant 0 : i32
    %dma_start3A_50 = tpu.memref_slice %arg17[%add3A_48, %dma_start3A_49] : memref<10240x128xf32, #tpu.memory_space<vmem_shared>> -> memref<80x128xf32, #tpu.memory_space<vmem_shared>>
    %dma_start3A_51 = arith.constant 0 : i32
    %dma_start3A_52 = tpu.memref_slice %arg17[%add3A_48, %dma_start3A_51] : memref<10240x128xf32, #tpu.memory_space<vmem_shared>> -> memref<80x128xf32, #tpu.memory_space<vmem_shared>>
    tpu.enqueue_dma source(%arg8 : memref<80x128xf32, #tpu.memory_space<vmem>>) target(%dma_start3A_52 : memref<80x128xf32, #tpu.memory_space<vmem_shared>>) target_semaphore(%arg16 : memref<!tpu.dma_semaphore, #tpu.memory_space<semaphore_mem>>)
    %add3A_53 = arith.constant 0 : i32
    %add3A_54 = arith.addi %mul3A_0, %add3A_53 : i32
    %dma_wait3A = arith.constant 0 : i32
    %dma_wait3A_55 = tpu.memref_slice %arg17[%add3A_54, %dma_wait3A] : memref<10240x128xf32, #tpu.memory_space<vmem_shared>> -> memref<80x128xf32, #tpu.memory_space<vmem_shared>>
    %dma_wait3A_56 = arith.constant 0 : i32
    %dma_wait3A_57 = tpu.memref_slice %arg17[%add3A_54, %dma_wait3A_56] : memref<10240x128xf32, #tpu.memory_space<vmem_shared>> -> memref<80x128xf32, #tpu.memory_space<vmem_shared>>
    tpu.wait_dma2 semaphore(%arg16 : memref<!tpu.dma_semaphore, #tpu.memory_space<semaphore_mem>>) src(%arg8 : memref<80x128xf32, #tpu.memory_space<vmem>>) dst(%dma_wait3A_57 : memref<80x128xf32, #tpu.memory_space<vmem_shared>>)
    %add3A_58 = arith.constant 80 : i32
    %add3A_59 = arith.addi %mul3A_0, %add3A_58 : i32
    %dma_wait3A_60 = arith.constant 0 : i32
    %dma_wait3A_61 = tpu.memref_slice %arg17[%add3A_59, %dma_wait3A_60] : memref<10240x128xf32, #tpu.memory_space<vmem_shared>> -> memref<80x128xf32, #tpu.memory_space<vmem_shared>>
    %dma_wait3A_62 = arith.constant 0 : i32
    %dma_wait3A_63 = tpu.memref_slice %arg17[%add3A_59, %dma_wait3A_62] : memref<10240x128xf32, #tpu.memory_space<vmem_shared>> -> memref<80x128xf32, #tpu.memory_space<vmem_shared>>
    tpu.wait_dma2 semaphore(%arg16 : memref<!tpu.dma_semaphore, #tpu.memory_space<semaphore_mem>>) src(%arg8 : memref<80x128xf32, #tpu.memory_space<vmem>>) dst(%dma_wait3A_63 : memref<80x128xf32, #tpu.memory_space<vmem_shared>>)
    %add3A_64 = arith.constant 160 : i32
    %add3A_65 = arith.addi %mul3A_0, %add3A_64 : i32
    %dma_wait3A_66 = arith.constant 0 : i32
    %dma_wait3A_67 = tpu.memref_slice %arg17[%add3A_65, %dma_wait3A_66] : memref<10240x128xf32, #tpu.memory_space<vmem_shared>> -> memref<80x128xf32, #tpu.memory_space<vmem_shared>>
    %dma_wait3A_68 = arith.constant 0 : i32
    %dma_wait3A_69 = tpu.memref_slice %arg17[%add3A_65, %dma_wait3A_68] : memref<10240x128xf32, #tpu.memory_space<vmem_shared>> -> memref<80x128xf32, #tpu.memory_space<vmem_shared>>
    tpu.wait_dma2 semaphore(%arg16 : memref<!tpu.dma_semaphore, #tpu.memory_space<semaphore_mem>>) src(%arg8 : memref<80x128xf32, #tpu.memory_space<vmem>>) dst(%dma_wait3A_69 : memref<80x128xf32, #tpu.memory_space<vmem_shared>>)
    %add3A_70 = arith.constant 240 : i32
    %add3A_71 = arith.addi %mul3A_0, %add3A_70 : i32
    %dma_wait3A_72 = arith.constant 0 : i32
    %dma_wait3A_73 = tpu.memref_slice %arg17[%add3A_71, %dma_wait3A_72] : memref<10240x128xf32, #tpu.memory_space<vmem_shared>> -> memref<80x128xf32, #tpu.memory_space<vmem_shared>>
    %dma_wait3A_74 = arith.constant 0 : i32
    %dma_wait3A_75 = tpu.memref_slice %arg17[%add3A_71, %dma_wait3A_74] : memref<10240x128xf32, #tpu.memory_space<vmem_shared>> -> memref<80x128xf32, #tpu.memory_space<vmem_shared>>
    tpu.wait_dma2 semaphore(%arg16 : memref<!tpu.dma_semaphore, #tpu.memory_space<semaphore_mem>>) src(%arg8 : memref<80x128xf32, #tpu.memory_space<vmem>>) dst(%dma_wait3A_75 : memref<80x128xf32, #tpu.memory_space<vmem_shared>>)
    %add3A_76 = arith.constant 320 : i32
    %add3A_77 = arith.addi %mul3A_0, %add3A_76 : i32
    %dma_wait3A_78 = arith.constant 0 : i32
    %dma_wait3A_79 = tpu.memref_slice %arg17[%add3A_77, %dma_wait3A_78] : memref<10240x128xf32, #tpu.memory_space<vmem_shared>> -> memref<80x128xf32, #tpu.memory_space<vmem_shared>>
    %dma_wait3A_80 = arith.constant 0 : i32
    %dma_wait3A_81 = tpu.memref_slice %arg17[%add3A_77, %dma_wait3A_80] : memref<10240x128xf32, #tpu.memory_space<vmem_shared>> -> memref<80x128xf32, #tpu.memory_space<vmem_shared>>
    tpu.wait_dma2 semaphore(%arg16 : memref<!tpu.dma_semaphore, #tpu.memory_space<semaphore_mem>>) src(%arg8 : memref<80x128xf32, #tpu.memory_space<vmem>>) dst(%dma_wait3A_81 : memref<80x128xf32, #tpu.memory_space<vmem_shared>>)
    %add3A_82 = arith.constant 400 : i32
    %add3A_83 = arith.addi %mul3A_0, %add3A_82 : i32
    %dma_wait3A_84 = arith.constant 0 : i32
    %dma_wait3A_85 = tpu.memref_slice %arg17[%add3A_83, %dma_wait3A_84] : memref<10240x128xf32, #tpu.memory_space<vmem_shared>> -> memref<80x128xf32, #tpu.memory_space<vmem_shared>>
    %dma_wait3A_86 = arith.constant 0 : i32
    %dma_wait3A_87 = tpu.memref_slice %arg17[%add3A_83, %dma_wait3A_86] : memref<10240x128xf32, #tpu.memory_space<vmem_shared>> -> memref<80x128xf32, #tpu.memory_space<vmem_shared>>
    tpu.wait_dma2 semaphore(%arg16 : memref<!tpu.dma_semaphore, #tpu.memory_space<semaphore_mem>>) src(%arg8 : memref<80x128xf32, #tpu.memory_space<vmem>>) dst(%dma_wait3A_87 : memref<80x128xf32, #tpu.memory_space<vmem_shared>>)
    %add3A_88 = arith.constant 480 : i32
    %add3A_89 = arith.addi %mul3A_0, %add3A_88 : i32
    %dma_wait3A_90 = arith.constant 0 : i32
    %dma_wait3A_91 = tpu.memref_slice %arg17[%add3A_89, %dma_wait3A_90] : memref<10240x128xf32, #tpu.memory_space<vmem_shared>> -> memref<80x128xf32, #tpu.memory_space<vmem_shared>>
    %dma_wait3A_92 = arith.constant 0 : i32
    %dma_wait3A_93 = tpu.memref_slice %arg17[%add3A_89, %dma_wait3A_92] : memref<10240x128xf32, #tpu.memory_space<vmem_shared>> -> memref<80x128xf32, #tpu.memory_space<vmem_shared>>
    tpu.wait_dma2 semaphore(%arg16 : memref<!tpu.dma_semaphore, #tpu.memory_space<semaphore_mem>>) src(%arg8 : memref<80x128xf32, #tpu.memory_space<vmem>>) dst(%dma_wait3A_93 : memref<80x128xf32, #tpu.memory_space<vmem_shared>>)
    %add3A_94 = arith.constant 560 : i32
    %add3A_95 = arith.addi %mul3A_0, %add3A_94 : i32
    %dma_wait3A_96 = arith.constant 0 : i32
    %dma_wait3A_97 = tpu.memref_slice %arg17[%add3A_95, %dma_wait3A_96] : memref<10240x128xf32, #tpu.memory_space<vmem_shared>> -> memref<80x128xf32, #tpu.memory_space<vmem_shared>>
    %dma_wait3A_98 = arith.constant 0 : i32
    %dma_wait3A_99 = tpu.memref_slice %arg17[%add3A_95, %dma_wait3A_98] : memref<10240x128xf32, #tpu.memory_space<vmem_shared>> -> memref<80x128xf32, #tpu.memory_space<vmem_shared>>
    tpu.wait_dma2 semaphore(%arg16 : memref<!tpu.dma_semaphore, #tpu.memory_space<semaphore_mem>>) src(%arg8 : memref<80x128xf32, #tpu.memory_space<vmem>>) dst(%dma_wait3A_99 : memref<80x128xf32, #tpu.memory_space<vmem_shared>>)
    %barrier3A = arith.constant 0 : index
    tpu.barrier barrier_id(%barrier3A)
    "tpu.region"() ({
      %run_scoped3A = tpu.sem_alloc : memref<!tpu.dma_semaphore, #tpu.memory_space<semaphore_mem>>
      %dma_start3A_241 = arith.constant 0 : i32
      %dma_start3A_242 = arith.constant 0 : i32
      %dma_start3A_243 = tpu.memref_slice %arg3[%arg0, %arg1, %dma_start3A_241, %dma_start3A_242] : memref<2x16x128x80xi32, #tpu.memory_space<hbm>> -> memref<1x1x32x80xi32, #tpu.memory_space<hbm>>
      %dma_start3A_244 = tpu.memref_squeeze %dma_start3A_243 : memref<1x1x32x80xi32, #tpu.memory_space<hbm>> -> memref<32x80xi32, #tpu.memory_space<hbm>>
      %dma_start3A_245 = arith.constant 0 : i32
      %dma_start3A_246 = arith.constant 0 : i32
      %dma_start3A_247 = tpu.memref_slice %arg3[%arg0, %arg1, %dma_start3A_245, %dma_start3A_246] : memref<2x16x128x80xi32, #tpu.memory_space<hbm>> -> memref<1x1x32x80xi32, #tpu.memory_space<hbm>>
      %dma_start3A_248 = tpu.memref_squeeze %dma_start3A_247 : memref<1x1x32x80xi32, #tpu.memory_space<hbm>> -> memref<32x80xi32, #tpu.memory_space<hbm>>
      tpu.enqueue_dma source(%dma_start3A_248 : memref<32x80xi32, #tpu.memory_space<hbm>>) target(%arg6 : memref<32x80xi32, #tpu.memory_space<vmem>>) target_semaphore(%run_scoped3A : memref<!tpu.dma_semaphore, #tpu.memory_space<semaphore_mem>>)
      %dma_wait3A_249 = arith.constant 0 : i32
      %dma_wait3A_250 = arith.constant 0 : i32
      %dma_wait3A_251 = tpu.memref_slice %arg3[%arg0, %arg1, %dma_wait3A_249, %dma_wait3A_250] : memref<2x16x128x80xi32, #tpu.memory_space<hbm>> -> memref<1x1x32x80xi32, #tpu.memory_space<hbm>>
      %dma_wait3A_252 = tpu.memref_squeeze %dma_wait3A_251 : memref<1x1x32x80xi32, #tpu.memory_space<hbm>> -> memref<32x80xi32, #tpu.memory_space<hbm>>
      %dma_wait3A_253 = arith.constant 0 : i32
      %dma_wait3A_254 = arith.constant 0 : i32
      %dma_wait3A_255 = tpu.memref_slice %arg3[%arg0, %arg1, %dma_wait3A_253, %dma_wait3A_254] : memref<2x16x128x80xi32, #tpu.memory_space<hbm>> -> memref<1x1x32x80xi32, #tpu.memory_space<hbm>>
      %dma_wait3A_256 = tpu.memref_squeeze %dma_wait3A_255 : memref<1x1x32x80xi32, #tpu.memory_space<hbm>> -> memref<32x80xi32, #tpu.memory_space<hbm>>
      tpu.wait_dma2 semaphore(%run_scoped3A : memref<!tpu.dma_semaphore, #tpu.memory_space<semaphore_mem>>) src(%dma_wait3A_256 : memref<32x80xi32, #tpu.memory_space<hbm>>) dst(%arg6 : memref<32x80xi32, #tpu.memory_space<vmem>>)
      tpu.yield
    }) : () -> ()
    "tpu.region"() ({
      %run_scoped3A = tpu.sem_alloc : memref<!tpu.dma_semaphore, #tpu.memory_space<semaphore_mem>>
      %dma_start3A_241 = arith.constant 0 : i32
      %dma_start3A_242 = arith.constant 0 : i32
      %dma_start3A_243 = tpu.memref_slice %arg4[%arg1, %dma_start3A_241, %dma_start3A_242] : memref<16x128x80xi32, #tpu.memory_space<hbm>> -> memref<1x32x80xi32, #tpu.memory_space<hbm>>
      %dma_start3A_244 = tpu.memref_squeeze %dma_start3A_243 : memref<1x32x80xi32, #tpu.memory_space<hbm>> -> memref<32x80xi32, #tpu.memory_space<hbm>>
      %dma_start3A_245 = arith.constant 0 : i32
      %dma_start3A_246 = arith.constant 0 : i32
      %dma_start3A_247 = tpu.memref_slice %arg4[%arg1, %dma_start3A_245, %dma_start3A_246] : memref<16x128x80xi32, #tpu.memory_space<hbm>> -> memref<1x32x80xi32, #tpu.memory_space<hbm>>
      %dma_start3A_248 = tpu.memref_squeeze %dma_start3A_247 : memref<1x32x80xi32, #tpu.memory_space<hbm>> -> memref<32x80xi32, #tpu.memory_space<hbm>>
      tpu.enqueue_dma source(%dma_start3A_248 : memref<32x80xi32, #tpu.memory_space<hbm>>) target(%arg7 : memref<32x80xi32, #tpu.memory_space<vmem>>) target_semaphore(%run_scoped3A : memref<!tpu.dma_semaphore, #tpu.memory_space<semaphore_mem>>)
      %dma_wait3A_249 = arith.constant 0 : i32
      %dma_wait3A_250 = arith.constant 0 : i32
      %dma_wait3A_251 = tpu.memref_slice %arg4[%arg1, %dma_wait3A_249, %dma_wait3A_250] : memref<16x128x80xi32, #tpu.memory_space<hbm>> -> memref<1x32x80xi32, #tpu.memory_space<hbm>>
      %dma_wait3A_252 = tpu.memref_squeeze %dma_wait3A_251 : memref<1x32x80xi32, #tpu.memory_space<hbm>> -> memref<32x80xi32, #tpu.memory_space<hbm>>
      %dma_wait3A_253 = arith.constant 0 : i32
      %dma_wait3A_254 = arith.constant 0 : i32
      %dma_wait3A_255 = tpu.memref_slice %arg4[%arg1, %dma_wait3A_253, %dma_wait3A_254] : memref<16x128x80xi32, #tpu.memory_space<hbm>> -> memref<1x32x80xi32, #tpu.memory_space<hbm>>
      %dma_wait3A_256 = tpu.memref_squeeze %dma_wait3A_255 : memref<1x32x80xi32, #tpu.memory_space<hbm>> -> memref<32x80xi32, #tpu.memory_space<hbm>>
      tpu.wait_dma2 semaphore(%run_scoped3A : memref<!tpu.dma_semaphore, #tpu.memory_space<semaphore_mem>>) src(%dma_wait3A_256 : memref<32x80xi32, #tpu.memory_space<hbm>>) dst(%arg7 : memref<32x80xi32, #tpu.memory_space<vmem>>)
      tpu.yield
    }) : () -> ()
    %dma_start3A_100 = arith.constant 0 : i32
    %dma_start3A_101 = arith.constant 0 : i32
    %dma_start3A_102 = tpu.memref_slice %arg6[%dma_start3A_100, %dma_start3A_101] : memref<32x80xi32, #tpu.memory_space<vmem>> -> memref<1x80xi32, #tpu.memory_space<vmem>>
    %dma_start3A_103 = tpu.memref_squeeze %dma_start3A_102 : memref<1x80xi32, #tpu.memory_space<vmem>> -> memref<80xi32, #tpu.memory_space<vmem>>
    %dma_start3A_104 = arith.constant 0 : i32
    %dma_start3A_105 = arith.constant 0 : i32
    %dma_start3A_106 = tpu.memref_slice %arg2[%dma_start3A_104, %dma_start3A_105] : memref<20480x128xf32, #tpu.memory_space<hbm>> -> memref<20480x128xf32, #tpu.memory_space<hbm>>
    tpu.enqueue_indirect_dma source(%dma_start3A_106 : memref<20480x128xf32, #tpu.memory_space<hbm>>) target(%arg8 : memref<80x128xf32, #tpu.memory_space<vmem>>) offsets(%dma_start3A_103 : memref<80xi32, #tpu.memory_space<vmem>>) semaphore(%arg12 : memref<!tpu.dma_semaphore, #tpu.memory_space<semaphore_mem>>)
    %dma_start3A_107 = arith.constant 1 : i32
    %dma_start3A_108 = arith.constant 0 : i32
    %dma_start3A_109 = tpu.memref_slice %arg6[%dma_start3A_107, %dma_start3A_108] : memref<32x80xi32, #tpu.memory_space<vmem>> -> memref<1x80xi32, #tpu.memory_space<vmem>>
    %dma_start3A_110 = tpu.memref_squeeze %dma_start3A_109 : memref<1x80xi32, #tpu.memory_space<vmem>> -> memref<80xi32, #tpu.memory_space<vmem>>
    %dma_start3A_111 = arith.constant 0 : i32
    %dma_start3A_112 = arith.constant 0 : i32
    %dma_start3A_113 = tpu.memref_slice %arg2[%dma_start3A_111, %dma_start3A_112] : memref<20480x128xf32, #tpu.memory_space<hbm>> -> memref<20480x128xf32, #tpu.memory_space<hbm>>
    tpu.enqueue_indirect_dma source(%dma_start3A_113 : memref<20480x128xf32, #tpu.memory_space<hbm>>) target(%arg9 : memref<80x128xf32, #tpu.memory_space<vmem>>) offsets(%dma_start3A_110 : memref<80xi32, #tpu.memory_space<vmem>>) semaphore(%arg13 : memref<!tpu.dma_semaphore, #tpu.memory_space<semaphore_mem>>)
    %dma_start3A_114 = arith.constant 2 : i32
    %dma_start3A_115 = arith.constant 0 : i32
    %dma_start3A_116 = tpu.memref_slice %arg6[%dma_start3A_114, %dma_start3A_115] : memref<32x80xi32, #tpu.memory_space<vmem>> -> memref<1x80xi32, #tpu.memory_space<vmem>>
    %dma_start3A_117 = tpu.memref_squeeze %dma_start3A_116 : memref<1x80xi32, #tpu.memory_space<vmem>> -> memref<80xi32, #tpu.memory_space<vmem>>
    %dma_start3A_118 = arith.constant 0 : i32
    %dma_start3A_119 = arith.constant 0 : i32
    %dma_start3A_120 = tpu.memref_slice %arg2[%dma_start3A_118, %dma_start3A_119] : memref<20480x128xf32, #tpu.memory_space<hbm>> -> memref<20480x128xf32, #tpu.memory_space<hbm>>
    tpu.enqueue_indirect_dma source(%dma_start3A_120 : memref<20480x128xf32, #tpu.memory_space<hbm>>) target(%arg10 : memref<80x128xf32, #tpu.memory_space<vmem>>) offsets(%dma_start3A_117 : memref<80xi32, #tpu.memory_space<vmem>>) semaphore(%arg14 : memref<!tpu.dma_semaphore, #tpu.memory_space<semaphore_mem>>)
    %dma_start3A_121 = arith.constant 3 : i32
    %dma_start3A_122 = arith.constant 0 : i32
    %dma_start3A_123 = tpu.memref_slice %arg6[%dma_start3A_121, %dma_start3A_122] : memref<32x80xi32, #tpu.memory_space<vmem>> -> memref<1x80xi32, #tpu.memory_space<vmem>>
    %dma_start3A_124 = tpu.memref_squeeze %dma_start3A_123 : memref<1x80xi32, #tpu.memory_space<vmem>> -> memref<80xi32, #tpu.memory_space<vmem>>
    %dma_start3A_125 = arith.constant 0 : i32
    %dma_start3A_126 = arith.constant 0 : i32
    %dma_start3A_127 = tpu.memref_slice %arg2[%dma_start3A_125, %dma_start3A_126] : memref<20480x128xf32, #tpu.memory_space<hbm>> -> memref<20480x128xf32, #tpu.memory_space<hbm>>
    tpu.enqueue_indirect_dma source(%dma_start3A_127 : memref<20480x128xf32, #tpu.memory_space<hbm>>) target(%arg11 : memref<80x128xf32, #tpu.memory_space<vmem>>) offsets(%dma_start3A_124 : memref<80xi32, #tpu.memory_space<vmem>>) semaphore(%arg15 : memref<!tpu.dma_semaphore, #tpu.memory_space<semaphore_mem>>)
    %scan3A_128 = arith.constant 0 : i32
    %scan3A_129 = arith.constant 0 : i32
    %scan3A_130 = arith.constant 8 : i32
    %scan3A_131 = arith.addi %scan3A_129, %scan3A_130 : i32
    %scan3A_132 = arith.constant 1 : i32
    %scan3A_133 = scf.for %scan3A_241 = %scan3A_129 to %scan3A_131 step %scan3A_132 iter_args(%scan3A_242 = %scan3A_128) -> (i32)  : i32 {
      %mul3A_243 = arith.constant 4 : i32
      %mul3A_244 = arith.muli %mul3A_243, %scan3A_241 : i32
      %add3A_245 = arith.constant 0 : i32
      %add3A_246 = arith.addi %mul3A_244, %add3A_245 : i32
      %dma_wait3A_247 = arith.constant 0 : i32
      %dma_wait3A_248 = tpu.memref_slice %arg6[%add3A_246, %dma_wait3A_247] : memref<32x80xi32, #tpu.memory_space<vmem>> -> memref<1x80xi32, #tpu.memory_space<vmem>>
      %dma_wait3A_249 = tpu.memref_squeeze %dma_wait3A_248 : memref<1x80xi32, #tpu.memory_space<vmem>> -> memref<80xi32, #tpu.memory_space<vmem>>
      %dma_wait3A_250 = arith.constant 0 : i32
      %dma_wait3A_251 = arith.constant 0 : i32
      %dma_wait3A_252 = tpu.memref_slice %arg2[%dma_wait3A_250, %dma_wait3A_251] : memref<20480x128xf32, #tpu.memory_space<hbm>> -> memref<20480x128xf32, #tpu.memory_space<hbm>>
      tpu.wait_indirect_dma semaphore(%arg12 : memref<!tpu.dma_semaphore, #tpu.memory_space<semaphore_mem>>) src(%dma_wait3A_252 : memref<20480x128xf32, #tpu.memory_space<hbm>>) dst(%arg8 : memref<80x128xf32, #tpu.memory_space<vmem>>)
      %add3A_253 = arith.constant 0 : i32
      %add3A_254 = arith.addi %mul3A_244, %add3A_253 : i32
      %dma_start3A_255 = arith.constant 0 : i32
      %dma_start3A_256 = tpu.memref_slice %arg7[%add3A_254, %dma_start3A_255] : memref<32x80xi32, #tpu.memory_space<vmem>> -> memref<1x80xi32, #tpu.memory_space<vmem>>
      %dma_start3A_257 = tpu.memref_squeeze %dma_start3A_256 : memref<1x80xi32, #tpu.memory_space<vmem>> -> memref<80xi32, #tpu.memory_space<vmem>>
      %dma_start3A_258 = arith.constant 0 : i32
      %dma_start3A_259 = arith.constant 0 : i32
      %dma_start3A_260 = tpu.memref_slice %arg17[%dma_start3A_258, %dma_start3A_259] : memref<10240x128xf32, #tpu.memory_space<vmem_shared>> -> memref<10240x128xf32, #tpu.memory_space<vmem_shared>>
      tpu.enqueue_indirect_dma source(%arg8 : memref<80x128xf32, #tpu.memory_space<vmem>>) target(%dma_start3A_260 : memref<10240x128xf32, #tpu.memory_space<vmem_shared>>) offsets(%dma_start3A_257 : memref<80xi32, #tpu.memory_space<vmem>>) semaphore(%arg16 : memref<!tpu.dma_semaphore, #tpu.memory_space<semaphore_mem>>) {add = true}
      %add3A_261 = arith.constant 0 : i32
      %add3A_262 = arith.addi %mul3A_244, %add3A_261 : i32
      %dma_wait3A_263 = arith.constant 0 : i32
      %dma_wait3A_264 = tpu.memref_slice %arg7[%add3A_262, %dma_wait3A_263] : memref<32x80xi32, #tpu.memory_space<vmem>> -> memref<1x80xi32, #tpu.memory_space<vmem>>
      %dma_wait3A_265 = tpu.memref_squeeze %dma_wait3A_264 : memref<1x80xi32, #tpu.memory_space<vmem>> -> memref<80xi32, #tpu.memory_space<vmem>>
      %dma_wait3A_266 = arith.constant 0 : i32
      %dma_wait3A_267 = arith.constant 0 : i32
      %dma_wait3A_268 = tpu.memref_slice %arg17[%dma_wait3A_266, %dma_wait3A_267] : memref<10240x128xf32, #tpu.memory_space<vmem_shared>> -> memref<10240x128xf32, #tpu.memory_space<vmem_shared>>
      tpu.wait_indirect_dma semaphore(%arg16 : memref<!tpu.dma_semaphore, #tpu.memory_space<semaphore_mem>>) src(%arg8 : memref<80x128xf32, #tpu.memory_space<vmem>>) dst(%dma_wait3A_268 : memref<10240x128xf32, #tpu.memory_space<vmem_shared>>)
      %lt3A = arith.constant 7 : i32
      %lt3A_269 = arith.cmpi slt, %scan3A_241, %lt3A : i32
      %convert_element_type3A = arith.extui %lt3A_269 : i1 to i32
      %cond3A = arith.constant 0 : i32
      %cond3A_270 = arith.cmpi ne, %convert_element_type3A, %cond3A : i32
      scf.if %cond3A_270 {
        %add3A_359 = arith.constant 0 : i32
        %add3A_360 = arith.addi %mul3A_244, %add3A_359 : i32
        %add3A_361 = arith.constant 4 : i32
        %add3A_362 = arith.addi %add3A_360, %add3A_361 : i32
        %dma_start3A_363 = arith.constant 0 : i32
        %dma_start3A_364 = tpu.memref_slice %arg6[%add3A_362, %dma_start3A_363] : memref<32x80xi32, #tpu.memory_space<vmem>> -> memref<1x80xi32, #tpu.memory_space<vmem>>
        %dma_start3A_365 = tpu.memref_squeeze %dma_start3A_364 : memref<1x80xi32, #tpu.memory_space<vmem>> -> memref<80xi32, #tpu.memory_space<vmem>>
        %dma_start3A_366 = arith.constant 0 : i32
        %dma_start3A_367 = arith.constant 0 : i32
        %dma_start3A_368 = tpu.memref_slice %arg2[%dma_start3A_366, %dma_start3A_367] : memref<20480x128xf32, #tpu.memory_space<hbm>> -> memref<20480x128xf32, #tpu.memory_space<hbm>>
        tpu.enqueue_indirect_dma source(%dma_start3A_368 : memref<20480x128xf32, #tpu.memory_space<hbm>>) target(%arg8 : memref<80x128xf32, #tpu.memory_space<vmem>>) offsets(%dma_start3A_365 : memref<80xi32, #tpu.memory_space<vmem>>) semaphore(%arg12 : memref<!tpu.dma_semaphore, #tpu.memory_space<semaphore_mem>>)
      } else {
      }
      %add3A_271 = arith.constant 1 : i32
      %add3A_272 = arith.addi %mul3A_244, %add3A_271 : i32
      %dma_wait3A_273 = arith.constant 0 : i32
      %dma_wait3A_274 = tpu.memref_slice %arg6[%add3A_272, %dma_wait3A_273] : memref<32x80xi32, #tpu.memory_space<vmem>> -> memref<1x80xi32, #tpu.memory_space<vmem>>
      %dma_wait3A_275 = tpu.memref_squeeze %dma_wait3A_274 : memref<1x80xi32, #tpu.memory_space<vmem>> -> memref<80xi32, #tpu.memory_space<vmem>>
      %dma_wait3A_276 = arith.constant 0 : i32
      %dma_wait3A_277 = arith.constant 0 : i32
      %dma_wait3A_278 = tpu.memref_slice %arg2[%dma_wait3A_276, %dma_wait3A_277] : memref<20480x128xf32, #tpu.memory_space<hbm>> -> memref<20480x128xf32, #tpu.memory_space<hbm>>
      tpu.wait_indirect_dma semaphore(%arg13 : memref<!tpu.dma_semaphore, #tpu.memory_space<semaphore_mem>>) src(%dma_wait3A_278 : memref<20480x128xf32, #tpu.memory_space<hbm>>) dst(%arg9 : memref<80x128xf32, #tpu.memory_space<vmem>>)
      %add3A_279 = arith.constant 1 : i32
      %add3A_280 = arith.addi %mul3A_244, %add3A_279 : i32
      %dma_start3A_281 = arith.constant 0 : i32
      %dma_start3A_282 = tpu.memref_slice %arg7[%add3A_280, %dma_start3A_281] : memref<32x80xi32, #tpu.memory_space<vmem>> -> memref<1x80xi32, #tpu.memory_space<vmem>>
      %dma_start3A_283 = tpu.memref_squeeze %dma_start3A_282 : memref<1x80xi32, #tpu.memory_space<vmem>> -> memref<80xi32, #tpu.memory_space<vmem>>
      %dma_start3A_284 = arith.constant 0 : i32
      %dma_start3A_285 = arith.constant 0 : i32
      %dma_start3A_286 = tpu.memref_slice %arg17[%dma_start3A_284, %dma_start3A_285] : memref<10240x128xf32, #tpu.memory_space<vmem_shared>> -> memref<10240x128xf32, #tpu.memory_space<vmem_shared>>
      tpu.enqueue_indirect_dma source(%arg9 : memref<80x128xf32, #tpu.memory_space<vmem>>) target(%dma_start3A_286 : memref<10240x128xf32, #tpu.memory_space<vmem_shared>>) offsets(%dma_start3A_283 : memref<80xi32, #tpu.memory_space<vmem>>) semaphore(%arg16 : memref<!tpu.dma_semaphore, #tpu.memory_space<semaphore_mem>>) {add = true}
      %add3A_287 = arith.constant 1 : i32
      %add3A_288 = arith.addi %mul3A_244, %add3A_287 : i32
      %dma_wait3A_289 = arith.constant 0 : i32
      %dma_wait3A_290 = tpu.memref_slice %arg7[%add3A_288, %dma_wait3A_289] : memref<32x80xi32, #tpu.memory_space<vmem>> -> memref<1x80xi32, #tpu.memory_space<vmem>>
      %dma_wait3A_291 = tpu.memref_squeeze %dma_wait3A_290 : memref<1x80xi32, #tpu.memory_space<vmem>> -> memref<80xi32, #tpu.memory_space<vmem>>
      %dma_wait3A_292 = arith.constant 0 : i32
      %dma_wait3A_293 = arith.constant 0 : i32
      %dma_wait3A_294 = tpu.memref_slice %arg17[%dma_wait3A_292, %dma_wait3A_293] : memref<10240x128xf32, #tpu.memory_space<vmem_shared>> -> memref<10240x128xf32, #tpu.memory_space<vmem_shared>>
      tpu.wait_indirect_dma semaphore(%arg16 : memref<!tpu.dma_semaphore, #tpu.memory_space<semaphore_mem>>) src(%arg9 : memref<80x128xf32, #tpu.memory_space<vmem>>) dst(%dma_wait3A_294 : memref<10240x128xf32, #tpu.memory_space<vmem_shared>>)
      %lt3A_295 = arith.constant 7 : i32
      %lt3A_296 = arith.cmpi slt, %scan3A_241, %lt3A_295 : i32
      %convert_element_type3A_297 = arith.extui %lt3A_296 : i1 to i32
      %cond3A_298 = arith.constant 0 : i32
      %cond3A_299 = arith.cmpi ne, %convert_element_type3A_297, %cond3A_298 : i32
      scf.if %cond3A_299 {
        %add3A_359 = arith.constant 1 : i32
        %add3A_360 = arith.addi %mul3A_244, %add3A_359 : i32
        %add3A_361 = arith.constant 4 : i32
        %add3A_362 = arith.addi %add3A_360, %add3A_361 : i32
        %dma_start3A_363 = arith.constant 0 : i32
        %dma_start3A_364 = tpu.memref_slice %arg6[%add3A_362, %dma_start3A_363] : memref<32x80xi32, #tpu.memory_space<vmem>> -> memref<1x80xi32, #tpu.memory_space<vmem>>
        %dma_start3A_365 = tpu.memref_squeeze %dma_start3A_364 : memref<1x80xi32, #tpu.memory_space<vmem>> -> memref<80xi32, #tpu.memory_space<vmem>>
        %dma_start3A_366 = arith.constant 0 : i32
        %dma_start3A_367 = arith.constant 0 : i32
        %dma_start3A_368 = tpu.memref_slice %arg2[%dma_start3A_366, %dma_start3A_367] : memref<20480x128xf32, #tpu.memory_space<hbm>> -> memref<20480x128xf32, #tpu.memory_space<hbm>>
        tpu.enqueue_indirect_dma source(%dma_start3A_368 : memref<20480x128xf32, #tpu.memory_space<hbm>>) target(%arg9 : memref<80x128xf32, #tpu.memory_space<vmem>>) offsets(%dma_start3A_365 : memref<80xi32, #tpu.memory_space<vmem>>) semaphore(%arg13 : memref<!tpu.dma_semaphore, #tpu.memory_space<semaphore_mem>>)
      } else {
      }
      %add3A_300 = arith.constant 2 : i32
      %add3A_301 = arith.addi %mul3A_244, %add3A_300 : i32
      %dma_wait3A_302 = arith.constant 0 : i32
      %dma_wait3A_303 = tpu.memref_slice %arg6[%add3A_301, %dma_wait3A_302] : memref<32x80xi32, #tpu.memory_space<vmem>> -> memref<1x80xi32, #tpu.memory_space<vmem>>
      %dma_wait3A_304 = tpu.memref_squeeze %dma_wait3A_303 : memref<1x80xi32, #tpu.memory_space<vmem>> -> memref<80xi32, #tpu.memory_space<vmem>>
      %dma_wait3A_305 = arith.constant 0 : i32
      %dma_wait3A_306 = arith.constant 0 : i32
      %dma_wait3A_307 = tpu.memref_slice %arg2[%dma_wait3A_305, %dma_wait3A_306] : memref<20480x128xf32, #tpu.memory_space<hbm>> -> memref<20480x128xf32, #tpu.memory_space<hbm>>
      tpu.wait_indirect_dma semaphore(%arg14 : memref<!tpu.dma_semaphore, #tpu.memory_space<semaphore_mem>>) src(%dma_wait3A_307 : memref<20480x128xf32, #tpu.memory_space<hbm>>) dst(%arg10 : memref<80x128xf32, #tpu.memory_space<vmem>>)
      %add3A_308 = arith.constant 2 : i32
      %add3A_309 = arith.addi %mul3A_244, %add3A_308 : i32
      %dma_start3A_310 = arith.constant 0 : i32
      %dma_start3A_311 = tpu.memref_slice %arg7[%add3A_309, %dma_start3A_310] : memref<32x80xi32, #tpu.memory_space<vmem>> -> memref<1x80xi32, #tpu.memory_space<vmem>>
      %dma_start3A_312 = tpu.memref_squeeze %dma_start3A_311 : memref<1x80xi32, #tpu.memory_space<vmem>> -> memref<80xi32, #tpu.memory_space<vmem>>
      %dma_start3A_313 = arith.constant 0 : i32
      %dma_start3A_314 = arith.constant 0 : i32
      %dma_start3A_315 = tpu.memref_slice %arg17[%dma_start3A_313, %dma_start3A_314] : memref<10240x128xf32, #tpu.memory_space<vmem_shared>> -> memref<10240x128xf32, #tpu.memory_space<vmem_shared>>
      tpu.enqueue_indirect_dma source(%arg10 : memref<80x128xf32, #tpu.memory_space<vmem>>) target(%dma_start3A_315 : memref<10240x128xf32, #tpu.memory_space<vmem_shared>>) offsets(%dma_start3A_312 : memref<80xi32, #tpu.memory_space<vmem>>) semaphore(%arg16 : memref<!tpu.dma_semaphore, #tpu.memory_space<semaphore_mem>>) {add = true}
      %add3A_316 = arith.constant 2 : i32
      %add3A_317 = arith.addi %mul3A_244, %add3A_316 : i32
      %dma_wait3A_318 = arith.constant 0 : i32
      %dma_wait3A_319 = tpu.memref_slice %arg7[%add3A_317, %dma_wait3A_318] : memref<32x80xi32, #tpu.memory_space<vmem>> -> memref<1x80xi32, #tpu.memory_space<vmem>>
      %dma_wait3A_320 = tpu.memref_squeeze %dma_wait3A_319 : memref<1x80xi32, #tpu.memory_space<vmem>> -> memref<80xi32, #tpu.memory_space<vmem>>
      %dma_wait3A_321 = arith.constant 0 : i32
      %dma_wait3A_322 = arith.constant 0 : i32
      %dma_wait3A_323 = tpu.memref_slice %arg17[%dma_wait3A_321, %dma_wait3A_322] : memref<10240x128xf32, #tpu.memory_space<vmem_shared>> -> memref<10240x128xf32, #tpu.memory_space<vmem_shared>>
      tpu.wait_indirect_dma semaphore(%arg16 : memref<!tpu.dma_semaphore, #tpu.memory_space<semaphore_mem>>) src(%arg10 : memref<80x128xf32, #tpu.memory_space<vmem>>) dst(%dma_wait3A_323 : memref<10240x128xf32, #tpu.memory_space<vmem_shared>>)
      %lt3A_324 = arith.constant 7 : i32
      %lt3A_325 = arith.cmpi slt, %scan3A_241, %lt3A_324 : i32
      %convert_element_type3A_326 = arith.extui %lt3A_325 : i1 to i32
      %cond3A_327 = arith.constant 0 : i32
      %cond3A_328 = arith.cmpi ne, %convert_element_type3A_326, %cond3A_327 : i32
      scf.if %cond3A_328 {
        %add3A_359 = arith.constant 2 : i32
        %add3A_360 = arith.addi %mul3A_244, %add3A_359 : i32
        %add3A_361 = arith.constant 4 : i32
        %add3A_362 = arith.addi %add3A_360, %add3A_361 : i32
        %dma_start3A_363 = arith.constant 0 : i32
        %dma_start3A_364 = tpu.memref_slice %arg6[%add3A_362, %dma_start3A_363] : memref<32x80xi32, #tpu.memory_space<vmem>> -> memref<1x80xi32, #tpu.memory_space<vmem>>
        %dma_start3A_365 = tpu.memref_squeeze %dma_start3A_364 : memref<1x80xi32, #tpu.memory_space<vmem>> -> memref<80xi32, #tpu.memory_space<vmem>>
        %dma_start3A_366 = arith.constant 0 : i32
        %dma_start3A_367 = arith.constant 0 : i32
        %dma_start3A_368 = tpu.memref_slice %arg2[%dma_start3A_366, %dma_start3A_367] : memref<20480x128xf32, #tpu.memory_space<hbm>> -> memref<20480x128xf32, #tpu.memory_space<hbm>>
        tpu.enqueue_indirect_dma source(%dma_start3A_368 : memref<20480x128xf32, #tpu.memory_space<hbm>>) target(%arg10 : memref<80x128xf32, #tpu.memory_space<vmem>>) offsets(%dma_start3A_365 : memref<80xi32, #tpu.memory_space<vmem>>) semaphore(%arg14 : memref<!tpu.dma_semaphore, #tpu.memory_space<semaphore_mem>>)
      } else {
      }
      %add3A_329 = arith.constant 3 : i32
      %add3A_330 = arith.addi %mul3A_244, %add3A_329 : i32
      %dma_wait3A_331 = arith.constant 0 : i32
      %dma_wait3A_332 = tpu.memref_slice %arg6[%add3A_330, %dma_wait3A_331] : memref<32x80xi32, #tpu.memory_space<vmem>> -> memref<1x80xi32, #tpu.memory_space<vmem>>
      %dma_wait3A_333 = tpu.memref_squeeze %dma_wait3A_332 : memref<1x80xi32, #tpu.memory_space<vmem>> -> memref<80xi32, #tpu.memory_space<vmem>>
      %dma_wait3A_334 = arith.constant 0 : i32
      %dma_wait3A_335 = arith.constant 0 : i32
      %dma_wait3A_336 = tpu.memref_slice %arg2[%dma_wait3A_334, %dma_wait3A_335] : memref<20480x128xf32, #tpu.memory_space<hbm>> -> memref<20480x128xf32, #tpu.memory_space<hbm>>
      tpu.wait_indirect_dma semaphore(%arg15 : memref<!tpu.dma_semaphore, #tpu.memory_space<semaphore_mem>>) src(%dma_wait3A_336 : memref<20480x128xf32, #tpu.memory_space<hbm>>) dst(%arg11 : memref<80x128xf32, #tpu.memory_space<vmem>>)
      %add3A_337 = arith.constant 3 : i32
      %add3A_338 = arith.addi %mul3A_244, %add3A_337 : i32
      %dma_start3A_339 = arith.constant 0 : i32
      %dma_start3A_340 = tpu.memref_slice %arg7[%add3A_338, %dma_start3A_339] : memref<32x80xi32, #tpu.memory_space<vmem>> -> memref<1x80xi32, #tpu.memory_space<vmem>>
      %dma_start3A_341 = tpu.memref_squeeze %dma_start3A_340 : memref<1x80xi32, #tpu.memory_space<vmem>> -> memref<80xi32, #tpu.memory_space<vmem>>
      %dma_start3A_342 = arith.constant 0 : i32
      %dma_start3A_343 = arith.constant 0 : i32
      %dma_start3A_344 = tpu.memref_slice %arg17[%dma_start3A_342, %dma_start3A_343] : memref<10240x128xf32, #tpu.memory_space<vmem_shared>> -> memref<10240x128xf32, #tpu.memory_space<vmem_shared>>
      tpu.enqueue_indirect_dma source(%arg11 : memref<80x128xf32, #tpu.memory_space<vmem>>) target(%dma_start3A_344 : memref<10240x128xf32, #tpu.memory_space<vmem_shared>>) offsets(%dma_start3A_341 : memref<80xi32, #tpu.memory_space<vmem>>) semaphore(%arg16 : memref<!tpu.dma_semaphore, #tpu.memory_space<semaphore_mem>>) {add = true}
      %add3A_345 = arith.constant 3 : i32
      %add3A_346 = arith.addi %mul3A_244, %add3A_345 : i32
      %dma_wait3A_347 = arith.constant 0 : i32
      %dma_wait3A_348 = tpu.memref_slice %arg7[%add3A_346, %dma_wait3A_347] : memref<32x80xi32, #tpu.memory_space<vmem>> -> memref<1x80xi32, #tpu.memory_space<vmem>>
      %dma_wait3A_349 = tpu.memref_squeeze %dma_wait3A_348 : memref<1x80xi32, #tpu.memory_space<vmem>> -> memref<80xi32, #tpu.memory_space<vmem>>
      %dma_wait3A_350 = arith.constant 0 : i32
      %dma_wait3A_351 = arith.constant 0 : i32
      %dma_wait3A_352 = tpu.memref_slice %arg17[%dma_wait3A_350, %dma_wait3A_351] : memref<10240x128xf32, #tpu.memory_space<vmem_shared>> -> memref<10240x128xf32, #tpu.memory_space<vmem_shared>>
      tpu.wait_indirect_dma semaphore(%arg16 : memref<!tpu.dma_semaphore, #tpu.memory_space<semaphore_mem>>) src(%arg11 : memref<80x128xf32, #tpu.memory_space<vmem>>) dst(%dma_wait3A_352 : memref<10240x128xf32, #tpu.memory_space<vmem_shared>>)
      %lt3A_353 = arith.constant 7 : i32
      %lt3A_354 = arith.cmpi slt, %scan3A_241, %lt3A_353 : i32
      %convert_element_type3A_355 = arith.extui %lt3A_354 : i1 to i32
      %cond3A_356 = arith.constant 0 : i32
      %cond3A_357 = arith.cmpi ne, %convert_element_type3A_355, %cond3A_356 : i32
      scf.if %cond3A_357 {
        %add3A_359 = arith.constant 3 : i32
        %add3A_360 = arith.addi %mul3A_244, %add3A_359 : i32
        %add3A_361 = arith.constant 4 : i32
        %add3A_362 = arith.addi %add3A_360, %add3A_361 : i32
        %dma_start3A_363 = arith.constant 0 : i32
        %dma_start3A_364 = tpu.memref_slice %arg6[%add3A_362, %dma_start3A_363] : memref<32x80xi32, #tpu.memory_space<vmem>> -> memref<1x80xi32, #tpu.memory_space<vmem>>
        %dma_start3A_365 = tpu.memref_squeeze %dma_start3A_364 : memref<1x80xi32, #tpu.memory_space<vmem>> -> memref<80xi32, #tpu.memory_space<vmem>>
        %dma_start3A_366 = arith.constant 0 : i32
        %dma_start3A_367 = arith.constant 0 : i32
        %dma_start3A_368 = tpu.memref_slice %arg2[%dma_start3A_366, %dma_start3A_367] : memref<20480x128xf32, #tpu.memory_space<hbm>> -> memref<20480x128xf32, #tpu.memory_space<hbm>>
        tpu.enqueue_indirect_dma source(%dma_start3A_368 : memref<20480x128xf32, #tpu.memory_space<hbm>>) target(%arg11 : memref<80x128xf32, #tpu.memory_space<vmem>>) offsets(%dma_start3A_365 : memref<80xi32, #tpu.memory_space<vmem>>) semaphore(%arg15 : memref<!tpu.dma_semaphore, #tpu.memory_space<semaphore_mem>>)
      } else {
      }
      %scan3A_358 = arith.constant 0 : i32
      scf.yield %scan3A_358 : i32
    }
    %scan3A_134 = arith.constant 8 : i32
    "tpu.region"() ({
      %run_scoped3A = tpu.sem_alloc : memref<!tpu.dma_semaphore, #tpu.memory_space<semaphore_mem>>
      %dma_start3A_241 = arith.constant 32 : i32
      %dma_start3A_242 = arith.constant 0 : i32
      %dma_start3A_243 = tpu.memref_slice %arg3[%arg0, %arg1, %dma_start3A_241, %dma_start3A_242] : memref<2x16x128x80xi32, #tpu.memory_space<hbm>> -> memref<1x1x32x80xi32, #tpu.memory_space<hbm>>
      %dma_start3A_244 = tpu.memref_squeeze %dma_start3A_243 : memref<1x1x32x80xi32, #tpu.memory_space<hbm>> -> memref<32x80xi32, #tpu.memory_space<hbm>>
      %dma_start3A_245 = arith.constant 32 : i32
      %dma_start3A_246 = arith.constant 0 : i32
      %dma_start3A_247 = tpu.memref_slice %arg3[%arg0, %arg1, %dma_start3A_245, %dma_start3A_246] : memref<2x16x128x80xi32, #tpu.memory_space<hbm>> -> memref<1x1x32x80xi32, #tpu.memory_space<hbm>>
      %dma_start3A_248 = tpu.memref_squeeze %dma_start3A_247 : memref<1x1x32x80xi32, #tpu.memory_space<hbm>> -> memref<32x80xi32, #tpu.memory_space<hbm>>
      tpu.enqueue_dma source(%dma_start3A_248 : memref<32x80xi32, #tpu.memory_space<hbm>>) target(%arg6 : memref<32x80xi32, #tpu.memory_space<vmem>>) target_semaphore(%run_scoped3A : memref<!tpu.dma_semaphore, #tpu.memory_space<semaphore_mem>>)
      %dma_wait3A_249 = arith.constant 32 : i32
      %dma_wait3A_250 = arith.constant 0 : i32
      %dma_wait3A_251 = tpu.memref_slice %arg3[%arg0, %arg1, %dma_wait3A_249, %dma_wait3A_250] : memref<2x16x128x80xi32, #tpu.memory_space<hbm>> -> memref<1x1x32x80xi32, #tpu.memory_space<hbm>>
      %dma_wait3A_252 = tpu.memref_squeeze %dma_wait3A_251 : memref<1x1x32x80xi32, #tpu.memory_space<hbm>> -> memref<32x80xi32, #tpu.memory_space<hbm>>
      %dma_wait3A_253 = arith.constant 32 : i32
      %dma_wait3A_254 = arith.constant 0 : i32
      %dma_wait3A_255 = tpu.memref_slice %arg3[%arg0, %arg1, %dma_wait3A_253, %dma_wait3A_254] : memref<2x16x128x80xi32, #tpu.memory_space<hbm>> -> memref<1x1x32x80xi32, #tpu.memory_space<hbm>>
      %dma_wait3A_256 = tpu.memref_squeeze %dma_wait3A_255 : memref<1x1x32x80xi32, #tpu.memory_space<hbm>> -> memref<32x80xi32, #tpu.memory_space<hbm>>
      tpu.wait_dma2 semaphore(%run_scoped3A : memref<!tpu.dma_semaphore, #tpu.memory_space<semaphore_mem>>) src(%dma_wait3A_256 : memref<32x80xi32, #tpu.memory_space<hbm>>) dst(%arg6 : memref<32x80xi32, #tpu.memory_space<vmem>>)
      tpu.yield
    }) : () -> ()
    "tpu.region"() ({
      %run_scoped3A = tpu.sem_alloc : memref<!tpu.dma_semaphore, #tpu.memory_space<semaphore_mem>>
      %dma_start3A_241 = arith.constant 32 : i32
      %dma_start3A_242 = arith.constant 0 : i32
      %dma_start3A_243 = tpu.memref_slice %arg4[%arg1, %dma_start3A_241, %dma_start3A_242] : memref<16x128x80xi32, #tpu.memory_space<hbm>> -> memref<1x32x80xi32, #tpu.memory_space<hbm>>
      %dma_start3A_244 = tpu.memref_squeeze %dma_start3A_243 : memref<1x32x80xi32, #tpu.memory_space<hbm>> -> memref<32x80xi32, #tpu.memory_space<hbm>>
      %dma_start3A_245 = arith.constant 32 : i32
      %dma_start3A_246 = arith.constant 0 : i32
      %dma_start3A_247 = tpu.memref_slice %arg4[%arg1, %dma_start3A_245, %dma_start3A_246] : memref<16x128x80xi32, #tpu.memory_space<hbm>> -> memref<1x32x80xi32, #tpu.memory_space<hbm>>
      %dma_start3A_248 = tpu.memref_squeeze %dma_start3A_247 : memref<1x32x80xi32, #tpu.memory_space<hbm>> -> memref<32x80xi32, #tpu.memory_space<hbm>>
      tpu.enqueue_dma source(%dma_start3A_248 : memref<32x80xi32, #tpu.memory_space<hbm>>) target(%arg7 : memref<32x80xi32, #tpu.memory_space<vmem>>) target_semaphore(%run_scoped3A : memref<!tpu.dma_semaphore, #tpu.memory_space<semaphore_mem>>)
      %dma_wait3A_249 = arith.constant 32 : i32
      %dma_wait3A_250 = arith.constant 0 : i32
      %dma_wait3A_251 = tpu.memref_slice %arg4[%arg1, %dma_wait3A_249, %dma_wait3A_250] : memref<16x128x80xi32, #tpu.memory_space<hbm>> -> memref<1x32x80xi32, #tpu.memory_space<hbm>>
      %dma_wait3A_252 = tpu.memref_squeeze %dma_wait3A_251 : memref<1x32x80xi32, #tpu.memory_space<hbm>> -> memref<32x80xi32, #tpu.memory_space<hbm>>
      %dma_wait3A_253 = arith.constant 32 : i32
      %dma_wait3A_254 = arith.constant 0 : i32
      %dma_wait3A_255 = tpu.memref_slice %arg4[%arg1, %dma_wait3A_253, %dma_wait3A_254] : memref<16x128x80xi32, #tpu.memory_space<hbm>> -> memref<1x32x80xi32, #tpu.memory_space<hbm>>
      %dma_wait3A_256 = tpu.memref_squeeze %dma_wait3A_255 : memref<1x32x80xi32, #tpu.memory_space<hbm>> -> memref<32x80xi32, #tpu.memory_space<hbm>>
      tpu.wait_dma2 semaphore(%run_scoped3A : memref<!tpu.dma_semaphore, #tpu.memory_space<semaphore_mem>>) src(%dma_wait3A_256 : memref<32x80xi32, #tpu.memory_space<hbm>>) dst(%arg7 : memref<32x80xi32, #tpu.memory_space<vmem>>)
      tpu.yield
    }) : () -> ()
    %dma_start3A_135 = arith.constant 0 : i32
    %dma_start3A_136 = arith.constant 0 : i32
    %dma_start3A_137 = tpu.memref_slice %arg6[%dma_start3A_135, %dma_start3A_136] : memref<32x80xi32, #tpu.memory_space<vmem>> -> memref<1x80xi32, #tpu.memory_space<vmem>>
    %dma_start3A_138 = tpu.memref_squeeze %dma_start3A_137 : memref<1x80xi32, #tpu.memory_space<vmem>> -> memref<80xi32, #tpu.memory_space<vmem>>
    %dma_start3A_139 = arith.constant 0 : i32
    %dma_start3A_140 = arith.constant 0 : i32
    %dma_start3A_141 = tpu.memref_slice %arg2[%dma_start3A_139, %dma_start3A_140] : memref<20480x128xf32, #tpu.memory_space<hbm>> -> memref<20480x128xf32, #tpu.memory_space<hbm>>
    tpu.enqueue_indirect_dma source(%dma_start3A_141 : memref<20480x128xf32, #tpu.memory_space<hbm>>) target(%arg8 : memref<80x128xf32, #tpu.memory_space<vmem>>) offsets(%dma_start3A_138 : memref<80xi32, #tpu.memory_space<vmem>>) semaphore(%arg12 : memref<!tpu.dma_semaphore, #tpu.memory_space<semaphore_mem>>)
    %dma_start3A_142 = arith.constant 1 : i32
    %dma_start3A_143 = arith.constant 0 : i32
    %dma_start3A_144 = tpu.memref_slice %arg6[%dma_start3A_142, %dma_start3A_143] : memref<32x80xi32, #tpu.memory_space<vmem>> -> memref<1x80xi32, #tpu.memory_space<vmem>>
    %dma_start3A_145 = tpu.memref_squeeze %dma_start3A_144 : memref<1x80xi32, #tpu.memory_space<vmem>> -> memref<80xi32, #tpu.memory_space<vmem>>
    %dma_start3A_146 = arith.constant 0 : i32
    %dma_start3A_147 = arith.constant 0 : i32
    %dma_start3A_148 = tpu.memref_slice %arg2[%dma_start3A_146, %dma_start3A_147] : memref<20480x128xf32, #tpu.memory_space<hbm>> -> memref<20480x128xf32, #tpu.memory_space<hbm>>
    tpu.enqueue_indirect_dma source(%dma_start3A_148 : memref<20480x128xf32, #tpu.memory_space<hbm>>) target(%arg9 : memref<80x128xf32, #tpu.memory_space<vmem>>) offsets(%dma_start3A_145 : memref<80xi32, #tpu.memory_space<vmem>>) semaphore(%arg13 : memref<!tpu.dma_semaphore, #tpu.memory_space<semaphore_mem>>)
    %dma_start3A_149 = arith.constant 2 : i32
    %dma_start3A_150 = arith.constant 0 : i32
    %dma_start3A_151 = tpu.memref_slice %arg6[%dma_start3A_149, %dma_start3A_150] : memref<32x80xi32, #tpu.memory_space<vmem>> -> memref<1x80xi32, #tpu.memory_space<vmem>>
    %dma_start3A_152 = tpu.memref_squeeze %dma_start3A_151 : memref<1x80xi32, #tpu.memory_space<vmem>> -> memref<80xi32, #tpu.memory_space<vmem>>
    %dma_start3A_153 = arith.constant 0 : i32
    %dma_start3A_154 = arith.constant 0 : i32
    %dma_start3A_155 = tpu.memref_slice %arg2[%dma_start3A_153, %dma_start3A_154] : memref<20480x128xf32, #tpu.memory_space<hbm>> -> memref<20480x128xf32, #tpu.memory_space<hbm>>
    tpu.enqueue_indirect_dma source(%dma_start3A_155 : memref<20480x128xf32, #tpu.memory_space<hbm>>) target(%arg10 : memref<80x128xf32, #tpu.memory_space<vmem>>) offsets(%dma_start3A_152 : memref<80xi32, #tpu.memory_space<vmem>>) semaphore(%arg14 : memref<!tpu.dma_semaphore, #tpu.memory_space<semaphore_mem>>)
    %dma_start3A_156 = arith.constant 3 : i32
    %dma_start3A_157 = arith.constant 0 : i32
    %dma_start3A_158 = tpu.memref_slice %arg6[%dma_start3A_156, %dma_start3A_157] : memref<32x80xi32, #tpu.memory_space<vmem>> -> memref<1x80xi32, #tpu.memory_space<vmem>>
    %dma_start3A_159 = tpu.memref_squeeze %dma_start3A_158 : memref<1x80xi32, #tpu.memory_space<vmem>> -> memref<80xi32, #tpu.memory_space<vmem>>
    %dma_start3A_160 = arith.constant 0 : i32
    %dma_start3A_161 = arith.constant 0 : i32
    %dma_start3A_162 = tpu.memref_slice %arg2[%dma_start3A_160, %dma_start3A_161] : memref<20480x128xf32, #tpu.memory_space<hbm>> -> memref<20480x128xf32, #tpu.memory_space<hbm>>
    tpu.enqueue_indirect_dma source(%dma_start3A_162 : memref<20480x128xf32, #tpu.memory_space<hbm>>) target(%arg11 : memref<80x128xf32, #tpu.memory_space<vmem>>) offsets(%dma_start3A_159 : memref<80xi32, #tpu.memory_space<vmem>>) semaphore(%arg15 : memref<!tpu.dma_semaphore, #tpu.memory_space<semaphore_mem>>)
    %scan3A_163 = arith.constant 0 : i32
    %scan3A_164 = arith.constant 0 : i32
    %scan3A_165 = arith.constant 8 : i32
    %scan3A_166 = arith.addi %scan3A_164, %scan3A_165 : i32
    %scan3A_167 = arith.constant 1 : i32
    %scan3A_168 = scf.for %scan3A_241 = %scan3A_164 to %scan3A_166 step %scan3A_167 iter_args(%scan3A_242 = %scan3A_163) -> (i32)  : i32 {
      %mul3A_243 = arith.constant 4 : i32
      %mul3A_244 = arith.muli %mul3A_243, %scan3A_241 : i32
      %add3A_245 = arith.constant 0 : i32
      %add3A_246 = arith.addi %mul3A_244, %add3A_245 : i32
      %dma_wait3A_247 = arith.constant 0 : i32
      %dma_wait3A_248 = tpu.memref_slice %arg6[%add3A_246, %dma_wait3A_247] : memref<32x80xi32, #tpu.memory_space<vmem>> -> memref<1x80xi32, #tpu.memory_space<vmem>>
      %dma_wait3A_249 = tpu.memref_squeeze %dma_wait3A_248 : memref<1x80xi32, #tpu.memory_space<vmem>> -> memref<80xi32, #tpu.memory_space<vmem>>
      %dma_wait3A_250 = arith.constant 0 : i32
      %dma_wait3A_251 = arith.constant 0 : i32
      %dma_wait3A_252 = tpu.memref_slice %arg2[%dma_wait3A_250, %dma_wait3A_251] : memref<20480x128xf32, #tpu.memory_space<hbm>> -> memref<20480x128xf32, #tpu.memory_space<hbm>>
      tpu.wait_indirect_dma semaphore(%arg12 : memref<!tpu.dma_semaphore, #tpu.memory_space<semaphore_mem>>) src(%dma_wait3A_252 : memref<20480x128xf32, #tpu.memory_space<hbm>>) dst(%arg8 : memref<80x128xf32, #tpu.memory_space<vmem>>)
      %add3A_253 = arith.constant 0 : i32
      %add3A_254 = arith.addi %mul3A_244, %add3A_253 : i32
      %dma_start3A_255 = arith.constant 0 : i32
      %dma_start3A_256 = tpu.memref_slice %arg7[%add3A_254, %dma_start3A_255] : memref<32x80xi32, #tpu.memory_space<vmem>> -> memref<1x80xi32, #tpu.memory_space<vmem>>
      %dma_start3A_257 = tpu.memref_squeeze %dma_start3A_256 : memref<1x80xi32, #tpu.memory_space<vmem>> -> memref<80xi32, #tpu.memory_space<vmem>>
      %dma_start3A_258 = arith.constant 0 : i32
      %dma_start3A_259 = arith.constant 0 : i32
      %dma_start3A_260 = tpu.memref_slice %arg17[%dma_start3A_258, %dma_start3A_259] : memref<10240x128xf32, #tpu.memory_space<vmem_shared>> -> memref<10240x128xf32, #tpu.memory_space<vmem_shared>>
      tpu.enqueue_indirect_dma source(%arg8 : memref<80x128xf32, #tpu.memory_space<vmem>>) target(%dma_start3A_260 : memref<10240x128xf32, #tpu.memory_space<vmem_shared>>) offsets(%dma_start3A_257 : memref<80xi32, #tpu.memory_space<vmem>>) semaphore(%arg16 : memref<!tpu.dma_semaphore, #tpu.memory_space<semaphore_mem>>) {add = true}
      %add3A_261 = arith.constant 0 : i32
      %add3A_262 = arith.addi %mul3A_244, %add3A_261 : i32
      %dma_wait3A_263 = arith.constant 0 : i32
      %dma_wait3A_264 = tpu.memref_slice %arg7[%add3A_262, %dma_wait3A_263] : memref<32x80xi32, #tpu.memory_space<vmem>> -> memref<1x80xi32, #tpu.memory_space<vmem>>
      %dma_wait3A_265 = tpu.memref_squeeze %dma_wait3A_264 : memref<1x80xi32, #tpu.memory_space<vmem>> -> memref<80xi32, #tpu.memory_space<vmem>>
      %dma_wait3A_266 = arith.constant 0 : i32
      %dma_wait3A_267 = arith.constant 0 : i32
      %dma_wait3A_268 = tpu.memref_slice %arg17[%dma_wait3A_266, %dma_wait3A_267] : memref<10240x128xf32, #tpu.memory_space<vmem_shared>> -> memref<10240x128xf32, #tpu.memory_space<vmem_shared>>
      tpu.wait_indirect_dma semaphore(%arg16 : memref<!tpu.dma_semaphore, #tpu.memory_space<semaphore_mem>>) src(%arg8 : memref<80x128xf32, #tpu.memory_space<vmem>>) dst(%dma_wait3A_268 : memref<10240x128xf32, #tpu.memory_space<vmem_shared>>)
      %lt3A = arith.constant 7 : i32
      %lt3A_269 = arith.cmpi slt, %scan3A_241, %lt3A : i32
      %convert_element_type3A = arith.extui %lt3A_269 : i1 to i32
      %cond3A = arith.constant 0 : i32
      %cond3A_270 = arith.cmpi ne, %convert_element_type3A, %cond3A : i32
      scf.if %cond3A_270 {
        %add3A_359 = arith.constant 0 : i32
        %add3A_360 = arith.addi %mul3A_244, %add3A_359 : i32
        %add3A_361 = arith.constant 4 : i32
        %add3A_362 = arith.addi %add3A_360, %add3A_361 : i32
        %dma_start3A_363 = arith.constant 0 : i32
        %dma_start3A_364 = tpu.memref_slice %arg6[%add3A_362, %dma_start3A_363] : memref<32x80xi32, #tpu.memory_space<vmem>> -> memref<1x80xi32, #tpu.memory_space<vmem>>
        %dma_start3A_365 = tpu.memref_squeeze %dma_start3A_364 : memref<1x80xi32, #tpu.memory_space<vmem>> -> memref<80xi32, #tpu.memory_space<vmem>>
        %dma_start3A_366 = arith.constant 0 : i32
        %dma_start3A_367 = arith.constant 0 : i32
        %dma_start3A_368 = tpu.memref_slice %arg2[%dma_start3A_366, %dma_start3A_367] : memref<20480x128xf32, #tpu.memory_space<hbm>> -> memref<20480x128xf32, #tpu.memory_space<hbm>>
        tpu.enqueue_indirect_dma source(%dma_start3A_368 : memref<20480x128xf32, #tpu.memory_space<hbm>>) target(%arg8 : memref<80x128xf32, #tpu.memory_space<vmem>>) offsets(%dma_start3A_365 : memref<80xi32, #tpu.memory_space<vmem>>) semaphore(%arg12 : memref<!tpu.dma_semaphore, #tpu.memory_space<semaphore_mem>>)
      } else {
      }
      %add3A_271 = arith.constant 1 : i32
      %add3A_272 = arith.addi %mul3A_244, %add3A_271 : i32
      %dma_wait3A_273 = arith.constant 0 : i32
      %dma_wait3A_274 = tpu.memref_slice %arg6[%add3A_272, %dma_wait3A_273] : memref<32x80xi32, #tpu.memory_space<vmem>> -> memref<1x80xi32, #tpu.memory_space<vmem>>
      %dma_wait3A_275 = tpu.memref_squeeze %dma_wait3A_274 : memref<1x80xi32, #tpu.memory_space<vmem>> -> memref<80xi32, #tpu.memory_space<vmem>>
      %dma_wait3A_276 = arith.constant 0 : i32
      %dma_wait3A_277 = arith.constant 0 : i32
      %dma_wait3A_278 = tpu.memref_slice %arg2[%dma_wait3A_276, %dma_wait3A_277] : memref<20480x128xf32, #tpu.memory_space<hbm>> -> memref<20480x128xf32, #tpu.memory_space<hbm>>
      tpu.wait_indirect_dma semaphore(%arg13 : memref<!tpu.dma_semaphore, #tpu.memory_space<semaphore_mem>>) src(%dma_wait3A_278 : memref<20480x128xf32, #tpu.memory_space<hbm>>) dst(%arg9 : memref<80x128xf32, #tpu.memory_space<vmem>>)
      %add3A_279 = arith.constant 1 : i32
      %add3A_280 = arith.addi %mul3A_244, %add3A_279 : i32
      %dma_start3A_281 = arith.constant 0 : i32
      %dma_start3A_282 = tpu.memref_slice %arg7[%add3A_280, %dma_start3A_281] : memref<32x80xi32, #tpu.memory_space<vmem>> -> memref<1x80xi32, #tpu.memory_space<vmem>>
      %dma_start3A_283 = tpu.memref_squeeze %dma_start3A_282 : memref<1x80xi32, #tpu.memory_space<vmem>> -> memref<80xi32, #tpu.memory_space<vmem>>
      %dma_start3A_284 = arith.constant 0 : i32
      %dma_start3A_285 = arith.constant 0 : i32
      %dma_start3A_286 = tpu.memref_slice %arg17[%dma_start3A_284, %dma_start3A_285] : memref<10240x128xf32, #tpu.memory_space<vmem_shared>> -> memref<10240x128xf32, #tpu.memory_space<vmem_shared>>
      tpu.enqueue_indirect_dma source(%arg9 : memref<80x128xf32, #tpu.memory_space<vmem>>) target(%dma_start3A_286 : memref<10240x128xf32, #tpu.memory_space<vmem_shared>>) offsets(%dma_start3A_283 : memref<80xi32, #tpu.memory_space<vmem>>) semaphore(%arg16 : memref<!tpu.dma_semaphore, #tpu.memory_space<semaphore_mem>>) {add = true}
      %add3A_287 = arith.constant 1 : i32
      %add3A_288 = arith.addi %mul3A_244, %add3A_287 : i32
      %dma_wait3A_289 = arith.constant 0 : i32
      %dma_wait3A_290 = tpu.memref_slice %arg7[%add3A_288, %dma_wait3A_289] : memref<32x80xi32, #tpu.memory_space<vmem>> -> memref<1x80xi32, #tpu.memory_space<vmem>>
      %dma_wait3A_291 = tpu.memref_squeeze %dma_wait3A_290 : memref<1x80xi32, #tpu.memory_space<vmem>> -> memref<80xi32, #tpu.memory_space<vmem>>
      %dma_wait3A_292 = arith.constant 0 : i32
      %dma_wait3A_293 = arith.constant 0 : i32
      %dma_wait3A_294 = tpu.memref_slice %arg17[%dma_wait3A_292, %dma_wait3A_293] : memref<10240x128xf32, #tpu.memory_space<vmem_shared>> -> memref<10240x128xf32, #tpu.memory_space<vmem_shared>>
      tpu.wait_indirect_dma semaphore(%arg16 : memref<!tpu.dma_semaphore, #tpu.memory_space<semaphore_mem>>) src(%arg9 : memref<80x128xf32, #tpu.memory_space<vmem>>) dst(%dma_wait3A_294 : memref<10240x128xf32, #tpu.memory_space<vmem_shared>>)
      %lt3A_295 = arith.constant 7 : i32
      %lt3A_296 = arith.cmpi slt, %scan3A_241, %lt3A_295 : i32
      %convert_element_type3A_297 = arith.extui %lt3A_296 : i1 to i32
      %cond3A_298 = arith.constant 0 : i32
      %cond3A_299 = arith.cmpi ne, %convert_element_type3A_297, %cond3A_298 : i32
      scf.if %cond3A_299 {
        %add3A_359 = arith.constant 1 : i32
        %add3A_360 = arith.addi %mul3A_244, %add3A_359 : i32
        %add3A_361 = arith.constant 4 : i32
        %add3A_362 = arith.addi %add3A_360, %add3A_361 : i32
        %dma_start3A_363 = arith.constant 0 : i32
        %dma_start3A_364 = tpu.memref_slice %arg6[%add3A_362, %dma_start3A_363] : memref<32x80xi32, #tpu.memory_space<vmem>> -> memref<1x80xi32, #tpu.memory_space<vmem>>
        %dma_start3A_365 = tpu.memref_squeeze %dma_start3A_364 : memref<1x80xi32, #tpu.memory_space<vmem>> -> memref<80xi32, #tpu.memory_space<vmem>>
        %dma_start3A_366 = arith.constant 0 : i32
        %dma_start3A_367 = arith.constant 0 : i32
        %dma_start3A_368 = tpu.memref_slice %arg2[%dma_start3A_366, %dma_start3A_367] : memref<20480x128xf32, #tpu.memory_space<hbm>> -> memref<20480x128xf32, #tpu.memory_space<hbm>>
        tpu.enqueue_indirect_dma source(%dma_start3A_368 : memref<20480x128xf32, #tpu.memory_space<hbm>>) target(%arg9 : memref<80x128xf32, #tpu.memory_space<vmem>>) offsets(%dma_start3A_365 : memref<80xi32, #tpu.memory_space<vmem>>) semaphore(%arg13 : memref<!tpu.dma_semaphore, #tpu.memory_space<semaphore_mem>>)
      } else {
      }
      %add3A_300 = arith.constant 2 : i32
      %add3A_301 = arith.addi %mul3A_244, %add3A_300 : i32
      %dma_wait3A_302 = arith.constant 0 : i32
      %dma_wait3A_303 = tpu.memref_slice %arg6[%add3A_301, %dma_wait3A_302] : memref<32x80xi32, #tpu.memory_space<vmem>> -> memref<1x80xi32, #tpu.memory_space<vmem>>
      %dma_wait3A_304 = tpu.memref_squeeze %dma_wait3A_303 : memref<1x80xi32, #tpu.memory_space<vmem>> -> memref<80xi32, #tpu.memory_space<vmem>>
      %dma_wait3A_305 = arith.constant 0 : i32
      %dma_wait3A_306 = arith.constant 0 : i32
      %dma_wait3A_307 = tpu.memref_slice %arg2[%dma_wait3A_305, %dma_wait3A_306] : memref<20480x128xf32, #tpu.memory_space<hbm>> -> memref<20480x128xf32, #tpu.memory_space<hbm>>
      tpu.wait_indirect_dma semaphore(%arg14 : memref<!tpu.dma_semaphore, #tpu.memory_space<semaphore_mem>>) src(%dma_wait3A_307 : memref<20480x128xf32, #tpu.memory_space<hbm>>) dst(%arg10 : memref<80x128xf32, #tpu.memory_space<vmem>>)
      %add3A_308 = arith.constant 2 : i32
      %add3A_309 = arith.addi %mul3A_244, %add3A_308 : i32
      %dma_start3A_310 = arith.constant 0 : i32
      %dma_start3A_311 = tpu.memref_slice %arg7[%add3A_309, %dma_start3A_310] : memref<32x80xi32, #tpu.memory_space<vmem>> -> memref<1x80xi32, #tpu.memory_space<vmem>>
      %dma_start3A_312 = tpu.memref_squeeze %dma_start3A_311 : memref<1x80xi32, #tpu.memory_space<vmem>> -> memref<80xi32, #tpu.memory_space<vmem>>
      %dma_start3A_313 = arith.constant 0 : i32
      %dma_start3A_314 = arith.constant 0 : i32
      %dma_start3A_315 = tpu.memref_slice %arg17[%dma_start3A_313, %dma_start3A_314] : memref<10240x128xf32, #tpu.memory_space<vmem_shared>> -> memref<10240x128xf32, #tpu.memory_space<vmem_shared>>
      tpu.enqueue_indirect_dma source(%arg10 : memref<80x128xf32, #tpu.memory_space<vmem>>) target(%dma_start3A_315 : memref<10240x128xf32, #tpu.memory_space<vmem_shared>>) offsets(%dma_start3A_312 : memref<80xi32, #tpu.memory_space<vmem>>) semaphore(%arg16 : memref<!tpu.dma_semaphore, #tpu.memory_space<semaphore_mem>>) {add = true}
      %add3A_316 = arith.constant 2 : i32
      %add3A_317 = arith.addi %mul3A_244, %add3A_316 : i32
      %dma_wait3A_318 = arith.constant 0 : i32
      %dma_wait3A_319 = tpu.memref_slice %arg7[%add3A_317, %dma_wait3A_318] : memref<32x80xi32, #tpu.memory_space<vmem>> -> memref<1x80xi32, #tpu.memory_space<vmem>>
      %dma_wait3A_320 = tpu.memref_squeeze %dma_wait3A_319 : memref<1x80xi32, #tpu.memory_space<vmem>> -> memref<80xi32, #tpu.memory_space<vmem>>
      %dma_wait3A_321 = arith.constant 0 : i32
      %dma_wait3A_322 = arith.constant 0 : i32
      %dma_wait3A_323 = tpu.memref_slice %arg17[%dma_wait3A_321, %dma_wait3A_322] : memref<10240x128xf32, #tpu.memory_space<vmem_shared>> -> memref<10240x128xf32, #tpu.memory_space<vmem_shared>>
      tpu.wait_indirect_dma semaphore(%arg16 : memref<!tpu.dma_semaphore, #tpu.memory_space<semaphore_mem>>) src(%arg10 : memref<80x128xf32, #tpu.memory_space<vmem>>) dst(%dma_wait3A_323 : memref<10240x128xf32, #tpu.memory_space<vmem_shared>>)
      %lt3A_324 = arith.constant 7 : i32
      %lt3A_325 = arith.cmpi slt, %scan3A_241, %lt3A_324 : i32
      %convert_element_type3A_326 = arith.extui %lt3A_325 : i1 to i32
      %cond3A_327 = arith.constant 0 : i32
      %cond3A_328 = arith.cmpi ne, %convert_element_type3A_326, %cond3A_327 : i32
      scf.if %cond3A_328 {
        %add3A_359 = arith.constant 2 : i32
        %add3A_360 = arith.addi %mul3A_244, %add3A_359 : i32
        %add3A_361 = arith.constant 4 : i32
        %add3A_362 = arith.addi %add3A_360, %add3A_361 : i32
        %dma_start3A_363 = arith.constant 0 : i32
        %dma_start3A_364 = tpu.memref_slice %arg6[%add3A_362, %dma_start3A_363] : memref<32x80xi32, #tpu.memory_space<vmem>> -> memref<1x80xi32, #tpu.memory_space<vmem>>
        %dma_start3A_365 = tpu.memref_squeeze %dma_start3A_364 : memref<1x80xi32, #tpu.memory_space<vmem>> -> memref<80xi32, #tpu.memory_space<vmem>>
        %dma_start3A_366 = arith.constant 0 : i32
        %dma_start3A_367 = arith.constant 0 : i32
        %dma_start3A_368 = tpu.memref_slice %arg2[%dma_start3A_366, %dma_start3A_367] : memref<20480x128xf32, #tpu.memory_space<hbm>> -> memref<20480x128xf32, #tpu.memory_space<hbm>>
        tpu.enqueue_indirect_dma source(%dma_start3A_368 : memref<20480x128xf32, #tpu.memory_space<hbm>>) target(%arg10 : memref<80x128xf32, #tpu.memory_space<vmem>>) offsets(%dma_start3A_365 : memref<80xi32, #tpu.memory_space<vmem>>) semaphore(%arg14 : memref<!tpu.dma_semaphore, #tpu.memory_space<semaphore_mem>>)
      } else {
      }
      %add3A_329 = arith.constant 3 : i32
      %add3A_330 = arith.addi %mul3A_244, %add3A_329 : i32
      %dma_wait3A_331 = arith.constant 0 : i32
      %dma_wait3A_332 = tpu.memref_slice %arg6[%add3A_330, %dma_wait3A_331] : memref<32x80xi32, #tpu.memory_space<vmem>> -> memref<1x80xi32, #tpu.memory_space<vmem>>
      %dma_wait3A_333 = tpu.memref_squeeze %dma_wait3A_332 : memref<1x80xi32, #tpu.memory_space<vmem>> -> memref<80xi32, #tpu.memory_space<vmem>>
      %dma_wait3A_334 = arith.constant 0 : i32
      %dma_wait3A_335 = arith.constant 0 : i32
      %dma_wait3A_336 = tpu.memref_slice %arg2[%dma_wait3A_334, %dma_wait3A_335] : memref<20480x128xf32, #tpu.memory_space<hbm>> -> memref<20480x128xf32, #tpu.memory_space<hbm>>
      tpu.wait_indirect_dma semaphore(%arg15 : memref<!tpu.dma_semaphore, #tpu.memory_space<semaphore_mem>>) src(%dma_wait3A_336 : memref<20480x128xf32, #tpu.memory_space<hbm>>) dst(%arg11 : memref<80x128xf32, #tpu.memory_space<vmem>>)
      %add3A_337 = arith.constant 3 : i32
      %add3A_338 = arith.addi %mul3A_244, %add3A_337 : i32
      %dma_start3A_339 = arith.constant 0 : i32
      %dma_start3A_340 = tpu.memref_slice %arg7[%add3A_338, %dma_start3A_339] : memref<32x80xi32, #tpu.memory_space<vmem>> -> memref<1x80xi32, #tpu.memory_space<vmem>>
      %dma_start3A_341 = tpu.memref_squeeze %dma_start3A_340 : memref<1x80xi32, #tpu.memory_space<vmem>> -> memref<80xi32, #tpu.memory_space<vmem>>
      %dma_start3A_342 = arith.constant 0 : i32
      %dma_start3A_343 = arith.constant 0 : i32
      %dma_start3A_344 = tpu.memref_slice %arg17[%dma_start3A_342, %dma_start3A_343] : memref<10240x128xf32, #tpu.memory_space<vmem_shared>> -> memref<10240x128xf32, #tpu.memory_space<vmem_shared>>
      tpu.enqueue_indirect_dma source(%arg11 : memref<80x128xf32, #tpu.memory_space<vmem>>) target(%dma_start3A_344 : memref<10240x128xf32, #tpu.memory_space<vmem_shared>>) offsets(%dma_start3A_341 : memref<80xi32, #tpu.memory_space<vmem>>) semaphore(%arg16 : memref<!tpu.dma_semaphore, #tpu.memory_space<semaphore_mem>>) {add = true}
      %add3A_345 = arith.constant 3 : i32
      %add3A_346 = arith.addi %mul3A_244, %add3A_345 : i32
      %dma_wait3A_347 = arith.constant 0 : i32
      %dma_wait3A_348 = tpu.memref_slice %arg7[%add3A_346, %dma_wait3A_347] : memref<32x80xi32, #tpu.memory_space<vmem>> -> memref<1x80xi32, #tpu.memory_space<vmem>>
      %dma_wait3A_349 = tpu.memref_squeeze %dma_wait3A_348 : memref<1x80xi32, #tpu.memory_space<vmem>> -> memref<80xi32, #tpu.memory_space<vmem>>
      %dma_wait3A_350 = arith.constant 0 : i32
      %dma_wait3A_351 = arith.constant 0 : i32
      %dma_wait3A_352 = tpu.memref_slice %arg17[%dma_wait3A_350, %dma_wait3A_351] : memref<10240x128xf32, #tpu.memory_space<vmem_shared>> -> memref<10240x128xf32, #tpu.memory_space<vmem_shared>>
      tpu.wait_indirect_dma semaphore(%arg16 : memref<!tpu.dma_semaphore, #tpu.memory_space<semaphore_mem>>) src(%arg11 : memref<80x128xf32, #tpu.memory_space<vmem>>) dst(%dma_wait3A_352 : memref<10240x128xf32, #tpu.memory_space<vmem_shared>>)
      %lt3A_353 = arith.constant 7 : i32
      %lt3A_354 = arith.cmpi slt, %scan3A_241, %lt3A_353 : i32
      %convert_element_type3A_355 = arith.extui %lt3A_354 : i1 to i32
      %cond3A_356 = arith.constant 0 : i32
      %cond3A_357 = arith.cmpi ne, %convert_element_type3A_355, %cond3A_356 : i32
      scf.if %cond3A_357 {
        %add3A_359 = arith.constant 3 : i32
        %add3A_360 = arith.addi %mul3A_244, %add3A_359 : i32
        %add3A_361 = arith.constant 4 : i32
        %add3A_362 = arith.addi %add3A_360, %add3A_361 : i32
        %dma_start3A_363 = arith.constant 0 : i32
        %dma_start3A_364 = tpu.memref_slice %arg6[%add3A_362, %dma_start3A_363] : memref<32x80xi32, #tpu.memory_space<vmem>> -> memref<1x80xi32, #tpu.memory_space<vmem>>
        %dma_start3A_365 = tpu.memref_squeeze %dma_start3A_364 : memref<1x80xi32, #tpu.memory_space<vmem>> -> memref<80xi32, #tpu.memory_space<vmem>>
        %dma_start3A_366 = arith.constant 0 : i32
        %dma_start3A_367 = arith.constant 0 : i32
        %dma_start3A_368 = tpu.memref_slice %arg2[%dma_start3A_366, %dma_start3A_367] : memref<20480x128xf32, #tpu.memory_space<hbm>> -> memref<20480x128xf32, #tpu.memory_space<hbm>>
        tpu.enqueue_indirect_dma source(%dma_start3A_368 : memref<20480x128xf32, #tpu.memory_space<hbm>>) target(%arg11 : memref<80x128xf32, #tpu.memory_space<vmem>>) offsets(%dma_start3A_365 : memref<80xi32, #tpu.memory_space<vmem>>) semaphore(%arg15 : memref<!tpu.dma_semaphore, #tpu.memory_space<semaphore_mem>>)
      } else {
      }
      %scan3A_358 = arith.constant 0 : i32
      scf.yield %scan3A_358 : i32
    }
    %scan3A_169 = arith.constant 8 : i32
    "tpu.region"() ({
      %run_scoped3A = tpu.sem_alloc : memref<!tpu.dma_semaphore, #tpu.memory_space<semaphore_mem>>
      %dma_start3A_241 = arith.constant 64 : i32
      %dma_start3A_242 = arith.constant 0 : i32
      %dma_start3A_243 = tpu.memref_slice %arg3[%arg0, %arg1, %dma_start3A_241, %dma_start3A_242] : memref<2x16x128x80xi32, #tpu.memory_space<hbm>> -> memref<1x1x32x80xi32, #tpu.memory_space<hbm>>
      %dma_start3A_244 = tpu.memref_squeeze %dma_start3A_243 : memref<1x1x32x80xi32, #tpu.memory_space<hbm>> -> memref<32x80xi32, #tpu.memory_space<hbm>>
      %dma_start3A_245 = arith.constant 64 : i32
      %dma_start3A_246 = arith.constant 0 : i32
      %dma_start3A_247 = tpu.memref_slice %arg3[%arg0, %arg1, %dma_start3A_245, %dma_start3A_246] : memref<2x16x128x80xi32, #tpu.memory_space<hbm>> -> memref<1x1x32x80xi32, #tpu.memory_space<hbm>>
      %dma_start3A_248 = tpu.memref_squeeze %dma_start3A_247 : memref<1x1x32x80xi32, #tpu.memory_space<hbm>> -> memref<32x80xi32, #tpu.memory_space<hbm>>
      tpu.enqueue_dma source(%dma_start3A_248 : memref<32x80xi32, #tpu.memory_space<hbm>>) target(%arg6 : memref<32x80xi32, #tpu.memory_space<vmem>>) target_semaphore(%run_scoped3A : memref<!tpu.dma_semaphore, #tpu.memory_space<semaphore_mem>>)
      %dma_wait3A_249 = arith.constant 64 : i32
      %dma_wait3A_250 = arith.constant 0 : i32
      %dma_wait3A_251 = tpu.memref_slice %arg3[%arg0, %arg1, %dma_wait3A_249, %dma_wait3A_250] : memref<2x16x128x80xi32, #tpu.memory_space<hbm>> -> memref<1x1x32x80xi32, #tpu.memory_space<hbm>>
      %dma_wait3A_252 = tpu.memref_squeeze %dma_wait3A_251 : memref<1x1x32x80xi32, #tpu.memory_space<hbm>> -> memref<32x80xi32, #tpu.memory_space<hbm>>
      %dma_wait3A_253 = arith.constant 64 : i32
      %dma_wait3A_254 = arith.constant 0 : i32
      %dma_wait3A_255 = tpu.memref_slice %arg3[%arg0, %arg1, %dma_wait3A_253, %dma_wait3A_254] : memref<2x16x128x80xi32, #tpu.memory_space<hbm>> -> memref<1x1x32x80xi32, #tpu.memory_space<hbm>>
      %dma_wait3A_256 = tpu.memref_squeeze %dma_wait3A_255 : memref<1x1x32x80xi32, #tpu.memory_space<hbm>> -> memref<32x80xi32, #tpu.memory_space<hbm>>
      tpu.wait_dma2 semaphore(%run_scoped3A : memref<!tpu.dma_semaphore, #tpu.memory_space<semaphore_mem>>) src(%dma_wait3A_256 : memref<32x80xi32, #tpu.memory_space<hbm>>) dst(%arg6 : memref<32x80xi32, #tpu.memory_space<vmem>>)
      tpu.yield
    }) : () -> ()
    "tpu.region"() ({
      %run_scoped3A = tpu.sem_alloc : memref<!tpu.dma_semaphore, #tpu.memory_space<semaphore_mem>>
      %dma_start3A_241 = arith.constant 64 : i32
      %dma_start3A_242 = arith.constant 0 : i32
      %dma_start3A_243 = tpu.memref_slice %arg4[%arg1, %dma_start3A_241, %dma_start3A_242] : memref<16x128x80xi32, #tpu.memory_space<hbm>> -> memref<1x32x80xi32, #tpu.memory_space<hbm>>
      %dma_start3A_244 = tpu.memref_squeeze %dma_start3A_243 : memref<1x32x80xi32, #tpu.memory_space<hbm>> -> memref<32x80xi32, #tpu.memory_space<hbm>>
      %dma_start3A_245 = arith.constant 64 : i32
      %dma_start3A_246 = arith.constant 0 : i32
      %dma_start3A_247 = tpu.memref_slice %arg4[%arg1, %dma_start3A_245, %dma_start3A_246] : memref<16x128x80xi32, #tpu.memory_space<hbm>> -> memref<1x32x80xi32, #tpu.memory_space<hbm>>
      %dma_start3A_248 = tpu.memref_squeeze %dma_start3A_247 : memref<1x32x80xi32, #tpu.memory_space<hbm>> -> memref<32x80xi32, #tpu.memory_space<hbm>>
      tpu.enqueue_dma source(%dma_start3A_248 : memref<32x80xi32, #tpu.memory_space<hbm>>) target(%arg7 : memref<32x80xi32, #tpu.memory_space<vmem>>) target_semaphore(%run_scoped3A : memref<!tpu.dma_semaphore, #tpu.memory_space<semaphore_mem>>)
      %dma_wait3A_249 = arith.constant 64 : i32
      %dma_wait3A_250 = arith.constant 0 : i32
      %dma_wait3A_251 = tpu.memref_slice %arg4[%arg1, %dma_wait3A_249, %dma_wait3A_250] : memref<16x128x80xi32, #tpu.memory_space<hbm>> -> memref<1x32x80xi32, #tpu.memory_space<hbm>>
      %dma_wait3A_252 = tpu.memref_squeeze %dma_wait3A_251 : memref<1x32x80xi32, #tpu.memory_space<hbm>> -> memref<32x80xi32, #tpu.memory_space<hbm>>
      %dma_wait3A_253 = arith.constant 64 : i32
      %dma_wait3A_254 = arith.constant 0 : i32
      %dma_wait3A_255 = tpu.memref_slice %arg4[%arg1, %dma_wait3A_253, %dma_wait3A_254] : memref<16x128x80xi32, #tpu.memory_space<hbm>> -> memref<1x32x80xi32, #tpu.memory_space<hbm>>
      %dma_wait3A_256 = tpu.memref_squeeze %dma_wait3A_255 : memref<1x32x80xi32, #tpu.memory_space<hbm>> -> memref<32x80xi32, #tpu.memory_space<hbm>>
      tpu.wait_dma2 semaphore(%run_scoped3A : memref<!tpu.dma_semaphore, #tpu.memory_space<semaphore_mem>>) src(%dma_wait3A_256 : memref<32x80xi32, #tpu.memory_space<hbm>>) dst(%arg7 : memref<32x80xi32, #tpu.memory_space<vmem>>)
      tpu.yield
    }) : () -> ()
    %dma_start3A_170 = arith.constant 0 : i32
    %dma_start3A_171 = arith.constant 0 : i32
    %dma_start3A_172 = tpu.memref_slice %arg6[%dma_start3A_170, %dma_start3A_171] : memref<32x80xi32, #tpu.memory_space<vmem>> -> memref<1x80xi32, #tpu.memory_space<vmem>>
    %dma_start3A_173 = tpu.memref_squeeze %dma_start3A_172 : memref<1x80xi32, #tpu.memory_space<vmem>> -> memref<80xi32, #tpu.memory_space<vmem>>
    %dma_start3A_174 = arith.constant 0 : i32
    %dma_start3A_175 = arith.constant 0 : i32
    %dma_start3A_176 = tpu.memref_slice %arg2[%dma_start3A_174, %dma_start3A_175] : memref<20480x128xf32, #tpu.memory_space<hbm>> -> memref<20480x128xf32, #tpu.memory_space<hbm>>
    tpu.enqueue_indirect_dma source(%dma_start3A_176 : memref<20480x128xf32, #tpu.memory_space<hbm>>) target(%arg8 : memref<80x128xf32, #tpu.memory_space<vmem>>) offsets(%dma_start3A_173 : memref<80xi32, #tpu.memory_space<vmem>>) semaphore(%arg12 : memref<!tpu.dma_semaphore, #tpu.memory_space<semaphore_mem>>)
    %dma_start3A_177 = arith.constant 1 : i32
    %dma_start3A_178 = arith.constant 0 : i32
    %dma_start3A_179 = tpu.memref_slice %arg6[%dma_start3A_177, %dma_start3A_178] : memref<32x80xi32, #tpu.memory_space<vmem>> -> memref<1x80xi32, #tpu.memory_space<vmem>>
    %dma_start3A_180 = tpu.memref_squeeze %dma_start3A_179 : memref<1x80xi32, #tpu.memory_space<vmem>> -> memref<80xi32, #tpu.memory_space<vmem>>
    %dma_start3A_181 = arith.constant 0 : i32
    %dma_start3A_182 = arith.constant 0 : i32
    %dma_start3A_183 = tpu.memref_slice %arg2[%dma_start3A_181, %dma_start3A_182] : memref<20480x128xf32, #tpu.memory_space<hbm>> -> memref<20480x128xf32, #tpu.memory_space<hbm>>
    tpu.enqueue_indirect_dma source(%dma_start3A_183 : memref<20480x128xf32, #tpu.memory_space<hbm>>) target(%arg9 : memref<80x128xf32, #tpu.memory_space<vmem>>) offsets(%dma_start3A_180 : memref<80xi32, #tpu.memory_space<vmem>>) semaphore(%arg13 : memref<!tpu.dma_semaphore, #tpu.memory_space<semaphore_mem>>)
    %dma_start3A_184 = arith.constant 2 : i32
    %dma_start3A_185 = arith.constant 0 : i32
    %dma_start3A_186 = tpu.memref_slice %arg6[%dma_start3A_184, %dma_start3A_185] : memref<32x80xi32, #tpu.memory_space<vmem>> -> memref<1x80xi32, #tpu.memory_space<vmem>>
    %dma_start3A_187 = tpu.memref_squeeze %dma_start3A_186 : memref<1x80xi32, #tpu.memory_space<vmem>> -> memref<80xi32, #tpu.memory_space<vmem>>
    %dma_start3A_188 = arith.constant 0 : i32
    %dma_start3A_189 = arith.constant 0 : i32
    %dma_start3A_190 = tpu.memref_slice %arg2[%dma_start3A_188, %dma_start3A_189] : memref<20480x128xf32, #tpu.memory_space<hbm>> -> memref<20480x128xf32, #tpu.memory_space<hbm>>
    tpu.enqueue_indirect_dma source(%dma_start3A_190 : memref<20480x128xf32, #tpu.memory_space<hbm>>) target(%arg10 : memref<80x128xf32, #tpu.memory_space<vmem>>) offsets(%dma_start3A_187 : memref<80xi32, #tpu.memory_space<vmem>>) semaphore(%arg14 : memref<!tpu.dma_semaphore, #tpu.memory_space<semaphore_mem>>)
    %dma_start3A_191 = arith.constant 3 : i32
    %dma_start3A_192 = arith.constant 0 : i32
    %dma_start3A_193 = tpu.memref_slice %arg6[%dma_start3A_191, %dma_start3A_192] : memref<32x80xi32, #tpu.memory_space<vmem>> -> memref<1x80xi32, #tpu.memory_space<vmem>>
    %dma_start3A_194 = tpu.memref_squeeze %dma_start3A_193 : memref<1x80xi32, #tpu.memory_space<vmem>> -> memref<80xi32, #tpu.memory_space<vmem>>
    %dma_start3A_195 = arith.constant 0 : i32
    %dma_start3A_196 = arith.constant 0 : i32
    %dma_start3A_197 = tpu.memref_slice %arg2[%dma_start3A_195, %dma_start3A_196] : memref<20480x128xf32, #tpu.memory_space<hbm>> -> memref<20480x128xf32, #tpu.memory_space<hbm>>
    tpu.enqueue_indirect_dma source(%dma_start3A_197 : memref<20480x128xf32, #tpu.memory_space<hbm>>) target(%arg11 : memref<80x128xf32, #tpu.memory_space<vmem>>) offsets(%dma_start3A_194 : memref<80xi32, #tpu.memory_space<vmem>>) semaphore(%arg15 : memref<!tpu.dma_semaphore, #tpu.memory_space<semaphore_mem>>)
    %scan3A_198 = arith.constant 0 : i32
    %scan3A_199 = arith.constant 0 : i32
    %scan3A_200 = arith.constant 8 : i32
    %scan3A_201 = arith.addi %scan3A_199, %scan3A_200 : i32
    %scan3A_202 = arith.constant 1 : i32
    %scan3A_203 = scf.for %scan3A_241 = %scan3A_199 to %scan3A_201 step %scan3A_202 iter_args(%scan3A_242 = %scan3A_198) -> (i32)  : i32 {
      %mul3A_243 = arith.constant 4 : i32
      %mul3A_244 = arith.muli %mul3A_243, %scan3A_241 : i32
      %add3A_245 = arith.constant 0 : i32
      %add3A_246 = arith.addi %mul3A_244, %add3A_245 : i32
      %dma_wait3A_247 = arith.constant 0 : i32
      %dma_wait3A_248 = tpu.memref_slice %arg6[%add3A_246, %dma_wait3A_247] : memref<32x80xi32, #tpu.memory_space<vmem>> -> memref<1x80xi32, #tpu.memory_space<vmem>>
      %dma_wait3A_249 = tpu.memref_squeeze %dma_wait3A_248 : memref<1x80xi32, #tpu.memory_space<vmem>> -> memref<80xi32, #tpu.memory_space<vmem>>
      %dma_wait3A_250 = arith.constant 0 : i32
      %dma_wait3A_251 = arith.constant 0 : i32
      %dma_wait3A_252 = tpu.memref_slice %arg2[%dma_wait3A_250, %dma_wait3A_251] : memref<20480x128xf32, #tpu.memory_space<hbm>> -> memref<20480x128xf32, #tpu.memory_space<hbm>>
      tpu.wait_indirect_dma semaphore(%arg12 : memref<!tpu.dma_semaphore, #tpu.memory_space<semaphore_mem>>) src(%dma_wait3A_252 : memref<20480x128xf32, #tpu.memory_space<hbm>>) dst(%arg8 : memref<80x128xf32, #tpu.memory_space<vmem>>)
      %add3A_253 = arith.constant 0 : i32
      %add3A_254 = arith.addi %mul3A_244, %add3A_253 : i32
      %dma_start3A_255 = arith.constant 0 : i32
      %dma_start3A_256 = tpu.memref_slice %arg7[%add3A_254, %dma_start3A_255] : memref<32x80xi32, #tpu.memory_space<vmem>> -> memref<1x80xi32, #tpu.memory_space<vmem>>
      %dma_start3A_257 = tpu.memref_squeeze %dma_start3A_256 : memref<1x80xi32, #tpu.memory_space<vmem>> -> memref<80xi32, #tpu.memory_space<vmem>>
      %dma_start3A_258 = arith.constant 0 : i32
      %dma_start3A_259 = arith.constant 0 : i32
      %dma_start3A_260 = tpu.memref_slice %arg17[%dma_start3A_258, %dma_start3A_259] : memref<10240x128xf32, #tpu.memory_space<vmem_shared>> -> memref<10240x128xf32, #tpu.memory_space<vmem_shared>>
      tpu.enqueue_indirect_dma source(%arg8 : memref<80x128xf32, #tpu.memory_space<vmem>>) target(%dma_start3A_260 : memref<10240x128xf32, #tpu.memory_space<vmem_shared>>) offsets(%dma_start3A_257 : memref<80xi32, #tpu.memory_space<vmem>>) semaphore(%arg16 : memref<!tpu.dma_semaphore, #tpu.memory_space<semaphore_mem>>) {add = true}
      %add3A_261 = arith.constant 0 : i32
      %add3A_262 = arith.addi %mul3A_244, %add3A_261 : i32
      %dma_wait3A_263 = arith.constant 0 : i32
      %dma_wait3A_264 = tpu.memref_slice %arg7[%add3A_262, %dma_wait3A_263] : memref<32x80xi32, #tpu.memory_space<vmem>> -> memref<1x80xi32, #tpu.memory_space<vmem>>
      %dma_wait3A_265 = tpu.memref_squeeze %dma_wait3A_264 : memref<1x80xi32, #tpu.memory_space<vmem>> -> memref<80xi32, #tpu.memory_space<vmem>>
      %dma_wait3A_266 = arith.constant 0 : i32
      %dma_wait3A_267 = arith.constant 0 : i32
      %dma_wait3A_268 = tpu.memref_slice %arg17[%dma_wait3A_266, %dma_wait3A_267] : memref<10240x128xf32, #tpu.memory_space<vmem_shared>> -> memref<10240x128xf32, #tpu.memory_space<vmem_shared>>
      tpu.wait_indirect_dma semaphore(%arg16 : memref<!tpu.dma_semaphore, #tpu.memory_space<semaphore_mem>>) src(%arg8 : memref<80x128xf32, #tpu.memory_space<vmem>>) dst(%dma_wait3A_268 : memref<10240x128xf32, #tpu.memory_space<vmem_shared>>)
      %lt3A = arith.constant 7 : i32
      %lt3A_269 = arith.cmpi slt, %scan3A_241, %lt3A : i32
      %convert_element_type3A = arith.extui %lt3A_269 : i1 to i32
      %cond3A = arith.constant 0 : i32
      %cond3A_270 = arith.cmpi ne, %convert_element_type3A, %cond3A : i32
      scf.if %cond3A_270 {
        %add3A_359 = arith.constant 0 : i32
        %add3A_360 = arith.addi %mul3A_244, %add3A_359 : i32
        %add3A_361 = arith.constant 4 : i32
        %add3A_362 = arith.addi %add3A_360, %add3A_361 : i32
        %dma_start3A_363 = arith.constant 0 : i32
        %dma_start3A_364 = tpu.memref_slice %arg6[%add3A_362, %dma_start3A_363] : memref<32x80xi32, #tpu.memory_space<vmem>> -> memref<1x80xi32, #tpu.memory_space<vmem>>
        %dma_start3A_365 = tpu.memref_squeeze %dma_start3A_364 : memref<1x80xi32, #tpu.memory_space<vmem>> -> memref<80xi32, #tpu.memory_space<vmem>>
        %dma_start3A_366 = arith.constant 0 : i32
        %dma_start3A_367 = arith.constant 0 : i32
        %dma_start3A_368 = tpu.memref_slice %arg2[%dma_start3A_366, %dma_start3A_367] : memref<20480x128xf32, #tpu.memory_space<hbm>> -> memref<20480x128xf32, #tpu.memory_space<hbm>>
        tpu.enqueue_indirect_dma source(%dma_start3A_368 : memref<20480x128xf32, #tpu.memory_space<hbm>>) target(%arg8 : memref<80x128xf32, #tpu.memory_space<vmem>>) offsets(%dma_start3A_365 : memref<80xi32, #tpu.memory_space<vmem>>) semaphore(%arg12 : memref<!tpu.dma_semaphore, #tpu.memory_space<semaphore_mem>>)
      } else {
      }
      %add3A_271 = arith.constant 1 : i32
      %add3A_272 = arith.addi %mul3A_244, %add3A_271 : i32
      %dma_wait3A_273 = arith.constant 0 : i32
      %dma_wait3A_274 = tpu.memref_slice %arg6[%add3A_272, %dma_wait3A_273] : memref<32x80xi32, #tpu.memory_space<vmem>> -> memref<1x80xi32, #tpu.memory_space<vmem>>
      %dma_wait3A_275 = tpu.memref_squeeze %dma_wait3A_274 : memref<1x80xi32, #tpu.memory_space<vmem>> -> memref<80xi32, #tpu.memory_space<vmem>>
      %dma_wait3A_276 = arith.constant 0 : i32
      %dma_wait3A_277 = arith.constant 0 : i32
      %dma_wait3A_278 = tpu.memref_slice %arg2[%dma_wait3A_276, %dma_wait3A_277] : memref<20480x128xf32, #tpu.memory_space<hbm>> -> memref<20480x128xf32, #tpu.memory_space<hbm>>
      tpu.wait_indirect_dma semaphore(%arg13 : memref<!tpu.dma_semaphore, #tpu.memory_space<semaphore_mem>>) src(%dma_wait3A_278 : memref<20480x128xf32, #tpu.memory_space<hbm>>) dst(%arg9 : memref<80x128xf32, #tpu.memory_space<vmem>>)
      %add3A_279 = arith.constant 1 : i32
      %add3A_280 = arith.addi %mul3A_244, %add3A_279 : i32
      %dma_start3A_281 = arith.constant 0 : i32
      %dma_start3A_282 = tpu.memref_slice %arg7[%add3A_280, %dma_start3A_281] : memref<32x80xi32, #tpu.memory_space<vmem>> -> memref<1x80xi32, #tpu.memory_space<vmem>>
      %dma_start3A_283 = tpu.memref_squeeze %dma_start3A_282 : memref<1x80xi32, #tpu.memory_space<vmem>> -> memref<80xi32, #tpu.memory_space<vmem>>
      %dma_start3A_284 = arith.constant 0 : i32
      %dma_start3A_285 = arith.constant 0 : i32
      %dma_start3A_286 = tpu.memref_slice %arg17[%dma_start3A_284, %dma_start3A_285] : memref<10240x128xf32, #tpu.memory_space<vmem_shared>> -> memref<10240x128xf32, #tpu.memory_space<vmem_shared>>
      tpu.enqueue_indirect_dma source(%arg9 : memref<80x128xf32, #tpu.memory_space<vmem>>) target(%dma_start3A_286 : memref<10240x128xf32, #tpu.memory_space<vmem_shared>>) offsets(%dma_start3A_283 : memref<80xi32, #tpu.memory_space<vmem>>) semaphore(%arg16 : memref<!tpu.dma_semaphore, #tpu.memory_space<semaphore_mem>>) {add = true}
      %add3A_287 = arith.constant 1 : i32
      %add3A_288 = arith.addi %mul3A_244, %add3A_287 : i32
      %dma_wait3A_289 = arith.constant 0 : i32
      %dma_wait3A_290 = tpu.memref_slice %arg7[%add3A_288, %dma_wait3A_289] : memref<32x80xi32, #tpu.memory_space<vmem>> -> memref<1x80xi32, #tpu.memory_space<vmem>>
      %dma_wait3A_291 = tpu.memref_squeeze %dma_wait3A_290 : memref<1x80xi32, #tpu.memory_space<vmem>> -> memref<80xi32, #tpu.memory_space<vmem>>
      %dma_wait3A_292 = arith.constant 0 : i32
      %dma_wait3A_293 = arith.constant 0 : i32
      %dma_wait3A_294 = tpu.memref_slice %arg17[%dma_wait3A_292, %dma_wait3A_293] : memref<10240x128xf32, #tpu.memory_space<vmem_shared>> -> memref<10240x128xf32, #tpu.memory_space<vmem_shared>>
      tpu.wait_indirect_dma semaphore(%arg16 : memref<!tpu.dma_semaphore, #tpu.memory_space<semaphore_mem>>) src(%arg9 : memref<80x128xf32, #tpu.memory_space<vmem>>) dst(%dma_wait3A_294 : memref<10240x128xf32, #tpu.memory_space<vmem_shared>>)
      %lt3A_295 = arith.constant 7 : i32
      %lt3A_296 = arith.cmpi slt, %scan3A_241, %lt3A_295 : i32
      %convert_element_type3A_297 = arith.extui %lt3A_296 : i1 to i32
      %cond3A_298 = arith.constant 0 : i32
      %cond3A_299 = arith.cmpi ne, %convert_element_type3A_297, %cond3A_298 : i32
      scf.if %cond3A_299 {
        %add3A_359 = arith.constant 1 : i32
        %add3A_360 = arith.addi %mul3A_244, %add3A_359 : i32
        %add3A_361 = arith.constant 4 : i32
        %add3A_362 = arith.addi %add3A_360, %add3A_361 : i32
        %dma_start3A_363 = arith.constant 0 : i32
        %dma_start3A_364 = tpu.memref_slice %arg6[%add3A_362, %dma_start3A_363] : memref<32x80xi32, #tpu.memory_space<vmem>> -> memref<1x80xi32, #tpu.memory_space<vmem>>
        %dma_start3A_365 = tpu.memref_squeeze %dma_start3A_364 : memref<1x80xi32, #tpu.memory_space<vmem>> -> memref<80xi32, #tpu.memory_space<vmem>>
        %dma_start3A_366 = arith.constant 0 : i32
        %dma_start3A_367 = arith.constant 0 : i32
        %dma_start3A_368 = tpu.memref_slice %arg2[%dma_start3A_366, %dma_start3A_367] : memref<20480x128xf32, #tpu.memory_space<hbm>> -> memref<20480x128xf32, #tpu.memory_space<hbm>>
        tpu.enqueue_indirect_dma source(%dma_start3A_368 : memref<20480x128xf32, #tpu.memory_space<hbm>>) target(%arg9 : memref<80x128xf32, #tpu.memory_space<vmem>>) offsets(%dma_start3A_365 : memref<80xi32, #tpu.memory_space<vmem>>) semaphore(%arg13 : memref<!tpu.dma_semaphore, #tpu.memory_space<semaphore_mem>>)
      } else {
      }
      %add3A_300 = arith.constant 2 : i32
      %add3A_301 = arith.addi %mul3A_244, %add3A_300 : i32
      %dma_wait3A_302 = arith.constant 0 : i32
      %dma_wait3A_303 = tpu.memref_slice %arg6[%add3A_301, %dma_wait3A_302] : memref<32x80xi32, #tpu.memory_space<vmem>> -> memref<1x80xi32, #tpu.memory_space<vmem>>
      %dma_wait3A_304 = tpu.memref_squeeze %dma_wait3A_303 : memref<1x80xi32, #tpu.memory_space<vmem>> -> memref<80xi32, #tpu.memory_space<vmem>>
      %dma_wait3A_305 = arith.constant 0 : i32
      %dma_wait3A_306 = arith.constant 0 : i32
      %dma_wait3A_307 = tpu.memref_slice %arg2[%dma_wait3A_305, %dma_wait3A_306] : memref<20480x128xf32, #tpu.memory_space<hbm>> -> memref<20480x128xf32, #tpu.memory_space<hbm>>
      tpu.wait_indirect_dma semaphore(%arg14 : memref<!tpu.dma_semaphore, #tpu.memory_space<semaphore_mem>>) src(%dma_wait3A_307 : memref<20480x128xf32, #tpu.memory_space<hbm>>) dst(%arg10 : memref<80x128xf32, #tpu.memory_space<vmem>>)
      %add3A_308 = arith.constant 2 : i32
      %add3A_309 = arith.addi %mul3A_244, %add3A_308 : i32
      %dma_start3A_310 = arith.constant 0 : i32
      %dma_start3A_311 = tpu.memref_slice %arg7[%add3A_309, %dma_start3A_310] : memref<32x80xi32, #tpu.memory_space<vmem>> -> memref<1x80xi32, #tpu.memory_space<vmem>>
      %dma_start3A_312 = tpu.memref_squeeze %dma_start3A_311 : memref<1x80xi32, #tpu.memory_space<vmem>> -> memref<80xi32, #tpu.memory_space<vmem>>
      %dma_start3A_313 = arith.constant 0 : i32
      %dma_start3A_314 = arith.constant 0 : i32
      %dma_start3A_315 = tpu.memref_slice %arg17[%dma_start3A_313, %dma_start3A_314] : memref<10240x128xf32, #tpu.memory_space<vmem_shared>> -> memref<10240x128xf32, #tpu.memory_space<vmem_shared>>
      tpu.enqueue_indirect_dma source(%arg10 : memref<80x128xf32, #tpu.memory_space<vmem>>) target(%dma_start3A_315 : memref<10240x128xf32, #tpu.memory_space<vmem_shared>>) offsets(%dma_start3A_312 : memref<80xi32, #tpu.memory_space<vmem>>) semaphore(%arg16 : memref<!tpu.dma_semaphore, #tpu.memory_space<semaphore_mem>>) {add = true}
      %add3A_316 = arith.constant 2 : i32
      %add3A_317 = arith.addi %mul3A_244, %add3A_316 : i32
      %dma_wait3A_318 = arith.constant 0 : i32
      %dma_wait3A_319 = tpu.memref_slice %arg7[%add3A_317, %dma_wait3A_318] : memref<32x80xi32, #tpu.memory_space<vmem>> -> memref<1x80xi32, #tpu.memory_space<vmem>>
      %dma_wait3A_320 = tpu.memref_squeeze %dma_wait3A_319 : memref<1x80xi32, #tpu.memory_space<vmem>> -> memref<80xi32, #tpu.memory_space<vmem>>
      %dma_wait3A_321 = arith.constant 0 : i32
      %dma_wait3A_322 = arith.constant 0 : i32
      %dma_wait3A_323 = tpu.memref_slice %arg17[%dma_wait3A_321, %dma_wait3A_322] : memref<10240x128xf32, #tpu.memory_space<vmem_shared>> -> memref<10240x128xf32, #tpu.memory_space<vmem_shared>>
      tpu.wait_indirect_dma semaphore(%arg16 : memref<!tpu.dma_semaphore, #tpu.memory_space<semaphore_mem>>) src(%arg10 : memref<80x128xf32, #tpu.memory_space<vmem>>) dst(%dma_wait3A_323 : memref<10240x128xf32, #tpu.memory_space<vmem_shared>>)
      %lt3A_324 = arith.constant 7 : i32
      %lt3A_325 = arith.cmpi slt, %scan3A_241, %lt3A_324 : i32
      %convert_element_type3A_326 = arith.extui %lt3A_325 : i1 to i32
      %cond3A_327 = arith.constant 0 : i32
      %cond3A_328 = arith.cmpi ne, %convert_element_type3A_326, %cond3A_327 : i32
      scf.if %cond3A_328 {
        %add3A_359 = arith.constant 2 : i32
        %add3A_360 = arith.addi %mul3A_244, %add3A_359 : i32
        %add3A_361 = arith.constant 4 : i32
        %add3A_362 = arith.addi %add3A_360, %add3A_361 : i32
        %dma_start3A_363 = arith.constant 0 : i32
        %dma_start3A_364 = tpu.memref_slice %arg6[%add3A_362, %dma_start3A_363] : memref<32x80xi32, #tpu.memory_space<vmem>> -> memref<1x80xi32, #tpu.memory_space<vmem>>
        %dma_start3A_365 = tpu.memref_squeeze %dma_start3A_364 : memref<1x80xi32, #tpu.memory_space<vmem>> -> memref<80xi32, #tpu.memory_space<vmem>>
        %dma_start3A_366 = arith.constant 0 : i32
        %dma_start3A_367 = arith.constant 0 : i32
        %dma_start3A_368 = tpu.memref_slice %arg2[%dma_start3A_366, %dma_start3A_367] : memref<20480x128xf32, #tpu.memory_space<hbm>> -> memref<20480x128xf32, #tpu.memory_space<hbm>>
        tpu.enqueue_indirect_dma source(%dma_start3A_368 : memref<20480x128xf32, #tpu.memory_space<hbm>>) target(%arg10 : memref<80x128xf32, #tpu.memory_space<vmem>>) offsets(%dma_start3A_365 : memref<80xi32, #tpu.memory_space<vmem>>) semaphore(%arg14 : memref<!tpu.dma_semaphore, #tpu.memory_space<semaphore_mem>>)
      } else {
      }
      %add3A_329 = arith.constant 3 : i32
      %add3A_330 = arith.addi %mul3A_244, %add3A_329 : i32
      %dma_wait3A_331 = arith.constant 0 : i32
      %dma_wait3A_332 = tpu.memref_slice %arg6[%add3A_330, %dma_wait3A_331] : memref<32x80xi32, #tpu.memory_space<vmem>> -> memref<1x80xi32, #tpu.memory_space<vmem>>
      %dma_wait3A_333 = tpu.memref_squeeze %dma_wait3A_332 : memref<1x80xi32, #tpu.memory_space<vmem>> -> memref<80xi32, #tpu.memory_space<vmem>>
      %dma_wait3A_334 = arith.constant 0 : i32
      %dma_wait3A_335 = arith.constant 0 : i32
      %dma_wait3A_336 = tpu.memref_slice %arg2[%dma_wait3A_334, %dma_wait3A_335] : memref<20480x128xf32, #tpu.memory_space<hbm>> -> memref<20480x128xf32, #tpu.memory_space<hbm>>
      tpu.wait_indirect_dma semaphore(%arg15 : memref<!tpu.dma_semaphore, #tpu.memory_space<semaphore_mem>>) src(%dma_wait3A_336 : memref<20480x128xf32, #tpu.memory_space<hbm>>) dst(%arg11 : memref<80x128xf32, #tpu.memory_space<vmem>>)
      %add3A_337 = arith.constant 3 : i32
      %add3A_338 = arith.addi %mul3A_244, %add3A_337 : i32
      %dma_start3A_339 = arith.constant 0 : i32
      %dma_start3A_340 = tpu.memref_slice %arg7[%add3A_338, %dma_start3A_339] : memref<32x80xi32, #tpu.memory_space<vmem>> -> memref<1x80xi32, #tpu.memory_space<vmem>>
      %dma_start3A_341 = tpu.memref_squeeze %dma_start3A_340 : memref<1x80xi32, #tpu.memory_space<vmem>> -> memref<80xi32, #tpu.memory_space<vmem>>
      %dma_start3A_342 = arith.constant 0 : i32
      %dma_start3A_343 = arith.constant 0 : i32
      %dma_start3A_344 = tpu.memref_slice %arg17[%dma_start3A_342, %dma_start3A_343] : memref<10240x128xf32, #tpu.memory_space<vmem_shared>> -> memref<10240x128xf32, #tpu.memory_space<vmem_shared>>
      tpu.enqueue_indirect_dma source(%arg11 : memref<80x128xf32, #tpu.memory_space<vmem>>) target(%dma_start3A_344 : memref<10240x128xf32, #tpu.memory_space<vmem_shared>>) offsets(%dma_start3A_341 : memref<80xi32, #tpu.memory_space<vmem>>) semaphore(%arg16 : memref<!tpu.dma_semaphore, #tpu.memory_space<semaphore_mem>>) {add = true}
      %add3A_345 = arith.constant 3 : i32
      %add3A_346 = arith.addi %mul3A_244, %add3A_345 : i32
      %dma_wait3A_347 = arith.constant 0 : i32
      %dma_wait3A_348 = tpu.memref_slice %arg7[%add3A_346, %dma_wait3A_347] : memref<32x80xi32, #tpu.memory_space<vmem>> -> memref<1x80xi32, #tpu.memory_space<vmem>>
      %dma_wait3A_349 = tpu.memref_squeeze %dma_wait3A_348 : memref<1x80xi32, #tpu.memory_space<vmem>> -> memref<80xi32, #tpu.memory_space<vmem>>
      %dma_wait3A_350 = arith.constant 0 : i32
      %dma_wait3A_351 = arith.constant 0 : i32
      %dma_wait3A_352 = tpu.memref_slice %arg17[%dma_wait3A_350, %dma_wait3A_351] : memref<10240x128xf32, #tpu.memory_space<vmem_shared>> -> memref<10240x128xf32, #tpu.memory_space<vmem_shared>>
      tpu.wait_indirect_dma semaphore(%arg16 : memref<!tpu.dma_semaphore, #tpu.memory_space<semaphore_mem>>) src(%arg11 : memref<80x128xf32, #tpu.memory_space<vmem>>) dst(%dma_wait3A_352 : memref<10240x128xf32, #tpu.memory_space<vmem_shared>>)
      %lt3A_353 = arith.constant 7 : i32
      %lt3A_354 = arith.cmpi slt, %scan3A_241, %lt3A_353 : i32
      %convert_element_type3A_355 = arith.extui %lt3A_354 : i1 to i32
      %cond3A_356 = arith.constant 0 : i32
      %cond3A_357 = arith.cmpi ne, %convert_element_type3A_355, %cond3A_356 : i32
      scf.if %cond3A_357 {
        %add3A_359 = arith.constant 3 : i32
        %add3A_360 = arith.addi %mul3A_244, %add3A_359 : i32
        %add3A_361 = arith.constant 4 : i32
        %add3A_362 = arith.addi %add3A_360, %add3A_361 : i32
        %dma_start3A_363 = arith.constant 0 : i32
        %dma_start3A_364 = tpu.memref_slice %arg6[%add3A_362, %dma_start3A_363] : memref<32x80xi32, #tpu.memory_space<vmem>> -> memref<1x80xi32, #tpu.memory_space<vmem>>
        %dma_start3A_365 = tpu.memref_squeeze %dma_start3A_364 : memref<1x80xi32, #tpu.memory_space<vmem>> -> memref<80xi32, #tpu.memory_space<vmem>>
        %dma_start3A_366 = arith.constant 0 : i32
        %dma_start3A_367 = arith.constant 0 : i32
        %dma_start3A_368 = tpu.memref_slice %arg2[%dma_start3A_366, %dma_start3A_367] : memref<20480x128xf32, #tpu.memory_space<hbm>> -> memref<20480x128xf32, #tpu.memory_space<hbm>>
        tpu.enqueue_indirect_dma source(%dma_start3A_368 : memref<20480x128xf32, #tpu.memory_space<hbm>>) target(%arg11 : memref<80x128xf32, #tpu.memory_space<vmem>>) offsets(%dma_start3A_365 : memref<80xi32, #tpu.memory_space<vmem>>) semaphore(%arg15 : memref<!tpu.dma_semaphore, #tpu.memory_space<semaphore_mem>>)
      } else {
      }
      %scan3A_358 = arith.constant 0 : i32
      scf.yield %scan3A_358 : i32
    }
    %scan3A_204 = arith.constant 8 : i32
    "tpu.region"() ({
      %run_scoped3A = tpu.sem_alloc : memref<!tpu.dma_semaphore, #tpu.memory_space<semaphore_mem>>
      %dma_start3A_241 = arith.constant 96 : i32
      %dma_start3A_242 = arith.constant 0 : i32
      %dma_start3A_243 = tpu.memref_slice %arg3[%arg0, %arg1, %dma_start3A_241, %dma_start3A_242] : memref<2x16x128x80xi32, #tpu.memory_space<hbm>> -> memref<1x1x32x80xi32, #tpu.memory_space<hbm>>
      %dma_start3A_244 = tpu.memref_squeeze %dma_start3A_243 : memref<1x1x32x80xi32, #tpu.memory_space<hbm>> -> memref<32x80xi32, #tpu.memory_space<hbm>>
      %dma_start3A_245 = arith.constant 96 : i32
      %dma_start3A_246 = arith.constant 0 : i32
      %dma_start3A_247 = tpu.memref_slice %arg3[%arg0, %arg1, %dma_start3A_245, %dma_start3A_246] : memref<2x16x128x80xi32, #tpu.memory_space<hbm>> -> memref<1x1x32x80xi32, #tpu.memory_space<hbm>>
      %dma_start3A_248 = tpu.memref_squeeze %dma_start3A_247 : memref<1x1x32x80xi32, #tpu.memory_space<hbm>> -> memref<32x80xi32, #tpu.memory_space<hbm>>
      tpu.enqueue_dma source(%dma_start3A_248 : memref<32x80xi32, #tpu.memory_space<hbm>>) target(%arg6 : memref<32x80xi32, #tpu.memory_space<vmem>>) target_semaphore(%run_scoped3A : memref<!tpu.dma_semaphore, #tpu.memory_space<semaphore_mem>>)
      %dma_wait3A_249 = arith.constant 96 : i32
      %dma_wait3A_250 = arith.constant 0 : i32
      %dma_wait3A_251 = tpu.memref_slice %arg3[%arg0, %arg1, %dma_wait3A_249, %dma_wait3A_250] : memref<2x16x128x80xi32, #tpu.memory_space<hbm>> -> memref<1x1x32x80xi32, #tpu.memory_space<hbm>>
      %dma_wait3A_252 = tpu.memref_squeeze %dma_wait3A_251 : memref<1x1x32x80xi32, #tpu.memory_space<hbm>> -> memref<32x80xi32, #tpu.memory_space<hbm>>
      %dma_wait3A_253 = arith.constant 96 : i32
      %dma_wait3A_254 = arith.constant 0 : i32
      %dma_wait3A_255 = tpu.memref_slice %arg3[%arg0, %arg1, %dma_wait3A_253, %dma_wait3A_254] : memref<2x16x128x80xi32, #tpu.memory_space<hbm>> -> memref<1x1x32x80xi32, #tpu.memory_space<hbm>>
      %dma_wait3A_256 = tpu.memref_squeeze %dma_wait3A_255 : memref<1x1x32x80xi32, #tpu.memory_space<hbm>> -> memref<32x80xi32, #tpu.memory_space<hbm>>
      tpu.wait_dma2 semaphore(%run_scoped3A : memref<!tpu.dma_semaphore, #tpu.memory_space<semaphore_mem>>) src(%dma_wait3A_256 : memref<32x80xi32, #tpu.memory_space<hbm>>) dst(%arg6 : memref<32x80xi32, #tpu.memory_space<vmem>>)
      tpu.yield
    }) : () -> ()
    "tpu.region"() ({
      %run_scoped3A = tpu.sem_alloc : memref<!tpu.dma_semaphore, #tpu.memory_space<semaphore_mem>>
      %dma_start3A_241 = arith.constant 96 : i32
      %dma_start3A_242 = arith.constant 0 : i32
      %dma_start3A_243 = tpu.memref_slice %arg4[%arg1, %dma_start3A_241, %dma_start3A_242] : memref<16x128x80xi32, #tpu.memory_space<hbm>> -> memref<1x32x80xi32, #tpu.memory_space<hbm>>
      %dma_start3A_244 = tpu.memref_squeeze %dma_start3A_243 : memref<1x32x80xi32, #tpu.memory_space<hbm>> -> memref<32x80xi32, #tpu.memory_space<hbm>>
      %dma_start3A_245 = arith.constant 96 : i32
      %dma_start3A_246 = arith.constant 0 : i32
      %dma_start3A_247 = tpu.memref_slice %arg4[%arg1, %dma_start3A_245, %dma_start3A_246] : memref<16x128x80xi32, #tpu.memory_space<hbm>> -> memref<1x32x80xi32, #tpu.memory_space<hbm>>
      %dma_start3A_248 = tpu.memref_squeeze %dma_start3A_247 : memref<1x32x80xi32, #tpu.memory_space<hbm>> -> memref<32x80xi32, #tpu.memory_space<hbm>>
      tpu.enqueue_dma source(%dma_start3A_248 : memref<32x80xi32, #tpu.memory_space<hbm>>) target(%arg7 : memref<32x80xi32, #tpu.memory_space<vmem>>) target_semaphore(%run_scoped3A : memref<!tpu.dma_semaphore, #tpu.memory_space<semaphore_mem>>)
      %dma_wait3A_249 = arith.constant 96 : i32
      %dma_wait3A_250 = arith.constant 0 : i32
      %dma_wait3A_251 = tpu.memref_slice %arg4[%arg1, %dma_wait3A_249, %dma_wait3A_250] : memref<16x128x80xi32, #tpu.memory_space<hbm>> -> memref<1x32x80xi32, #tpu.memory_space<hbm>>
      %dma_wait3A_252 = tpu.memref_squeeze %dma_wait3A_251 : memref<1x32x80xi32, #tpu.memory_space<hbm>> -> memref<32x80xi32, #tpu.memory_space<hbm>>
      %dma_wait3A_253 = arith.constant 96 : i32
      %dma_wait3A_254 = arith.constant 0 : i32
      %dma_wait3A_255 = tpu.memref_slice %arg4[%arg1, %dma_wait3A_253, %dma_wait3A_254] : memref<16x128x80xi32, #tpu.memory_space<hbm>> -> memref<1x32x80xi32, #tpu.memory_space<hbm>>
      %dma_wait3A_256 = tpu.memref_squeeze %dma_wait3A_255 : memref<1x32x80xi32, #tpu.memory_space<hbm>> -> memref<32x80xi32, #tpu.memory_space<hbm>>
      tpu.wait_dma2 semaphore(%run_scoped3A : memref<!tpu.dma_semaphore, #tpu.memory_space<semaphore_mem>>) src(%dma_wait3A_256 : memref<32x80xi32, #tpu.memory_space<hbm>>) dst(%arg7 : memref<32x80xi32, #tpu.memory_space<vmem>>)
      tpu.yield
    }) : () -> ()
    %dma_start3A_205 = arith.constant 0 : i32
    %dma_start3A_206 = arith.constant 0 : i32
    %dma_start3A_207 = tpu.memref_slice %arg6[%dma_start3A_205, %dma_start3A_206] : memref<32x80xi32, #tpu.memory_space<vmem>> -> memref<1x80xi32, #tpu.memory_space<vmem>>
    %dma_start3A_208 = tpu.memref_squeeze %dma_start3A_207 : memref<1x80xi32, #tpu.memory_space<vmem>> -> memref<80xi32, #tpu.memory_space<vmem>>
    %dma_start3A_209 = arith.constant 0 : i32
    %dma_start3A_210 = arith.constant 0 : i32
    %dma_start3A_211 = tpu.memref_slice %arg2[%dma_start3A_209, %dma_start3A_210] : memref<20480x128xf32, #tpu.memory_space<hbm>> -> memref<20480x128xf32, #tpu.memory_space<hbm>>
    tpu.enqueue_indirect_dma source(%dma_start3A_211 : memref<20480x128xf32, #tpu.memory_space<hbm>>) target(%arg8 : memref<80x128xf32, #tpu.memory_space<vmem>>) offsets(%dma_start3A_208 : memref<80xi32, #tpu.memory_space<vmem>>) semaphore(%arg12 : memref<!tpu.dma_semaphore, #tpu.memory_space<semaphore_mem>>)
    %dma_start3A_212 = arith.constant 1 : i32
    %dma_start3A_213 = arith.constant 0 : i32
    %dma_start3A_214 = tpu.memref_slice %arg6[%dma_start3A_212, %dma_start3A_213] : memref<32x80xi32, #tpu.memory_space<vmem>> -> memref<1x80xi32, #tpu.memory_space<vmem>>
    %dma_start3A_215 = tpu.memref_squeeze %dma_start3A_214 : memref<1x80xi32, #tpu.memory_space<vmem>> -> memref<80xi32, #tpu.memory_space<vmem>>
    %dma_start3A_216 = arith.constant 0 : i32
    %dma_start3A_217 = arith.constant 0 : i32
    %dma_start3A_218 = tpu.memref_slice %arg2[%dma_start3A_216, %dma_start3A_217] : memref<20480x128xf32, #tpu.memory_space<hbm>> -> memref<20480x128xf32, #tpu.memory_space<hbm>>
    tpu.enqueue_indirect_dma source(%dma_start3A_218 : memref<20480x128xf32, #tpu.memory_space<hbm>>) target(%arg9 : memref<80x128xf32, #tpu.memory_space<vmem>>) offsets(%dma_start3A_215 : memref<80xi32, #tpu.memory_space<vmem>>) semaphore(%arg13 : memref<!tpu.dma_semaphore, #tpu.memory_space<semaphore_mem>>)
    %dma_start3A_219 = arith.constant 2 : i32
    %dma_start3A_220 = arith.constant 0 : i32
    %dma_start3A_221 = tpu.memref_slice %arg6[%dma_start3A_219, %dma_start3A_220] : memref<32x80xi32, #tpu.memory_space<vmem>> -> memref<1x80xi32, #tpu.memory_space<vmem>>
    %dma_start3A_222 = tpu.memref_squeeze %dma_start3A_221 : memref<1x80xi32, #tpu.memory_space<vmem>> -> memref<80xi32, #tpu.memory_space<vmem>>
    %dma_start3A_223 = arith.constant 0 : i32
    %dma_start3A_224 = arith.constant 0 : i32
    %dma_start3A_225 = tpu.memref_slice %arg2[%dma_start3A_223, %dma_start3A_224] : memref<20480x128xf32, #tpu.memory_space<hbm>> -> memref<20480x128xf32, #tpu.memory_space<hbm>>
    tpu.enqueue_indirect_dma source(%dma_start3A_225 : memref<20480x128xf32, #tpu.memory_space<hbm>>) target(%arg10 : memref<80x128xf32, #tpu.memory_space<vmem>>) offsets(%dma_start3A_222 : memref<80xi32, #tpu.memory_space<vmem>>) semaphore(%arg14 : memref<!tpu.dma_semaphore, #tpu.memory_space<semaphore_mem>>)
    %dma_start3A_226 = arith.constant 3 : i32
    %dma_start3A_227 = arith.constant 0 : i32
    %dma_start3A_228 = tpu.memref_slice %arg6[%dma_start3A_226, %dma_start3A_227] : memref<32x80xi32, #tpu.memory_space<vmem>> -> memref<1x80xi32, #tpu.memory_space<vmem>>
    %dma_start3A_229 = tpu.memref_squeeze %dma_start3A_228 : memref<1x80xi32, #tpu.memory_space<vmem>> -> memref<80xi32, #tpu.memory_space<vmem>>
    %dma_start3A_230 = arith.constant 0 : i32
    %dma_start3A_231 = arith.constant 0 : i32
    %dma_start3A_232 = tpu.memref_slice %arg2[%dma_start3A_230, %dma_start3A_231] : memref<20480x128xf32, #tpu.memory_space<hbm>> -> memref<20480x128xf32, #tpu.memory_space<hbm>>
    tpu.enqueue_indirect_dma source(%dma_start3A_232 : memref<20480x128xf32, #tpu.memory_space<hbm>>) target(%arg11 : memref<80x128xf32, #tpu.memory_space<vmem>>) offsets(%dma_start3A_229 : memref<80xi32, #tpu.memory_space<vmem>>) semaphore(%arg15 : memref<!tpu.dma_semaphore, #tpu.memory_space<semaphore_mem>>)
    %scan3A_233 = arith.constant 0 : i32
    %scan3A_234 = arith.constant 0 : i32
    %scan3A_235 = arith.constant 8 : i32
    %scan3A_236 = arith.addi %scan3A_234, %scan3A_235 : i32
    %scan3A_237 = arith.constant 1 : i32
    %scan3A_238 = scf.for %scan3A_241 = %scan3A_234 to %scan3A_236 step %scan3A_237 iter_args(%scan3A_242 = %scan3A_233) -> (i32)  : i32 {
      %mul3A_243 = arith.constant 4 : i32
      %mul3A_244 = arith.muli %mul3A_243, %scan3A_241 : i32
      %add3A_245 = arith.constant 0 : i32
      %add3A_246 = arith.addi %mul3A_244, %add3A_245 : i32
      %dma_wait3A_247 = arith.constant 0 : i32
      %dma_wait3A_248 = tpu.memref_slice %arg6[%add3A_246, %dma_wait3A_247] : memref<32x80xi32, #tpu.memory_space<vmem>> -> memref<1x80xi32, #tpu.memory_space<vmem>>
      %dma_wait3A_249 = tpu.memref_squeeze %dma_wait3A_248 : memref<1x80xi32, #tpu.memory_space<vmem>> -> memref<80xi32, #tpu.memory_space<vmem>>
      %dma_wait3A_250 = arith.constant 0 : i32
      %dma_wait3A_251 = arith.constant 0 : i32
      %dma_wait3A_252 = tpu.memref_slice %arg2[%dma_wait3A_250, %dma_wait3A_251] : memref<20480x128xf32, #tpu.memory_space<hbm>> -> memref<20480x128xf32, #tpu.memory_space<hbm>>
      tpu.wait_indirect_dma semaphore(%arg12 : memref<!tpu.dma_semaphore, #tpu.memory_space<semaphore_mem>>) src(%dma_wait3A_252 : memref<20480x128xf32, #tpu.memory_space<hbm>>) dst(%arg8 : memref<80x128xf32, #tpu.memory_space<vmem>>)
      %add3A_253 = arith.constant 0 : i32
      %add3A_254 = arith.addi %mul3A_244, %add3A_253 : i32
      %dma_start3A_255 = arith.constant 0 : i32
      %dma_start3A_256 = tpu.memref_slice %arg7[%add3A_254, %dma_start3A_255] : memref<32x80xi32, #tpu.memory_space<vmem>> -> memref<1x80xi32, #tpu.memory_space<vmem>>
      %dma_start3A_257 = tpu.memref_squeeze %dma_start3A_256 : memref<1x80xi32, #tpu.memory_space<vmem>> -> memref<80xi32, #tpu.memory_space<vmem>>
      %dma_start3A_258 = arith.constant 0 : i32
      %dma_start3A_259 = arith.constant 0 : i32
      %dma_start3A_260 = tpu.memref_slice %arg17[%dma_start3A_258, %dma_start3A_259] : memref<10240x128xf32, #tpu.memory_space<vmem_shared>> -> memref<10240x128xf32, #tpu.memory_space<vmem_shared>>
      tpu.enqueue_indirect_dma source(%arg8 : memref<80x128xf32, #tpu.memory_space<vmem>>) target(%dma_start3A_260 : memref<10240x128xf32, #tpu.memory_space<vmem_shared>>) offsets(%dma_start3A_257 : memref<80xi32, #tpu.memory_space<vmem>>) semaphore(%arg16 : memref<!tpu.dma_semaphore, #tpu.memory_space<semaphore_mem>>) {add = true}
      %add3A_261 = arith.constant 0 : i32
      %add3A_262 = arith.addi %mul3A_244, %add3A_261 : i32
      %dma_wait3A_263 = arith.constant 0 : i32
      %dma_wait3A_264 = tpu.memref_slice %arg7[%add3A_262, %dma_wait3A_263] : memref<32x80xi32, #tpu.memory_space<vmem>> -> memref<1x80xi32, #tpu.memory_space<vmem>>
      %dma_wait3A_265 = tpu.memref_squeeze %dma_wait3A_264 : memref<1x80xi32, #tpu.memory_space<vmem>> -> memref<80xi32, #tpu.memory_space<vmem>>
      %dma_wait3A_266 = arith.constant 0 : i32
      %dma_wait3A_267 = arith.constant 0 : i32
      %dma_wait3A_268 = tpu.memref_slice %arg17[%dma_wait3A_266, %dma_wait3A_267] : memref<10240x128xf32, #tpu.memory_space<vmem_shared>> -> memref<10240x128xf32, #tpu.memory_space<vmem_shared>>
      tpu.wait_indirect_dma semaphore(%arg16 : memref<!tpu.dma_semaphore, #tpu.memory_space<semaphore_mem>>) src(%arg8 : memref<80x128xf32, #tpu.memory_space<vmem>>) dst(%dma_wait3A_268 : memref<10240x128xf32, #tpu.memory_space<vmem_shared>>)
      %lt3A = arith.constant 7 : i32
      %lt3A_269 = arith.cmpi slt, %scan3A_241, %lt3A : i32
      %convert_element_type3A = arith.extui %lt3A_269 : i1 to i32
      %cond3A = arith.constant 0 : i32
      %cond3A_270 = arith.cmpi ne, %convert_element_type3A, %cond3A : i32
      scf.if %cond3A_270 {
        %add3A_359 = arith.constant 0 : i32
        %add3A_360 = arith.addi %mul3A_244, %add3A_359 : i32
        %add3A_361 = arith.constant 4 : i32
        %add3A_362 = arith.addi %add3A_360, %add3A_361 : i32
        %dma_start3A_363 = arith.constant 0 : i32
        %dma_start3A_364 = tpu.memref_slice %arg6[%add3A_362, %dma_start3A_363] : memref<32x80xi32, #tpu.memory_space<vmem>> -> memref<1x80xi32, #tpu.memory_space<vmem>>
        %dma_start3A_365 = tpu.memref_squeeze %dma_start3A_364 : memref<1x80xi32, #tpu.memory_space<vmem>> -> memref<80xi32, #tpu.memory_space<vmem>>
        %dma_start3A_366 = arith.constant 0 : i32
        %dma_start3A_367 = arith.constant 0 : i32
        %dma_start3A_368 = tpu.memref_slice %arg2[%dma_start3A_366, %dma_start3A_367] : memref<20480x128xf32, #tpu.memory_space<hbm>> -> memref<20480x128xf32, #tpu.memory_space<hbm>>
        tpu.enqueue_indirect_dma source(%dma_start3A_368 : memref<20480x128xf32, #tpu.memory_space<hbm>>) target(%arg8 : memref<80x128xf32, #tpu.memory_space<vmem>>) offsets(%dma_start3A_365 : memref<80xi32, #tpu.memory_space<vmem>>) semaphore(%arg12 : memref<!tpu.dma_semaphore, #tpu.memory_space<semaphore_mem>>)
      } else {
      }
      %add3A_271 = arith.constant 1 : i32
      %add3A_272 = arith.addi %mul3A_244, %add3A_271 : i32
      %dma_wait3A_273 = arith.constant 0 : i32
      %dma_wait3A_274 = tpu.memref_slice %arg6[%add3A_272, %dma_wait3A_273] : memref<32x80xi32, #tpu.memory_space<vmem>> -> memref<1x80xi32, #tpu.memory_space<vmem>>
      %dma_wait3A_275 = tpu.memref_squeeze %dma_wait3A_274 : memref<1x80xi32, #tpu.memory_space<vmem>> -> memref<80xi32, #tpu.memory_space<vmem>>
      %dma_wait3A_276 = arith.constant 0 : i32
      %dma_wait3A_277 = arith.constant 0 : i32
      %dma_wait3A_278 = tpu.memref_slice %arg2[%dma_wait3A_276, %dma_wait3A_277] : memref<20480x128xf32, #tpu.memory_space<hbm>> -> memref<20480x128xf32, #tpu.memory_space<hbm>>
      tpu.wait_indirect_dma semaphore(%arg13 : memref<!tpu.dma_semaphore, #tpu.memory_space<semaphore_mem>>) src(%dma_wait3A_278 : memref<20480x128xf32, #tpu.memory_space<hbm>>) dst(%arg9 : memref<80x128xf32, #tpu.memory_space<vmem>>)
      %add3A_279 = arith.constant 1 : i32
      %add3A_280 = arith.addi %mul3A_244, %add3A_279 : i32
      %dma_start3A_281 = arith.constant 0 : i32
      %dma_start3A_282 = tpu.memref_slice %arg7[%add3A_280, %dma_start3A_281] : memref<32x80xi32, #tpu.memory_space<vmem>> -> memref<1x80xi32, #tpu.memory_space<vmem>>
      %dma_start3A_283 = tpu.memref_squeeze %dma_start3A_282 : memref<1x80xi32, #tpu.memory_space<vmem>> -> memref<80xi32, #tpu.memory_space<vmem>>
      %dma_start3A_284 = arith.constant 0 : i32
      %dma_start3A_285 = arith.constant 0 : i32
      %dma_start3A_286 = tpu.memref_slice %arg17[%dma_start3A_284, %dma_start3A_285] : memref<10240x128xf32, #tpu.memory_space<vmem_shared>> -> memref<10240x128xf32, #tpu.memory_space<vmem_shared>>
      tpu.enqueue_indirect_dma source(%arg9 : memref<80x128xf32, #tpu.memory_space<vmem>>) target(%dma_start3A_286 : memref<10240x128xf32, #tpu.memory_space<vmem_shared>>) offsets(%dma_start3A_283 : memref<80xi32, #tpu.memory_space<vmem>>) semaphore(%arg16 : memref<!tpu.dma_semaphore, #tpu.memory_space<semaphore_mem>>) {add = true}
      %add3A_287 = arith.constant 1 : i32
      %add3A_288 = arith.addi %mul3A_244, %add3A_287 : i32
      %dma_wait3A_289 = arith.constant 0 : i32
      %dma_wait3A_290 = tpu.memref_slice %arg7[%add3A_288, %dma_wait3A_289] : memref<32x80xi32, #tpu.memory_space<vmem>> -> memref<1x80xi32, #tpu.memory_space<vmem>>
      %dma_wait3A_291 = tpu.memref_squeeze %dma_wait3A_290 : memref<1x80xi32, #tpu.memory_space<vmem>> -> memref<80xi32, #tpu.memory_space<vmem>>
      %dma_wait3A_292 = arith.constant 0 : i32
      %dma_wait3A_293 = arith.constant 0 : i32
      %dma_wait3A_294 = tpu.memref_slice %arg17[%dma_wait3A_292, %dma_wait3A_293] : memref<10240x128xf32, #tpu.memory_space<vmem_shared>> -> memref<10240x128xf32, #tpu.memory_space<vmem_shared>>
      tpu.wait_indirect_dma semaphore(%arg16 : memref<!tpu.dma_semaphore, #tpu.memory_space<semaphore_mem>>) src(%arg9 : memref<80x128xf32, #tpu.memory_space<vmem>>) dst(%dma_wait3A_294 : memref<10240x128xf32, #tpu.memory_space<vmem_shared>>)
      %lt3A_295 = arith.constant 7 : i32
      %lt3A_296 = arith.cmpi slt, %scan3A_241, %lt3A_295 : i32
      %convert_element_type3A_297 = arith.extui %lt3A_296 : i1 to i32
      %cond3A_298 = arith.constant 0 : i32
      %cond3A_299 = arith.cmpi ne, %convert_element_type3A_297, %cond3A_298 : i32
      scf.if %cond3A_299 {
        %add3A_359 = arith.constant 1 : i32
        %add3A_360 = arith.addi %mul3A_244, %add3A_359 : i32
        %add3A_361 = arith.constant 4 : i32
        %add3A_362 = arith.addi %add3A_360, %add3A_361 : i32
        %dma_start3A_363 = arith.constant 0 : i32
        %dma_start3A_364 = tpu.memref_slice %arg6[%add3A_362, %dma_start3A_363] : memref<32x80xi32, #tpu.memory_space<vmem>> -> memref<1x80xi32, #tpu.memory_space<vmem>>
        %dma_start3A_365 = tpu.memref_squeeze %dma_start3A_364 : memref<1x80xi32, #tpu.memory_space<vmem>> -> memref<80xi32, #tpu.memory_space<vmem>>
        %dma_start3A_366 = arith.constant 0 : i32
        %dma_start3A_367 = arith.constant 0 : i32
        %dma_start3A_368 = tpu.memref_slice %arg2[%dma_start3A_366, %dma_start3A_367] : memref<20480x128xf32, #tpu.memory_space<hbm>> -> memref<20480x128xf32, #tpu.memory_space<hbm>>
        tpu.enqueue_indirect_dma source(%dma_start3A_368 : memref<20480x128xf32, #tpu.memory_space<hbm>>) target(%arg9 : memref<80x128xf32, #tpu.memory_space<vmem>>) offsets(%dma_start3A_365 : memref<80xi32, #tpu.memory_space<vmem>>) semaphore(%arg13 : memref<!tpu.dma_semaphore, #tpu.memory_space<semaphore_mem>>)
      } else {
      }
      %add3A_300 = arith.constant 2 : i32
      %add3A_301 = arith.addi %mul3A_244, %add3A_300 : i32
      %dma_wait3A_302 = arith.constant 0 : i32
      %dma_wait3A_303 = tpu.memref_slice %arg6[%add3A_301, %dma_wait3A_302] : memref<32x80xi32, #tpu.memory_space<vmem>> -> memref<1x80xi32, #tpu.memory_space<vmem>>
      %dma_wait3A_304 = tpu.memref_squeeze %dma_wait3A_303 : memref<1x80xi32, #tpu.memory_space<vmem>> -> memref<80xi32, #tpu.memory_space<vmem>>
      %dma_wait3A_305 = arith.constant 0 : i32
      %dma_wait3A_306 = arith.constant 0 : i32
      %dma_wait3A_307 = tpu.memref_slice %arg2[%dma_wait3A_305, %dma_wait3A_306] : memref<20480x128xf32, #tpu.memory_space<hbm>> -> memref<20480x128xf32, #tpu.memory_space<hbm>>
      tpu.wait_indirect_dma semaphore(%arg14 : memref<!tpu.dma_semaphore, #tpu.memory_space<semaphore_mem>>) src(%dma_wait3A_307 : memref<20480x128xf32, #tpu.memory_space<hbm>>) dst(%arg10 : memref<80x128xf32, #tpu.memory_space<vmem>>)
      %add3A_308 = arith.constant 2 : i32
      %add3A_309 = arith.addi %mul3A_244, %add3A_308 : i32
      %dma_start3A_310 = arith.constant 0 : i32
      %dma_start3A_311 = tpu.memref_slice %arg7[%add3A_309, %dma_start3A_310] : memref<32x80xi32, #tpu.memory_space<vmem>> -> memref<1x80xi32, #tpu.memory_space<vmem>>
      %dma_start3A_312 = tpu.memref_squeeze %dma_start3A_311 : memref<1x80xi32, #tpu.memory_space<vmem>> -> memref<80xi32, #tpu.memory_space<vmem>>
      %dma_start3A_313 = arith.constant 0 : i32
      %dma_start3A_314 = arith.constant 0 : i32
      %dma_start3A_315 = tpu.memref_slice %arg17[%dma_start3A_313, %dma_start3A_314] : memref<10240x128xf32, #tpu.memory_space<vmem_shared>> -> memref<10240x128xf32, #tpu.memory_space<vmem_shared>>
      tpu.enqueue_indirect_dma source(%arg10 : memref<80x128xf32, #tpu.memory_space<vmem>>) target(%dma_start3A_315 : memref<10240x128xf32, #tpu.memory_space<vmem_shared>>) offsets(%dma_start3A_312 : memref<80xi32, #tpu.memory_space<vmem>>) semaphore(%arg16 : memref<!tpu.dma_semaphore, #tpu.memory_space<semaphore_mem>>) {add = true}
      %add3A_316 = arith.constant 2 : i32
      %add3A_317 = arith.addi %mul3A_244, %add3A_316 : i32
      %dma_wait3A_318 = arith.constant 0 : i32
      %dma_wait3A_319 = tpu.memref_slice %arg7[%add3A_317, %dma_wait3A_318] : memref<32x80xi32, #tpu.memory_space<vmem>> -> memref<1x80xi32, #tpu.memory_space<vmem>>
      %dma_wait3A_320 = tpu.memref_squeeze %dma_wait3A_319 : memref<1x80xi32, #tpu.memory_space<vmem>> -> memref<80xi32, #tpu.memory_space<vmem>>
      %dma_wait3A_321 = arith.constant 0 : i32
      %dma_wait3A_322 = arith.constant 0 : i32
      %dma_wait3A_323 = tpu.memref_slice %arg17[%dma_wait3A_321, %dma_wait3A_322] : memref<10240x128xf32, #tpu.memory_space<vmem_shared>> -> memref<10240x128xf32, #tpu.memory_space<vmem_shared>>
      tpu.wait_indirect_dma semaphore(%arg16 : memref<!tpu.dma_semaphore, #tpu.memory_space<semaphore_mem>>) src(%arg10 : memref<80x128xf32, #tpu.memory_space<vmem>>) dst(%dma_wait3A_323 : memref<10240x128xf32, #tpu.memory_space<vmem_shared>>)
      %lt3A_324 = arith.constant 7 : i32
      %lt3A_325 = arith.cmpi slt, %scan3A_241, %lt3A_324 : i32
      %convert_element_type3A_326 = arith.extui %lt3A_325 : i1 to i32
      %cond3A_327 = arith.constant 0 : i32
      %cond3A_328 = arith.cmpi ne, %convert_element_type3A_326, %cond3A_327 : i32
      scf.if %cond3A_328 {
        %add3A_359 = arith.constant 2 : i32
        %add3A_360 = arith.addi %mul3A_244, %add3A_359 : i32
        %add3A_361 = arith.constant 4 : i32
        %add3A_362 = arith.addi %add3A_360, %add3A_361 : i32
        %dma_start3A_363 = arith.constant 0 : i32
        %dma_start3A_364 = tpu.memref_slice %arg6[%add3A_362, %dma_start3A_363] : memref<32x80xi32, #tpu.memory_space<vmem>> -> memref<1x80xi32, #tpu.memory_space<vmem>>
        %dma_start3A_365 = tpu.memref_squeeze %dma_start3A_364 : memref<1x80xi32, #tpu.memory_space<vmem>> -> memref<80xi32, #tpu.memory_space<vmem>>
        %dma_start3A_366 = arith.constant 0 : i32
        %dma_start3A_367 = arith.constant 0 : i32
        %dma_start3A_368 = tpu.memref_slice %arg2[%dma_start3A_366, %dma_start3A_367] : memref<20480x128xf32, #tpu.memory_space<hbm>> -> memref<20480x128xf32, #tpu.memory_space<hbm>>
        tpu.enqueue_indirect_dma source(%dma_start3A_368 : memref<20480x128xf32, #tpu.memory_space<hbm>>) target(%arg10 : memref<80x128xf32, #tpu.memory_space<vmem>>) offsets(%dma_start3A_365 : memref<80xi32, #tpu.memory_space<vmem>>) semaphore(%arg14 : memref<!tpu.dma_semaphore, #tpu.memory_space<semaphore_mem>>)
      } else {
      }
      %add3A_329 = arith.constant 3 : i32
      %add3A_330 = arith.addi %mul3A_244, %add3A_329 : i32
      %dma_wait3A_331 = arith.constant 0 : i32
      %dma_wait3A_332 = tpu.memref_slice %arg6[%add3A_330, %dma_wait3A_331] : memref<32x80xi32, #tpu.memory_space<vmem>> -> memref<1x80xi32, #tpu.memory_space<vmem>>
      %dma_wait3A_333 = tpu.memref_squeeze %dma_wait3A_332 : memref<1x80xi32, #tpu.memory_space<vmem>> -> memref<80xi32, #tpu.memory_space<vmem>>
      %dma_wait3A_334 = arith.constant 0 : i32
      %dma_wait3A_335 = arith.constant 0 : i32
      %dma_wait3A_336 = tpu.memref_slice %arg2[%dma_wait3A_334, %dma_wait3A_335] : memref<20480x128xf32, #tpu.memory_space<hbm>> -> memref<20480x128xf32, #tpu.memory_space<hbm>>
      tpu.wait_indirect_dma semaphore(%arg15 : memref<!tpu.dma_semaphore, #tpu.memory_space<semaphore_mem>>) src(%dma_wait3A_336 : memref<20480x128xf32, #tpu.memory_space<hbm>>) dst(%arg11 : memref<80x128xf32, #tpu.memory_space<vmem>>)
      %add3A_337 = arith.constant 3 : i32
      %add3A_338 = arith.addi %mul3A_244, %add3A_337 : i32
      %dma_start3A_339 = arith.constant 0 : i32
      %dma_start3A_340 = tpu.memref_slice %arg7[%add3A_338, %dma_start3A_339] : memref<32x80xi32, #tpu.memory_space<vmem>> -> memref<1x80xi32, #tpu.memory_space<vmem>>
      %dma_start3A_341 = tpu.memref_squeeze %dma_start3A_340 : memref<1x80xi32, #tpu.memory_space<vmem>> -> memref<80xi32, #tpu.memory_space<vmem>>
      %dma_start3A_342 = arith.constant 0 : i32
      %dma_start3A_343 = arith.constant 0 : i32
      %dma_start3A_344 = tpu.memref_slice %arg17[%dma_start3A_342, %dma_start3A_343] : memref<10240x128xf32, #tpu.memory_space<vmem_shared>> -> memref<10240x128xf32, #tpu.memory_space<vmem_shared>>
      tpu.enqueue_indirect_dma source(%arg11 : memref<80x128xf32, #tpu.memory_space<vmem>>) target(%dma_start3A_344 : memref<10240x128xf32, #tpu.memory_space<vmem_shared>>) offsets(%dma_start3A_341 : memref<80xi32, #tpu.memory_space<vmem>>) semaphore(%arg16 : memref<!tpu.dma_semaphore, #tpu.memory_space<semaphore_mem>>) {add = true}
      %add3A_345 = arith.constant 3 : i32
      %add3A_346 = arith.addi %mul3A_244, %add3A_345 : i32
      %dma_wait3A_347 = arith.constant 0 : i32
      %dma_wait3A_348 = tpu.memref_slice %arg7[%add3A_346, %dma_wait3A_347] : memref<32x80xi32, #tpu.memory_space<vmem>> -> memref<1x80xi32, #tpu.memory_space<vmem>>
      %dma_wait3A_349 = tpu.memref_squeeze %dma_wait3A_348 : memref<1x80xi32, #tpu.memory_space<vmem>> -> memref<80xi32, #tpu.memory_space<vmem>>
      %dma_wait3A_350 = arith.constant 0 : i32
      %dma_wait3A_351 = arith.constant 0 : i32
      %dma_wait3A_352 = tpu.memref_slice %arg17[%dma_wait3A_350, %dma_wait3A_351] : memref<10240x128xf32, #tpu.memory_space<vmem_shared>> -> memref<10240x128xf32, #tpu.memory_space<vmem_shared>>
      tpu.wait_indirect_dma semaphore(%arg16 : memref<!tpu.dma_semaphore, #tpu.memory_space<semaphore_mem>>) src(%arg11 : memref<80x128xf32, #tpu.memory_space<vmem>>) dst(%dma_wait3A_352 : memref<10240x128xf32, #tpu.memory_space<vmem_shared>>)
      %lt3A_353 = arith.constant 7 : i32
      %lt3A_354 = arith.cmpi slt, %scan3A_241, %lt3A_353 : i32
      %convert_element_type3A_355 = arith.extui %lt3A_354 : i1 to i32
      %cond3A_356 = arith.constant 0 : i32
      %cond3A_357 = arith.cmpi ne, %convert_element_type3A_355, %cond3A_356 : i32
      scf.if %cond3A_357 {
        %add3A_359 = arith.constant 3 : i32
        %add3A_360 = arith.addi %mul3A_244, %add3A_359 : i32
        %add3A_361 = arith.constant 4 : i32
        %add3A_362 = arith.addi %add3A_360, %add3A_361 : i32
        %dma_start3A_363 = arith.constant 0 : i32
        %dma_start3A_364 = tpu.memref_slice %arg6[%add3A_362, %dma_start3A_363] : memref<32x80xi32, #tpu.memory_space<vmem>> -> memref<1x80xi32, #tpu.memory_space<vmem>>
        %dma_start3A_365 = tpu.memref_squeeze %dma_start3A_364 : memref<1x80xi32, #tpu.memory_space<vmem>> -> memref<80xi32, #tpu.memory_space<vmem>>
        %dma_start3A_366 = arith.constant 0 : i32
        %dma_start3A_367 = arith.constant 0 : i32
        %dma_start3A_368 = tpu.memref_slice %arg2[%dma_start3A_366, %dma_start3A_367] : memref<20480x128xf32, #tpu.memory_space<hbm>> -> memref<20480x128xf32, #tpu.memory_space<hbm>>
        tpu.enqueue_indirect_dma source(%dma_start3A_368 : memref<20480x128xf32, #tpu.memory_space<hbm>>) target(%arg11 : memref<80x128xf32, #tpu.memory_space<vmem>>) offsets(%dma_start3A_365 : memref<80xi32, #tpu.memory_space<vmem>>) semaphore(%arg15 : memref<!tpu.dma_semaphore, #tpu.memory_space<semaphore_mem>>)
      } else {
      }
      %scan3A_358 = arith.constant 0 : i32
      scf.yield %scan3A_358 : i32
    }
    %scan3A_239 = arith.constant 8 : i32
    %barrier3A_240 = arith.constant 0 : index
    tpu.barrier barrier_id(%barrier3A_240)
    "tpu.region"() ({
      %run_scoped3A = tpu.sem_alloc : memref<!tpu.dma_semaphore, #tpu.memory_space<semaphore_mem>>
      %dma_start3A_241 = arith.constant 0 : i32
      %dma_start3A_242 = tpu.memref_slice %arg5[%arg0, %mul3A_0, %dma_start3A_241] : memref<2x10240x128xf32, #tpu.memory_space<hbm>> -> memref<1x640x128xf32, #tpu.memory_space<hbm>>
      %dma_start3A_243 = tpu.memref_squeeze %dma_start3A_242 : memref<1x640x128xf32, #tpu.memory_space<hbm>> -> memref<640x128xf32, #tpu.memory_space<hbm>>
      %dma_start3A_244 = arith.constant 0 : i32
      %dma_start3A_245 = tpu.memref_slice %arg17[%mul3A_0, %dma_start3A_244] : memref<10240x128xf32, #tpu.memory_space<vmem_shared>> -> memref<640x128xf32, #tpu.memory_space<vmem_shared>>
      tpu.enqueue_dma source(%dma_start3A_245 : memref<640x128xf32, #tpu.memory_space<vmem_shared>>) target(%dma_start3A_243 : memref<640x128xf32, #tpu.memory_space<hbm>>) target_semaphore(%run_scoped3A : memref<!tpu.dma_semaphore, #tpu.memory_space<semaphore_mem>>)
      %dma_wait3A_246 = arith.constant 0 : i32
      %dma_wait3A_247 = tpu.memref_slice %arg5[%arg0, %mul3A_0, %dma_wait3A_246] : memref<2x10240x128xf32, #tpu.memory_space<hbm>> -> memref<1x640x128xf32, #tpu.memory_space<hbm>>
      %dma_wait3A_248 = tpu.memref_squeeze %dma_wait3A_247 : memref<1x640x128xf32, #tpu.memory_space<hbm>> -> memref<640x128xf32, #tpu.memory_space<hbm>>
      %dma_wait3A_249 = arith.constant 0 : i32
      %dma_wait3A_250 = tpu.memref_slice %arg17[%mul3A_0, %dma_wait3A_249] : memref<10240x128xf32, #tpu.memory_space<vmem_shared>> -> memref<640x128xf32, #tpu.memory_space<vmem_shared>>
      tpu.wait_dma2 semaphore(%run_scoped3A : memref<!tpu.dma_semaphore, #tpu.memory_space<semaphore_mem>>) src(%dma_wait3A_250 : memref<640x128xf32, #tpu.memory_space<vmem_shared>>) dst(%dma_wait3A_248 : memref<640x128xf32, #tpu.memory_space<hbm>>)
      tpu.yield
    }) : () -> ()
    return
  }
}

module attributes {stable_mosaic.version = 14 : i64} {
  func.func @_tc_body(%arg0: i32, %arg1: memref<2000x256xf32, #tpu.memory_space<vmem>>, %arg2: memref<2x2000x128xf32, #tpu.memory_space<vmem>>, %arg3: memref<2x2000x128xf32, #tpu.memory_space<vmem>>, %arg4: memref<256x256xf32, #tpu.memory_space<vmem>>, %arg5: memref<256x256xf32, #tpu.memory_space<vmem>>, %arg6: memref<1x256xf32, #tpu.memory_space<vmem>>, %arg7: memref<2x2000x128xf32, #tpu.memory_space<vmem>>) attributes {dimension_semantics = [#tpu.dimension_semantics<arbitrary>], iteration_bounds = array<i64: 5>, scalar_prefetch = 0 : i64, scratch_operands = 0 : i64, tpu.core_type = #tpu.core_type<tc>, window_params = [{transform_indices = @transform_0, window_bounds = array<i64: 2000, 256>}, {transform_indices = @transform_1, window_bounds = array<i64: 2, 2000, 128>}, {transform_indices = @transform_2, window_bounds = array<i64: 2, 2000, 128>}, {pipeline_mode = #tpu.pipeline_mode<synchronous>, transform_indices = @transform_3, window_bounds = array<i64: 256, 256>}, {pipeline_mode = #tpu.pipeline_mode<synchronous>, transform_indices = @transform_4, window_bounds = array<i64: 256, 256>}, {pipeline_mode = #tpu.pipeline_mode<synchronous>, transform_indices = @transform_5, window_bounds = array<i64: 1, 256>}, {transform_indices = @transform_6, window_bounds = array<i64: 2, 2000, 128>}]} {
    %get3A = arith.constant 0 : index
    %get3A_0 = arith.constant 0 : index
    %get3A_1 = arith.constant 0 : index
    %get3A_2 = vector.load %arg3[%get3A, %get3A_0, %get3A_1] : memref<2x2000x128xf32, #tpu.memory_space<vmem>>, vector<1x2000x128xf32>
    %get3A_3 = vector.shape_cast %get3A_2 : vector<1x2000x128xf32> to vector<2000x128xf32>
    %slice3A = vector.extract_strided_slice %get3A_3 {offsets = [0, 0], sizes = [2000, 1], strides = [1, 1]} : vector<2000x128xf32> to vector<2000x1xf32>
    %get3A_4 = arith.constant 1 : index
    %get3A_5 = arith.constant 0 : index
    %get3A_6 = arith.constant 0 : index
    %get3A_7 = vector.load %arg3[%get3A_4, %get3A_5, %get3A_6] : memref<2x2000x128xf32, #tpu.memory_space<vmem>>, vector<1x2000x128xf32>
    %get3A_8 = vector.shape_cast %get3A_7 : vector<1x2000x128xf32> to vector<2000x128xf32>
    %slice3A_9 = vector.extract_strided_slice %get3A_8 {offsets = [0, 0], sizes = [2000, 1], strides = [1, 1]} : vector<2000x128xf32> to vector<2000x1xf32>
    %add3A = arith.addf %slice3A, %slice3A_9 : vector<2000x1xf32>
    %max3A = arith.constant 1.000000e+00 : f32
    %max3A_10 = vector.broadcast %max3A : f32 to vector<2000x1xf32>
    %max3A_11 = arith.maximumf %add3A, %max3A_10 : vector<2000x1xf32>
    %div3A = arith.constant 1.000000e+00 : f32
    %div3A_12 = vector.broadcast %div3A : f32 to vector<2000x1xf32>
    %div3A_13 = arith.divf %div3A_12, %max3A_11 : vector<2000x1xf32>
    %get3A_14 = arith.constant 0 : index
    %get3A_15 = arith.constant 0 : index
    %get3A_16 = vector.load %arg1[%get3A_14, %get3A_15] : memref<2000x256xf32, #tpu.memory_space<vmem>>, vector<2000x256xf32>
    %get3A_17 = arith.constant 0 : index
    %get3A_18 = arith.constant 0 : index
    %get3A_19 = vector.load %arg4[%get3A_17, %get3A_18] : memref<256x256xf32, #tpu.memory_space<vmem>>, vector<256x256xf32>
    %dot_general3A = arith.constant dense<0.000000e+00> : vector<2000x256xf32>
    %dot_general3A_20 = tpu.matmul %get3A_16, %get3A_19, %dot_general3A {dimension_numbers = #tpu.dot_dimension_numbers<[1], [0], [0], [1], [0, 0, 1, 1], [], []>, transpose_lhs_hint = false} : vector<2000x256xf32>, vector<256x256xf32>, vector<2000x256xf32> -> vector<2000x256xf32>
    %get3A_21 = arith.constant 0 : index
    %get3A_22 = arith.constant 0 : index
    %get3A_23 = arith.constant 0 : index
    %get3A_24 = vector.load %arg2[%get3A_21, %get3A_22, %get3A_23] : memref<2x2000x128xf32, #tpu.memory_space<vmem>>, vector<1x2000x128xf32>
    %get3A_25 = vector.shape_cast %get3A_24 : vector<1x2000x128xf32> to vector<2000x128xf32>
    %mul3A = vector.broadcast %div3A_13 : vector<2000x1xf32> to vector<2000x128xf32>
    %mul3A_26 = arith.mulf %get3A_25, %mul3A : vector<2000x128xf32>
    %get3A_27 = arith.constant 0 : index
    %get3A_28 = arith.constant 0 : index
    %get3A_29 = vector.load %arg5[%get3A_27, %get3A_28] : memref<256x256xf32, #tpu.memory_space<vmem>>, vector<128x256xf32>
    %dot_general3A_30 = arith.constant dense<0.000000e+00> : vector<2000x256xf32>
    %dot_general3A_31 = tpu.matmul %mul3A_26, %get3A_29, %dot_general3A_30 {dimension_numbers = #tpu.dot_dimension_numbers<[1], [0], [0], [1], [0, 0, 1, 1], [], []>, transpose_lhs_hint = false} : vector<2000x128xf32>, vector<128x256xf32>, vector<2000x256xf32> -> vector<2000x256xf32>
    %add3A_32 = arith.addf %dot_general3A_20, %dot_general3A_31 : vector<2000x256xf32>
    %get3A_33 = arith.constant 1 : index
    %get3A_34 = arith.constant 0 : index
    %get3A_35 = arith.constant 0 : index
    %get3A_36 = vector.load %arg2[%get3A_33, %get3A_34, %get3A_35] : memref<2x2000x128xf32, #tpu.memory_space<vmem>>, vector<1x2000x128xf32>
    %get3A_37 = vector.shape_cast %get3A_36 : vector<1x2000x128xf32> to vector<2000x128xf32>
    %mul3A_38 = vector.broadcast %div3A_13 : vector<2000x1xf32> to vector<2000x128xf32>
    %mul3A_39 = arith.mulf %get3A_37, %mul3A_38 : vector<2000x128xf32>
    %get3A_40 = arith.constant 128 : index
    %get3A_41 = arith.constant 0 : index
    %get3A_42 = vector.load %arg5[%get3A_40, %get3A_41] : memref<256x256xf32, #tpu.memory_space<vmem>>, vector<128x256xf32>
    %dot_general3A_43 = arith.constant dense<0.000000e+00> : vector<2000x256xf32>
    %dot_general3A_44 = tpu.matmul %mul3A_39, %get3A_42, %dot_general3A_43 {dimension_numbers = #tpu.dot_dimension_numbers<[1], [0], [0], [1], [0, 0, 1, 1], [], []>, transpose_lhs_hint = false} : vector<2000x128xf32>, vector<128x256xf32>, vector<2000x256xf32> -> vector<2000x256xf32>
    %add3A_45 = arith.addf %add3A_32, %dot_general3A_44 : vector<2000x256xf32>
    %get3A_46 = arith.constant 0 : index
    %get3A_47 = arith.constant 0 : index
    %get3A_48 = vector.load %arg6[%get3A_46, %get3A_47] : memref<1x256xf32, #tpu.memory_space<vmem>>, vector<1x256xf32>
    %add3A_49 = vector.broadcast %get3A_48 : vector<1x256xf32> to vector<2000x256xf32>
    %add3A_50 = arith.addf %add3A_45, %add3A_49 : vector<2000x256xf32>
    %max3A_51 = arith.constant 0.000000e+00 : f32
    %max3A_52 = vector.broadcast %max3A_51 : f32 to vector<2000x256xf32>
    %max3A_53 = arith.maximumf %add3A_50, %max3A_52 : vector<2000x256xf32>
    %slice3A_54 = vector.extract_strided_slice %max3A_53 {offsets = [0, 0], sizes = [2000, 128], strides = [1, 1]} : vector<2000x256xf32> to vector<2000x128xf32>
    %swap3A = arith.constant 0 : index
    %swap3A_55 = arith.constant 0 : index
    %swap3A_56 = arith.constant 0 : index
    %swap3A_57 = vector.load %arg7[%swap3A, %swap3A_55, %swap3A_56] : memref<2x2000x128xf32, #tpu.memory_space<vmem>>, vector<1x2000x128xf32>
    %swap3A_58 = vector.shape_cast %swap3A_57 : vector<1x2000x128xf32> to vector<2000x128xf32>
    %swap3A_59 = vector.shape_cast %slice3A_54 : vector<2000x128xf32> to vector<1x2000x128xf32>
    tpu.vector_store %arg7[%swap3A, %swap3A_55, %swap3A_56], %swap3A_59 {strides = array<i32>} : memref<2x2000x128xf32, #tpu.memory_space<vmem>>, vector<1x2000x128xf32>,
    %slice3A_60 = vector.extract_strided_slice %max3A_53 {offsets = [0, 128], sizes = [2000, 128], strides = [1, 1]} : vector<2000x256xf32> to vector<2000x128xf32>
    %swap3A_61 = arith.constant 1 : index
    %swap3A_62 = arith.constant 0 : index
    %swap3A_63 = arith.constant 0 : index
    %swap3A_64 = vector.load %arg7[%swap3A_61, %swap3A_62, %swap3A_63] : memref<2x2000x128xf32, #tpu.memory_space<vmem>>, vector<1x2000x128xf32>
    %swap3A_65 = vector.shape_cast %swap3A_64 : vector<1x2000x128xf32> to vector<2000x128xf32>
    %swap3A_66 = vector.shape_cast %slice3A_60 : vector<2000x128xf32> to vector<1x2000x128xf32>
    tpu.vector_store %arg7[%swap3A_61, %swap3A_62, %swap3A_63], %swap3A_66 {strides = array<i32>} : memref<2x2000x128xf32, #tpu.memory_space<vmem>>, vector<1x2000x128xf32>,
    return
  }
  func.func @transform_0(%arg0: i32) -> (i32, i32) {
    %c0_i32 = arith.constant 0 : i32
    %c0_i32_0 = arith.constant 0 : i32
    return %arg0, %c0_i32 : i32, i32
  }
  func.func @transform_1(%arg0: i32) -> (i32, i32, i32) {
    %c0_i32 = arith.constant 0 : i32
    %c0_i32_0 = arith.constant 0 : i32
    %c0_i32_1 = arith.constant 0 : i32
    return %c0_i32, %arg0, %c0_i32_0 : i32, i32, i32
  }
  func.func @transform_2(%arg0: i32) -> (i32, i32, i32) {
    %c0_i32 = arith.constant 0 : i32
    %c0_i32_0 = arith.constant 0 : i32
    %c0_i32_1 = arith.constant 0 : i32
    return %c0_i32, %arg0, %c0_i32_0 : i32, i32, i32
  }
  func.func @transform_3(%arg0: i32) -> (i32, i32) {
    %c0_i32 = arith.constant 0 : i32
    %c0_i32_0 = arith.constant 0 : i32
    %c0_i32_1 = arith.constant 0 : i32
    return %c0_i32, %c0_i32_0 : i32, i32
  }
  func.func @transform_4(%arg0: i32) -> (i32, i32) {
    %c0_i32 = arith.constant 0 : i32
    %c0_i32_0 = arith.constant 0 : i32
    %c0_i32_1 = arith.constant 0 : i32
    return %c0_i32, %c0_i32_0 : i32, i32
  }
  func.func @transform_5(%arg0: i32) -> (i32, i32) {
    %c0_i32 = arith.constant 0 : i32
    %c0_i32_0 = arith.constant 0 : i32
    %c0_i32_1 = arith.constant 0 : i32
    return %c0_i32, %c0_i32_0 : i32, i32
  }
  func.func @transform_6(%arg0: i32) -> (i32, i32, i32) {
    %c0_i32 = arith.constant 0 : i32
    %c0_i32_0 = arith.constant 0 : i32
    %c0_i32_1 = arith.constant 0 : i32
    return %c0_i32, %arg0, %c0_i32_0 : i32, i32, i32
  }
}

module attributes {stable_mosaic.version = 14 : i64} {
  func.func @_tc_body(%arg0: i32, %arg1: memref<2x2000x128xf32, #tpu.memory_space<vmem>>, %arg2: memref<2x2000x128xf32, #tpu.memory_space<vmem>>, %arg3: memref<2x2000x128xf32, #tpu.memory_space<vmem>>, %arg4: memref<256x256xf32, #tpu.memory_space<vmem>>, %arg5: memref<256x256xf32, #tpu.memory_space<vmem>>, %arg6: memref<1x256xf32, #tpu.memory_space<vmem>>, %arg7: memref<2000x256xf32, #tpu.memory_space<vmem>>) attributes {dimension_semantics = [#tpu.dimension_semantics<arbitrary>], iteration_bounds = array<i64: 5>, scalar_prefetch = 0 : i64, scratch_operands = 0 : i64, tpu.core_type = #tpu.core_type<tc>, window_params = [{transform_indices = @transform_0, window_bounds = array<i64: 2, 2000, 128>}, {transform_indices = @transform_1, window_bounds = array<i64: 2, 2000, 128>}, {transform_indices = @transform_2, window_bounds = array<i64: 2, 2000, 128>}, {pipeline_mode = #tpu.pipeline_mode<synchronous>, transform_indices = @transform_3, window_bounds = array<i64: 256, 256>}, {pipeline_mode = #tpu.pipeline_mode<synchronous>, transform_indices = @transform_4, window_bounds = array<i64: 256, 256>}, {pipeline_mode = #tpu.pipeline_mode<synchronous>, transform_indices = @transform_5, window_bounds = array<i64: 1, 256>}, {transform_indices = @transform_6, window_bounds = array<i64: 2000, 256>}]} {
    %get3A = arith.constant 0 : index
    %get3A_0 = arith.constant 0 : index
    %get3A_1 = arith.constant 0 : index
    %get3A_2 = vector.load %arg3[%get3A, %get3A_0, %get3A_1] : memref<2x2000x128xf32, #tpu.memory_space<vmem>>, vector<1x2000x128xf32>
    %get3A_3 = vector.shape_cast %get3A_2 : vector<1x2000x128xf32> to vector<2000x128xf32>
    %slice3A = vector.extract_strided_slice %get3A_3 {offsets = [0, 0], sizes = [2000, 1], strides = [1, 1]} : vector<2000x128xf32> to vector<2000x1xf32>
    %get3A_4 = arith.constant 1 : index
    %get3A_5 = arith.constant 0 : index
    %get3A_6 = arith.constant 0 : index
    %get3A_7 = vector.load %arg3[%get3A_4, %get3A_5, %get3A_6] : memref<2x2000x128xf32, #tpu.memory_space<vmem>>, vector<1x2000x128xf32>
    %get3A_8 = vector.shape_cast %get3A_7 : vector<1x2000x128xf32> to vector<2000x128xf32>
    %slice3A_9 = vector.extract_strided_slice %get3A_8 {offsets = [0, 0], sizes = [2000, 1], strides = [1, 1]} : vector<2000x128xf32> to vector<2000x1xf32>
    %add3A = arith.addf %slice3A, %slice3A_9 : vector<2000x1xf32>
    %max3A = arith.constant 1.000000e+00 : f32
    %max3A_10 = vector.broadcast %max3A : f32 to vector<2000x1xf32>
    %max3A_11 = arith.maximumf %add3A, %max3A_10 : vector<2000x1xf32>
    %div3A = arith.constant 1.000000e+00 : f32
    %div3A_12 = vector.broadcast %div3A : f32 to vector<2000x1xf32>
    %div3A_13 = arith.divf %div3A_12, %max3A_11 : vector<2000x1xf32>
    %get3A_14 = arith.constant 0 : index
    %get3A_15 = arith.constant 0 : index
    %get3A_16 = arith.constant 0 : index
    %get3A_17 = vector.load %arg1[%get3A_14, %get3A_15, %get3A_16] : memref<2x2000x128xf32, #tpu.memory_space<vmem>>, vector<1x2000x128xf32>
    %get3A_18 = vector.shape_cast %get3A_17 : vector<1x2000x128xf32> to vector<2000x128xf32>
    %get3A_19 = arith.constant 0 : index
    %get3A_20 = arith.constant 0 : index
    %get3A_21 = vector.load %arg4[%get3A_19, %get3A_20] : memref<256x256xf32, #tpu.memory_space<vmem>>, vector<128x256xf32>
    %dot_general3A = arith.constant dense<0.000000e+00> : vector<2000x256xf32>
    %dot_general3A_22 = tpu.matmul %get3A_18, %get3A_21, %dot_general3A {dimension_numbers = #tpu.dot_dimension_numbers<[1], [0], [0], [1], [0, 0, 1, 1], [], []>, transpose_lhs_hint = false} : vector<2000x128xf32>, vector<128x256xf32>, vector<2000x256xf32> -> vector<2000x256xf32>
    %get3A_23 = arith.constant 1 : index
    %get3A_24 = arith.constant 0 : index
    %get3A_25 = arith.constant 0 : index
    %get3A_26 = vector.load %arg1[%get3A_23, %get3A_24, %get3A_25] : memref<2x2000x128xf32, #tpu.memory_space<vmem>>, vector<1x2000x128xf32>
    %get3A_27 = vector.shape_cast %get3A_26 : vector<1x2000x128xf32> to vector<2000x128xf32>
    %get3A_28 = arith.constant 128 : index
    %get3A_29 = arith.constant 0 : index
    %get3A_30 = vector.load %arg4[%get3A_28, %get3A_29] : memref<256x256xf32, #tpu.memory_space<vmem>>, vector<128x256xf32>
    %dot_general3A_31 = arith.constant dense<0.000000e+00> : vector<2000x256xf32>
    %dot_general3A_32 = tpu.matmul %get3A_27, %get3A_30, %dot_general3A_31 {dimension_numbers = #tpu.dot_dimension_numbers<[1], [0], [0], [1], [0, 0, 1, 1], [], []>, transpose_lhs_hint = false} : vector<2000x128xf32>, vector<128x256xf32>, vector<2000x256xf32> -> vector<2000x256xf32>
    %add3A_33 = arith.addf %dot_general3A_22, %dot_general3A_32 : vector<2000x256xf32>
    %get3A_34 = arith.constant 0 : index
    %get3A_35 = arith.constant 0 : index
    %get3A_36 = arith.constant 0 : index
    %get3A_37 = vector.load %arg2[%get3A_34, %get3A_35, %get3A_36] : memref<2x2000x128xf32, #tpu.memory_space<vmem>>, vector<1x2000x128xf32>
    %get3A_38 = vector.shape_cast %get3A_37 : vector<1x2000x128xf32> to vector<2000x128xf32>
    %mul3A = vector.broadcast %div3A_13 : vector<2000x1xf32> to vector<2000x128xf32>
    %mul3A_39 = arith.mulf %get3A_38, %mul3A : vector<2000x128xf32>
    %get3A_40 = arith.constant 0 : index
    %get3A_41 = arith.constant 0 : index
    %get3A_42 = vector.load %arg5[%get3A_40, %get3A_41] : memref<256x256xf32, #tpu.memory_space<vmem>>, vector<128x256xf32>
    %dot_general3A_43 = arith.constant dense<0.000000e+00> : vector<2000x256xf32>
    %dot_general3A_44 = tpu.matmul %mul3A_39, %get3A_42, %dot_general3A_43 {dimension_numbers = #tpu.dot_dimension_numbers<[1], [0], [0], [1], [0, 0, 1, 1], [], []>, transpose_lhs_hint = false} : vector<2000x128xf32>, vector<128x256xf32>, vector<2000x256xf32> -> vector<2000x256xf32>
    %add3A_45 = arith.addf %add3A_33, %dot_general3A_44 : vector<2000x256xf32>
    %get3A_46 = arith.constant 1 : index
    %get3A_47 = arith.constant 0 : index
    %get3A_48 = arith.constant 0 : index
    %get3A_49 = vector.load %arg2[%get3A_46, %get3A_47, %get3A_48] : memref<2x2000x128xf32, #tpu.memory_space<vmem>>, vector<1x2000x128xf32>
    %get3A_50 = vector.shape_cast %get3A_49 : vector<1x2000x128xf32> to vector<2000x128xf32>
    %mul3A_51 = vector.broadcast %div3A_13 : vector<2000x1xf32> to vector<2000x128xf32>
    %mul3A_52 = arith.mulf %get3A_50, %mul3A_51 : vector<2000x128xf32>
    %get3A_53 = arith.constant 128 : index
    %get3A_54 = arith.constant 0 : index
    %get3A_55 = vector.load %arg5[%get3A_53, %get3A_54] : memref<256x256xf32, #tpu.memory_space<vmem>>, vector<128x256xf32>
    %dot_general3A_56 = arith.constant dense<0.000000e+00> : vector<2000x256xf32>
    %dot_general3A_57 = tpu.matmul %mul3A_52, %get3A_55, %dot_general3A_56 {dimension_numbers = #tpu.dot_dimension_numbers<[1], [0], [0], [1], [0, 0, 1, 1], [], []>, transpose_lhs_hint = false} : vector<2000x128xf32>, vector<128x256xf32>, vector<2000x256xf32> -> vector<2000x256xf32>
    %add3A_58 = arith.addf %add3A_45, %dot_general3A_57 : vector<2000x256xf32>
    %get3A_59 = arith.constant 0 : index
    %get3A_60 = arith.constant 0 : index
    %get3A_61 = vector.load %arg6[%get3A_59, %get3A_60] : memref<1x256xf32, #tpu.memory_space<vmem>>, vector<1x256xf32>
    %add3A_62 = vector.broadcast %get3A_61 : vector<1x256xf32> to vector<2000x256xf32>
    %add3A_63 = arith.addf %add3A_58, %add3A_62 : vector<2000x256xf32>
    %swap3A = arith.constant 0 : index
    %swap3A_64 = arith.constant 0 : index
    %swap3A_65 = vector.load %arg7[%swap3A, %swap3A_64] : memref<2000x256xf32, #tpu.memory_space<vmem>>, vector<2000x256xf32>
    tpu.vector_store %arg7[%swap3A, %swap3A_64], %add3A_63 {strides = array<i32>} : memref<2000x256xf32, #tpu.memory_space<vmem>>, vector<2000x256xf32>,
    return
  }
  func.func @transform_0(%arg0: i32) -> (i32, i32, i32) {
    %c0_i32 = arith.constant 0 : i32
    %c0_i32_0 = arith.constant 0 : i32
    %c0_i32_1 = arith.constant 0 : i32
    return %c0_i32, %arg0, %c0_i32_0 : i32, i32, i32
  }
  func.func @transform_1(%arg0: i32) -> (i32, i32, i32) {
    %c0_i32 = arith.constant 0 : i32
    %c0_i32_0 = arith.constant 0 : i32
    %c0_i32_1 = arith.constant 0 : i32
    return %c0_i32, %arg0, %c0_i32_0 : i32, i32, i32
  }
  func.func @transform_2(%arg0: i32) -> (i32, i32, i32) {
    %c0_i32 = arith.constant 0 : i32
    %c0_i32_0 = arith.constant 0 : i32
    %c0_i32_1 = arith.constant 0 : i32
    return %c0_i32, %arg0, %c0_i32_0 : i32, i32, i32
  }
  func.func @transform_3(%arg0: i32) -> (i32, i32) {
    %c0_i32 = arith.constant 0 : i32
    %c0_i32_0 = arith.constant 0 : i32
    %c0_i32_1 = arith.constant 0 : i32
    return %c0_i32, %c0_i32_0 : i32, i32
  }
  func.func @transform_4(%arg0: i32) -> (i32, i32) {
    %c0_i32 = arith.constant 0 : i32
    %c0_i32_0 = arith.constant 0 : i32
    %c0_i32_1 = arith.constant 0 : i32
    return %c0_i32, %c0_i32_0 : i32, i32
  }
  func.func @transform_5(%arg0: i32) -> (i32, i32) {
    %c0_i32 = arith.constant 0 : i32
    %c0_i32_0 = arith.constant 0 : i32
    %c0_i32_1 = arith.constant 0 : i32
    return %c0_i32, %c0_i32_0 : i32, i32
  }
  func.func @transform_6(%arg0: i32) -> (i32, i32) {
    %c0_i32 = arith.constant 0 : i32
    %c0_i32_0 = arith.constant 0 : i32
    return %arg0, %c0_i32 : i32, i32
  }
}

</mosaic_0001>

<sc_bundles>
// kernel: kernel.6.cloned.1.call-start
scs
__scs_entry_jumppad:
0x0: {  	(pc) =	sbr.rel $0x88, $3  }
0x1: {  	(tag) =	ssettag $0x0;
	lr =	simm.s32 $0x1  }
0x2: {  	[smem:$0x3F99] =	sst lr;
	_ =	strace $0xD0000000  }
0x3: {  	_ = 	snop  }
0x4: {  	_ = 	snop  }
0x5: {  	_ = 	snop  }
0x6: {  	_ = 	snop  }
0x7: {  	_ = 	snop  }
__scs_overlays_trampoline_lowered:
0x8: {  	[smem:$0x3FA8] =	sst s0  }
0x9: {  	[smem:$0x3FA9] =	sst s1  }
0xa: {  	[smem:$0x3FAA] =	sst s2  }
0xb: {  	[smem:$0x3FAB] =	sst s3  }
0xc: {  	[smem:$0x3FAC] =	sst s4  }
0xd: {  	[smem:$0x3FAD] =	sst s5  }
0xe: {  	[smem:$0x3FAE] =	sst s6  }
0xf: {  	[smem:$0x3FAF] =	sst s7  }
0x10: {  	[smem:$0x3FB0] =	sst s8  }
0x11: {  	[smem:$0x3FB1] =	sst s9;
	s0 =	simm.s32 @!p0 $0x0  }
0x12: {  	s1 =	sld [smem:$0x3F97];
	s0 =	simm.s32 @p0 $0x1  }
0x13: {  	[smem:$0x3FB2] =	sst s0;
	s0 =	simm.s32 @!p1 $0x0  }
0x14: {  	s2 =	sld [smem:$0x3F96];
	s0 =	simm.s32 @p1 $0x1  }
0x15: {  	[smem:$0x3FB3] =	sst s0;
	s0 =	simm.s32 @!p2 $0x0  }
0x16: {  	s3 =	sld [smem:$0x3FDB];
	s0 =	simm.s32 @p2 $0x1  }
0x17: {  	s4 =	simm.s32 $0x1BF5;
	[smem:$0x3FB5] =	sst s0  }
0x18: {  	s0 =	sld [smem:$0x3F98];
	_ =	swait.ge [sflag:s4], $0x0  }
0x19: {  	s7 =	sld [smem:$0x3F99]  }
0x1a: {  	s8 =	sadd.s32 $0xFFFFE003, lr  }
0x1b: {  	s9 =	sadd.s32 $0xFFFFFEF7, lr;
	s5 =	simm.s32 $0xFFFFFFFF;
	p2 =	slt.u32 s8, $0xFFFFF086  }
0x1c: {  	p1 =	slt.u32 s9, $0xF7A;
	s5 =	simm.s32 @!p2 $0x0  }
0x1d: {  	s5 =	simm.s32 @p1 $0x1;
	p0 =	seq.s32 s7, s2  }
0x1e: {  	s7 =	smul.u32 @!p0 $0xF7A, s2;
	p2 =	seq.s32 @!p0 s5, $0x0  }
0x1f: {  	s9 =	smul.u32 $0xF7A, s1;
	s8 =	simm.s32 @!p0 $0x1BF5;
	p2 =	por !p2, p0  }
0x20: {  	[sflag:s8] =	ssyncset.s32 @!p0 $0xFFFFF086;
	s6 =	sadd.s32 @!p0 s3, s7;
	s7 =	simm.s32 @!p0 $0x108  }
0x21: {  	s3 =	sadd.s32 s3, s9;
	s6 =	sadd.s32 @!p0 $0x88, s6;
	s7 =	simm.s32 @p2 $0x1082  }
0x22: {  	[simem:s7], [sflag:s8] =	dma.local @!p0 [hbm:s6], $0xF7A  }
0x23: {  	s9 =	sor.u32 $0xD0000000, s2;
	s6 =	simm.s32 $0x108;
	_ =	swait.ge @!p0 [sflag:s8], $0x0  }
0x24: {  	s3 =	sadd.s32 $0x88, s3;
	s6 =	simm.s32 @!p1 $0x1082;
	[sflag:s4] =	ssyncset.s32 $0xFFFFF086  }
0x25: {  	[simem:s6], [sflag:s4] =	dma.local [hbm:s3], $0xF7A  }
0x26: {  	[smem:$0x3F99] =	sst s1;
	(tag) =	ssettag s2;
	_ =	strace s9  }
0x27: {  	s1 =	sld [smem:$0x3FA9]  }
0x28: {  	s2 =	sld [smem:$0x3FAA]  }
0x29: {  	s4 =	sld [smem:$0x3FAC]  }
0x2a: {  	p0 =	seq.s32 s5, $0x0;
	s5 =	sld [smem:$0x3FAD]  }
0x2b: {  	s6 =	sld [smem:$0x3FAE]  }
0x2c: {  	s7 =	sld [smem:$0x3FAF]  }
0x2d: {  	s3 =	simm.s32 $0x108;
	s8 =	sld [smem:$0x3FB0]  }
0x2e: {  	s3 =	simm.s32 @!p0 $0x1082;
	s9 =	sld [smem:$0x3FB1]  }
0x2f: {  	lr =	sadd.s32 s0, s3;
	s0 =	sld [smem:$0x3FA8]  }
0x30: {  	s3 =	sld [smem:$0x3FAB]  }
0x31: {  	[smem:$0x3FB4] =	sst s10  }
0x32: {  	s10 =	sld [smem:$0x3FB2];
	_ =	sdelay $0x3  }
0x33: {  	p0 =	seq.s32 s10, $0x1;
	s10 =	sld [smem:$0x3FB4];
	_ =	sdelay $0x3  }
0x34: {  	[smem:$0x3FB4] =	sst s10  }
0x35: {  	s10 =	sld [smem:$0x3FB3];
	_ =	sdelay $0x3  }
0x36: {  	p1 =	seq.s32 s10, $0x1;
	s10 =	sld [smem:$0x3FB4];
	_ =	sdelay $0x3  }
0x37: {  	[smem:$0x3FB4] =	sst s10  }
0x38: {  	s10 =	sld [smem:$0x3FB5]  }
0x39: {  	_ = 	snop;
	(pc) =	sbr.ind lr, $3  }
0x3a: {  	_ = 	snop  }
0x3b: {  	_ = 	snop  }
0x3c: {  	p2 =	seq.s32 s10, $0x1;
	s10 =	sld [smem:$0x3FB4]  }
0x3d: {  	_ =	shalt  }
0x3e: {  	_ =	shalt  }
0x3f: {  	_ =	shalt  }
0x40: {  	_ =	shalt  }
0x41: {  	_ =	shalt  }
0x42: {  	_ =	shalt  }
0x43: {  	_ =	shalt  }
0x44: {  	_ =	shalt  }
0x45: {  	_ =	shalt  }
0x46: {  	_ =	shalt  }
0x47: {  	_ =	shalt  }
0x48: {  	_ =	shalt  }
0x49: {  	_ =	shalt  }
0x4a: {  	_ =	shalt  }
0x4b: {  	_ =	shalt  }
0x4c: {  	_ =	shalt  }
0x4d: {  	_ =	shalt  }
0x4e: {  	_ =	shalt  }
0x4f: {  	_ =	shalt  }
0x50: {  	_ =	shalt  }
0x51: {  	_ =	shalt  }
0x52: {  	_ =	shalt  }
0x53: {  	_ =	shalt  }
0x54: {  	_ =	shalt  }
0x55: {  	_ =	shalt  }
0x56: {  	_ =	shalt  }
0x57: {  	_ =	shalt  }
0x58: {  	_ =	shalt  }
0x59: {  	_ =	shalt  }
0x5a: {  	_ =	shalt  }
0x5b: {  	_ =	shalt  }
0x5c: {  	_ =	shalt  }
0x5d: {  	_ =	shalt  }
0x5e: {  	_ =	shalt  }
0x5f: {  	_ =	shalt  }
0x60: {  	_ =	shalt  }
0x61: {  	_ =	shalt  }
0x62: {  	_ =	shalt  }
0x63: {  	_ =	shalt  }
0x64: {  	_ =	shalt  }
0x65: {  	_ =	shalt  }
0x66: {  	_ =	shalt  }
0x67: {  	_ =	shalt  }
0x68: {  	_ =	shalt  }
0x69: {  	_ =	shalt  }
0x6a: {  	_ =	shalt  }
0x6b: {  	_ =	shalt  }
0x6c: {  	_ =	shalt  }
0x6d: {  	_ =	shalt  }
0x6e: {  	_ =	shalt  }
0x6f: {  	_ =	shalt  }
0x70: {  	_ =	shalt  }
0x71: {  	_ =	shalt  }
0x72: {  	_ =	shalt  }
0x73: {  	_ =	shalt  }
0x74: {  	_ =	shalt  }
0x75: {  	_ =	shalt  }
0x76: {  	_ =	shalt  }
0x77: {  	_ =	shalt  }
0x78: {  	_ =	shalt  }
0x79: {  	_ =	shalt  }
0x7a: {  	_ =	shalt  }
0x7b: {  	_ =	shalt  }
0x7c: {  	_ =	shalt  }
0x7d: {  	_ =	shalt  }
0x7e: {  	_ =	shalt  }
0x7f: {  	_ =	shalt  }
0x80: {  	_ =	shalt  }
0x81: {  	_ =	shalt  }
0x82: {  	_ =	shalt  }
0x83: {  	_ =	shalt  }
0x84: {  	_ =	shalt  }
0x85: {  	_ =	shalt  }
0x86: {  	_ =	shalt  }
0x87: {  	_ =	shalt  }
.Lfunc_end0:
.L_simem_size_0:
called_computation_lowered:
.L_overlay_start_0:
0x88: {  	s2 =	sld [smem:$0x3FD9]  }
0x89: {  	s3 =	sld [smem:$0x3FFE];
	_ =	sdelay $0x1  }
0x8a: {  	s1 =	srdreg.scid  }
0x8b: {  	s0 =	sand.u32 $0x1, s1  }
0x8c: {  	s17 =	sshll.u32 s0, $0xA;
	s2 =	sadd.s32 s3, s2  }
0x8d: {  	s2 =	sadd.s32 s2, s17  }
0x8e: {  	[smem:$0x3FC0] =	sst s2  }
0x8f: {  	_ = 	snop  }
0x90: {  	s2 =	sld [smem:$0x3FD0];
	(tm) =	ssettm $0x1  }
0x91: {  	s18 =	sld [smem:$0x3FFB];
	_ =	sdelay $0x3  }
0x92: {  	_ =	strace s18  }
0x93: {  	s3 =	sld [smem:$0x3FFC];
	_ =	sdelay $0x3  }
0x94: {  	_ =	strace s3  }
0x95: {  	s3 =	sld [smem:$0x3FFD];
	_ =	sdelay $0x3  }
0x96: {  	_ =	strace s3  }
0x97: {  	_ =	strace $0x8FFFFFFF  }
0x98: {  	s19 =	sld [smem:$0x3FDB];
	_ =	sdelay $0x1  }
0x99: {  	s4 =	simm.s32 $_scs_section_size  }
0x9a: {  	s5 =	simm.s32 $_size__tile_overlayer_lowered;
	s6 =	simm.s32 $_tile_overlayer_lowered  }
0x9b: {  	s22 =	simm.s32 $0x1BFF;
	s21 =	sshll.u32 s6, $0x1;
	s3 =	sadd.s32 s4, s19  }
0x9c: {  	s7 =	simm.s32 $0x0;
	s20 =	sshll.u32 s5, $0x1;
	s5 =	sadd.s32 s21, s3  }
0x9d: {  	[timem:s7], [sflag:s22] =	dma.local [hbm:s5], s20  }
0x9e: {  	_ =	swait.ge [sflag:s22], s20  }
0x9f: {  	s4 =	ssub.s32 $0x0, s20;
	[sflag:s22] =	ssyncset.done $0x0  }
0xa0: {  	[sflag:s22] =	ssyncadd.s32 s4;
	_ =	sdelay $0x1  }
0xa1: {  	s23 =	simm.s32 $0x1B8B  }
0xa2: {  	_ =	swait.ge [sflag:s23], $0x1  }
0xa3: {  	[sflag:s23] =	ssyncset.done $0x0  }
0xa4: {  	s25 =	simm.s32 $0x1B8E;
	s24 =	sld [smem:$0x3FFE];
	[sflag:s23] =	ssyncadd.s32 $0xFFFFFFFF  }
0xa5: {  	s26 =	simm.s32 $execute0_lowered;
	[smem:$0x3FD2] =	sst s25  }
0xa6: {  	s5 =	sshll.u32 s26, $0x1;
	_ =	strace $0x80000046;
	[dreg:$0x1] =	wrdreg $0xFFFFFFFF  }
0xa7: {  	s28 =	simm.s32 $_size_execute0_lowered;
	s3 =	sadd.s32 s3, s5;
	[dreg:$0x0] =	wrdreg $0x0  }
0xa8: {  	s5 =	sshll.u32 s28, $0x1;
	[dreg:$0x2] =	wrdreg s3  }
0xa9: {  	[dreg:$0x3] =	wrdreg s5  }
0xaa: {  	[dreg:$0x4] =	wrdreg $0xC0  }
0xab: {  	_ =	task [dreg:s7], $0x5FFFF  }
0xac: {  	[dreg:$0x1] =	wrdreg $0xFFFFFFFF  }
0xad: {  	[dreg:$0x0] =	wrdreg $0x60  }
0xae: {  	[dreg:$0x2] =	wrdreg s2  }
0xaf: {  	[dreg:$0x3] =	wrdreg s24  }
0xb0: {  	[dreg:$0x4] =	wrdreg $0xC0000  }
0xb1: {  	[dreg:$0x5] =	wrdreg $0x9  }
0xb2: {  	_ =	task.clear_ibuf [dreg:s7], $0x6FFFF;
	_ =	strace $0x90000046  }
0xb3: {  	s29 =	simm.s32 $0x9;
	_ =	strace $0x80000048  }
0xb4: {  	_ =	swait.ge [sflag:s29], $0x1  }
0xb5: {  	[sflag:s29] =	ssyncadd.s32 $0xFFFFFFFF  }
0xb6: {  	_ =	strace $0x90000048  }
0xb7: {  	_ =	sfence  }
0xb8: {  	s30 =	sld [smem:$0x0];
	_ =	sdelay $0x2  }
0xb9: {  	s31 =	sshll.u32 s1, $0xD;
	s1 =	sshrl.u32 s1, $0x2  }
0xba: {  	s3 =	sand.u32 $0x4000, s31;
	s1 =	sadd.s32 s1, s30  }
0xbb: {  	s0 =	sor.u32 s3, s0;
	s1 =	sshll.u32 s1, $0x11  }
0xbc: {  	s0 =	sor.u32 s1, s0  }
0xbd: {  	s0 =	sadd.s32 $0x8F2B, s0  }
0xbe: {  	[sflag:s0] =	ssyncadd.remote.s32 $0x1  }
0xbf: {  	_ =	sfence.sel $0xFFFF  }
0xc0: {  	[dreg:$0x0] =	wrdreg $0xFFFFFFFF;
	(pc) =	sbr.abs _section_cstart, $3  }
0xc1: {  	[dreg:$0x1] =	wrdreg $0xFFFFFFFF  }
0xc2: {  	_ =	task.clear_ibuf [dreg:s7], $0x2FFFF;
	_ =	strace $0x9FFFFFFF  }
0xc3: {  	(tm) =	ssettm $0x7FFFFFFF  }
tec
execute0_lowered:
.L_overlay_start_1:
0x0: {  	(tag) =	ssettag $0x1  }
0x1: {  	s2 =	rddreg [dreg:$0x0]  }
0x2: {  	s0 =	rddreg [dreg:$0x1];
	s1 =	srdreg.scid  }
0x3: {  	s3 =	rddreg [dreg:$0x2];
	s14 =	stileid.u32  }
0x4: {  	s7 =	simm.s32 $0x0;
	s28 =	simm.s32 $0x5;
	s29 =	simm.s32 $0x6  }
0x5: {  	s30 =	simm.s32 $0x1000;
	s31 =	simm.s32 $0x50;
	s1 =	sand.u32 $0x1, s1  }
0x6: {  	s6 =	sshll.u32 s14, $0xE;
	[smem:$0x7FF] =	sst s7;
	s25 =	smul.u32 $0x14000, s14  }
0x7: {  	s8 =	smul.u32 $0x50000, s14;
	s9 =	sadd.s32 $0x2400, s0;
	s17 =	sshll.u32 s14, $0xB  }
0x8: {  	s4 =	sshll.u32 s1, $0x12;
	s5 =	smul.u32 $0x140000, s1;
	_ =	strace $0x80000047  }
0x9: {  	s26 =	ssub.s32 $0x2, s1;
	s18 =	sadd.s32 s9, s17;
	s1 =	sshll.u32 s1, $0xD  }
0xa: {  	s4 =	sor.u32 s6, s4;
	s10 =	sshrl.u32 s26, $0x1;
	s8 =	sshrl.u32 s8, $0x2  }
0xb: {  	s1 =	sor.u32 s1, s6;
	s21 =	sadd.s32 $0x400, s18;
	[dreg:$0xa] =	wrdreg s18  }
0xc: {  	s22 =	sadd.s32 $0x600, s18;
	s18 =	simm.s32 $0x2;
	s4 =	sshrl.u32 s4, $0x3  }
0xd: {  	s5 =	sadd.s32 s25, s5;
	s7 =	ssub.s32 s26, s10;
	[dreg:$0xe] =	wrdreg s21  }
0xe: {  	s1 =	sshrl.u32 s1, $0x3;
	[dreg:$0x10] =	wrdreg s22;
	s21 =	simm.s32 $0x1E00  }
0xf: {  	s22 =	simm.s32 $0x1E80;
	s4 =	sadd.s32 s4, s0;
	s5 =	sshrl.u32 s5, $0x3  }
0x10: {  	s23 =	sadd.s32 s9, s1;
	s26 =	smax.u32 s7, $0x1;
	s13 =	sadd.s32 s5, s0  }
0x11: {  	s5 =	sadd.s32 s8, s3;
	s16 =	sadd.s32 $0xA400, s4;
	[dreg:$0x11] =	wrdreg s23  }
0x12: {  	s0 =	sadd.s32 $0x2600, s0;
	s19 =	sadd.s32 $0xA600, s4;
	[dreg:$0x15] =	wrdreg s26  }
0x13: {  	s20 =	sadd.s32 $0xA800, s4;
	s4 =	sadd.s32 $0xAA00, s4;
	[dreg:$0x9] =	wrdreg s16  }
0x14: {  	s26 =	simm.s32 $0x2000;
	s23 =	simm.s32 $0x1F00;
	[dreg:$0xb] =	wrdreg s19  }
0x15: {  	s8 =	sadd.s32 $0x2800, s5;
	s10 =	sadd.s32 $0x5000, s5;
	[dreg:$0xd] =	wrdreg s20  }
0x16: {  	s11 =	sadd.s32 $0x7800, s5;
	s12 =	sadd.s32 $0xA000, s5;
	[dreg:$0xf] =	wrdreg s4  }
0x17: {  	s15 =	sadd.s32 $0xC800, s5;
	s24 =	sadd.s32 $0x1A400, s13;
	[dreg:$0x4] =	wrdreg s8  }
0x18: {  	s25 =	sadd.s32 $0x6A400, s13;
	s4 =	simm.s32 $0x100;
	[dreg:$0x5] =	wrdreg s10  }
0x19: {  	s13 =	simm.s32 $0x7000;
	s16 =	simm.s32 $0x9800;
	[dreg:$0x6] =	wrdreg s11  }
0x1a: {  	s19 =	simm.s32 $0x3;
	s20 =	simm.s32 $0x4;
	[dreg:$0x7] =	wrdreg s12  }
0x1b: {  	[dreg:$0x8] =	wrdreg s15;
	s11 =	sadd.s32 $0xF000, s5;
	s12 =	sadd.s32 $0x11800, s5  }
0x1c: {  	s8 =	sadd.s32 s17, s0;
	s0 =	sadd.s32 s1, s0;
	[dreg:$0x13] =	wrdreg s24  }
0x1d: {  	[dreg:$0x14] =	wrdreg s25;
	s1 =	simm.s32 $0x4800;
	s15 =	simm.s32 $0x180  }
0x1e: {  	s17 =	simm.s32 $0x1;
	s24 =	simm.s32 $0x1F80;
	[dreg:$0xc] =	wrdreg s8  }
0x1f: {  	v0 =	vimm.f32 $0.0e+00;
	v1 =	vimm.f32 $1.000000000e+00;
	s25 =	simm.s32 $0x0;
	[dreg:$0x12] =	wrdreg s0;
	s0 =	simm.s32 $0x80  }
.LBB2_1:
0x20: {  	s7 =	simm.s32 $0x0  }
0x21: {  	s6 =	sand.u32 $0xFE00, s7  }
0x22: {  	s7 =	sand.u32 $0x70, s7;
	s8 =	sshrl.u32 s6, $0x2  }
0x23: {  	s6 =	simm.s32 $0x40;
	s8 =	sor.u32 s7, s8;
	s7 =	simm.s32 $0x0  }
.LBB2_2:
0x24: {  	p0 =	sne.s32 s6, $0x9FC0  }
0x25: {  	[tilespmem:s8+$0x2000] =	vst v0;
	s7 =	sadd.s32 $0x10, s7;
	s8 =	smov.u32 s6;
	s6 =	sadd.s32 $0x40, s6  }
.Ltmp0:
0x26: {  	(pc) =	sbr.rel @p0 .LBB2_2-.Ltmp0, $4  }
0x27: {  	_ = 	snop  }
0x28: {  	s8 =	sand.u32 $0xFE00, s8  }
0x29: {  	s9 =	sand.u32 $0x70, s7;
	s8 =	sshrl.u32 s8, $0x2  }
0x2a: {  	s8 =	sor.u32 s9, s8  }
0x2b: {  	[tilespmem:s8+$0x2000] =	vst v0  }
0x2c: {  	[spmem:s5] =	stream.linear.scatter [tilespmem:s26], [sflag:$0x5], $0x2800, $0x38;
	v63 =	vld [tilespmem:$0x0]  }
0x2d: {  	s6 =	rddreg [dreg:$0x4]  }
0x2e: {  	[spmem:s6] =	stream.linear.scatter [tilespmem:s26], [sflag:$0x5], $0x2800, $0x38;
	v63 =	vld [tilespmem:$0x0]  }
0x2f: {  	s9 =	rddreg [dreg:$0x5]  }
0x30: {  	[spmem:s9] =	stream.linear.scatter [tilespmem:s26], [sflag:$0x5], $0x2800, $0x38;
	v63 =	vld [tilespmem:$0x0]  }
0x31: {  	s10 =	rddreg [dreg:$0x6]  }
0x32: {  	[spmem:s10] =	stream.linear.scatter [tilespmem:s26], [sflag:$0x5], $0x2800, $0x38;
	v63 =	vld [tilespmem:$0x0]  }
0x33: {  	s14 =	rddreg [dreg:$0x7]  }
0x34: {  	[spmem:s14] =	stream.linear.scatter [tilespmem:s26], [sflag:$0x5], $0x2800, $0x38;
	v63 =	vld [tilespmem:$0x0]  }
0x35: {  	s7 =	rddreg [dreg:$0x8]  }
0x36: {  	[spmem:s7] =	stream.linear.scatter [tilespmem:s26], [sflag:$0x5], $0x2800, $0x38;
	v63 =	vld [tilespmem:$0x0]  }
0x37: {  	_ = 	snop  }
0x38: {  	[spmem:s11] =	stream.linear.scatter [tilespmem:s26], [sflag:$0x5], $0x2800, $0x38;
	v63 =	vld [tilespmem:$0x0]  }
0x39: {  	_ = 	snop  }
0x3a: {  	[spmem:s12] =	stream.linear.scatter [tilespmem:s26], [sflag:$0x5], $0x2800, $0x38;
	v63 =	vld [tilespmem:$0x0]  }
0x3b: {  	_ =	swait.ge [sflag:s28], $0x2800  }
0x3c: {  	[sflag:s28] =	ssyncset.done $0x0  }
0x3d: {  	[sflag:s28] =	ssyncadd.s32 $0xFFFFD800  }
0x3e: {  	_ =	swait.ge [sflag:s28], $0x2800  }
0x3f: {  	[sflag:s28] =	ssyncset.done $0x0  }
0x40: {  	[sflag:s28] =	ssyncadd.s32 $0xFFFFD800  }
0x41: {  	_ =	swait.ge [sflag:s28], $0x2800  }
0x42: {  	[sflag:s28] =	ssyncset.done $0x0  }
0x43: {  	[sflag:s28] =	ssyncadd.s32 $0xFFFFD800  }
0x44: {  	_ =	swait.ge [sflag:s28], $0x2800  }
0x45: {  	[sflag:s28] =	ssyncset.done $0x0  }
0x46: {  	[sflag:s28] =	ssyncadd.s32 $0xFFFFD800  }
0x47: {  	_ =	swait.ge [sflag:s28], $0x2800  }
0x48: {  	[sflag:s28] =	ssyncset.done $0x0  }
0x49: {  	[sflag:s28] =	ssyncadd.s32 $0xFFFFD800  }
0x4a: {  	_ =	swait.ge [sflag:s28], $0x2800  }
0x4b: {  	[sflag:s28] =	ssyncset.done $0x0  }
0x4c: {  	[sflag:s28] =	ssyncadd.s32 $0xFFFFD800  }
0x4d: {  	_ =	swait.ge [sflag:s28], $0x2800  }
0x4e: {  	[sflag:s28] =	ssyncset.done $0x0  }
0x4f: {  	[sflag:s28] =	ssyncadd.s32 $0xFFFFD800  }
0x50: {  	_ =	swait.ge [sflag:s28], $0x2800  }
0x51: {  	[sflag:s28] =	ssyncset.done $0x0  }
0x52: {  	[sflag:s28] =	ssyncadd.s32 $0xFFFFD800  }
0x53: {  	[bflag:$0x0] =	sbarrier.arrive $0xFFFF  }
0x54: {  	s8 =	simm.s32 $0x0;
	s7 =	rddreg [dreg:$0x9]  }
0x55: {  	[tilespmem:s8], [sflag:$0x6] =	stream.linear.gather [hbm4b:s7+s8], $0x1000, $0x38;
	v63 =	vld [tilespmem:$0x0]  }
0x56: {  	_ =	swait.ge [sflag:s29], $0x1000  }
0x57: {  	[sflag:s29] =	ssyncset.done $0x0  }
0x58: {  	s9 =	rddreg [dreg:$0xa];
	[sflag:s29] =	ssyncadd.s32 $0xFFFFF000  }
0x59: {  	[tilespmem:s30], [sflag:$0x6] =	stream.linear.gather [hbm4b:s9+s8], $0x1000, $0x38;
	v63 =	vld [tilespmem:$0x0]  }
0x5a: {  	_ =	swait.ge [sflag:s29], $0x1000  }
0x5b: {  	[sflag:s29] =	ssyncset.done $0x0  }
0x5c: {  	[sflag:s29] =	ssyncadd.s32 $0xFFFFF000  }
0x5d: {  	[tilespmem:s26], [sflag:$0x1] =	stream.indirect.gather [hbm4b:s2+s31], $0x80, s8, s31, $0xb8;
	v63 =	vld [tilespmem:$0x0]  }
0x5e: {  	_ = 	snop  }
0x5f: {  	[tilespmem:s1], [sflag:$0x2] =	stream.indirect.gather [hbm4b:s2+s31], $0x80, s0, s31, $0xb8;
	v63 =	vld [tilespmem:$0x0]  }
0x60: {  	_ = 	snop  }
0x61: {  	[tilespmem:s13], [sflag:$0x3] =	stream.indirect.gather [hbm4b:s2+s31], $0x80, s4, s31, $0xb8;
	v63 =	vld [tilespmem:$0x0]  }
0x62: {  	_ = 	snop  }
0x63: {  	[tilespmem:s16], [sflag:$0x4] =	stream.indirect.gather [hbm4b:s2+s31], $0x80, s15, s31, $0xb8;
	v63 =	vld [tilespmem:$0x0]  }
0x64: {  	_ =	swait.ge [sflag:s17], $0x2800  }
0x65: {  	[sflag:s17] =	ssyncset.done $0x0  }
0x66: {  	s10 =	simm.s32 $0x1000;
	[sflag:s17] =	ssyncadd.s32 $0xFFFFD800  }
0x67: {  	[spmem:s3] =	stream.indirect.scatter.add.f32 [tilespmem:s26], [sflag:$0x5], $0x80, s10, s31, $0xb8;
	v63 =	vld [tilespmem:$0x0]  }
0x68: {  	_ =	swait.ge [sflag:s28], $0x2800  }
0x69: {  	[sflag:s28] =	ssyncset.done $0x0  }
0x6a: {  	s14 =	simm.s32 $0x200;
	[sflag:s28] =	ssyncadd.s32 $0xFFFFD800  }
0x6b: {  	[tilespmem:s26], [sflag:$0x1] =	stream.indirect.gather [hbm4b:s2+s31], $0x80, s14, s31, $0xb8;
	v63 =	vld [tilespmem:$0x0]  }
0x6c: {  	_ =	swait.ge [sflag:s18], $0x2800  }
0x6d: {  	[sflag:s18] =	ssyncset.done $0x0  }
0x6e: {  	s7 =	simm.s32 $0x1080;
	[sflag:s18] =	ssyncadd.s32 $0xFFFFD800  }
0x6f: {  	[spmem:s3] =	stream.indirect.scatter.add.f32 [tilespmem:s1], [sflag:$0x5], $0x80, s7, s31, $0xb8;
	v63 =	vld [tilespmem:$0x0]  }
0x70: {  	_ =	swait.ge [sflag:s28], $0x2800  }
0x71: {  	[sflag:s28] =	ssyncset.done $0x0  }
0x72: {  	s8 =	simm.s32 $0x280;
	[sflag:s28] =	ssyncadd.s32 $0xFFFFD800  }
0x73: {  	[tilespmem:s1], [sflag:$0x2] =	stream.indirect.gather [hbm4b:s2+s31], $0x80, s8, s31, $0xb8;
	v63 =	vld [tilespmem:$0x0]  }
0x74: {  	_ =	swait.ge [sflag:s19], $0x2800  }
0x75: {  	[sflag:s19] =	ssyncset.done $0x0  }
0x76: {  	s9 =	simm.s32 $0x1100;
	[sflag:s19] =	ssyncadd.s32 $0xFFFFD800  }
0x77: {  	[spmem:s3] =	stream.indirect.scatter.add.f32 [tilespmem:s13], [sflag:$0x5], $0x80, s9, s31, $0xb8;
	v63 =	vld [tilespmem:$0x0]  }
0x78: {  	_ =	swait.ge [sflag:s28], $0x2800  }
0x79: {  	[sflag:s28] =	ssyncset.done $0x0  }
0x7a: {  	s10 =	simm.s32 $0x300;
	[sflag:s28] =	ssyncadd.s32 $0xFFFFD800  }
0x7b: {  	[tilespmem:s13], [sflag:$0x3] =	stream.indirect.gather [hbm4b:s2+s31], $0x80, s10, s31, $0xb8;
	v63 =	vld [tilespmem:$0x0]  }
0x7c: {  	_ =	swait.ge [sflag:s20], $0x2800  }
0x7d: {  	[sflag:s20] =	ssyncset.done $0x0  }
0x7e: {  	s14 =	simm.s32 $0x1180;
	[sflag:s20] =	ssyncadd.s32 $0xFFFFD800  }
0x7f: {  	[spmem:s3] =	stream.indirect.scatter.add.f32 [tilespmem:s16], [sflag:$0x5], $0x80, s14, s31, $0xb8;
	v63 =	vld [tilespmem:$0x0]  }
0x80: {  	_ =	swait.ge [sflag:s28], $0x2800  }
0x81: {  	[sflag:s28] =	ssyncset.done $0x0  }
0x82: {  	s6 =	simm.s32 $0x800;
	s7 =	simm.s32 $0x380;
	[sflag:s28] =	ssyncadd.s32 $0xFFFFD800  }
.LBB2_4:
0x83: {  	[tilespmem:s16], [sflag:$0x4] =	stream.indirect.gather [hbm4b:s2+s31], $0x80, s7, s31, $0xb8;
	v63 =	vld [tilespmem:$0x0]  }
0x84: {  	s7 =	smov.u32 s6  }
0x85: {  	p0 =	sne.s32 s6, $0x3000;
	s6 =	sadd.s32 $0x800, s6;
	_ =	swait.ge [sflag:s17], $0x2800  }
0x86: {  	s14 =	sshra.s32 s7, $0x2;
	[sflag:s17] =	ssyncset.done $0x0  }
0x87: {  	s7 =	sadd.s32 $0x1000, s14;
	[sflag:s17] =	ssyncadd.s32 $0xFFFFD800  }
0x88: {  	[spmem:s3] =	stream.indirect.scatter.add.f32 [tilespmem:s26], [sflag:$0x5], $0x80, s7, s31, $0xb8;
	v63 =	vld [tilespmem:$0x0]  }
0x89: {  	_ =	swait.ge [sflag:s28], $0x2800  }
0x8a: {  	[sflag:s28] =	ssyncset.done $0x0  }
0x8b: {  	s7 =	sadd.s32 $0x200, s14;
	[sflag:s28] =	ssyncadd.s32 $0xFFFFD800  }
0x8c: {  	[tilespmem:s26], [sflag:$0x1] =	stream.indirect.gather [hbm4b:s2+s31], $0x80, s7, s31, $0xb8;
	v63 =	vld [tilespmem:$0x0]  }
0x8d: {  	_ =	swait.ge [sflag:s18], $0x2800  }
0x8e: {  	[sflag:s18] =	ssyncset.done $0x0  }
0x8f: {  	s7 =	sadd.s32 $0x1080, s14;
	[sflag:s18] =	ssyncadd.s32 $0xFFFFD800  }
0x90: {  	[spmem:s3] =	stream.indirect.scatter.add.f32 [tilespmem:s1], [sflag:$0x5], $0x80, s7, s31, $0xb8;
	v63 =	vld [tilespmem:$0x0]  }
0x91: {  	_ =	swait.ge [sflag:s28], $0x2800  }
0x92: {  	[sflag:s28] =	ssyncset.done $0x0  }
0x93: {  	s7 =	sadd.s32 $0x280, s14;
	[sflag:s28] =	ssyncadd.s32 $0xFFFFD800  }
0x94: {  	[tilespmem:s1], [sflag:$0x2] =	stream.indirect.gather [hbm4b:s2+s31], $0x80, s7, s31, $0xb8;
	v63 =	vld [tilespmem:$0x0]  }
0x95: {  	_ =	swait.ge [sflag:s19], $0x2800  }
0x96: {  	[sflag:s19] =	ssyncset.done $0x0  }
0x97: {  	s7 =	sadd.s32 $0x1100, s14;
	[sflag:s19] =	ssyncadd.s32 $0xFFFFD800  }
0x98: {  	[spmem:s3] =	stream.indirect.scatter.add.f32 [tilespmem:s13], [sflag:$0x5], $0x80, s7, s31, $0xb8;
	v63 =	vld [tilespmem:$0x0]  }
0x99: {  	_ =	swait.ge [sflag:s28], $0x2800  }
0x9a: {  	[sflag:s28] =	ssyncset.done $0x0  }
0x9b: {  	s7 =	sadd.s32 $0x300, s14;
	[sflag:s28] =	ssyncadd.s32 $0xFFFFD800  }
0x9c: {  	[tilespmem:s13], [sflag:$0x3] =	stream.indirect.gather [hbm4b:s2+s31], $0x80, s7, s31, $0xb8;
	v63 =	vld [tilespmem:$0x0]  }
0x9d: {  	_ =	swait.ge [sflag:s20], $0x2800  }
0x9e: {  	[sflag:s20] =	ssyncset.done $0x0  }
.Ltmp1:
0x9f: {  	s7 =	sadd.s32 $0x1180, s14;
	[sflag:s20] =	ssyncadd.s32 $0xFFFFD800;
	(pc) =	sbr.rel @p0 .LBB2_4-.Ltmp1, $4  }
0xa0: {  	[spmem:s3] =	stream.indirect.scatter.add.f32 [tilespmem:s16], [sflag:$0x5], $0x80, s7, s31, $0xb8;
	v63 =	vld [tilespmem:$0x0]  }
0xa1: {  	_ =	swait.ge [sflag:s28], $0x2800  }
0xa2: {  	[sflag:s28] =	ssyncset.done $0x0  }
0xa3: {  	s7 =	sadd.s32 $0x380, s14;
	[sflag:s28] =	ssyncadd.s32 $0xFFFFD800  }
0xa4: {  	[tilespmem:s16], [sflag:$0x4] =	stream.indirect.gather [hbm4b:s2+s31], $0x80, s7, s31, $0xb8;
	v63 =	vld [tilespmem:$0x0]  }
0xa5: {  	_ =	swait.ge [sflag:s17], $0x2800  }
0xa6: {  	[sflag:s17] =	ssyncset.done $0x0  }
0xa7: {  	[sflag:s17] =	ssyncadd.s32 $0xFFFFD800  }
0xa8: {  	[spmem:s3] =	stream.indirect.scatter.add.f32 [tilespmem:s26], [sflag:$0x5], $0x80, s21, s31, $0xb8;
	v63 =	vld [tilespmem:$0x0]  }
0xa9: {  	_ =	swait.ge [sflag:s28], $0x2800  }
0xaa: {  	[sflag:s28] =	ssyncset.done $0x0  }
0xab: {  	[sflag:s28] =	ssyncadd.s32 $0xFFFFD800  }
0xac: {  	_ =	swait.ge [sflag:s18], $0x2800  }
0xad: {  	[sflag:s18] =	ssyncset.done $0x0  }
0xae: {  	[sflag:s18] =	ssyncadd.s32 $0xFFFFD800  }
0xaf: {  	[spmem:s3] =	stream.indirect.scatter.add.f32 [tilespmem:s1], [sflag:$0x5], $0x80, s22, s31, $0xb8;
	v63 =	vld [tilespmem:$0x0]  }
0xb0: {  	_ =	swait.ge [sflag:s28], $0x2800  }
0xb1: {  	[sflag:s28] =	ssyncset.done $0x0  }
0xb2: {  	[sflag:s28] =	ssyncadd.s32 $0xFFFFD800  }
0xb3: {  	_ =	swait.ge [sflag:s19], $0x2800  }
0xb4: {  	[sflag:s19] =	ssyncset.done $0x0  }
0xb5: {  	[sflag:s19] =	ssyncadd.s32 $0xFFFFD800  }
0xb6: {  	[spmem:s3] =	stream.indirect.scatter.add.f32 [tilespmem:s13], [sflag:$0x5], $0x80, s23, s31, $0xb8;
	v63 =	vld [tilespmem:$0x0]  }
0xb7: {  	_ =	swait.ge [sflag:s28], $0x2800  }
0xb8: {  	[sflag:s28] =	ssyncset.done $0x0  }
0xb9: {  	[sflag:s28] =	ssyncadd.s32 $0xFFFFD800  }
0xba: {  	_ =	swait.ge [sflag:s20], $0x2800  }
0xbb: {  	[sflag:s20] =	ssyncset.done $0x0  }
0xbc: {  	[sflag:s20] =	ssyncadd.s32 $0xFFFFD800  }
0xbd: {  	[spmem:s3] =	stream.indirect.scatter.add.f32 [tilespmem:s16], [sflag:$0x5], $0x80, s24, s31, $0xb8;
	v63 =	vld [tilespmem:$0x0]  }
0xbe: {  	_ =	swait.ge [sflag:s28], $0x2800  }
0xbf: {  	[sflag:s28] =	ssyncset.done $0x0  }
0xc0: {  	s6 =	simm.s32 $0x0;
	s8 =	rddreg [dreg:$0xb];
	[sflag:s28] =	ssyncadd.s32 $0xFFFFD800  }
0xc1: {  	[tilespmem:s6], [sflag:$0x6] =	stream.linear.gather [hbm4b:s8+s6], $0x1000, $0x38;
	v63 =	vld [tilespmem:$0x0]  }
0xc2: {  	_ =	swait.ge [sflag:s29], $0x1000  }
0xc3: {  	[sflag:s29] =	ssyncset.done $0x0  }
0xc4: {  	s9 =	rddreg [dreg:$0xc];
	[sflag:s29] =	ssyncadd.s32 $0xFFFFF000  }
0xc5: {  	[tilespmem:s30], [sflag:$0x6] =	stream.linear.gather [hbm4b:s9+s6], $0x1000, $0x38;
	v63 =	vld [tilespmem:$0x0]  }
0xc6: {  	_ =	swait.ge [sflag:s29], $0x1000  }
0xc7: {  	[sflag:s29] =	ssyncset.done $0x0  }
0xc8: {  	[sflag:s29] =	ssyncadd.s32 $0xFFFFF000  }
0xc9: {  	[tilespmem:s26], [sflag:$0x1] =	stream.indirect.gather [hbm4b:s2+s31], $0x80, s6, s31, $0xb8;
	v63 =	vld [tilespmem:$0x0]  }
0xca: {  	_ = 	snop  }
0xcb: {  	[tilespmem:s1], [sflag:$0x2] =	stream.indirect.gather [hbm4b:s2+s31], $0x80, s0, s31, $0xb8;
	v63 =	vld [tilespmem:$0x0]  }
0xcc: {  	_ = 	snop  }
0xcd: {  	[tilespmem:s13], [sflag:$0x3] =	stream.indirect.gather [hbm4b:s2+s31], $0x80, s4, s31, $0xb8;
	v63 =	vld [tilespmem:$0x0]  }
0xce: {  	_ = 	snop  }
0xcf: {  	[tilespmem:s16], [sflag:$0x4] =	stream.indirect.gather [hbm4b:s2+s31], $0x80, s15, s31, $0xb8;
	v63 =	vld [tilespmem:$0x0]  }
0xd0: {  	_ =	swait.ge [sflag:s17], $0x2800  }
0xd1: {  	[sflag:s17] =	ssyncset.done $0x0  }
0xd2: {  	s10 =	simm.s32 $0x1000;
	[sflag:s17] =	ssyncadd.s32 $0xFFFFD800  }
0xd3: {  	[spmem:s3] =	stream.indirect.scatter.add.f32 [tilespmem:s26], [sflag:$0x5], $0x80, s10, s31, $0xb8;
	v63 =	vld [tilespmem:$0x0]  }
0xd4: {  	_ =	swait.ge [sflag:s28], $0x2800  }
0xd5: {  	[sflag:s28] =	ssyncset.done $0x0  }
0xd6: {  	s14 =	simm.s32 $0x200;
	[sflag:s28] =	ssyncadd.s32 $0xFFFFD800  }
0xd7: {  	[tilespmem:s26], [sflag:$0x1] =	stream.indirect.gather [hbm4b:s2+s31], $0x80, s14, s31, $0xb8;
	v63 =	vld [tilespmem:$0x0]  }
0xd8: {  	_ =	swait.ge [sflag:s18], $0x2800  }
0xd9: {  	[sflag:s18] =	ssyncset.done $0x0  }
0xda: {  	s7 =	simm.s32 $0x1080;
	[sflag:s18] =	ssyncadd.s32 $0xFFFFD800  }
0xdb: {  	[spmem:s3] =	stream.indirect.scatter.add.f32 [tilespmem:s1], [sflag:$0x5], $0x80, s7, s31, $0xb8;
	v63 =	vld [tilespmem:$0x0]  }
0xdc: {  	_ =	swait.ge [sflag:s28], $0x2800  }
0xdd: {  	[sflag:s28] =	ssyncset.done $0x0  }
0xde: {  	s8 =	simm.s32 $0x280;
	[sflag:s28] =	ssyncadd.s32 $0xFFFFD800  }
0xdf: {  	[tilespmem:s1], [sflag:$0x2] =	stream.indirect.gather [hbm4b:s2+s31], $0x80, s8, s31, $0xb8;
	v63 =	vld [tilespmem:$0x0]  }
0xe0: {  	_ =	swait.ge [sflag:s19], $0x2800  }
0xe1: {  	[sflag:s19] =	ssyncset.done $0x0  }
0xe2: {  	s9 =	simm.s32 $0x1100;
	[sflag:s19] =	ssyncadd.s32 $0xFFFFD800  }
0xe3: {  	[spmem:s3] =	stream.indirect.scatter.add.f32 [tilespmem:s13], [sflag:$0x5], $0x80, s9, s31, $0xb8;
	v63 =	vld [tilespmem:$0x0]  }
0xe4: {  	_ =	swait.ge [sflag:s28], $0x2800  }
0xe5: {  	[sflag:s28] =	ssyncset.done $0x0  }
0xe6: {  	s10 =	simm.s32 $0x300;
	[sflag:s28] =	ssyncadd.s32 $0xFFFFD800  }
0xe7: {  	[tilespmem:s13], [sflag:$0x3] =	stream.indirect.gather [hbm4b:s2+s31], $0x80, s10, s31, $0xb8;
	v63 =	vld [tilespmem:$0x0]  }
0xe8: {  	_ =	swait.ge [sflag:s20], $0x2800  }
0xe9: {  	[sflag:s20] =	ssyncset.done $0x0  }
0xea: {  	s14 =	simm.s32 $0x1180;
	[sflag:s20] =	ssyncadd.s32 $0xFFFFD800  }
0xeb: {  	[spmem:s3] =	stream.indirect.scatter.add.f32 [tilespmem:s16], [sflag:$0x5], $0x80, s14, s31, $0xb8;
	v63 =	vld [tilespmem:$0x0]  }
0xec: {  	_ =	swait.ge [sflag:s28], $0x2800  }
0xed: {  	[sflag:s28] =	ssyncset.done $0x0  }
0xee: {  	s6 =	simm.s32 $0x800;
	s7 =	simm.s32 $0x380;
	[sflag:s28] =	ssyncadd.s32 $0xFFFFD800  }
.LBB2_6:
0xef: {  	[tilespmem:s16], [sflag:$0x4] =	stream.indirect.gather [hbm4b:s2+s31], $0x80, s7, s31, $0xb8;
	v63 =	vld [tilespmem:$0x0]  }
0xf0: {  	s7 =	smov.u32 s6  }
0xf1: {  	p0 =	sne.s32 s6, $0x3000;
	s6 =	sadd.s32 $0x800, s6;
	_ =	swait.ge [sflag:s17], $0x2800  }
0xf2: {  	s14 =	sshra.s32 s7, $0x2;
	[sflag:s17] =	ssyncset.done $0x0  }
0xf3: {  	s7 =	sadd.s32 $0x1000, s14;
	[sflag:s17] =	ssyncadd.s32 $0xFFFFD800  }
0xf4: {  	[spmem:s3] =	stream.indirect.scatter.add.f32 [tilespmem:s26], [sflag:$0x5], $0x80, s7, s31, $0xb8;
	v63 =	vld [tilespmem:$0x0]  }
0xf5: {  	_ =	swait.ge [sflag:s28], $0x2800  }
0xf6: {  	[sflag:s28] =	ssyncset.done $0x0  }
0xf7: {  	s7 =	sadd.s32 $0x200, s14;
	[sflag:s28] =	ssyncadd.s32 $0xFFFFD800  }
0xf8: {  	[tilespmem:s26], [sflag:$0x1] =	stream.indirect.gather [hbm4b:s2+s31], $0x80, s7, s31, $0xb8;
	v63 =	vld [tilespmem:$0x0]  }
0xf9: {  	_ =	swait.ge [sflag:s18], $0x2800  }
0xfa: {  	[sflag:s18] =	ssyncset.done $0x0  }
0xfb: {  	s7 =	sadd.s32 $0x1080, s14;
	[sflag:s18] =	ssyncadd.s32 $0xFFFFD800  }
0xfc: {  	[spmem:s3] =	stream.indirect.scatter.add.f32 [tilespmem:s1], [sflag:$0x5], $0x80, s7, s31, $0xb8;
	v63 =	vld [tilespmem:$0x0]  }
0xfd: {  	_ =	swait.ge [sflag:s28], $0x2800  }
0xfe: {  	[sflag:s28] =	ssyncset.done $0x0  }
0xff: {  	s7 =	sadd.s32 $0x280, s14;
	[sflag:s28] =	ssyncadd.s32 $0xFFFFD800  }
0x100: {  	[tilespmem:s1], [sflag:$0x2] =	stream.indirect.gather [hbm4b:s2+s31], $0x80, s7, s31, $0xb8;
	v63 =	vld [tilespmem:$0x0]  }
0x101: {  	_ =	swait.ge [sflag:s19], $0x2800  }
0x102: {  	[sflag:s19] =	ssyncset.done $0x0  }
0x103: {  	s7 =	sadd.s32 $0x1100, s14;
	[sflag:s19] =	ssyncadd.s32 $0xFFFFD800  }
0x104: {  	[spmem:s3] =	stream.indirect.scatter.add.f32 [tilespmem:s13], [sflag:$0x5], $0x80, s7, s31, $0xb8;
	v63 =	vld [tilespmem:$0x0]  }
0x105: {  	_ =	swait.ge [sflag:s28], $0x2800  }
0x106: {  	[sflag:s28] =	ssyncset.done $0x0  }
0x107: {  	s7 =	sadd.s32 $0x300, s14;
	[sflag:s28] =	ssyncadd.s32 $0xFFFFD800  }
0x108: {  	[tilespmem:s13], [sflag:$0x3] =	stream.indirect.gather [hbm4b:s2+s31], $0x80, s7, s31, $0xb8;
	v63 =	vld [tilespmem:$0x0]  }
0x109: {  	_ =	swait.ge [sflag:s20], $0x2800  }
0x10a: {  	[sflag:s20] =	ssyncset.done $0x0  }
.Ltmp2:
0x10b: {  	s7 =	sadd.s32 $0x1180, s14;
	[sflag:s20] =	ssyncadd.s32 $0xFFFFD800;
	(pc) =	sbr.rel @p0 .LBB2_6-.Ltmp2, $4  }
0x10c: {  	[spmem:s3] =	stream.indirect.scatter.add.f32 [tilespmem:s16], [sflag:$0x5], $0x80, s7, s31, $0xb8;
	v63 =	vld [tilespmem:$0x0]  }
0x10d: {  	_ =	swait.ge [sflag:s28], $0x2800  }
0x10e: {  	[sflag:s28] =	ssyncset.done $0x0  }
0x10f: {  	s7 =	sadd.s32 $0x380, s14;
	[sflag:s28] =	ssyncadd.s32 $0xFFFFD800  }
0x110: {  	[tilespmem:s16], [sflag:$0x4] =	stream.indirect.gather [hbm4b:s2+s31], $0x80, s7, s31, $0xb8;
	v63 =	vld [tilespmem:$0x0]  }
0x111: {  	_ =	swait.ge [sflag:s17], $0x2800  }
0x112: {  	[sflag:s17] =	ssyncset.done $0x0  }
0x113: {  	[sflag:s17] =	ssyncadd.s32 $0xFFFFD800  }
0x114: {  	[spmem:s3] =	stream.indirect.scatter.add.f32 [tilespmem:s26], [sflag:$0x5], $0x80, s21, s31, $0xb8;
	v63 =	vld [tilespmem:$0x0]  }
0x115: {  	_ =	swait.ge [sflag:s28], $0x2800  }
0x116: {  	[sflag:s28] =	ssyncset.done $0x0  }
0x117: {  	[sflag:s28] =	ssyncadd.s32 $0xFFFFD800  }
0x118: {  	_ =	swait.ge [sflag:s18], $0x2800  }
0x119: {  	[sflag:s18] =	ssyncset.done $0x0  }
0x11a: {  	[sflag:s18] =	ssyncadd.s32 $0xFFFFD800  }
0x11b: {  	[spmem:s3] =	stream.indirect.scatter.add.f32 [tilespmem:s1], [sflag:$0x5], $0x80, s22, s31, $0xb8;
	v63 =	vld [tilespmem:$0x0]  }
0x11c: {  	_ =	swait.ge [sflag:s28], $0x2800  }
0x11d: {  	[sflag:s28] =	ssyncset.done $0x0  }
0x11e: {  	[sflag:s28] =	ssyncadd.s32 $0xFFFFD800  }
0x11f: {  	_ =	swait.ge [sflag:s19], $0x2800  }
0x120: {  	[sflag:s19] =	ssyncset.done $0x0  }
0x121: {  	[sflag:s19] =	ssyncadd.s32 $0xFFFFD800  }
0x122: {  	[spmem:s3] =	stream.indirect.scatter.add.f32 [tilespmem:s13], [sflag:$0x5], $0x80, s23, s31, $0xb8;
	v63 =	vld [tilespmem:$0x0]  }
0x123: {  	_ =	swait.ge [sflag:s28], $0x2800  }
0x124: {  	[sflag:s28] =	ssyncset.done $0x0  }
0x125: {  	[sflag:s28] =	ssyncadd.s32 $0xFFFFD800  }
0x126: {  	_ =	swait.ge [sflag:s20], $0x2800  }
0x127: {  	[sflag:s20] =	ssyncset.done $0x0  }
0x128: {  	[sflag:s20] =	ssyncadd.s32 $0xFFFFD800  }
0x129: {  	[spmem:s3] =	stream.indirect.scatter.add.f32 [tilespmem:s16], [sflag:$0x5], $0x80, s24, s31, $0xb8;
	v63 =	vld [tilespmem:$0x0]  }
0x12a: {  	_ =	swait.ge [sflag:s28], $0x2800  }
0x12b: {  	[sflag:s28] =	ssyncset.done $0x0  }
0x12c: {  	s6 =	simm.s32 $0x0;
	s8 =	rddreg [dreg:$0xd];
	[sflag:s28] =	ssyncadd.s32 $0xFFFFD800  }
0x12d: {  	[tilespmem:s6], [sflag:$0x6] =	stream.linear.gather [hbm4b:s8+s6], $0x1000, $0x38;
	v63 =	vld [tilespmem:$0x0]  }
0x12e: {  	_ =	swait.ge [sflag:s29], $0x1000  }
0x12f: {  	[sflag:s29] =	ssyncset.done $0x0  }
0x130: {  	s9 =	rddreg [dreg:$0xe];
	[sflag:s29] =	ssyncadd.s32 $0xFFFFF000  }
0x131: {  	[tilespmem:s30], [sflag:$0x6] =	stream.linear.gather [hbm4b:s9+s6], $0x1000, $0x38;
	v63 =	vld [tilespmem:$0x0]  }
0x132: {  	_ =	swait.ge [sflag:s29], $0x1000  }
0x133: {  	[sflag:s29] =	ssyncset.done $0x0  }
0x134: {  	[sflag:s29] =	ssyncadd.s32 $0xFFFFF000  }
0x135: {  	[tilespmem:s26], [sflag:$0x1] =	stream.indirect.gather [hbm4b:s2+s31], $0x80, s6, s31, $0xb8;
	v63 =	vld [tilespmem:$0x0]  }
0x136: {  	_ = 	snop  }
0x137: {  	[tilespmem:s1], [sflag:$0x2] =	stream.indirect.gather [hbm4b:s2+s31], $0x80, s0, s31, $0xb8;
	v63 =	vld [tilespmem:$0x0]  }
0x138: {  	_ = 	snop  }
0x139: {  	[tilespmem:s13], [sflag:$0x3] =	stream.indirect.gather [hbm4b:s2+s31], $0x80, s4, s31, $0xb8;
	v63 =	vld [tilespmem:$0x0]  }
0x13a: {  	_ = 	snop  }
0x13b: {  	[tilespmem:s16], [sflag:$0x4] =	stream.indirect.gather [hbm4b:s2+s31], $0x80, s15, s31, $0xb8;
	v63 =	vld [tilespmem:$0x0]  }
0x13c: {  	_ =	swait.ge [sflag:s17], $0x2800  }
0x13d: {  	[sflag:s17] =	ssyncset.done $0x0  }
0x13e: {  	s10 =	simm.s32 $0x1000;
	[sflag:s17] =	ssyncadd.s32 $0xFFFFD800  }
0x13f: {  	[spmem:s3] =	stream.indirect.scatter.add.f32 [tilespmem:s26], [sflag:$0x5], $0x80, s10, s31, $0xb8;
	v63 =	vld [tilespmem:$0x0]  }
0x140: {  	_ =	swait.ge [sflag:s28], $0x2800  }
0x141: {  	[sflag:s28] =	ssyncset.done $0x0  }
0x142: {  	s14 =	simm.s32 $0x200;
	[sflag:s28] =	ssyncadd.s32 $0xFFFFD800  }
0x143: {  	[tilespmem:s26], [sflag:$0x1] =	stream.indirect.gather [hbm4b:s2+s31], $0x80, s14, s31, $0xb8;
	v63 =	vld [tilespmem:$0x0]  }
0x144: {  	_ =	swait.ge [sflag:s18], $0x2800  }
0x145: {  	[sflag:s18] =	ssyncset.done $0x0  }
0x146: {  	s7 =	simm.s32 $0x1080;
	[sflag:s18] =	ssyncadd.s32 $0xFFFFD800  }
0x147: {  	[spmem:s3] =	stream.indirect.scatter.add.f32 [tilespmem:s1], [sflag:$0x5], $0x80, s7, s31, $0xb8;
	v63 =	vld [tilespmem:$0x0]  }
0x148: {  	_ =	swait.ge [sflag:s28], $0x2800  }
0x149: {  	[sflag:s28] =	ssyncset.done $0x0  }
0x14a: {  	s8 =	simm.s32 $0x280;
	[sflag:s28] =	ssyncadd.s32 $0xFFFFD800  }
0x14b: {  	[tilespmem:s1], [sflag:$0x2] =	stream.indirect.gather [hbm4b:s2+s31], $0x80, s8, s31, $0xb8;
	v63 =	vld [tilespmem:$0x0]  }
0x14c: {  	_ =	swait.ge [sflag:s19], $0x2800  }
0x14d: {  	[sflag:s19] =	ssyncset.done $0x0  }
0x14e: {  	s9 =	simm.s32 $0x1100;
	[sflag:s19] =	ssyncadd.s32 $0xFFFFD800  }
0x14f: {  	[spmem:s3] =	stream.indirect.scatter.add.f32 [tilespmem:s13], [sflag:$0x5], $0x80, s9, s31, $0xb8;
	v63 =	vld [tilespmem:$0x0]  }
0x150: {  	_ =	swait.ge [sflag:s28], $0x2800  }
0x151: {  	[sflag:s28] =	ssyncset.done $0x0  }
0x152: {  	s10 =	simm.s32 $0x300;
	[sflag:s28] =	ssyncadd.s32 $0xFFFFD800  }
0x153: {  	[tilespmem:s13], [sflag:$0x3] =	stream.indirect.gather [hbm4b:s2+s31], $0x80, s10, s31, $0xb8;
	v63 =	vld [tilespmem:$0x0]  }
0x154: {  	_ =	swait.ge [sflag:s20], $0x2800  }
0x155: {  	[sflag:s20] =	ssyncset.done $0x0  }
0x156: {  	s14 =	simm.s32 $0x1180;
	[sflag:s20] =	ssyncadd.s32 $0xFFFFD800  }
0x157: {  	[spmem:s3] =	stream.indirect.scatter.add.f32 [tilespmem:s16], [sflag:$0x5], $0x80, s14, s31, $0xb8;
	v63 =	vld [tilespmem:$0x0]  }
0x158: {  	_ =	swait.ge [sflag:s28], $0x2800  }
0x159: {  	[sflag:s28] =	ssyncset.done $0x0  }
0x15a: {  	s6 =	simm.s32 $0x800;
	s7 =	simm.s32 $0x380;
	[sflag:s28] =	ssyncadd.s32 $0xFFFFD800  }
.LBB2_8:
0x15b: {  	[tilespmem:s16], [sflag:$0x4] =	stream.indirect.gather [hbm4b:s2+s31], $0x80, s7, s31, $0xb8;
	v63 =	vld [tilespmem:$0x0]  }
0x15c: {  	s7 =	smov.u32 s6  }
0x15d: {  	p0 =	sne.s32 s6, $0x3000;
	s6 =	sadd.s32 $0x800, s6;
	_ =	swait.ge [sflag:s17], $0x2800  }
0x15e: {  	s14 =	sshra.s32 s7, $0x2;
	[sflag:s17] =	ssyncset.done $0x0  }
0x15f: {  	s7 =	sadd.s32 $0x1000, s14;
	[sflag:s17] =	ssyncadd.s32 $0xFFFFD800  }
0x160: {  	[spmem:s3] =	stream.indirect.scatter.add.f32 [tilespmem:s26], [sflag:$0x5], $0x80, s7, s31, $0xb8;
	v63 =	vld [tilespmem:$0x0]  }
0x161: {  	_ =	swait.ge [sflag:s28], $0x2800  }
0x162: {  	[sflag:s28] =	ssyncset.done $0x0  }
0x163: {  	s7 =	sadd.s32 $0x200, s14;
	[sflag:s28] =	ssyncadd.s32 $0xFFFFD800  }
0x164: {  	[tilespmem:s26], [sflag:$0x1] =	stream.indirect.gather [hbm4b:s2+s31], $0x80, s7, s31, $0xb8;
	v63 =	vld [tilespmem:$0x0]  }
0x165: {  	_ =	swait.ge [sflag:s18], $0x2800  }
0x166: {  	[sflag:s18] =	ssyncset.done $0x0  }
0x167: {  	s7 =	sadd.s32 $0x1080, s14;
	[sflag:s18] =	ssyncadd.s32 $0xFFFFD800  }
0x168: {  	[spmem:s3] =	stream.indirect.scatter.add.f32 [tilespmem:s1], [sflag:$0x5], $0x80, s7, s31, $0xb8;
	v63 =	vld [tilespmem:$0x0]  }
0x169: {  	_ =	swait.ge [sflag:s28], $0x2800  }
0x16a: {  	[sflag:s28] =	ssyncset.done $0x0  }
0x16b: {  	s7 =	sadd.s32 $0x280, s14;
	[sflag:s28] =	ssyncadd.s32 $0xFFFFD800  }
0x16c: {  	[tilespmem:s1], [sflag:$0x2] =	stream.indirect.gather [hbm4b:s2+s31], $0x80, s7, s31, $0xb8;
	v63 =	vld [tilespmem:$0x0]  }
0x16d: {  	_ =	swait.ge [sflag:s19], $0x2800  }
0x16e: {  	[sflag:s19] =	ssyncset.done $0x0  }
0x16f: {  	s7 =	sadd.s32 $0x1100, s14;
	[sflag:s19] =	ssyncadd.s32 $0xFFFFD800  }
0x170: {  	[spmem:s3] =	stream.indirect.scatter.add.f32 [tilespmem:s13], [sflag:$0x5], $0x80, s7, s31, $0xb8;
	v63 =	vld [tilespmem:$0x0]  }
0x171: {  	_ =	swait.ge [sflag:s28], $0x2800  }
0x172: {  	[sflag:s28] =	ssyncset.done $0x0  }
0x173: {  	s7 =	sadd.s32 $0x300, s14;
	[sflag:s28] =	ssyncadd.s32 $0xFFFFD800  }
0x174: {  	[tilespmem:s13], [sflag:$0x3] =	stream.indirect.gather [hbm4b:s2+s31], $0x80, s7, s31, $0xb8;
	v63 =	vld [tilespmem:$0x0]  }
0x175: {  	_ =	swait.ge [sflag:s20], $0x2800  }
0x176: {  	[sflag:s20] =	ssyncset.done $0x0  }
.Ltmp3:
0x177: {  	s7 =	sadd.s32 $0x1180, s14;
	[sflag:s20] =	ssyncadd.s32 $0xFFFFD800;
	(pc) =	sbr.rel @p0 .LBB2_8-.Ltmp3, $4  }
0x178: {  	[spmem:s3] =	stream.indirect.scatter.add.f32 [tilespmem:s16], [sflag:$0x5], $0x80, s7, s31, $0xb8;
	v63 =	vld [tilespmem:$0x0]  }
0x179: {  	_ =	swait.ge [sflag:s28], $0x2800  }
0x17a: {  	[sflag:s28] =	ssyncset.done $0x0  }
0x17b: {  	s7 =	sadd.s32 $0x380, s14;
	[sflag:s28] =	ssyncadd.s32 $0xFFFFD800  }
0x17c: {  	[tilespmem:s16], [sflag:$0x4] =	stream.indirect.gather [hbm4b:s2+s31], $0x80, s7, s31, $0xb8;
	v63 =	vld [tilespmem:$0x0]  }
0x17d: {  	_ =	swait.ge [sflag:s17], $0x2800  }
0x17e: {  	[sflag:s17] =	ssyncset.done $0x0  }
0x17f: {  	[sflag:s17] =	ssyncadd.s32 $0xFFFFD800  }
0x180: {  	[spmem:s3] =	stream.indirect.scatter.add.f32 [tilespmem:s26], [sflag:$0x5], $0x80, s21, s31, $0xb8;
	v63 =	vld [tilespmem:$0x0]  }
0x181: {  	_ =	swait.ge [sflag:s28], $0x2800  }
0x182: {  	[sflag:s28] =	ssyncset.done $0x0  }
0x183: {  	[sflag:s28] =	ssyncadd.s32 $0xFFFFD800  }
0x184: {  	_ =	swait.ge [sflag:s18], $0x2800  }
0x185: {  	[sflag:s18] =	ssyncset.done $0x0  }
0x186: {  	[sflag:s18] =	ssyncadd.s32 $0xFFFFD800  }
0x187: {  	[spmem:s3] =	stream.indirect.scatter.add.f32 [tilespmem:s1], [sflag:$0x5], $0x80, s22, s31, $0xb8;
	v63 =	vld [tilespmem:$0x0]  }
0x188: {  	_ =	swait.ge [sflag:s28], $0x2800  }
0x189: {  	[sflag:s28] =	ssyncset.done $0x0  }
0x18a: {  	[sflag:s28] =	ssyncadd.s32 $0xFFFFD800  }
0x18b: {  	_ =	swait.ge [sflag:s19], $0x2800  }
0x18c: {  	[sflag:s19] =	ssyncset.done $0x0  }
0x18d: {  	[sflag:s19] =	ssyncadd.s32 $0xFFFFD800  }
0x18e: {  	[spmem:s3] =	stream.indirect.scatter.add.f32 [tilespmem:s13], [sflag:$0x5], $0x80, s23, s31, $0xb8;
	v63 =	vld [tilespmem:$0x0]  }
0x18f: {  	_ =	swait.ge [sflag:s28], $0x2800  }
0x190: {  	[sflag:s28] =	ssyncset.done $0x0  }
0x191: {  	[sflag:s28] =	ssyncadd.s32 $0xFFFFD800  }
0x192: {  	_ =	swait.ge [sflag:s20], $0x2800  }
0x193: {  	[sflag:s20] =	ssyncset.done $0x0  }
0x194: {  	[sflag:s20] =	ssyncadd.s32 $0xFFFFD800  }
0x195: {  	[spmem:s3] =	stream.indirect.scatter.add.f32 [tilespmem:s16], [sflag:$0x5], $0x80, s24, s31, $0xb8;
	v63 =	vld [tilespmem:$0x0]  }
0x196: {  	_ =	swait.ge [sflag:s28], $0x2800  }
0x197: {  	[sflag:s28] =	ssyncset.done $0x0  }
0x198: {  	s6 =	simm.s32 $0x0;
	s8 =	rddreg [dreg:$0xf];
	[sflag:s28] =	ssyncadd.s32 $0xFFFFD800  }
0x199: {  	[tilespmem:s6], [sflag:$0x6] =	stream.linear.gather [hbm4b:s8+s6], $0x1000, $0x38;
	v63 =	vld [tilespmem:$0x0]  }
0x19a: {  	_ =	swait.ge [sflag:s29], $0x1000  }
0x19b: {  	[sflag:s29] =	ssyncset.done $0x0  }
0x19c: {  	s9 =	rddreg [dreg:$0x10];
	[sflag:s29] =	ssyncadd.s32 $0xFFFFF000  }
0x19d: {  	[tilespmem:s30], [sflag:$0x6] =	stream.linear.gather [hbm4b:s9+s6], $0x1000, $0x38;
	v63 =	vld [tilespmem:$0x0]  }
0x19e: {  	_ =	swait.ge [sflag:s29], $0x1000  }
0x19f: {  	[sflag:s29] =	ssyncset.done $0x0  }
0x1a0: {  	[sflag:s29] =	ssyncadd.s32 $0xFFFFF000  }
0x1a1: {  	[tilespmem:s26], [sflag:$0x1] =	stream.indirect.gather [hbm4b:s2+s31], $0x80, s6, s31, $0xb8;
	v63 =	vld [tilespmem:$0x0]  }
0x1a2: {  	_ = 	snop  }
0x1a3: {  	[tilespmem:s1], [sflag:$0x2] =	stream.indirect.gather [hbm4b:s2+s31], $0x80, s0, s31, $0xb8;
	v63 =	vld [tilespmem:$0x0]  }
0x1a4: {  	_ = 	snop  }
0x1a5: {  	[tilespmem:s13], [sflag:$0x3] =	stream.indirect.gather [hbm4b:s2+s31], $0x80, s4, s31, $0xb8;
	v63 =	vld [tilespmem:$0x0]  }
0x1a6: {  	_ = 	snop  }
0x1a7: {  	[tilespmem:s16], [sflag:$0x4] =	stream.indirect.gather [hbm4b:s2+s31], $0x80, s15, s31, $0xb8;
	v63 =	vld [tilespmem:$0x0]  }
0x1a8: {  	_ =	swait.ge [sflag:s17], $0x2800  }
0x1a9: {  	[sflag:s17] =	ssyncset.done $0x0  }
0x1aa: {  	s10 =	simm.s32 $0x1000;
	[sflag:s17] =	ssyncadd.s32 $0xFFFFD800  }
0x1ab: {  	[spmem:s3] =	stream.indirect.scatter.add.f32 [tilespmem:s26], [sflag:$0x5], $0x80, s10, s31, $0xb8;
	v63 =	vld [tilespmem:$0x0]  }
0x1ac: {  	_ =	swait.ge [sflag:s28], $0x2800  }
0x1ad: {  	[sflag:s28] =	ssyncset.done $0x0  }
0x1ae: {  	s14 =	simm.s32 $0x200;
	[sflag:s28] =	ssyncadd.s32 $0xFFFFD800  }
0x1af: {  	[tilespmem:s26], [sflag:$0x1] =	stream.indirect.gather [hbm4b:s2+s31], $0x80, s14, s31, $0xb8;
	v63 =	vld [tilespmem:$0x0]  }
0x1b0: {  	_ =	swait.ge [sflag:s18], $0x2800  }
0x1b1: {  	[sflag:s18] =	ssyncset.done $0x0  }
0x1b2: {  	s7 =	simm.s32 $0x1080;
	[sflag:s18] =	ssyncadd.s32 $0xFFFFD800  }
0x1b3: {  	[spmem:s3] =	stream.indirect.scatter.add.f32 [tilespmem:s1], [sflag:$0x5], $0x80, s7, s31, $0xb8;
	v63 =	vld [tilespmem:$0x0]  }
0x1b4: {  	_ =	swait.ge [sflag:s28], $0x2800  }
0x1b5: {  	[sflag:s28] =	ssyncset.done $0x0  }
0x1b6: {  	s8 =	simm.s32 $0x280;
	[sflag:s28] =	ssyncadd.s32 $0xFFFFD800  }
0x1b7: {  	[tilespmem:s1], [sflag:$0x2] =	stream.indirect.gather [hbm4b:s2+s31], $0x80, s8, s31, $0xb8;
	v63 =	vld [tilespmem:$0x0]  }
0x1b8: {  	_ =	swait.ge [sflag:s19], $0x2800  }
0x1b9: {  	[sflag:s19] =	ssyncset.done $0x0  }
0x1ba: {  	s9 =	simm.s32 $0x1100;
	[sflag:s19] =	ssyncadd.s32 $0xFFFFD800  }
0x1bb: {  	[spmem:s3] =	stream.indirect.scatter.add.f32 [tilespmem:s13], [sflag:$0x5], $0x80, s9, s31, $0xb8;
	v63 =	vld [tilespmem:$0x0]  }
0x1bc: {  	_ =	swait.ge [sflag:s28], $0x2800  }
0x1bd: {  	[sflag:s28] =	ssyncset.done $0x0  }
0x1be: {  	s10 =	simm.s32 $0x300;
	[sflag:s28] =	ssyncadd.s32 $0xFFFFD800  }
0x1bf: {  	[tilespmem:s13], [sflag:$0x3] =	stream.indirect.gather [hbm4b:s2+s31], $0x80, s10, s31, $0xb8;
	v63 =	vld [tilespmem:$0x0]  }
0x1c0: {  	_ =	swait.ge [sflag:s20], $0x2800  }
0x1c1: {  	[sflag:s20] =	ssyncset.done $0x0  }
0x1c2: {  	s14 =	simm.s32 $0x1180;
	[sflag:s20] =	ssyncadd.s32 $0xFFFFD800  }
0x1c3: {  	[spmem:s3] =	stream.indirect.scatter.add.f32 [tilespmem:s16], [sflag:$0x5], $0x80, s14, s31, $0xb8;
	v63 =	vld [tilespmem:$0x0]  }
0x1c4: {  	_ =	swait.ge [sflag:s28], $0x2800  }
0x1c5: {  	[sflag:s28] =	ssyncset.done $0x0  }
0x1c6: {  	s6 =	simm.s32 $0x800;
	s7 =	simm.s32 $0x380;
	[sflag:s28] =	ssyncadd.s32 $0xFFFFD800  }
.LBB2_10:
0x1c7: {  	[tilespmem:s16], [sflag:$0x4] =	stream.indirect.gather [hbm4b:s2+s31], $0x80, s7, s31, $0xb8;
	v63 =	vld [tilespmem:$0x0]  }
0x1c8: {  	s7 =	smov.u32 s6  }
0x1c9: {  	p0 =	sne.s32 s6, $0x3000;
	s6 =	sadd.s32 $0x800, s6;
	_ =	swait.ge [sflag:s17], $0x2800  }
0x1ca: {  	s14 =	sshra.s32 s7, $0x2;
	[sflag:s17] =	ssyncset.done $0x0  }
0x1cb: {  	s7 =	sadd.s32 $0x1000, s14;
	[sflag:s17] =	ssyncadd.s32 $0xFFFFD800  }
0x1cc: {  	[spmem:s3] =	stream.indirect.scatter.add.f32 [tilespmem:s26], [sflag:$0x5], $0x80, s7, s31, $0xb8;
	v63 =	vld [tilespmem:$0x0]  }
0x1cd: {  	_ =	swait.ge [sflag:s28], $0x2800  }
0x1ce: {  	[sflag:s28] =	ssyncset.done $0x0  }
0x1cf: {  	s7 =	sadd.s32 $0x200, s14;
	[sflag:s28] =	ssyncadd.s32 $0xFFFFD800  }
0x1d0: {  	[tilespmem:s26], [sflag:$0x1] =	stream.indirect.gather [hbm4b:s2+s31], $0x80, s7, s31, $0xb8;
	v63 =	vld [tilespmem:$0x0]  }
0x1d1: {  	_ =	swait.ge [sflag:s18], $0x2800  }
0x1d2: {  	[sflag:s18] =	ssyncset.done $0x0  }
0x1d3: {  	s7 =	sadd.s32 $0x1080, s14;
	[sflag:s18] =	ssyncadd.s32 $0xFFFFD800  }
0x1d4: {  	[spmem:s3] =	stream.indirect.scatter.add.f32 [tilespmem:s1], [sflag:$0x5], $0x80, s7, s31, $0xb8;
	v63 =	vld [tilespmem:$0x0]  }
0x1d5: {  	_ =	swait.ge [sflag:s28], $0x2800  }
0x1d6: {  	[sflag:s28] =	ssyncset.done $0x0  }
0x1d7: {  	s7 =	sadd.s32 $0x280, s14;
	[sflag:s28] =	ssyncadd.s32 $0xFFFFD800  }
0x1d8: {  	[tilespmem:s1], [sflag:$0x2] =	stream.indirect.gather [hbm4b:s2+s31], $0x80, s7, s31, $0xb8;
	v63 =	vld [tilespmem:$0x0]  }
0x1d9: {  	_ =	swait.ge [sflag:s19], $0x2800  }
0x1da: {  	[sflag:s19] =	ssyncset.done $0x0  }
0x1db: {  	s7 =	sadd.s32 $0x1100, s14;
	[sflag:s19] =	ssyncadd.s32 $0xFFFFD800  }
0x1dc: {  	[spmem:s3] =	stream.indirect.scatter.add.f32 [tilespmem:s13], [sflag:$0x5], $0x80, s7, s31, $0xb8;
	v63 =	vld [tilespmem:$0x0]  }
0x1dd: {  	_ =	swait.ge [sflag:s28], $0x2800  }
0x1de: {  	[sflag:s28] =	ssyncset.done $0x0  }
0x1df: {  	s7 =	sadd.s32 $0x300, s14;
	[sflag:s28] =	ssyncadd.s32 $0xFFFFD800  }
0x1e0: {  	[tilespmem:s13], [sflag:$0x3] =	stream.indirect.gather [hbm4b:s2+s31], $0x80, s7, s31, $0xb8;
	v63 =	vld [tilespmem:$0x0]  }
0x1e1: {  	_ =	swait.ge [sflag:s20], $0x2800  }
0x1e2: {  	[sflag:s20] =	ssyncset.done $0x0  }
.Ltmp4:
0x1e3: {  	s7 =	sadd.s32 $0x1180, s14;
	[sflag:s20] =	ssyncadd.s32 $0xFFFFD800;
	(pc) =	sbr.rel @p0 .LBB2_10-.Ltmp4, $4  }
0x1e4: {  	[spmem:s3] =	stream.indirect.scatter.add.f32 [tilespmem:s16], [sflag:$0x5], $0x80, s7, s31, $0xb8;
	v63 =	vld [tilespmem:$0x0]  }
0x1e5: {  	_ =	swait.ge [sflag:s28], $0x2800  }
0x1e6: {  	[sflag:s28] =	ssyncset.done $0x0  }
0x1e7: {  	s7 =	sadd.s32 $0x380, s14;
	[sflag:s28] =	ssyncadd.s32 $0xFFFFD800  }
0x1e8: {  	[tilespmem:s16], [sflag:$0x4] =	stream.indirect.gather [hbm4b:s2+s31], $0x80, s7, s31, $0xb8;
	v63 =	vld [tilespmem:$0x0]  }
0x1e9: {  	_ =	swait.ge [sflag:s17], $0x2800  }
0x1ea: {  	[sflag:s17] =	ssyncset.done $0x0  }
0x1eb: {  	[sflag:s17] =	ssyncadd.s32 $0xFFFFD800  }
0x1ec: {  	[spmem:s3] =	stream.indirect.scatter.add.f32 [tilespmem:s26], [sflag:$0x5], $0x80, s21, s31, $0xb8;
	v63 =	vld [tilespmem:$0x0]  }
0x1ed: {  	_ =	swait.ge [sflag:s28], $0x2800  }
0x1ee: {  	[sflag:s28] =	ssyncset.done $0x0  }
0x1ef: {  	[sflag:s28] =	ssyncadd.s32 $0xFFFFD800  }
0x1f0: {  	_ =	swait.ge [sflag:s18], $0x2800  }
0x1f1: {  	[sflag:s18] =	ssyncset.done $0x0  }
0x1f2: {  	[sflag:s18] =	ssyncadd.s32 $0xFFFFD800  }
0x1f3: {  	[spmem:s3] =	stream.indirect.scatter.add.f32 [tilespmem:s1], [sflag:$0x5], $0x80, s22, s31, $0xb8;
	v63 =	vld [tilespmem:$0x0]  }
0x1f4: {  	_ =	swait.ge [sflag:s28], $0x2800  }
0x1f5: {  	[sflag:s28] =	ssyncset.done $0x0  }
0x1f6: {  	[sflag:s28] =	ssyncadd.s32 $0xFFFFD800  }
0x1f7: {  	_ =	swait.ge [sflag:s19], $0x2800  }
0x1f8: {  	[sflag:s19] =	ssyncset.done $0x0  }
0x1f9: {  	[sflag:s19] =	ssyncadd.s32 $0xFFFFD800  }
0x1fa: {  	[spmem:s3] =	stream.indirect.scatter.add.f32 [tilespmem:s13], [sflag:$0x5], $0x80, s23, s31, $0xb8;
	v63 =	vld [tilespmem:$0x0]  }
0x1fb: {  	_ =	swait.ge [sflag:s28], $0x2800  }
0x1fc: {  	[sflag:s28] =	ssyncset.done $0x0  }
0x1fd: {  	[sflag:s28] =	ssyncadd.s32 $0xFFFFD800  }
0x1fe: {  	_ =	swait.ge [sflag:s20], $0x2800  }
0x1ff: {  	[sflag:s20] =	ssyncset.done $0x0  }
0x200: {  	[sflag:s20] =	ssyncadd.s32 $0xFFFFD800  }
0x201: {  	[spmem:s3] =	stream.indirect.scatter.add.f32 [tilespmem:s16], [sflag:$0x5], $0x80, s24, s31, $0xb8;
	v63 =	vld [tilespmem:$0x0]  }
0x202: {  	_ =	swait.ge [sflag:s28], $0x2800  }
0x203: {  	[sflag:s28] =	ssyncset.done $0x0  }
0x204: {  	s6 =	stileid.u32;
	[sflag:s28] =	ssyncadd.s32 $0xFFFFD800  }
0x205: {  	s7 =	simm.s32 $0x0;
	s6 =	sshll.u32 s6, $0x6;
	[bflag:$0x0] =	sbarrier.arrive $0xFFFF  }
0x206: {  	s14 =	sor.u32 $0x1C06, s6;
	s6 =	sshrl.u32 s5, $0x3;
	s10 =	rddreg [dreg:$0x13]  }
0x207: {  	[hbm:s10], [sflag:s14] =	dma.local [spmem:s6], $0x2800  }
0x208: {  	s8 =	sand.u32 $0xFE00, s7;
	_ =	swait.ge [sflag:s29], $0x2800  }
0x209: {  	s9 =	sand.u32 $0x70, s7;
	s10 =	sshrl.u32 s8, $0x2;
	[sflag:s29] =	ssyncset.done $0x0  }
0x20a: {  	s8 =	simm.s32 $0x40;
	s9 =	sor.u32 s9, s10;
	[sflag:s29] =	ssyncadd.s32 $0xFFFFD800  }
.LBB2_12:
0x20b: {  	p0 =	sne.s32 s8, $0x9FC0  }
0x20c: {  	[tilespmem:s9+$0x2000] =	vst v0;
	s7 =	sadd.s32 $0x10, s7;
	s9 =	smov.u32 s8;
	s8 =	sadd.s32 $0x40, s8  }
.Ltmp5:
0x20d: {  	(pc) =	sbr.rel @p0 .LBB2_12-.Ltmp5, $4  }
0x20e: {  	_ = 	snop  }
0x20f: {  	s9 =	sand.u32 $0xFE00, s9  }
0x210: {  	s10 =	sand.u32 $0x70, s7;
	s9 =	sshrl.u32 s9, $0x2  }
0x211: {  	s9 =	sor.u32 s10, s9  }
0x212: {  	[tilespmem:s9+$0x2000] =	vst v0  }
0x213: {  	[spmem:s5] =	stream.linear.scatter [tilespmem:s26], [sflag:$0x5], $0x2800, $0x38;
	v63 =	vld [tilespmem:$0x0]  }
0x214: {  	s7 =	rddreg [dreg:$0x4]  }
0x215: {  	[spmem:s7] =	stream.linear.scatter [tilespmem:s26], [sflag:$0x5], $0x2800, $0x38;
	v63 =	vld [tilespmem:$0x0]  }
0x216: {  	s10 =	rddreg [dreg:$0x5]  }
0x217: {  	[spmem:s10] =	stream.linear.scatter [tilespmem:s26], [sflag:$0x5], $0x2800, $0x38;
	v63 =	vld [tilespmem:$0x0]  }
0x218: {  	s8 =	rddreg [dreg:$0x6]  }
0x219: {  	[spmem:s8] =	stream.linear.scatter [tilespmem:s26], [sflag:$0x5], $0x2800, $0x38;
	v63 =	vld [tilespmem:$0x0]  }
0x21a: {  	s9 =	rddreg [dreg:$0x7]  }
0x21b: {  	[spmem:s9] =	stream.linear.scatter [tilespmem:s26], [sflag:$0x5], $0x2800, $0x38;
	v63 =	vld [tilespmem:$0x0]  }
0x21c: {  	s10 =	rddreg [dreg:$0x8]  }
0x21d: {  	[spmem:s10] =	stream.linear.scatter [tilespmem:s26], [sflag:$0x5], $0x2800, $0x38;
	v63 =	vld [tilespmem:$0x0]  }
0x21e: {  	_ = 	snop  }
0x21f: {  	[spmem:s11] =	stream.linear.scatter [tilespmem:s26], [sflag:$0x5], $0x2800, $0x38;
	v63 =	vld [tilespmem:$0x0]  }
0x220: {  	_ = 	snop  }
0x221: {  	[spmem:s12] =	stream.linear.scatter [tilespmem:s26], [sflag:$0x5], $0x2800, $0x38;
	v63 =	vld [tilespmem:$0x0]  }
0x222: {  	_ =	swait.ge [sflag:s28], $0x2800  }
0x223: {  	[sflag:s28] =	ssyncset.done $0x0  }
0x224: {  	[sflag:s28] =	ssyncadd.s32 $0xFFFFD800  }
0x225: {  	_ =	swait.ge [sflag:s28], $0x2800  }
0x226: {  	[sflag:s28] =	ssyncset.done $0x0  }
0x227: {  	[sflag:s28] =	ssyncadd.s32 $0xFFFFD800  }
0x228: {  	_ =	swait.ge [sflag:s28], $0x2800  }
0x229: {  	[sflag:s28] =	ssyncset.done $0x0  }
0x22a: {  	[sflag:s28] =	ssyncadd.s32 $0xFFFFD800  }
0x22b: {  	_ =	swait.ge [sflag:s28], $0x2800  }
0x22c: {  	[sflag:s28] =	ssyncset.done $0x0  }
0x22d: {  	[sflag:s28] =	ssyncadd.s32 $0xFFFFD800  }
0x22e: {  	_ =	swait.ge [sflag:s28], $0x2800  }
0x22f: {  	[sflag:s28] =	ssyncset.done $0x0  }
0x230: {  	[sflag:s28] =	ssyncadd.s32 $0xFFFFD800  }
0x231: {  	_ =	swait.ge [sflag:s28], $0x2800  }
0x232: {  	[sflag:s28] =	ssyncset.done $0x0  }
0x233: {  	[sflag:s28] =	ssyncadd.s32 $0xFFFFD800  }
0x234: {  	_ =	swait.ge [sflag:s28], $0x2800  }
0x235: {  	[sflag:s28] =	ssyncset.done $0x0  }
0x236: {  	s7 =	simm.s32 $0x0;
	[sflag:s28] =	ssyncadd.s32 $0xFFFFD800  }
0x237: {  	s8 =	sand.u32 $0xFE00, s7;
	_ =	swait.ge [sflag:s28], $0x2800  }
0x238: {  	s9 =	sand.u32 $0x70, s7;
	s10 =	sshrl.u32 s8, $0x2;
	[sflag:s28] =	ssyncset.done $0x0  }
0x239: {  	s8 =	simm.s32 $0x40;
	s9 =	sor.u32 s9, s10;
	[sflag:s28] =	ssyncadd.s32 $0xFFFFD800  }
.LBB2_14:
0x23a: {  	p0 =	sne.s32 s8, $0x9FC0  }
0x23b: {  	[tilespmem:s9+$0x2000] =	vst v1;
	s7 =	sadd.s32 $0x10, s7;
	s9 =	smov.u32 s8;
	s8 =	sadd.s32 $0x40, s8  }
.Ltmp6:
0x23c: {  	(pc) =	sbr.rel @p0 .LBB2_14-.Ltmp6, $4  }
0x23d: {  	_ = 	snop  }
0x23e: {  	s9 =	sand.u32 $0xFE00, s9  }
0x23f: {  	s10 =	sand.u32 $0x70, s7;
	s9 =	sshrl.u32 s9, $0x2  }
0x240: {  	s9 =	sor.u32 s10, s9  }
0x241: {  	[tilespmem:s9+$0x2000] =	vst v1  }
0x242: {  	[bflag:$0x0] =	sbarrier.arrive $0xFFFF  }
0x243: {  	s7 =	simm.s32 $0x0;
	s8 =	rddreg [dreg:$0x11]  }
0x244: {  	[tilespmem:s30], [sflag:$0x6] =	stream.linear.gather [hbm4b:s8+s7], $0x1000, $0x38;
	v63 =	vld [tilespmem:$0x0]  }
0x245: {  	_ =	swait.ge [sflag:s29], $0x1000  }
0x246: {  	[sflag:s29] =	ssyncset.done $0x0  }
0x247: {  	s10 =	simm.s32 $0x1000;
	[sflag:s29] =	ssyncadd.s32 $0xFFFFF000  }
0x248: {  	[spmem:s3] =	stream.indirect.scatter.add.f32 [tilespmem:s26], [sflag:$0x5], $0x80, s10, s31, $0xb8;
	v63 =	vld [tilespmem:$0x0]  }
0x249: {  	s7 =	simm.s32 $0x200;
	_ =	swait.ge [sflag:s28], $0x2800  }
.LBB2_16:
0x24a: {  	s8 =	sshra.s32 s7, $0x2;
	[sflag:s28] =	ssyncset.done $0x0;
	p0 =	sne.s32 s7, $0x3E00  }
.Ltmp7:
0x24b: {  	s8 =	sadd.s32 $0x1000, s8;
	[sflag:s28] =	ssyncadd.s32 $0xFFFFD800;
	(pc) =	sbr.rel @p0 .LBB2_16-.Ltmp7, $3  }
0x24c: {  	[spmem:s3] =	stream.indirect.scatter.add.f32 [tilespmem:s26], [sflag:$0x5], $0x80, s8, s31, $0xb8;
	v63 =	vld [tilespmem:$0x0]  }
0x24d: {  	s7 =	sadd.s32 $0x200, s7;
	_ =	sdelay $0x1  }
0x24e: {  	_ =	swait.ge [sflag:s28], $0x2800  }
0x24f: {  	[sflag:s28] =	ssyncset.done $0x0  }
0x250: {  	s7 =	simm.s32 $0x0;
	s8 =	rddreg [dreg:$0x12];
	[sflag:s28] =	ssyncadd.s32 $0xFFFFD800  }
0x251: {  	[tilespmem:s30], [sflag:$0x6] =	stream.linear.gather [hbm4b:s8+s7], $0x1000, $0x38;
	v63 =	vld [tilespmem:$0x0]  }
0x252: {  	_ =	swait.ge [sflag:s29], $0x1000  }
0x253: {  	[sflag:s29] =	ssyncset.done $0x0  }
0x254: {  	s10 =	simm.s32 $0x1000;
	[sflag:s29] =	ssyncadd.s32 $0xFFFFF000  }
0x255: {  	[spmem:s3] =	stream.indirect.scatter.add.f32 [tilespmem:s26], [sflag:$0x5], $0x80, s10, s31, $0xb8;
	v63 =	vld [tilespmem:$0x0]  }
0x256: {  	s7 =	simm.s32 $0x200;
	_ =	swait.ge [sflag:s28], $0x2800  }
.LBB2_18:
0x257: {  	s8 =	sshra.s32 s7, $0x2;
	[sflag:s28] =	ssyncset.done $0x0;
	p0 =	sne.s32 s7, $0x3E00  }
.Ltmp8:
0x258: {  	s8 =	sadd.s32 $0x1000, s8;
	[sflag:s28] =	ssyncadd.s32 $0xFFFFD800;
	(pc) =	sbr.rel @p0 .LBB2_18-.Ltmp8, $3  }
0x259: {  	[spmem:s3] =	stream.indirect.scatter.add.f32 [tilespmem:s26], [sflag:$0x5], $0x80, s8, s31, $0xb8;
	v63 =	vld [tilespmem:$0x0]  }
0x25a: {  	s7 =	sadd.s32 $0x200, s7;
	_ =	sdelay $0x1  }
0x25b: {  	_ =	swait.ge [sflag:s28], $0x2800  }
0x25c: {  	[sflag:s28] =	ssyncset.done $0x0  }
0x25d: {  	[sflag:s28] =	ssyncadd.s32 $0xFFFFD800  }
0x25e: {  	[bflag:$0x0] =	sbarrier.arrive $0xFFFF  }
0x25f: {  	s7 =	rddreg [dreg:$0x14]  }
0x260: {  	[hbm:s7], [sflag:s14] =	dma.local [spmem:s6], $0x2800  }
0x261: {  	_ =	swait.ge [sflag:s29], $0x2800  }
0x262: {  	s25 =	sadd.s32 $0x1, s25;
	s14 =	rddreg [dreg:$0x15]  }
0x263: {  	p0 =	sne.s32 s25, s14  }
.Ltmp9:
0x264: {  	_ = 	snop;
	(pc) =	sbr.rel @p0 .LBB2_1-.Ltmp9, $3  }
0x265: {  	_ =	sdelay $0x1  }
0x266: {  	[sflag:s29] =	ssyncset.done $0x0  }
0x267: {  	[sflag:s29] =	ssyncadd.s32 $0xFFFFD800  }
0x268: {  	_ =	sfence.sel $0x180000  }
0x269: {  	[bflag:$0x0] =	sbarrier.arrive $0xFFFF  }
0x26a: {  	_ =	strace $0x90000047  }
0x26b: {  	s0 =	stileid.u32;
	[bflag:$0x2] =	sbarrier.arrive $0xFFFF  }
0x26c: {  	p0 =	sne.s32 s0, $0x0;
	s0 =	rddreg [dreg:$0x3]  }
0x26d: {  	s0 =	sadd.s32 @!p0 $0x100000, s0  }
0x26e: {  	[sflag:s0] =	ssyncadd.tile.s32 @!p0 $0x1;
	_ =	shalt  }
.Lfunc_end2:
_tile_overlayer_lowered:
.L_overlay_start_2:
0x26f: {  	(tag) =	ssettag $0x2  }
0x270: {  	s0 =	rddreg [dreg:$0x0];
	s2 =	stileid.u32  }
0x271: {  	s1 =	rddreg [dreg:$0x1];
	p0 =	sne.s32 s2, $0x0  }
0x272: {  	s3 =	rddreg [dreg:$0x2];
	[bflag:$0x3] =	sbarrier.arrive $0xFFFF;
	s2 =	simm.s32 @!p0 $0x1C06  }
0x273: {  	[timem:s3], [sflag:s2] =	dma.local @!p0 [hbm:s0], s1  }
0x274: {  	s0 =	simm.s32 @!p0 $0x6  }
0x275: {  	_ =	swait.ge @!p0 [sflag:s0], s1  }
0x276: {  	s1 =	ssub.s32 @!p0 $0x0, s1;
	[sflag:s0] =	ssyncset.done @!p0 $0x0  }
0x277: {  	[sflag:s0] =	ssyncadd.s32 @!p0 s1  }
0x278: {  	[bflag:$0x3] =	sbarrier.arrive $0xFFFF  }
0x279: {  	_ =	shalt  }

// kernel: kernel.9.cloned.1.call-start
scs
__scs_entry_jumppad:
0x0: {  	(pc) =	sbr.rel $0x88, $3  }
0x1: {  	(tag) =	ssettag $0x0;
	lr =	simm.s32 $0x1  }
0x2: {  	[smem:$0x3F99] =	sst lr;
	_ =	strace $0xD0000000  }
0x3: {  	_ = 	snop  }
0x4: {  	_ = 	snop  }
0x5: {  	_ = 	snop  }
0x6: {  	_ = 	snop  }
0x7: {  	_ = 	snop  }
__scs_overlays_trampoline_lowered:
0x8: {  	[smem:$0x3FA8] =	sst s0  }
0x9: {  	[smem:$0x3FA9] =	sst s1  }
0xa: {  	[smem:$0x3FAA] =	sst s2  }
0xb: {  	[smem:$0x3FAB] =	sst s3  }
0xc: {  	[smem:$0x3FAC] =	sst s4  }
0xd: {  	[smem:$0x3FAD] =	sst s5  }
0xe: {  	[smem:$0x3FAE] =	sst s6  }
0xf: {  	[smem:$0x3FAF] =	sst s7  }
0x10: {  	[smem:$0x3FB0] =	sst s8  }
0x11: {  	[smem:$0x3FB1] =	sst s9;
	s0 =	simm.s32 @!p0 $0x0  }
0x12: {  	s1 =	sld [smem:$0x3F97];
	s0 =	simm.s32 @p0 $0x1  }
0x13: {  	[smem:$0x3FB2] =	sst s0;
	s0 =	simm.s32 @!p1 $0x0  }
0x14: {  	s2 =	sld [smem:$0x3F96];
	s0 =	simm.s32 @p1 $0x1  }
0x15: {  	[smem:$0x3FB3] =	sst s0;
	s0 =	simm.s32 @!p2 $0x0  }
0x16: {  	s3 =	sld [smem:$0x3FDB];
	s0 =	simm.s32 @p2 $0x1  }
0x17: {  	s4 =	simm.s32 $0x1BF5;
	[smem:$0x3FB5] =	sst s0  }
0x18: {  	s0 =	sld [smem:$0x3F98];
	_ =	swait.ge [sflag:s4], $0x0  }
0x19: {  	s7 =	sld [smem:$0x3F99]  }
0x1a: {  	s8 =	sadd.s32 $0xFFFFE003, lr  }
0x1b: {  	s9 =	sadd.s32 $0xFFFFFEF7, lr;
	s5 =	simm.s32 $0xFFFFFFFF;
	p2 =	slt.u32 s8, $0xFFFFF086  }
0x1c: {  	p1 =	slt.u32 s9, $0xF7A;
	s5 =	simm.s32 @!p2 $0x0  }
0x1d: {  	s5 =	simm.s32 @p1 $0x1;
	p0 =	seq.s32 s7, s2  }
0x1e: {  	s7 =	smul.u32 @!p0 $0xF7A, s2;
	p2 =	seq.s32 @!p0 s5, $0x0  }
0x1f: {  	s9 =	smul.u32 $0xF7A, s1;
	s8 =	simm.s32 @!p0 $0x1BF5;
	p2 =	por !p2, p0  }
0x20: {  	[sflag:s8] =	ssyncset.s32 @!p0 $0xFFFFF086;
	s6 =	sadd.s32 @!p0 s3, s7;
	s7 =	simm.s32 @!p0 $0x108  }
0x21: {  	s3 =	sadd.s32 s3, s9;
	s6 =	sadd.s32 @!p0 $0x88, s6;
	s7 =	simm.s32 @p2 $0x1082  }
0x22: {  	[simem:s7], [sflag:s8] =	dma.local @!p0 [hbm:s6], $0xF7A  }
0x23: {  	s9 =	sor.u32 $0xD0000000, s2;
	s6 =	simm.s32 $0x108;
	_ =	swait.ge @!p0 [sflag:s8], $0x0  }
0x24: {  	s3 =	sadd.s32 $0x88, s3;
	s6 =	simm.s32 @!p1 $0x1082;
	[sflag:s4] =	ssyncset.s32 $0xFFFFF086  }
0x25: {  	[simem:s6], [sflag:s4] =	dma.local [hbm:s3], $0xF7A  }
0x26: {  	[smem:$0x3F99] =	sst s1;
	(tag) =	ssettag s2;
	_ =	strace s9  }
0x27: {  	s1 =	sld [smem:$0x3FA9]  }
0x28: {  	s2 =	sld [smem:$0x3FAA]  }
0x29: {  	s4 =	sld [smem:$0x3FAC]  }
0x2a: {  	p0 =	seq.s32 s5, $0x0;
	s5 =	sld [smem:$0x3FAD]  }
0x2b: {  	s6 =	sld [smem:$0x3FAE]  }
0x2c: {  	s7 =	sld [smem:$0x3FAF]  }
0x2d: {  	s3 =	simm.s32 $0x108;
	s8 =	sld [smem:$0x3FB0]  }
0x2e: {  	s3 =	simm.s32 @!p0 $0x1082;
	s9 =	sld [smem:$0x3FB1]  }
0x2f: {  	lr =	sadd.s32 s0, s3;
	s0 =	sld [smem:$0x3FA8]  }
0x30: {  	s3 =	sld [smem:$0x3FAB]  }
0x31: {  	[smem:$0x3FB4] =	sst s10  }
0x32: {  	s10 =	sld [smem:$0x3FB2];
	_ =	sdelay $0x3  }
0x33: {  	p0 =	seq.s32 s10, $0x1;
	s10 =	sld [smem:$0x3FB4];
	_ =	sdelay $0x3  }
0x34: {  	[smem:$0x3FB4] =	sst s10  }
0x35: {  	s10 =	sld [smem:$0x3FB3];
	_ =	sdelay $0x3  }
0x36: {  	p1 =	seq.s32 s10, $0x1;
	s10 =	sld [smem:$0x3FB4];
	_ =	sdelay $0x3  }
0x37: {  	[smem:$0x3FB4] =	sst s10  }
0x38: {  	s10 =	sld [smem:$0x3FB5]  }
0x39: {  	_ = 	snop;
	(pc) =	sbr.ind lr, $3  }
0x3a: {  	_ = 	snop  }
0x3b: {  	_ = 	snop  }
0x3c: {  	p2 =	seq.s32 s10, $0x1;
	s10 =	sld [smem:$0x3FB4]  }
0x3d: {  	_ =	shalt  }
0x3e: {  	_ =	shalt  }
0x3f: {  	_ =	shalt  }
0x40: {  	_ =	shalt  }
0x41: {  	_ =	shalt  }
0x42: {  	_ =	shalt  }
0x43: {  	_ =	shalt  }
0x44: {  	_ =	shalt  }
0x45: {  	_ =	shalt  }
0x46: {  	_ =	shalt  }
0x47: {  	_ =	shalt  }
0x48: {  	_ =	shalt  }
0x49: {  	_ =	shalt  }
0x4a: {  	_ =	shalt  }
0x4b: {  	_ =	shalt  }
0x4c: {  	_ =	shalt  }
0x4d: {  	_ =	shalt  }
0x4e: {  	_ =	shalt  }
0x4f: {  	_ =	shalt  }
0x50: {  	_ =	shalt  }
0x51: {  	_ =	shalt  }
0x52: {  	_ =	shalt  }
0x53: {  	_ =	shalt  }
0x54: {  	_ =	shalt  }
0x55: {  	_ =	shalt  }
0x56: {  	_ =	shalt  }
0x57: {  	_ =	shalt  }
0x58: {  	_ =	shalt  }
0x59: {  	_ =	shalt  }
0x5a: {  	_ =	shalt  }
0x5b: {  	_ =	shalt  }
0x5c: {  	_ =	shalt  }
0x5d: {  	_ =	shalt  }
0x5e: {  	_ =	shalt  }
0x5f: {  	_ =	shalt  }
0x60: {  	_ =	shalt  }
0x61: {  	_ =	shalt  }
0x62: {  	_ =	shalt  }
0x63: {  	_ =	shalt  }
0x64: {  	_ =	shalt  }
0x65: {  	_ =	shalt  }
0x66: {  	_ =	shalt  }
0x67: {  	_ =	shalt  }
0x68: {  	_ =	shalt  }
0x69: {  	_ =	shalt  }
0x6a: {  	_ =	shalt  }
0x6b: {  	_ =	shalt  }
0x6c: {  	_ =	shalt  }
0x6d: {  	_ =	shalt  }
0x6e: {  	_ =	shalt  }
0x6f: {  	_ =	shalt  }
0x70: {  	_ =	shalt  }
0x71: {  	_ =	shalt  }
0x72: {  	_ =	shalt  }
0x73: {  	_ =	shalt  }
0x74: {  	_ =	shalt  }
0x75: {  	_ =	shalt  }
0x76: {  	_ =	shalt  }
0x77: {  	_ =	shalt  }
0x78: {  	_ =	shalt  }
0x79: {  	_ =	shalt  }
0x7a: {  	_ =	shalt  }
0x7b: {  	_ =	shalt  }
0x7c: {  	_ =	shalt  }
0x7d: {  	_ =	shalt  }
0x7e: {  	_ =	shalt  }
0x7f: {  	_ =	shalt  }
0x80: {  	_ =	shalt  }
0x81: {  	_ =	shalt  }
0x82: {  	_ =	shalt  }
0x83: {  	_ =	shalt  }
0x84: {  	_ =	shalt  }
0x85: {  	_ =	shalt  }
0x86: {  	_ =	shalt  }
0x87: {  	_ =	shalt  }
.Lfunc_end0:
.L_simem_size_0:
called_computation.1_lowered:
.L_overlay_start_0:
0x88: {  	s2 =	sld [smem:$0x3FD9]  }
0x89: {  	s3 =	sld [smem:$0x3FFE];
	_ =	sdelay $0x1  }
0x8a: {  	s1 =	srdreg.scid  }
0x8b: {  	s0 =	sand.u32 $0x1, s1  }
0x8c: {  	s16 =	sshll.u32 s0, $0xA;
	s2 =	sadd.s32 s3, s2  }
0x8d: {  	s2 =	sadd.s32 s2, s16  }
0x8e: {  	[smem:$0x3FC0] =	sst s2  }
0x8f: {  	_ = 	snop  }
0x90: {  	(tm) =	ssettm $0x1  }
0x91: {  	s17 =	sld [smem:$0x3FFB];
	_ =	sdelay $0x3  }
0x92: {  	_ =	strace s17  }
0x93: {  	s2 =	sld [smem:$0x3FFC];
	_ =	sdelay $0x3  }
0x94: {  	_ =	strace s2  }
0x95: {  	s2 =	sld [smem:$0x3FFD];
	_ =	sdelay $0x3  }
0x96: {  	_ =	strace s2  }
0x97: {  	_ =	strace $0x8FFFFFFF  }
0x98: {  	s18 =	sld [smem:$0x3FDB];
	_ =	sdelay $0x1  }
0x99: {  	s19 =	simm.s32 $_scs_section_size  }
0x9a: {  	s4 =	simm.s32 $_size__tile_overlayer_lowered;
	s5 =	simm.s32 $_tile_overlayer_lowered  }
0x9b: {  	s22 =	simm.s32 $0x1BFF;
	s21 =	sshll.u32 s5, $0x1;
	s2 =	sadd.s32 s19, s18  }
0x9c: {  	s6 =	simm.s32 $0x0;
	s20 =	sshll.u32 s4, $0x1;
	s4 =	sadd.s32 s21, s2  }
0x9d: {  	[timem:s6], [sflag:s22] =	dma.local [hbm:s4], s20  }
0x9e: {  	_ =	swait.ge [sflag:s22], s20  }
0x9f: {  	s3 =	ssub.s32 $0x0, s20;
	[sflag:s22] =	ssyncset.done $0x0  }
0xa0: {  	[sflag:s22] =	ssyncadd.s32 s3;
	_ =	sdelay $0x1  }
0xa1: {  	s23 =	simm.s32 $0x1B8B  }
0xa2: {  	_ =	swait.ge [sflag:s23], $0x1  }
0xa3: {  	[sflag:s23] =	ssyncset.done $0x0  }
0xa4: {  	s25 =	simm.s32 $0x1B8E;
	s24 =	sld [smem:$0x3FFE];
	[sflag:s23] =	ssyncadd.s32 $0xFFFFFFFF  }
0xa5: {  	s26 =	simm.s32 $execute0_lowered;
	[smem:$0x3FD2] =	sst s25  }
0xa6: {  	s4 =	sshll.u32 s26, $0x1;
	_ =	strace $0x80000049;
	[dreg:$0x1] =	wrdreg $0xFFFFFFFF  }
0xa7: {  	s28 =	simm.s32 $_size_execute0_lowered;
	s2 =	sadd.s32 s2, s4;
	[dreg:$0x0] =	wrdreg $0x0  }
0xa8: {  	s4 =	sshll.u32 s28, $0x1;
	[dreg:$0x2] =	wrdreg s2  }
0xa9: {  	[dreg:$0x3] =	wrdreg s4  }
0xaa: {  	[dreg:$0x4] =	wrdreg $0xC0  }
0xab: {  	_ =	task [dreg:s6], $0x5FFFF  }
0xac: {  	[dreg:$0x1] =	wrdreg $0xFFFFFFFF  }
0xad: {  	[dreg:$0x0] =	wrdreg $0x60  }
0xae: {  	[dreg:$0x2] =	wrdreg s24  }
0xaf: {  	[dreg:$0x3] =	wrdreg $0xC0000  }
0xb0: {  	[dreg:$0x4] =	wrdreg $0x9  }
0xb1: {  	_ =	task.clear_ibuf [dreg:s6], $0x5FFFF;
	_ =	strace $0x90000049  }
0xb2: {  	s29 =	simm.s32 $0x9;
	_ =	strace $0x8000004B  }
0xb3: {  	_ =	swait.ge [sflag:s29], $0x1  }
0xb4: {  	[sflag:s29] =	ssyncadd.s32 $0xFFFFFFFF  }
0xb5: {  	_ =	strace $0x9000004B  }
0xb6: {  	_ =	sfence  }
0xb7: {  	s30 =	sld [smem:$0x0];
	_ =	sdelay $0x2  }
0xb8: {  	s31 =	sshll.u32 s1, $0xD;
	s1 =	sshrl.u32 s1, $0x2  }
0xb9: {  	s3 =	sand.u32 $0x4000, s31;
	s1 =	sadd.s32 s1, s30  }
0xba: {  	s0 =	sor.u32 s3, s0;
	s1 =	sshll.u32 s1, $0x11  }
0xbb: {  	s0 =	sor.u32 s1, s0  }
0xbc: {  	s0 =	sadd.s32 $0x8F2B, s0  }
0xbd: {  	[sflag:s0] =	ssyncadd.remote.s32 $0x1  }
0xbe: {  	_ =	sfence.sel $0xFFFF  }
0xbf: {  	[dreg:$0x0] =	wrdreg $0xFFFFFFFF;
	(pc) =	sbr.abs _section_cstart, $3  }
0xc0: {  	[dreg:$0x1] =	wrdreg $0xFFFFFFFF  }
0xc1: {  	_ =	task.clear_ibuf [dreg:s6], $0x2FFFF;
	_ =	strace $0x9FFFFFFF  }
0xc2: {  	(tm) =	ssettm $0x7FFFFFFF  }
0xc3: {  	_ =	shalt  }
tec
execute0_lowered:
.L_overlay_start_1:
0x0: {  	(tag) =	ssettag $0x1  }
0x1: {  	s0 =	rddreg [dreg:$0x0]  }
0x2: {  	s1 =	rddreg [dreg:$0x1];
	s3 =	simm.s32 $0x0  }
0x3: {  	s2 =	srdreg.scid;
	s8 =	stileid.u32;
	s28 =	simm.s32 $0x50  }
0x4: {  	s29 =	simm.s32 $0x80;
	s30 =	simm.s32 $0x4800;
	s31 =	simm.s32 $0x100  }
0x5: {  	s10 =	simm.s32 $0x1E00;
	[smem:$0x7FF] =	sst s3;
	s6 =	smul.u32 $0x14000, s8  }
0x6: {  	s2 =	sand.u32 $0x1, s2;
	s5 =	sshll.u32 s8, $0xB;
	s8 =	smul.u32 $0x50000, s8  }
0x7: {  	s11 =	smul.u32 $0x140000, s2;
	s4 =	sshll.u32 s2, $0xF;
	_ =	strace $0x8000004A  }
0x8: {  	s9 =	sadd.s32 s5, s0;
	s2 =	ssub.s32 $0x2, s2;
	s7 =	sor.u32 s5, s4  }
0x9: {  	s4 =	sadd.s32 $0xA400, s0;
	s12 =	sshrl.u32 s8, $0x2;
	s13 =	sshrl.u32 s2, $0x1  }
0xa: {  	s22 =	sadd.s32 $0x2400, s9;
	s24 =	sadd.s32 $0x2600, s9;
	s26 =	sadd.s32 $0x2800, s9  }
0xb: {  	s8 =	simm.s32 $0x3;
	s7 =	sadd.s32 s7, s0;
	[dreg:$0xb] =	wrdreg s22  }
0xc: {  	s3 =	sadd.s32 s6, s11;
	s5 =	sadd.s32 s12, s1;
	[dreg:$0xd] =	wrdreg s24  }
0xd: {  	s2 =	ssub.s32 s2, s13;
	[dreg:$0xf] =	wrdreg s26;
	s14 =	sadd.s32 $0x2800, s5  }
0xe: {  	s24 =	simm.s32 $0x5;
	s15 =	sadd.s32 $0x5000, s5;
	[dreg:$0x3] =	wrdreg s14  }
0xf: {  	s26 =	simm.s32 $0x1000;
	s16 =	sadd.s32 $0x7800, s5;
	[dreg:$0x4] =	wrdreg s15  }
0x10: {  	s6 =	simm.s32 $0x1;
	s17 =	sadd.s32 $0xA000, s5;
	[dreg:$0x5] =	wrdreg s16  }
0x11: {  	s11 =	simm.s32 $0x1E80;
	s18 =	sadd.s32 $0xC800, s5;
	[dreg:$0x6] =	wrdreg s17  }
0x12: {  	s12 =	simm.s32 $0x1F00;
	s19 =	sadd.s32 $0xF000, s5;
	[dreg:$0x7] =	wrdreg s18  }
0x13: {  	s13 =	simm.s32 $0x1F80;
	s20 =	sadd.s32 $0x11800, s5;
	[dreg:$0x8] =	wrdreg s19  }
0x14: {  	s3 =	sshrl.u32 s3, $0x3;
	s21 =	sadd.s32 $0xBA400, s7;
	[dreg:$0x9] =	wrdreg s20  }
0x15: {  	s23 =	sadd.s32 $0xBA600, s7;
	s25 =	sadd.s32 $0xBA800, s7;
	[dreg:$0xa] =	wrdreg s21  }
0x16: {  	s22 =	smax.u32 s2, $0x1;
	s2 =	simm.s32 $0x180;
	[dreg:$0xc] =	wrdreg s23  }
0x17: {  	s0 =	sadd.s32 s3, s0;
	[dreg:$0xe] =	wrdreg s25;
	s19 =	sadd.s32 $0xBAA00, s7  }
0x18: {  	s20 =	sadd.s32 $0x2A00, s9;
	s23 =	simm.s32 $0x2000;
	s25 =	simm.s32 $0x6  }
0x19: {  	s3 =	simm.s32 $0x9800;
	s7 =	simm.s32 $0x2;
	s9 =	simm.s32 $0x4  }
0x1a: {  	v0 =	vimm.f32 $0.0e+00;
	s14 =	simm.s32 $0x0;
	s21 =	sadd.s32 $0xCA400, s0;
	s0 =	simm.s32 $0x7000  }
.LBB2_1:
0x1b: {  	s16 =	simm.s32 $0x0  }
0x1c: {  	s15 =	sand.u32 $0xFE00, s16  }
0x1d: {  	s16 =	sand.u32 $0x70, s16;
	s17 =	sshrl.u32 s15, $0x2  }
0x1e: {  	s15 =	simm.s32 $0x40;
	s17 =	sor.u32 s16, s17;
	s16 =	simm.s32 $0x0  }
.LBB2_2:
0x1f: {  	p0 =	sne.s32 s15, $0x9FC0  }
0x20: {  	[tilespmem:s17+$0x2000] =	vst v0;
	s16 =	sadd.s32 $0x10, s16;
	s17 =	smov.u32 s15;
	s15 =	sadd.s32 $0x40, s15  }
.Ltmp0:
0x21: {  	(pc) =	sbr.rel @p0 .LBB2_2-.Ltmp0, $4  }
0x22: {  	_ = 	snop  }
0x23: {  	s17 =	sand.u32 $0xFE00, s17  }
0x24: {  	s18 =	sand.u32 $0x70, s16;
	s17 =	sshrl.u32 s17, $0x2  }
0x25: {  	s17 =	sor.u32 s18, s17  }
0x26: {  	[tilespmem:s17+$0x2000] =	vst v0  }
0x27: {  	[spmem:s5] =	stream.linear.scatter [tilespmem:s23], [sflag:$0x5], $0x2800, $0x38;
	v63 =	vld [tilespmem:$0x0]  }
0x28: {  	s15 =	rddreg [dreg:$0x3]  }
0x29: {  	[spmem:s15] =	stream.linear.scatter [tilespmem:s23], [sflag:$0x5], $0x2800, $0x38;
	v63 =	vld [tilespmem:$0x0]  }
0x2a: {  	s18 =	rddreg [dreg:$0x4]  }
0x2b: {  	[spmem:s18] =	stream.linear.scatter [tilespmem:s23], [sflag:$0x5], $0x2800, $0x38;
	v63 =	vld [tilespmem:$0x0]  }
0x2c: {  	s16 =	rddreg [dreg:$0x5]  }
0x2d: {  	[spmem:s16] =	stream.linear.scatter [tilespmem:s23], [sflag:$0x5], $0x2800, $0x38;
	v63 =	vld [tilespmem:$0x0]  }
0x2e: {  	s17 =	rddreg [dreg:$0x6]  }
0x2f: {  	[spmem:s17] =	stream.linear.scatter [tilespmem:s23], [sflag:$0x5], $0x2800, $0x38;
	v63 =	vld [tilespmem:$0x0]  }
0x30: {  	s18 =	rddreg [dreg:$0x7]  }
0x31: {  	[spmem:s18] =	stream.linear.scatter [tilespmem:s23], [sflag:$0x5], $0x2800, $0x38;
	v63 =	vld [tilespmem:$0x0]  }
0x32: {  	s16 =	rddreg [dreg:$0x8]  }
0x33: {  	[spmem:s16] =	stream.linear.scatter [tilespmem:s23], [sflag:$0x5], $0x2800, $0x38;
	v63 =	vld [tilespmem:$0x0]  }
0x34: {  	s17 =	rddreg [dreg:$0x9]  }
0x35: {  	[spmem:s17] =	stream.linear.scatter [tilespmem:s23], [sflag:$0x5], $0x2800, $0x38;
	v63 =	vld [tilespmem:$0x0]  }
0x36: {  	_ =	swait.ge [sflag:s24], $0x2800  }
0x37: {  	[sflag:s24] =	ssyncset.done $0x0  }
0x38: {  	[sflag:s24] =	ssyncadd.s32 $0xFFFFD800  }
0x39: {  	_ =	swait.ge [sflag:s24], $0x2800  }
0x3a: {  	[sflag:s24] =	ssyncset.done $0x0  }
0x3b: {  	[sflag:s24] =	ssyncadd.s32 $0xFFFFD800  }
0x3c: {  	_ =	swait.ge [sflag:s24], $0x2800  }
0x3d: {  	[sflag:s24] =	ssyncset.done $0x0  }
0x3e: {  	[sflag:s24] =	ssyncadd.s32 $0xFFFFD800  }
0x3f: {  	_ =	swait.ge [sflag:s24], $0x2800  }
0x40: {  	[sflag:s24] =	ssyncset.done $0x0  }
0x41: {  	[sflag:s24] =	ssyncadd.s32 $0xFFFFD800  }
0x42: {  	_ =	swait.ge [sflag:s24], $0x2800  }
0x43: {  	[sflag:s24] =	ssyncset.done $0x0  }
0x44: {  	[sflag:s24] =	ssyncadd.s32 $0xFFFFD800  }
0x45: {  	_ =	swait.ge [sflag:s24], $0x2800  }
0x46: {  	[sflag:s24] =	ssyncset.done $0x0  }
0x47: {  	[sflag:s24] =	ssyncadd.s32 $0xFFFFD800  }
0x48: {  	_ =	swait.ge [sflag:s24], $0x2800  }
0x49: {  	[sflag:s24] =	ssyncset.done $0x0  }
0x4a: {  	[sflag:s24] =	ssyncadd.s32 $0xFFFFD800  }
0x4b: {  	_ =	swait.ge [sflag:s24], $0x2800  }
0x4c: {  	[sflag:s24] =	ssyncset.done $0x0  }
0x4d: {  	[sflag:s24] =	ssyncadd.s32 $0xFFFFD800  }
0x4e: {  	[bflag:$0x0] =	sbarrier.arrive $0xFFFF  }
0x4f: {  	s18 =	simm.s32 $0x0;
	s16 =	rddreg [dreg:$0xa]  }
0x50: {  	[tilespmem:s18], [sflag:$0x6] =	stream.linear.gather [hbm4b:s16+s18], $0x1000, $0x38;
	v63 =	vld [tilespmem:$0x0]  }
0x51: {  	_ =	swait.ge [sflag:s25], $0x1000  }
0x52: {  	[sflag:s25] =	ssyncset.done $0x0  }
0x53: {  	s17 =	rddreg [dreg:$0xb];
	[sflag:s25] =	ssyncadd.s32 $0xFFFFF000  }
0x54: {  	[tilespmem:s26], [sflag:$0x6] =	stream.linear.gather [hbm4b:s17+s18], $0x1000, $0x38;
	v63 =	vld [tilespmem:$0x0]  }
0x55: {  	_ =	swait.ge [sflag:s25], $0x1000  }
0x56: {  	[sflag:s25] =	ssyncset.done $0x0  }
0x57: {  	[sflag:s25] =	ssyncadd.s32 $0xFFFFF000  }
0x58: {  	[tilespmem:s23], [sflag:$0x1] =	stream.indirect.gather [hbm4b:s4+s28], $0x80, s18, s28, $0xb8;
	v63 =	vld [tilespmem:$0x0]  }
0x59: {  	_ = 	snop  }
0x5a: {  	[tilespmem:s30], [sflag:$0x2] =	stream.indirect.gather [hbm4b:s4+s28], $0x80, s29, s28, $0xb8;
	v63 =	vld [tilespmem:$0x0]  }
0x5b: {  	_ = 	snop  }
0x5c: {  	[tilespmem:s0], [sflag:$0x3] =	stream.indirect.gather [hbm4b:s4+s28], $0x80, s31, s28, $0xb8;
	v63 =	vld [tilespmem:$0x0]  }
0x5d: {  	_ = 	snop  }
0x5e: {  	[tilespmem:s3], [sflag:$0x4] =	stream.indirect.gather [hbm4b:s4+s28], $0x80, s2, s28, $0xb8;
	v63 =	vld [tilespmem:$0x0]  }
0x5f: {  	_ =	swait.ge [sflag:s6], $0x2800  }
0x60: {  	[sflag:s6] =	ssyncset.done $0x0  }
0x61: {  	s18 =	simm.s32 $0x1000;
	[sflag:s6] =	ssyncadd.s32 $0xFFFFD800  }
0x62: {  	[spmem:s1] =	stream.indirect.scatter.add.f32 [tilespmem:s23], [sflag:$0x5], $0x80, s18, s28, $0xb8;
	v63 =	vld [tilespmem:$0x0]  }
0x63: {  	_ =	swait.ge [sflag:s24], $0x2800  }
0x64: {  	[sflag:s24] =	ssyncset.done $0x0  }
0x65: {  	s16 =	simm.s32 $0x200;
	[sflag:s24] =	ssyncadd.s32 $0xFFFFD800  }
0x66: {  	[tilespmem:s23], [sflag:$0x1] =	stream.indirect.gather [hbm4b:s4+s28], $0x80, s16, s28, $0xb8;
	v63 =	vld [tilespmem:$0x0]  }
0x67: {  	_ =	swait.ge [sflag:s7], $0x2800  }
0x68: {  	[sflag:s7] =	ssyncset.done $0x0  }
0x69: {  	s17 =	simm.s32 $0x1080;
	[sflag:s7] =	ssyncadd.s32 $0xFFFFD800  }
0x6a: {  	[spmem:s1] =	stream.indirect.scatter.add.f32 [tilespmem:s30], [sflag:$0x5], $0x80, s17, s28, $0xb8;
	v63 =	vld [tilespmem:$0x0]  }
0x6b: {  	_ =	swait.ge [sflag:s24], $0x2800  }
0x6c: {  	[sflag:s24] =	ssyncset.done $0x0  }
0x6d: {  	s18 =	simm.s32 $0x280;
	[sflag:s24] =	ssyncadd.s32 $0xFFFFD800  }
0x6e: {  	[tilespmem:s30], [sflag:$0x2] =	stream.indirect.gather [hbm4b:s4+s28], $0x80, s18, s28, $0xb8;
	v63 =	vld [tilespmem:$0x0]  }
0x6f: {  	_ =	swait.ge [sflag:s8], $0x2800  }
0x70: {  	[sflag:s8] =	ssyncset.done $0x0  }
0x71: {  	s16 =	simm.s32 $0x1100;
	[sflag:s8] =	ssyncadd.s32 $0xFFFFD800  }
0x72: {  	[spmem:s1] =	stream.indirect.scatter.add.f32 [tilespmem:s0], [sflag:$0x5], $0x80, s16, s28, $0xb8;
	v63 =	vld [tilespmem:$0x0]  }
0x73: {  	_ =	swait.ge [sflag:s24], $0x2800  }
0x74: {  	[sflag:s24] =	ssyncset.done $0x0  }
0x75: {  	s17 =	simm.s32 $0x300;
	[sflag:s24] =	ssyncadd.s32 $0xFFFFD800  }
0x76: {  	[tilespmem:s0], [sflag:$0x3] =	stream.indirect.gather [hbm4b:s4+s28], $0x80, s17, s28, $0xb8;
	v63 =	vld [tilespmem:$0x0]  }
0x77: {  	_ =	swait.ge [sflag:s9], $0x2800  }
0x78: {  	[sflag:s9] =	ssyncset.done $0x0  }
0x79: {  	s18 =	simm.s32 $0x1180;
	[sflag:s9] =	ssyncadd.s32 $0xFFFFD800  }
0x7a: {  	[spmem:s1] =	stream.indirect.scatter.add.f32 [tilespmem:s3], [sflag:$0x5], $0x80, s18, s28, $0xb8;
	v63 =	vld [tilespmem:$0x0]  }
0x7b: {  	_ =	swait.ge [sflag:s24], $0x2800  }
0x7c: {  	[sflag:s24] =	ssyncset.done $0x0  }
0x7d: {  	s15 =	simm.s32 $0x800;
	s16 =	simm.s32 $0x380;
	[sflag:s24] =	ssyncadd.s32 $0xFFFFD800  }
.LBB2_4:
0x7e: {  	[tilespmem:s3], [sflag:$0x4] =	stream.indirect.gather [hbm4b:s4+s28], $0x80, s16, s28, $0xb8;
	v63 =	vld [tilespmem:$0x0]  }
0x7f: {  	s16 =	smov.u32 s15  }
0x80: {  	p0 =	sne.s32 s15, $0x3000;
	s15 =	sadd.s32 $0x800, s15;
	_ =	swait.ge [sflag:s6], $0x2800  }
0x81: {  	s16 =	sshra.s32 s16, $0x2;
	[sflag:s6] =	ssyncset.done $0x0  }
0x82: {  	s17 =	sadd.s32 $0x1000, s16;
	[sflag:s6] =	ssyncadd.s32 $0xFFFFD800  }
0x83: {  	[spmem:s1] =	stream.indirect.scatter.add.f32 [tilespmem:s23], [sflag:$0x5], $0x80, s17, s28, $0xb8;
	v63 =	vld [tilespmem:$0x0]  }
0x84: {  	_ =	swait.ge [sflag:s24], $0x2800  }
0x85: {  	[sflag:s24] =	ssyncset.done $0x0  }
0x86: {  	s17 =	sadd.s32 $0x200, s16;
	[sflag:s24] =	ssyncadd.s32 $0xFFFFD800  }
0x87: {  	[tilespmem:s23], [sflag:$0x1] =	stream.indirect.gather [hbm4b:s4+s28], $0x80, s17, s28, $0xb8;
	v63 =	vld [tilespmem:$0x0]  }
0x88: {  	_ =	swait.ge [sflag:s7], $0x2800  }
0x89: {  	[sflag:s7] =	ssyncset.done $0x0  }
0x8a: {  	s17 =	sadd.s32 $0x1080, s16;
	[sflag:s7] =	ssyncadd.s32 $0xFFFFD800  }
0x8b: {  	[spmem:s1] =	stream.indirect.scatter.add.f32 [tilespmem:s30], [sflag:$0x5], $0x80, s17, s28, $0xb8;
	v63 =	vld [tilespmem:$0x0]  }
0x8c: {  	_ =	swait.ge [sflag:s24], $0x2800  }
0x8d: {  	[sflag:s24] =	ssyncset.done $0x0  }
0x8e: {  	s17 =	sadd.s32 $0x280, s16;
	[sflag:s24] =	ssyncadd.s32 $0xFFFFD800  }
0x8f: {  	[tilespmem:s30], [sflag:$0x2] =	stream.indirect.gather [hbm4b:s4+s28], $0x80, s17, s28, $0xb8;
	v63 =	vld [tilespmem:$0x0]  }
0x90: {  	_ =	swait.ge [sflag:s8], $0x2800  }
0x91: {  	[sflag:s8] =	ssyncset.done $0x0  }
0x92: {  	s17 =	sadd.s32 $0x1100, s16;
	[sflag:s8] =	ssyncadd.s32 $0xFFFFD800  }
0x93: {  	[spmem:s1] =	stream.indirect.scatter.add.f32 [tilespmem:s0], [sflag:$0x5], $0x80, s17, s28, $0xb8;
	v63 =	vld [tilespmem:$0x0]  }
0x94: {  	_ =	swait.ge [sflag:s24], $0x2800  }
0x95: {  	[sflag:s24] =	ssyncset.done $0x0  }
0x96: {  	s17 =	sadd.s32 $0x300, s16;
	[sflag:s24] =	ssyncadd.s32 $0xFFFFD800  }
0x97: {  	[tilespmem:s0], [sflag:$0x3] =	stream.indirect.gather [hbm4b:s4+s28], $0x80, s17, s28, $0xb8;
	v63 =	vld [tilespmem:$0x0]  }
0x98: {  	_ =	swait.ge [sflag:s9], $0x2800  }
0x99: {  	[sflag:s9] =	ssyncset.done $0x0  }
.Ltmp1:
0x9a: {  	s17 =	sadd.s32 $0x1180, s16;
	[sflag:s9] =	ssyncadd.s32 $0xFFFFD800;
	(pc) =	sbr.rel @p0 .LBB2_4-.Ltmp1, $4  }
0x9b: {  	[spmem:s1] =	stream.indirect.scatter.add.f32 [tilespmem:s3], [sflag:$0x5], $0x80, s17, s28, $0xb8;
	v63 =	vld [tilespmem:$0x0]  }
0x9c: {  	_ =	swait.ge [sflag:s24], $0x2800  }
0x9d: {  	[sflag:s24] =	ssyncset.done $0x0  }
0x9e: {  	s16 =	sadd.s32 $0x380, s16;
	[sflag:s24] =	ssyncadd.s32 $0xFFFFD800  }
0x9f: {  	[tilespmem:s3], [sflag:$0x4] =	stream.indirect.gather [hbm4b:s4+s28], $0x80, s16, s28, $0xb8;
	v63 =	vld [tilespmem:$0x0]  }
0xa0: {  	_ =	swait.ge [sflag:s6], $0x2800  }
0xa1: {  	[sflag:s6] =	ssyncset.done $0x0  }
0xa2: {  	[sflag:s6] =	ssyncadd.s32 $0xFFFFD800  }
0xa3: {  	[spmem:s1] =	stream.indirect.scatter.add.f32 [tilespmem:s23], [sflag:$0x5], $0x80, s10, s28, $0xb8;
	v63 =	vld [tilespmem:$0x0]  }
0xa4: {  	_ =	swait.ge [sflag:s24], $0x2800  }
0xa5: {  	[sflag:s24] =	ssyncset.done $0x0  }
0xa6: {  	[sflag:s24] =	ssyncadd.s32 $0xFFFFD800  }
0xa7: {  	_ =	swait.ge [sflag:s7], $0x2800  }
0xa8: {  	[sflag:s7] =	ssyncset.done $0x0  }
0xa9: {  	[sflag:s7] =	ssyncadd.s32 $0xFFFFD800  }
0xaa: {  	[spmem:s1] =	stream.indirect.scatter.add.f32 [tilespmem:s30], [sflag:$0x5], $0x80, s11, s28, $0xb8;
	v63 =	vld [tilespmem:$0x0]  }
0xab: {  	_ =	swait.ge [sflag:s24], $0x2800  }
0xac: {  	[sflag:s24] =	ssyncset.done $0x0  }
0xad: {  	[sflag:s24] =	ssyncadd.s32 $0xFFFFD800  }
0xae: {  	_ =	swait.ge [sflag:s8], $0x2800  }
0xaf: {  	[sflag:s8] =	ssyncset.done $0x0  }
0xb0: {  	[sflag:s8] =	ssyncadd.s32 $0xFFFFD800  }
0xb1: {  	[spmem:s1] =	stream.indirect.scatter.add.f32 [tilespmem:s0], [sflag:$0x5], $0x80, s12, s28, $0xb8;
	v63 =	vld [tilespmem:$0x0]  }
0xb2: {  	_ =	swait.ge [sflag:s24], $0x2800  }
0xb3: {  	[sflag:s24] =	ssyncset.done $0x0  }
0xb4: {  	[sflag:s24] =	ssyncadd.s32 $0xFFFFD800  }
0xb5: {  	_ =	swait.ge [sflag:s9], $0x2800  }
0xb6: {  	[sflag:s9] =	ssyncset.done $0x0  }
0xb7: {  	[sflag:s9] =	ssyncadd.s32 $0xFFFFD800  }
0xb8: {  	[spmem:s1] =	stream.indirect.scatter.add.f32 [tilespmem:s3], [sflag:$0x5], $0x80, s13, s28, $0xb8;
	v63 =	vld [tilespmem:$0x0]  }
0xb9: {  	_ =	swait.ge [sflag:s24], $0x2800  }
0xba: {  	[sflag:s24] =	ssyncset.done $0x0  }
0xbb: {  	s15 =	simm.s32 $0x0;
	s18 =	rddreg [dreg:$0xc];
	[sflag:s24] =	ssyncadd.s32 $0xFFFFD800  }
0xbc: {  	[tilespmem:s15], [sflag:$0x6] =	stream.linear.gather [hbm4b:s18+s15], $0x1000, $0x38;
	v63 =	vld [tilespmem:$0x0]  }
0xbd: {  	_ =	swait.ge [sflag:s25], $0x1000  }
0xbe: {  	[sflag:s25] =	ssyncset.done $0x0  }
0xbf: {  	s17 =	rddreg [dreg:$0xd];
	[sflag:s25] =	ssyncadd.s32 $0xFFFFF000  }
0xc0: {  	[tilespmem:s26], [sflag:$0x6] =	stream.linear.gather [hbm4b:s17+s15], $0x1000, $0x38;
	v63 =	vld [tilespmem:$0x0]  }
0xc1: {  	_ =	swait.ge [sflag:s25], $0x1000  }
0xc2: {  	[sflag:s25] =	ssyncset.done $0x0  }
0xc3: {  	[sflag:s25] =	ssyncadd.s32 $0xFFFFF000  }
0xc4: {  	[tilespmem:s23], [sflag:$0x1] =	stream.indirect.gather [hbm4b:s4+s28], $0x80, s15, s28, $0xb8;
	v63 =	vld [tilespmem:$0x0]  }
0xc5: {  	_ = 	snop  }
0xc6: {  	[tilespmem:s30], [sflag:$0x2] =	stream.indirect.gather [hbm4b:s4+s28], $0x80, s29, s28, $0xb8;
	v63 =	vld [tilespmem:$0x0]  }
0xc7: {  	_ = 	snop  }
0xc8: {  	[tilespmem:s0], [sflag:$0x3] =	stream.indirect.gather [hbm4b:s4+s28], $0x80, s31, s28, $0xb8;
	v63 =	vld [tilespmem:$0x0]  }
0xc9: {  	_ = 	snop  }
0xca: {  	[tilespmem:s3], [sflag:$0x4] =	stream.indirect.gather [hbm4b:s4+s28], $0x80, s2, s28, $0xb8;
	v63 =	vld [tilespmem:$0x0]  }
0xcb: {  	_ =	swait.ge [sflag:s6], $0x2800  }
0xcc: {  	[sflag:s6] =	ssyncset.done $0x0  }
0xcd: {  	s18 =	simm.s32 $0x1000;
	[sflag:s6] =	ssyncadd.s32 $0xFFFFD800  }
0xce: {  	[spmem:s1] =	stream.indirect.scatter.add.f32 [tilespmem:s23], [sflag:$0x5], $0x80, s18, s28, $0xb8;
	v63 =	vld [tilespmem:$0x0]  }
0xcf: {  	_ =	swait.ge [sflag:s24], $0x2800  }
0xd0: {  	[sflag:s24] =	ssyncset.done $0x0  }
0xd1: {  	s16 =	simm.s32 $0x200;
	[sflag:s24] =	ssyncadd.s32 $0xFFFFD800  }
0xd2: {  	[tilespmem:s23], [sflag:$0x1] =	stream.indirect.gather [hbm4b:s4+s28], $0x80, s16, s28, $0xb8;
	v63 =	vld [tilespmem:$0x0]  }
0xd3: {  	_ =	swait.ge [sflag:s7], $0x2800  }
0xd4: {  	[sflag:s7] =	ssyncset.done $0x0  }
0xd5: {  	s17 =	simm.s32 $0x1080;
	[sflag:s7] =	ssyncadd.s32 $0xFFFFD800  }
0xd6: {  	[spmem:s1] =	stream.indirect.scatter.add.f32 [tilespmem:s30], [sflag:$0x5], $0x80, s17, s28, $0xb8;
	v63 =	vld [tilespmem:$0x0]  }
0xd7: {  	_ =	swait.ge [sflag:s24], $0x2800  }
0xd8: {  	[sflag:s24] =	ssyncset.done $0x0  }
0xd9: {  	s18 =	simm.s32 $0x280;
	[sflag:s24] =	ssyncadd.s32 $0xFFFFD800  }
0xda: {  	[tilespmem:s30], [sflag:$0x2] =	stream.indirect.gather [hbm4b:s4+s28], $0x80, s18, s28, $0xb8;
	v63 =	vld [tilespmem:$0x0]  }
0xdb: {  	_ =	swait.ge [sflag:s8], $0x2800  }
0xdc: {  	[sflag:s8] =	ssyncset.done $0x0  }
0xdd: {  	s16 =	simm.s32 $0x1100;
	[sflag:s8] =	ssyncadd.s32 $0xFFFFD800  }
0xde: {  	[spmem:s1] =	stream.indirect.scatter.add.f32 [tilespmem:s0], [sflag:$0x5], $0x80, s16, s28, $0xb8;
	v63 =	vld [tilespmem:$0x0]  }
0xdf: {  	_ =	swait.ge [sflag:s24], $0x2800  }
0xe0: {  	[sflag:s24] =	ssyncset.done $0x0  }
0xe1: {  	s17 =	simm.s32 $0x300;
	[sflag:s24] =	ssyncadd.s32 $0xFFFFD800  }
0xe2: {  	[tilespmem:s0], [sflag:$0x3] =	stream.indirect.gather [hbm4b:s4+s28], $0x80, s17, s28, $0xb8;
	v63 =	vld [tilespmem:$0x0]  }
0xe3: {  	_ =	swait.ge [sflag:s9], $0x2800  }
0xe4: {  	[sflag:s9] =	ssyncset.done $0x0  }
0xe5: {  	s18 =	simm.s32 $0x1180;
	[sflag:s9] =	ssyncadd.s32 $0xFFFFD800  }
0xe6: {  	[spmem:s1] =	stream.indirect.scatter.add.f32 [tilespmem:s3], [sflag:$0x5], $0x80, s18, s28, $0xb8;
	v63 =	vld [tilespmem:$0x0]  }
0xe7: {  	_ =	swait.ge [sflag:s24], $0x2800  }
0xe8: {  	[sflag:s24] =	ssyncset.done $0x0  }
0xe9: {  	s15 =	simm.s32 $0x800;
	s16 =	simm.s32 $0x380;
	[sflag:s24] =	ssyncadd.s32 $0xFFFFD800  }
.LBB2_6:
0xea: {  	[tilespmem:s3], [sflag:$0x4] =	stream.indirect.gather [hbm4b:s4+s28], $0x80, s16, s28, $0xb8;
	v63 =	vld [tilespmem:$0x0]  }
0xeb: {  	s16 =	smov.u32 s15  }
0xec: {  	p0 =	sne.s32 s15, $0x3000;
	s15 =	sadd.s32 $0x800, s15;
	_ =	swait.ge [sflag:s6], $0x2800  }
0xed: {  	s16 =	sshra.s32 s16, $0x2;
	[sflag:s6] =	ssyncset.done $0x0  }
0xee: {  	s17 =	sadd.s32 $0x1000, s16;
	[sflag:s6] =	ssyncadd.s32 $0xFFFFD800  }
0xef: {  	[spmem:s1] =	stream.indirect.scatter.add.f32 [tilespmem:s23], [sflag:$0x5], $0x80, s17, s28, $0xb8;
	v63 =	vld [tilespmem:$0x0]  }
0xf0: {  	_ =	swait.ge [sflag:s24], $0x2800  }
0xf1: {  	[sflag:s24] =	ssyncset.done $0x0  }
0xf2: {  	s17 =	sadd.s32 $0x200, s16;
	[sflag:s24] =	ssyncadd.s32 $0xFFFFD800  }
0xf3: {  	[tilespmem:s23], [sflag:$0x1] =	stream.indirect.gather [hbm4b:s4+s28], $0x80, s17, s28, $0xb8;
	v63 =	vld [tilespmem:$0x0]  }
0xf4: {  	_ =	swait.ge [sflag:s7], $0x2800  }
0xf5: {  	[sflag:s7] =	ssyncset.done $0x0  }
0xf6: {  	s17 =	sadd.s32 $0x1080, s16;
	[sflag:s7] =	ssyncadd.s32 $0xFFFFD800  }
0xf7: {  	[spmem:s1] =	stream.indirect.scatter.add.f32 [tilespmem:s30], [sflag:$0x5], $0x80, s17, s28, $0xb8;
	v63 =	vld [tilespmem:$0x0]  }
0xf8: {  	_ =	swait.ge [sflag:s24], $0x2800  }
0xf9: {  	[sflag:s24] =	ssyncset.done $0x0  }
0xfa: {  	s17 =	sadd.s32 $0x280, s16;
	[sflag:s24] =	ssyncadd.s32 $0xFFFFD800  }
0xfb: {  	[tilespmem:s30], [sflag:$0x2] =	stream.indirect.gather [hbm4b:s4+s28], $0x80, s17, s28, $0xb8;
	v63 =	vld [tilespmem:$0x0]  }
0xfc: {  	_ =	swait.ge [sflag:s8], $0x2800  }
0xfd: {  	[sflag:s8] =	ssyncset.done $0x0  }
0xfe: {  	s17 =	sadd.s32 $0x1100, s16;
	[sflag:s8] =	ssyncadd.s32 $0xFFFFD800  }
0xff: {  	[spmem:s1] =	stream.indirect.scatter.add.f32 [tilespmem:s0], [sflag:$0x5], $0x80, s17, s28, $0xb8;
	v63 =	vld [tilespmem:$0x0]  }
0x100: {  	_ =	swait.ge [sflag:s24], $0x2800  }
0x101: {  	[sflag:s24] =	ssyncset.done $0x0  }
0x102: {  	s17 =	sadd.s32 $0x300, s16;
	[sflag:s24] =	ssyncadd.s32 $0xFFFFD800  }
0x103: {  	[tilespmem:s0], [sflag:$0x3] =	stream.indirect.gather [hbm4b:s4+s28], $0x80, s17, s28, $0xb8;
	v63 =	vld [tilespmem:$0x0]  }
0x104: {  	_ =	swait.ge [sflag:s9], $0x2800  }
0x105: {  	[sflag:s9] =	ssyncset.done $0x0  }
.Ltmp2:
0x106: {  	s17 =	sadd.s32 $0x1180, s16;
	[sflag:s9] =	ssyncadd.s32 $0xFFFFD800;
	(pc) =	sbr.rel @p0 .LBB2_6-.Ltmp2, $4  }
0x107: {  	[spmem:s1] =	stream.indirect.scatter.add.f32 [tilespmem:s3], [sflag:$0x5], $0x80, s17, s28, $0xb8;
	v63 =	vld [tilespmem:$0x0]  }
0x108: {  	_ =	swait.ge [sflag:s24], $0x2800  }
0x109: {  	[sflag:s24] =	ssyncset.done $0x0  }
0x10a: {  	s16 =	sadd.s32 $0x380, s16;
	[sflag:s24] =	ssyncadd.s32 $0xFFFFD800  }
0x10b: {  	[tilespmem:s3], [sflag:$0x4] =	stream.indirect.gather [hbm4b:s4+s28], $0x80, s16, s28, $0xb8;
	v63 =	vld [tilespmem:$0x0]  }
0x10c: {  	_ =	swait.ge [sflag:s6], $0x2800  }
0x10d: {  	[sflag:s6] =	ssyncset.done $0x0  }
0x10e: {  	[sflag:s6] =	ssyncadd.s32 $0xFFFFD800  }
0x10f: {  	[spmem:s1] =	stream.indirect.scatter.add.f32 [tilespmem:s23], [sflag:$0x5], $0x80, s10, s28, $0xb8;
	v63 =	vld [tilespmem:$0x0]  }
0x110: {  	_ =	swait.ge [sflag:s24], $0x2800  }
0x111: {  	[sflag:s24] =	ssyncset.done $0x0  }
0x112: {  	[sflag:s24] =	ssyncadd.s32 $0xFFFFD800  }
0x113: {  	_ =	swait.ge [sflag:s7], $0x2800  }
0x114: {  	[sflag:s7] =	ssyncset.done $0x0  }
0x115: {  	[sflag:s7] =	ssyncadd.s32 $0xFFFFD800  }
0x116: {  	[spmem:s1] =	stream.indirect.scatter.add.f32 [tilespmem:s30], [sflag:$0x5], $0x80, s11, s28, $0xb8;
	v63 =	vld [tilespmem:$0x0]  }
0x117: {  	_ =	swait.ge [sflag:s24], $0x2800  }
0x118: {  	[sflag:s24] =	ssyncset.done $0x0  }
0x119: {  	[sflag:s24] =	ssyncadd.s32 $0xFFFFD800  }
0x11a: {  	_ =	swait.ge [sflag:s8], $0x2800  }
0x11b: {  	[sflag:s8] =	ssyncset.done $0x0  }
0x11c: {  	[sflag:s8] =	ssyncadd.s32 $0xFFFFD800  }
0x11d: {  	[spmem:s1] =	stream.indirect.scatter.add.f32 [tilespmem:s0], [sflag:$0x5], $0x80, s12, s28, $0xb8;
	v63 =	vld [tilespmem:$0x0]  }
0x11e: {  	_ =	swait.ge [sflag:s24], $0x2800  }
0x11f: {  	[sflag:s24] =	ssyncset.done $0x0  }
0x120: {  	[sflag:s24] =	ssyncadd.s32 $0xFFFFD800  }
0x121: {  	_ =	swait.ge [sflag:s9], $0x2800  }
0x122: {  	[sflag:s9] =	ssyncset.done $0x0  }
0x123: {  	[sflag:s9] =	ssyncadd.s32 $0xFFFFD800  }
0x124: {  	[spmem:s1] =	stream.indirect.scatter.add.f32 [tilespmem:s3], [sflag:$0x5], $0x80, s13, s28, $0xb8;
	v63 =	vld [tilespmem:$0x0]  }
0x125: {  	_ =	swait.ge [sflag:s24], $0x2800  }
0x126: {  	[sflag:s24] =	ssyncset.done $0x0  }
0x127: {  	s15 =	simm.s32 $0x0;
	s18 =	rddreg [dreg:$0xe];
	[sflag:s24] =	ssyncadd.s32 $0xFFFFD800  }
0x128: {  	[tilespmem:s15], [sflag:$0x6] =	stream.linear.gather [hbm4b:s18+s15], $0x1000, $0x38;
	v63 =	vld [tilespmem:$0x0]  }
0x129: {  	_ =	swait.ge [sflag:s25], $0x1000  }
0x12a: {  	[sflag:s25] =	ssyncset.done $0x0  }
0x12b: {  	s17 =	rddreg [dreg:$0xf];
	[sflag:s25] =	ssyncadd.s32 $0xFFFFF000  }
0x12c: {  	[tilespmem:s26], [sflag:$0x6] =	stream.linear.gather [hbm4b:s17+s15], $0x1000, $0x38;
	v63 =	vld [tilespmem:$0x0]  }
0x12d: {  	_ =	swait.ge [sflag:s25], $0x1000  }
0x12e: {  	[sflag:s25] =	ssyncset.done $0x0  }
0x12f: {  	[sflag:s25] =	ssyncadd.s32 $0xFFFFF000  }
0x130: {  	[tilespmem:s23], [sflag:$0x1] =	stream.indirect.gather [hbm4b:s4+s28], $0x80, s15, s28, $0xb8;
	v63 =	vld [tilespmem:$0x0]  }
0x131: {  	_ = 	snop  }
0x132: {  	[tilespmem:s30], [sflag:$0x2] =	stream.indirect.gather [hbm4b:s4+s28], $0x80, s29, s28, $0xb8;
	v63 =	vld [tilespmem:$0x0]  }
0x133: {  	_ = 	snop  }
0x134: {  	[tilespmem:s0], [sflag:$0x3] =	stream.indirect.gather [hbm4b:s4+s28], $0x80, s31, s28, $0xb8;
	v63 =	vld [tilespmem:$0x0]  }
0x135: {  	_ = 	snop  }
0x136: {  	[tilespmem:s3], [sflag:$0x4] =	stream.indirect.gather [hbm4b:s4+s28], $0x80, s2, s28, $0xb8;
	v63 =	vld [tilespmem:$0x0]  }
0x137: {  	_ =	swait.ge [sflag:s6], $0x2800  }
0x138: {  	[sflag:s6] =	ssyncset.done $0x0  }
0x139: {  	s18 =	simm.s32 $0x1000;
	[sflag:s6] =	ssyncadd.s32 $0xFFFFD800  }
0x13a: {  	[spmem:s1] =	stream.indirect.scatter.add.f32 [tilespmem:s23], [sflag:$0x5], $0x80, s18, s28, $0xb8;
	v63 =	vld [tilespmem:$0x0]  }
0x13b: {  	_ =	swait.ge [sflag:s24], $0x2800  }
0x13c: {  	[sflag:s24] =	ssyncset.done $0x0  }
0x13d: {  	s16 =	simm.s32 $0x200;
	[sflag:s24] =	ssyncadd.s32 $0xFFFFD800  }
0x13e: {  	[tilespmem:s23], [sflag:$0x1] =	stream.indirect.gather [hbm4b:s4+s28], $0x80, s16, s28, $0xb8;
	v63 =	vld [tilespmem:$0x0]  }
0x13f: {  	_ =	swait.ge [sflag:s7], $0x2800  }
0x140: {  	[sflag:s7] =	ssyncset.done $0x0  }
0x141: {  	s17 =	simm.s32 $0x1080;
	[sflag:s7] =	ssyncadd.s32 $0xFFFFD800  }
0x142: {  	[spmem:s1] =	stream.indirect.scatter.add.f32 [tilespmem:s30], [sflag:$0x5], $0x80, s17, s28, $0xb8;
	v63 =	vld [tilespmem:$0x0]  }
0x143: {  	_ =	swait.ge [sflag:s24], $0x2800  }
0x144: {  	[sflag:s24] =	ssyncset.done $0x0  }
0x145: {  	s18 =	simm.s32 $0x280;
	[sflag:s24] =	ssyncadd.s32 $0xFFFFD800  }
0x146: {  	[tilespmem:s30], [sflag:$0x2] =	stream.indirect.gather [hbm4b:s4+s28], $0x80, s18, s28, $0xb8;
	v63 =	vld [tilespmem:$0x0]  }
0x147: {  	_ =	swait.ge [sflag:s8], $0x2800  }
0x148: {  	[sflag:s8] =	ssyncset.done $0x0  }
0x149: {  	s16 =	simm.s32 $0x1100;
	[sflag:s8] =	ssyncadd.s32 $0xFFFFD800  }
0x14a: {  	[spmem:s1] =	stream.indirect.scatter.add.f32 [tilespmem:s0], [sflag:$0x5], $0x80, s16, s28, $0xb8;
	v63 =	vld [tilespmem:$0x0]  }
0x14b: {  	_ =	swait.ge [sflag:s24], $0x2800  }
0x14c: {  	[sflag:s24] =	ssyncset.done $0x0  }
0x14d: {  	s17 =	simm.s32 $0x300;
	[sflag:s24] =	ssyncadd.s32 $0xFFFFD800  }
0x14e: {  	[tilespmem:s0], [sflag:$0x3] =	stream.indirect.gather [hbm4b:s4+s28], $0x80, s17, s28, $0xb8;
	v63 =	vld [tilespmem:$0x0]  }
0x14f: {  	_ =	swait.ge [sflag:s9], $0x2800  }
0x150: {  	[sflag:s9] =	ssyncset.done $0x0  }
0x151: {  	s18 =	simm.s32 $0x1180;
	[sflag:s9] =	ssyncadd.s32 $0xFFFFD800  }
0x152: {  	[spmem:s1] =	stream.indirect.scatter.add.f32 [tilespmem:s3], [sflag:$0x5], $0x80, s18, s28, $0xb8;
	v63 =	vld [tilespmem:$0x0]  }
0x153: {  	_ =	swait.ge [sflag:s24], $0x2800  }
0x154: {  	[sflag:s24] =	ssyncset.done $0x0  }
0x155: {  	s15 =	simm.s32 $0x800;
	s16 =	simm.s32 $0x380;
	[sflag:s24] =	ssyncadd.s32 $0xFFFFD800  }
.LBB2_8:
0x156: {  	[tilespmem:s3], [sflag:$0x4] =	stream.indirect.gather [hbm4b:s4+s28], $0x80, s16, s28, $0xb8;
	v63 =	vld [tilespmem:$0x0]  }
0x157: {  	s16 =	smov.u32 s15  }
0x158: {  	p0 =	sne.s32 s15, $0x3000;
	s15 =	sadd.s32 $0x800, s15;
	_ =	swait.ge [sflag:s6], $0x2800  }
0x159: {  	s16 =	sshra.s32 s16, $0x2;
	[sflag:s6] =	ssyncset.done $0x0  }
0x15a: {  	s17 =	sadd.s32 $0x1000, s16;
	[sflag:s6] =	ssyncadd.s32 $0xFFFFD800  }
0x15b: {  	[spmem:s1] =	stream.indirect.scatter.add.f32 [tilespmem:s23], [sflag:$0x5], $0x80, s17, s28, $0xb8;
	v63 =	vld [tilespmem:$0x0]  }
0x15c: {  	_ =	swait.ge [sflag:s24], $0x2800  }
0x15d: {  	[sflag:s24] =	ssyncset.done $0x0  }
0x15e: {  	s17 =	sadd.s32 $0x200, s16;
	[sflag:s24] =	ssyncadd.s32 $0xFFFFD800  }
0x15f: {  	[tilespmem:s23], [sflag:$0x1] =	stream.indirect.gather [hbm4b:s4+s28], $0x80, s17, s28, $0xb8;
	v63 =	vld [tilespmem:$0x0]  }
0x160: {  	_ =	swait.ge [sflag:s7], $0x2800  }
0x161: {  	[sflag:s7] =	ssyncset.done $0x0  }
0x162: {  	s17 =	sadd.s32 $0x1080, s16;
	[sflag:s7] =	ssyncadd.s32 $0xFFFFD800  }
0x163: {  	[spmem:s1] =	stream.indirect.scatter.add.f32 [tilespmem:s30], [sflag:$0x5], $0x80, s17, s28, $0xb8;
	v63 =	vld [tilespmem:$0x0]  }
0x164: {  	_ =	swait.ge [sflag:s24], $0x2800  }
0x165: {  	[sflag:s24] =	ssyncset.done $0x0  }
0x166: {  	s17 =	sadd.s32 $0x280, s16;
	[sflag:s24] =	ssyncadd.s32 $0xFFFFD800  }
0x167: {  	[tilespmem:s30], [sflag:$0x2] =	stream.indirect.gather [hbm4b:s4+s28], $0x80, s17, s28, $0xb8;
	v63 =	vld [tilespmem:$0x0]  }
0x168: {  	_ =	swait.ge [sflag:s8], $0x2800  }
0x169: {  	[sflag:s8] =	ssyncset.done $0x0  }
0x16a: {  	s17 =	sadd.s32 $0x1100, s16;
	[sflag:s8] =	ssyncadd.s32 $0xFFFFD800  }
0x16b: {  	[spmem:s1] =	stream.indirect.scatter.add.f32 [tilespmem:s0], [sflag:$0x5], $0x80, s17, s28, $0xb8;
	v63 =	vld [tilespmem:$0x0]  }
0x16c: {  	_ =	swait.ge [sflag:s24], $0x2800  }
0x16d: {  	[sflag:s24] =	ssyncset.done $0x0  }
0x16e: {  	s17 =	sadd.s32 $0x300, s16;
	[sflag:s24] =	ssyncadd.s32 $0xFFFFD800  }
0x16f: {  	[tilespmem:s0], [sflag:$0x3] =	stream.indirect.gather [hbm4b:s4+s28], $0x80, s17, s28, $0xb8;
	v63 =	vld [tilespmem:$0x0]  }
0x170: {  	_ =	swait.ge [sflag:s9], $0x2800  }
0x171: {  	[sflag:s9] =	ssyncset.done $0x0  }
.Ltmp3:
0x172: {  	s17 =	sadd.s32 $0x1180, s16;
	[sflag:s9] =	ssyncadd.s32 $0xFFFFD800;
	(pc) =	sbr.rel @p0 .LBB2_8-.Ltmp3, $4  }
0x173: {  	[spmem:s1] =	stream.indirect.scatter.add.f32 [tilespmem:s3], [sflag:$0x5], $0x80, s17, s28, $0xb8;
	v63 =	vld [tilespmem:$0x0]  }
0x174: {  	_ =	swait.ge [sflag:s24], $0x2800  }
0x175: {  	[sflag:s24] =	ssyncset.done $0x0  }
0x176: {  	s16 =	sadd.s32 $0x380, s16;
	[sflag:s24] =	ssyncadd.s32 $0xFFFFD800  }
0x177: {  	[tilespmem:s3], [sflag:$0x4] =	stream.indirect.gather [hbm4b:s4+s28], $0x80, s16, s28, $0xb8;
	v63 =	vld [tilespmem:$0x0]  }
0x178: {  	_ =	swait.ge [sflag:s6], $0x2800  }
0x179: {  	[sflag:s6] =	ssyncset.done $0x0  }
0x17a: {  	[sflag:s6] =	ssyncadd.s32 $0xFFFFD800  }
0x17b: {  	[spmem:s1] =	stream.indirect.scatter.add.f32 [tilespmem:s23], [sflag:$0x5], $0x80, s10, s28, $0xb8;
	v63 =	vld [tilespmem:$0x0]  }
0x17c: {  	_ =	swait.ge [sflag:s24], $0x2800  }
0x17d: {  	[sflag:s24] =	ssyncset.done $0x0  }
0x17e: {  	[sflag:s24] =	ssyncadd.s32 $0xFFFFD800  }
0x17f: {  	_ =	swait.ge [sflag:s7], $0x2800  }
0x180: {  	[sflag:s7] =	ssyncset.done $0x0  }
0x181: {  	[sflag:s7] =	ssyncadd.s32 $0xFFFFD800  }
0x182: {  	[spmem:s1] =	stream.indirect.scatter.add.f32 [tilespmem:s30], [sflag:$0x5], $0x80, s11, s28, $0xb8;
	v63 =	vld [tilespmem:$0x0]  }
0x183: {  	_ =	swait.ge [sflag:s24], $0x2800  }
0x184: {  	[sflag:s24] =	ssyncset.done $0x0  }
0x185: {  	[sflag:s24] =	ssyncadd.s32 $0xFFFFD800  }
0x186: {  	_ =	swait.ge [sflag:s8], $0x2800  }
0x187: {  	[sflag:s8] =	ssyncset.done $0x0  }
0x188: {  	[sflag:s8] =	ssyncadd.s32 $0xFFFFD800  }
0x189: {  	[spmem:s1] =	stream.indirect.scatter.add.f32 [tilespmem:s0], [sflag:$0x5], $0x80, s12, s28, $0xb8;
	v63 =	vld [tilespmem:$0x0]  }
0x18a: {  	_ =	swait.ge [sflag:s24], $0x2800  }
0x18b: {  	[sflag:s24] =	ssyncset.done $0x0  }
0x18c: {  	[sflag:s24] =	ssyncadd.s32 $0xFFFFD800  }
0x18d: {  	_ =	swait.ge [sflag:s9], $0x2800  }
0x18e: {  	[sflag:s9] =	ssyncset.done $0x0  }
0x18f: {  	[sflag:s9] =	ssyncadd.s32 $0xFFFFD800  }
0x190: {  	[spmem:s1] =	stream.indirect.scatter.add.f32 [tilespmem:s3], [sflag:$0x5], $0x80, s13, s28, $0xb8;
	v63 =	vld [tilespmem:$0x0]  }
0x191: {  	_ =	swait.ge [sflag:s24], $0x2800  }
0x192: {  	[sflag:s24] =	ssyncset.done $0x0  }
0x193: {  	s15 =	simm.s32 $0x0;
	[sflag:s24] =	ssyncadd.s32 $0xFFFFD800  }
0x194: {  	[tilespmem:s15], [sflag:$0x6] =	stream.linear.gather [hbm4b:s19+s15], $0x1000, $0x38;
	v63 =	vld [tilespmem:$0x0]  }
0x195: {  	_ =	swait.ge [sflag:s25], $0x1000  }
0x196: {  	[sflag:s25] =	ssyncset.done $0x0  }
0x197: {  	[sflag:s25] =	ssyncadd.s32 $0xFFFFF000  }
0x198: {  	[tilespmem:s26], [sflag:$0x6] =	stream.linear.gather [hbm4b:s20+s15], $0x1000, $0x38;
	v63 =	vld [tilespmem:$0x0]  }
0x199: {  	_ =	swait.ge [sflag:s25], $0x1000  }
0x19a: {  	[sflag:s25] =	ssyncset.done $0x0  }
0x19b: {  	[sflag:s25] =	ssyncadd.s32 $0xFFFFF000  }
0x19c: {  	[tilespmem:s23], [sflag:$0x1] =	stream.indirect.gather [hbm4b:s4+s28], $0x80, s15, s28, $0xb8;
	v63 =	vld [tilespmem:$0x0]  }
0x19d: {  	_ = 	snop  }
0x19e: {  	[tilespmem:s30], [sflag:$0x2] =	stream.indirect.gather [hbm4b:s4+s28], $0x80, s29, s28, $0xb8;
	v63 =	vld [tilespmem:$0x0]  }
0x19f: {  	_ = 	snop  }
0x1a0: {  	[tilespmem:s0], [sflag:$0x3] =	stream.indirect.gather [hbm4b:s4+s28], $0x80, s31, s28, $0xb8;
	v63 =	vld [tilespmem:$0x0]  }
0x1a1: {  	_ = 	snop  }
0x1a2: {  	[tilespmem:s3], [sflag:$0x4] =	stream.indirect.gather [hbm4b:s4+s28], $0x80, s2, s28, $0xb8;
	v63 =	vld [tilespmem:$0x0]  }
0x1a3: {  	_ =	swait.ge [sflag:s6], $0x2800  }
0x1a4: {  	[sflag:s6] =	ssyncset.done $0x0  }
0x1a5: {  	s18 =	simm.s32 $0x1000;
	[sflag:s6] =	ssyncadd.s32 $0xFFFFD800  }
0x1a6: {  	[spmem:s1] =	stream.indirect.scatter.add.f32 [tilespmem:s23], [sflag:$0x5], $0x80, s18, s28, $0xb8;
	v63 =	vld [tilespmem:$0x0]  }
0x1a7: {  	_ =	swait.ge [sflag:s24], $0x2800  }
0x1a8: {  	[sflag:s24] =	ssyncset.done $0x0  }
0x1a9: {  	s16 =	simm.s32 $0x200;
	[sflag:s24] =	ssyncadd.s32 $0xFFFFD800  }
0x1aa: {  	[tilespmem:s23], [sflag:$0x1] =	stream.indirect.gather [hbm4b:s4+s28], $0x80, s16, s28, $0xb8;
	v63 =	vld [tilespmem:$0x0]  }
0x1ab: {  	_ =	swait.ge [sflag:s7], $0x2800  }
0x1ac: {  	[sflag:s7] =	ssyncset.done $0x0  }
0x1ad: {  	s17 =	simm.s32 $0x1080;
	[sflag:s7] =	ssyncadd.s32 $0xFFFFD800  }
0x1ae: {  	[spmem:s1] =	stream.indirect.scatter.add.f32 [tilespmem:s30], [sflag:$0x5], $0x80, s17, s28, $0xb8;
	v63 =	vld [tilespmem:$0x0]  }
0x1af: {  	_ =	swait.ge [sflag:s24], $0x2800  }
0x1b0: {  	[sflag:s24] =	ssyncset.done $0x0  }
0x1b1: {  	s18 =	simm.s32 $0x280;
	[sflag:s24] =	ssyncadd.s32 $0xFFFFD800  }
0x1b2: {  	[tilespmem:s30], [sflag:$0x2] =	stream.indirect.gather [hbm4b:s4+s28], $0x80, s18, s28, $0xb8;
	v63 =	vld [tilespmem:$0x0]  }
0x1b3: {  	_ =	swait.ge [sflag:s8], $0x2800  }
0x1b4: {  	[sflag:s8] =	ssyncset.done $0x0  }
0x1b5: {  	s16 =	simm.s32 $0x1100;
	[sflag:s8] =	ssyncadd.s32 $0xFFFFD800  }
0x1b6: {  	[spmem:s1] =	stream.indirect.scatter.add.f32 [tilespmem:s0], [sflag:$0x5], $0x80, s16, s28, $0xb8;
	v63 =	vld [tilespmem:$0x0]  }
0x1b7: {  	_ =	swait.ge [sflag:s24], $0x2800  }
0x1b8: {  	[sflag:s24] =	ssyncset.done $0x0  }
0x1b9: {  	s17 =	simm.s32 $0x300;
	[sflag:s24] =	ssyncadd.s32 $0xFFFFD800  }
0x1ba: {  	[tilespmem:s0], [sflag:$0x3] =	stream.indirect.gather [hbm4b:s4+s28], $0x80, s17, s28, $0xb8;
	v63 =	vld [tilespmem:$0x0]  }
0x1bb: {  	_ =	swait.ge [sflag:s9], $0x2800  }
0x1bc: {  	[sflag:s9] =	ssyncset.done $0x0  }
0x1bd: {  	s18 =	simm.s32 $0x1180;
	[sflag:s9] =	ssyncadd.s32 $0xFFFFD800  }
0x1be: {  	[spmem:s1] =	stream.indirect.scatter.add.f32 [tilespmem:s3], [sflag:$0x5], $0x80, s18, s28, $0xb8;
	v63 =	vld [tilespmem:$0x0]  }
0x1bf: {  	_ =	swait.ge [sflag:s24], $0x2800  }
0x1c0: {  	[sflag:s24] =	ssyncset.done $0x0  }
0x1c1: {  	s15 =	simm.s32 $0x800;
	s16 =	simm.s32 $0x380;
	[sflag:s24] =	ssyncadd.s32 $0xFFFFD800  }
.LBB2_10:
0x1c2: {  	[tilespmem:s3], [sflag:$0x4] =	stream.indirect.gather [hbm4b:s4+s28], $0x80, s16, s28, $0xb8;
	v63 =	vld [tilespmem:$0x0]  }
0x1c3: {  	s16 =	smov.u32 s15  }
0x1c4: {  	p0 =	sne.s32 s15, $0x3000;
	s15 =	sadd.s32 $0x800, s15;
	_ =	swait.ge [sflag:s6], $0x2800  }
0x1c5: {  	s16 =	sshra.s32 s16, $0x2;
	[sflag:s6] =	ssyncset.done $0x0  }
0x1c6: {  	s17 =	sadd.s32 $0x1000, s16;
	[sflag:s6] =	ssyncadd.s32 $0xFFFFD800  }
0x1c7: {  	[spmem:s1] =	stream.indirect.scatter.add.f32 [tilespmem:s23], [sflag:$0x5], $0x80, s17, s28, $0xb8;
	v63 =	vld [tilespmem:$0x0]  }
0x1c8: {  	_ =	swait.ge [sflag:s24], $0x2800  }
0x1c9: {  	[sflag:s24] =	ssyncset.done $0x0  }
0x1ca: {  	s17 =	sadd.s32 $0x200, s16;
	[sflag:s24] =	ssyncadd.s32 $0xFFFFD800  }
0x1cb: {  	[tilespmem:s23], [sflag:$0x1] =	stream.indirect.gather [hbm4b:s4+s28], $0x80, s17, s28, $0xb8;
	v63 =	vld [tilespmem:$0x0]  }
0x1cc: {  	_ =	swait.ge [sflag:s7], $0x2800  }
0x1cd: {  	[sflag:s7] =	ssyncset.done $0x0  }
0x1ce: {  	s17 =	sadd.s32 $0x1080, s16;
	[sflag:s7] =	ssyncadd.s32 $0xFFFFD800  }
0x1cf: {  	[spmem:s1] =	stream.indirect.scatter.add.f32 [tilespmem:s30], [sflag:$0x5], $0x80, s17, s28, $0xb8;
	v63 =	vld [tilespmem:$0x0]  }
0x1d0: {  	_ =	swait.ge [sflag:s24], $0x2800  }
0x1d1: {  	[sflag:s24] =	ssyncset.done $0x0  }
0x1d2: {  	s17 =	sadd.s32 $0x280, s16;
	[sflag:s24] =	ssyncadd.s32 $0xFFFFD800  }
0x1d3: {  	[tilespmem:s30], [sflag:$0x2] =	stream.indirect.gather [hbm4b:s4+s28], $0x80, s17, s28, $0xb8;
	v63 =	vld [tilespmem:$0x0]  }
0x1d4: {  	_ =	swait.ge [sflag:s8], $0x2800  }
0x1d5: {  	[sflag:s8] =	ssyncset.done $0x0  }
0x1d6: {  	s17 =	sadd.s32 $0x1100, s16;
	[sflag:s8] =	ssyncadd.s32 $0xFFFFD800  }
0x1d7: {  	[spmem:s1] =	stream.indirect.scatter.add.f32 [tilespmem:s0], [sflag:$0x5], $0x80, s17, s28, $0xb8;
	v63 =	vld [tilespmem:$0x0]  }
0x1d8: {  	_ =	swait.ge [sflag:s24], $0x2800  }
0x1d9: {  	[sflag:s24] =	ssyncset.done $0x0  }
0x1da: {  	s17 =	sadd.s32 $0x300, s16;
	[sflag:s24] =	ssyncadd.s32 $0xFFFFD800  }
0x1db: {  	[tilespmem:s0], [sflag:$0x3] =	stream.indirect.gather [hbm4b:s4+s28], $0x80, s17, s28, $0xb8;
	v63 =	vld [tilespmem:$0x0]  }
0x1dc: {  	_ =	swait.ge [sflag:s9], $0x2800  }
0x1dd: {  	[sflag:s9] =	ssyncset.done $0x0  }
.Ltmp4:
0x1de: {  	s17 =	sadd.s32 $0x1180, s16;
	[sflag:s9] =	ssyncadd.s32 $0xFFFFD800;
	(pc) =	sbr.rel @p0 .LBB2_10-.Ltmp4, $4  }
0x1df: {  	[spmem:s1] =	stream.indirect.scatter.add.f32 [tilespmem:s3], [sflag:$0x5], $0x80, s17, s28, $0xb8;
	v63 =	vld [tilespmem:$0x0]  }
0x1e0: {  	_ =	swait.ge [sflag:s24], $0x2800  }
0x1e1: {  	[sflag:s24] =	ssyncset.done $0x0  }
0x1e2: {  	s16 =	sadd.s32 $0x380, s16;
	[sflag:s24] =	ssyncadd.s32 $0xFFFFD800  }
0x1e3: {  	[tilespmem:s3], [sflag:$0x4] =	stream.indirect.gather [hbm4b:s4+s28], $0x80, s16, s28, $0xb8;
	v63 =	vld [tilespmem:$0x0]  }
0x1e4: {  	_ =	swait.ge [sflag:s6], $0x2800  }
0x1e5: {  	[sflag:s6] =	ssyncset.done $0x0  }
0x1e6: {  	[sflag:s6] =	ssyncadd.s32 $0xFFFFD800  }
0x1e7: {  	[spmem:s1] =	stream.indirect.scatter.add.f32 [tilespmem:s23], [sflag:$0x5], $0x80, s10, s28, $0xb8;
	v63 =	vld [tilespmem:$0x0]  }
0x1e8: {  	_ =	swait.ge [sflag:s24], $0x2800  }
0x1e9: {  	[sflag:s24] =	ssyncset.done $0x0  }
0x1ea: {  	[sflag:s24] =	ssyncadd.s32 $0xFFFFD800  }
0x1eb: {  	_ =	swait.ge [sflag:s7], $0x2800  }
0x1ec: {  	[sflag:s7] =	ssyncset.done $0x0  }
0x1ed: {  	[sflag:s7] =	ssyncadd.s32 $0xFFFFD800  }
0x1ee: {  	[spmem:s1] =	stream.indirect.scatter.add.f32 [tilespmem:s30], [sflag:$0x5], $0x80, s11, s28, $0xb8;
	v63 =	vld [tilespmem:$0x0]  }
0x1ef: {  	_ =	swait.ge [sflag:s24], $0x2800  }
0x1f0: {  	[sflag:s24] =	ssyncset.done $0x0  }
0x1f1: {  	[sflag:s24] =	ssyncadd.s32 $0xFFFFD800  }
0x1f2: {  	_ =	swait.ge [sflag:s8], $0x2800  }
0x1f3: {  	[sflag:s8] =	ssyncset.done $0x0  }
0x1f4: {  	[sflag:s8] =	ssyncadd.s32 $0xFFFFD800  }
0x1f5: {  	[spmem:s1] =	stream.indirect.scatter.add.f32 [tilespmem:s0], [sflag:$0x5], $0x80, s12, s28, $0xb8;
	v63 =	vld [tilespmem:$0x0]  }
0x1f6: {  	_ =	swait.ge [sflag:s24], $0x2800  }
0x1f7: {  	[sflag:s24] =	ssyncset.done $0x0  }
0x1f8: {  	[sflag:s24] =	ssyncadd.s32 $0xFFFFD800  }
0x1f9: {  	_ =	swait.ge [sflag:s9], $0x2800  }
0x1fa: {  	[sflag:s9] =	ssyncset.done $0x0  }
0x1fb: {  	[sflag:s9] =	ssyncadd.s32 $0xFFFFD800  }
0x1fc: {  	[spmem:s1] =	stream.indirect.scatter.add.f32 [tilespmem:s3], [sflag:$0x5], $0x80, s13, s28, $0xb8;
	v63 =	vld [tilespmem:$0x0]  }
0x1fd: {  	s15 =	stileid.u32;
	_ =	swait.ge [sflag:s24], $0x2800  }
0x1fe: {  	s18 =	sshrl.u32 s5, $0x3;
	s14 =	sadd.s32 $0x1, s14;
	[sflag:s24] =	ssyncset.done $0x0  }
0x1ff: {  	s15 =	sshll.u32 s15, $0x6;
	p0 =	sne.s32 s14, s22;
	[sflag:s24] =	ssyncadd.s32 $0xFFFFD800  }
.Ltmp5:
0x200: {  	s15 =	sor.u32 $0x1C06, s15;
	[bflag:$0x0] =	sbarrier.arrive $0xFFFF;
	(pc) =	sbr.rel @p0 .LBB2_1-.Ltmp5, $4  }
0x201: {  	[hbm:s21], [sflag:s15] =	dma.local [spmem:s18], $0x2800  }
0x202: {  	_ =	swait.ge [sflag:s25], $0x2800  }
0x203: {  	[sflag:s25] =	ssyncset.done $0x0  }
0x204: {  	[sflag:s25] =	ssyncadd.s32 $0xFFFFD800  }
0x205: {  	_ =	sfence.sel $0x180000  }
0x206: {  	[bflag:$0x0] =	sbarrier.arrive $0xFFFF  }
0x207: {  	_ =	strace $0x9000004A  }
0x208: {  	s0 =	stileid.u32;
	[bflag:$0x2] =	sbarrier.arrive $0xFFFF  }
0x209: {  	p0 =	sne.s32 s0, $0x0;
	s0 =	rddreg [dreg:$0x2]  }
0x20a: {  	s0 =	sadd.s32 @!p0 $0x100000, s0  }
0x20b: {  	[sflag:s0] =	ssyncadd.tile.s32 @!p0 $0x1;
	_ =	shalt  }
.Lfunc_end2:
_tile_overlayer_lowered:
.L_overlay_start_2:
0x20c: {  	(tag) =	ssettag $0x2  }
0x20d: {  	s0 =	rddreg [dreg:$0x0];
	s2 =	stileid.u32  }
0x20e: {  	s1 =	rddreg [dreg:$0x1];
	p0 =	sne.s32 s2, $0x0  }
0x20f: {  	s3 =	rddreg [dreg:$0x2];
	[bflag:$0x3] =	sbarrier.arrive $0xFFFF;
	s2 =	simm.s32 @!p0 $0x1C06  }
0x210: {  	[timem:s3], [sflag:s2] =	dma.local @!p0 [hbm:s0], s1  }
0x211: {  	s0 =	simm.s32 @!p0 $0x6  }
0x212: {  	_ =	swait.ge @!p0 [sflag:s0], s1  }
0x213: {  	s1 =	ssub.s32 @!p0 $0x0, s1;
	[sflag:s0] =	ssyncset.done @!p0 $0x0  }
0x214: {  	[sflag:s0] =	ssyncadd.s32 @!p0 s1  }
0x215: {  	[bflag:$0x3] =	sbarrier.arrive $0xFFFF  }
0x216: {  	_ =	shalt  }

</sc_bundles>
